<compile_context>
chip_gen: v7x
topology: tpu7x:2x2x1
jax: 0.10.2.dev20260603
libtpu: 0.0.44.dev20260713+nightly
codegen_flags: <defaults>
</compile_context>

<pallas_src>
import functools

import jax
import jax.numpy as jnp
from jax import lax
from jax.experimental import pallas as pl
from jax.experimental.pallas import tpu as pltpu
from jax.experimental.pallas import tpu_sc as plsc

N = 10000
E = 160000
CH = 128
EPAD = 163840
NC, NS = 2, 16
NPAD = 10016
SLAB = 624
TAIL_O = N - 15 * SLAB
TAIL_Z = NPAD - 15 * SLAB
IR = 128
NR = EPAD // IR // NS
NB = 8

_MESH = plsc.VectorSubcoreMesh(core_axis_name="c", subcore_axis_name="s")


def _zero_acc(sub, zeros, acc):
    @pl.when(sub < NS - 1)
    def _():
        pltpu.sync_copy(zeros.at[pl.ds(0, SLAB)],
                        acc.at[pl.ds(sub * SLAB, SLAB)])
    @pl.when(sub == NS - 1)
    def _():
        pltpu.sync_copy(zeros, acc.at[pl.ds(15 * SLAB, TAIL_Z)])


def _copy_out(sub, acc, out, off):
    @pl.when(sub < NS - 1)
    def _():
        pltpu.sync_copy(acc.at[pl.ds(sub * SLAB, SLAB)],
                        out.at[pl.ds(off + sub * SLAB, SLAB)])
    @pl.when(sub == NS - 1)
    def _():
        pltpu.sync_copy(acc.at[pl.ds(15 * SLAB, TAIL_O)],
                        out.at[pl.ds(off + 15 * SLAB, TAIL_O)])


def _make_segsum(P, with_deg):
    n_out = P * NC * N + (N if with_deg else 0)

    @functools.partial(
        pl.kernel,
        out_type=jax.ShapeDtypeStruct((n_out, CH), jnp.bfloat16),
        mesh=_MESH,
        compiler_params=pltpu.CompilerParams(use_tc_tiling_on_sc=False),
        scratch_types=[
            pltpu.VMEM((NR * IR,), jnp.int32),
            pltpu.VMEM((NR, IR), jnp.int32),
            pltpu.VMEM((NB, IR, CH), jnp.bfloat16),
            pltpu.VMEM_SHARED((NPAD, CH), jnp.bfloat16),
            pltpu.SemaphoreType.DMA,
            [pltpu.SemaphoreType.DMA] * NB,
        ],
    )
    def segsum(h_t, src1, dst2, zeros, ones, out,
               idx_s, idx_d, rows, acc, sem_g, sem_s):
        core = lax.axis_index("c")
        sub = lax.axis_index("s")
        pltpu.sync_copy(src1.at[pl.ds(sub * NR * IR, NR * IR)], idx_s)
        pltpu.sync_copy(dst2.at[pl.ds(sub * NR, NR)], idx_d)

        def shift(delta):
            def body(i, _):
                idx_s[pl.ds(i * 16, 16)] = idx_s[pl.ds(i * 16, 16)] + delta
                return 0
            lax.fori_loop(0, NR * IR // 16, body, 0)

        NG = NR

        def fire_g(grp, buf):
            pltpu.async_copy(h_t.at[idx_s.at[pl.ds(grp * IR, IR)]],
                             rows.at[buf], sem_g)

        def wait_g(buf):
            pltpu.make_async_copy(h_t.at[idx_s.at[pl.ds(0, IR)]],
                                  rows.at[buf], sem_g).wait()

        def fire_s(grp, buf):
            pltpu.async_copy(rows.at[buf], acc.at[idx_d.at[grp]],
                             sem_s[buf], add=True)

        def wait_s(buf):
            pltpu.make_async_copy(rows.at[buf], acc.at[idx_d.at[0]],
                                  sem_s[buf]).wait()

        for p in range(P):
            shift(core * (P * N) if p == 0 else N)
            _zero_acc(sub, zeros, acc)
            plsc.subcore_barrier()

            for b in range(NB - 1):
                fire_g(b, b)

            def pipe(k, _):
                for s in range(NB):
                    t = k * NB + s
                    wait_g(s)
                    fire_s(t, s)
                    @pl.when(t > 0)
                    def _():
                        wait_s((s - 1) % NB)
                    @pl.when(t + NB - 1 < NG)
                    def _():
                        fire_g(t + NB - 1, (s - 1) % NB)
                return 0

            lax.fori_loop(0, NG // NB, pipe, 0)
            wait_s(NB - 1)
            plsc.subcore_barrier()
            _copy_out(sub, acc, out, (core * P + p) * N)

        if with_deg:
            plsc.subcore_barrier()
            pltpu.sync_copy(ones, rows.at[0])
            _zero_acc(sub, zeros, acc)
            plsc.subcore_barrier()

            def deg_body(r, _):
                pltpu.sync_copy(rows.at[0], acc.at[idx_d.at[r]], add=True)
                return 0

            lax.fori_loop(0, NR, deg_body, 0)
            plsc.subcore_barrier()
            @pl.when(core == 0)
            def _():
                _copy_out(sub, acc, out, P * NC * N)

    return segsum


_segsum_w256_deg = _make_segsum(1, True)
_segsum_w512 = _make_segsum(2, False)
_segsum_w256 = _make_segsum(1, False)

_TC_R = 2000


def _chunk_store(out_ref, h):
    for c in range(out_ref.shape[0]):
        out_ref[c] = h[:, c * CH:(c + 1) * CH].astype(jnp.bfloat16)


def _unchunk(agg_ref):
    C = agg_ref.shape[0]
    return jnp.concatenate(
        [agg_ref[c].astype(jnp.float32) for c in range(C)], axis=1)


def _pre0_body(x_ref, ws_ref, b_ref, t_ref, pre_ref):
    _chunk_store(t_ref, x_ref[...])
    pre_ref[...] = jnp.dot(x_ref[...], ws_ref[...],
                           preferred_element_type=jnp.float32) + b_ref[...]


def _tc_pre0(x, Ws, b):
    fin, fout = Ws.shape
    C = fin // CH
    return pl.pallas_call(
        _pre0_body,
        grid=(N // _TC_R,),
        in_specs=[
            pl.BlockSpec((_TC_R, fin), lambda i: (i, 0)),
            pl.BlockSpec((fin, fout), lambda i: (0, 0)),
            pl.BlockSpec((1, fout), lambda i: (0, 0)),
        ],
        out_specs=[pl.BlockSpec((C, _TC_R, CH), lambda i: (0, i, 0)),
                   pl.BlockSpec((_TC_R, fout), lambda i: (i, 0))],
        out_shape=[jax.ShapeDtypeStruct((C, N, CH), jnp.bfloat16),
                   jax.ShapeDtypeStruct((N, fout), jnp.float32)],
    )(x, Ws, b.reshape(1, fout))


def _body_01(pre_ref, agg_ref, deg_ref, wn_ref, ws_ref, b_ref, t_ref,
             npre_ref):
    inv = 1.0 / jnp.maximum(deg_ref[...], 1.0)
    mean = _unchunk(agg_ref) * inv
    h = jnp.maximum(pre_ref[...] + jnp.dot(
        mean, wn_ref[...], preferred_element_type=jnp.float32), 0.0)
    _chunk_store(t_ref, h)
    npre_ref[...] = jnp.dot(h, ws_ref[...],
                            preferred_element_type=jnp.float32) + b_ref[...]


def _tc_fuse01(pre, agg, deg, Wn, Ws, b):
    fin, fout = Wn.shape
    fo2 = Ws.shape[1]
    Ci, Co = fin // CH, fout // CH
    return pl.pallas_call(
        _body_01,
        grid=(N // _TC_R,),
        in_specs=[
            pl.BlockSpec((_TC_R, fout), lambda i: (i, 0)),
            pl.BlockSpec((Ci, _TC_R, CH), lambda i: (0, i, 0)),
            pl.BlockSpec((_TC_R, 1), lambda i: (i, 0)),
            pl.BlockSpec((fin, fout), lambda i: (0, 0)),
            pl.BlockSpec((fout, fo2), lambda i: (0, 0)),
            pl.BlockSpec((1, fo2), lambda i: (0, 0)),
        ],
        out_specs=[pl.BlockSpec((Co, _TC_R, CH), lambda i: (0, i, 0)),
                   pl.BlockSpec((_TC_R, fo2), lambda i: (i, 0))],
        out_shape=[jax.ShapeDtypeStruct((Co, N, CH), jnp.bfloat16),
                   jax.ShapeDtypeStruct((N, fo2), jnp.float32)],
    )(pre, agg, deg, Wn, Ws, b.reshape(1, fo2))


def _body_12(pre_ref, agg_ref, deg_ref, wn_ref, wp_ref, ws_ref, b_ref,
             t_ref, npre_ref):
    inv = 1.0 / jnp.maximum(deg_ref[...], 1.0)
    mean = _unchunk(agg_ref) * inv
    h = jnp.maximum(pre_ref[...] + jnp.dot(
        mean, wn_ref[...], preferred_element_type=jnp.float32), 0.0)
    _chunk_store(t_ref, jnp.dot(h, wp_ref[...],
                                preferred_element_type=jnp.float32))
    npre_ref[...] = jnp.dot(h, ws_ref[...],
                            preferred_element_type=jnp.float32) + b_ref[...]


def _tc_fuse12(pre, agg, deg, Wn, Wp, Ws, b):
    fin, fout = Wn.shape
    fo2 = Wp.shape[1]
    Ci, Cp = fin // CH, fo2 // CH
    return pl.pallas_call(
        _body_12,
        grid=(N // _TC_R,),
        in_specs=[
            pl.BlockSpec((_TC_R, fout), lambda i: (i, 0)),
            pl.BlockSpec((Ci, _TC_R, CH), lambda i: (0, i, 0)),
            pl.BlockSpec((_TC_R, 1), lambda i: (i, 0)),
            pl.BlockSpec((fin, fout), lambda i: (0, 0)),
            pl.BlockSpec((fout, fo2), lambda i: (0, 0)),
            pl.BlockSpec((fout, fo2), lambda i: (0, 0)),
            pl.BlockSpec((1, fo2), lambda i: (0, 0)),
        ],
        out_specs=[pl.BlockSpec((Cp, _TC_R, CH), lambda i: (0, i, 0)),
                   pl.BlockSpec((_TC_R, fo2), lambda i: (i, 0))],
        out_shape=[jax.ShapeDtypeStruct((Cp, N, CH), jnp.bfloat16),
                   jax.ShapeDtypeStruct((N, fo2), jnp.float32)],
    )(pre, agg, deg, Wn, Wp, Ws, b.reshape(1, fo2))


def _final_body(pre_ref, agg_ref, deg_ref, out_ref):
    inv = 1.0 / jnp.maximum(deg_ref[...], 1.0)
    out_ref[...] = jnp.maximum(pre_ref[...] + _unchunk(agg_ref) * inv, 0.0)


def _tc_final(pre, agg, deg):
    fout = pre.shape[1]
    C = fout // CH
    return pl.pallas_call(
        _final_body,
        grid=(N // _TC_R,),
        in_specs=[
            pl.BlockSpec((_TC_R, fout), lambda i: (i, 0)),
            pl.BlockSpec((C, _TC_R, CH), lambda i: (0, i, 0)),
            pl.BlockSpec((_TC_R, 1), lambda i: (i, 0)),
        ],
        out_specs=pl.BlockSpec((_TC_R, fout), lambda i: (i, 0)),
        out_shape=jax.ShapeDtypeStruct((N, fout), jnp.float32),
    )(pre, agg, deg)


def _pad_body(ei_ref, src_ref, dst_ref):
    pad = EPAD - E
    src_ref[...] = jnp.concatenate(
        [ei_ref[0, :], jnp.zeros((pad,), jnp.int32)]).reshape(1, EPAD)
    dst_ref[...] = jnp.concatenate(
        [ei_ref[1, :], jnp.full((pad,), N, jnp.int32)]).reshape(1, EPAD)


def _tc_pad(edge_index):
    return pl.pallas_call(
        _pad_body,
        out_shape=[jax.ShapeDtypeStruct((1, EPAD), jnp.int32),
                   jax.ShapeDtypeStruct((1, EPAD), jnp.int32)],
    )(edge_index)


def kernel(x, edge_index, Ws0, Wn0, b0, Ws1, Wn1, b1, Ws2, Wn2, b2):
    src1, dst1 = _tc_pad(edge_index.astype(jnp.int32))
    src1 = src1.reshape(EPAD)
    dst2 = dst1.reshape(EPAD // IR, IR)

    zeros = jnp.zeros((TAIL_Z, CH), jnp.bfloat16)
    ones = jnp.ones((IR, CH), jnp.bfloat16)

    t0, pre0 = _tc_pre0(x, Ws0, b0)
    out0 = _segsum_w256_deg(t0.reshape(NC * N, CH), src1, dst2, zeros, ones)
    deg = out0[NC * N:, :1].astype(jnp.float32)
    agg0 = out0[:NC * N].reshape(NC, N, CH)
    t1, pre1 = _tc_fuse01(pre0, agg0, deg, Wn0, Ws1, b1)

    agg1 = _segsum_w512(t1.reshape(2 * NC * N, CH), src1, dst2, zeros, ones)
    tp, pre2 = _tc_fuse12(pre1, agg1.reshape(2 * NC, N, CH), deg, Wn1, Wn2,
                          Ws2, b2)

    agg2 = _segsum_w256(tp.reshape(NC * N, CH), src1, dst2, zeros, ones)
    return _tc_final(pre2, agg2.reshape(NC, N, CH), deg)

# --- scband reference (transcript-rebuilt; emitter-appended) ---
"""Pipeline reference for scband-sageemb-12936441496237 (READ-ONLY COPY).

The authoritative reference and input builder live on the scoring server;
editing this copy changes nothing except your own understanding.
"""

import jax, jax.numpy as jnp
import numpy as np

N_NODES = 10000
N_EDGES = 160000
IN_FEATS = 256
N_HIDDEN = 512
N_OUT = 256


def setup_inputs(seed: int = 0) -> dict:
    key = jax.random.key(seed)
    ks = jax.random.split(key, 12)
    x = jax.random.normal(ks[0], (N_NODES, IN_FEATS), dtype=jnp.float32)
    edge_index = jax.random.randint(ks[1], (2, N_EDGES), 0, N_NODES, dtype=jnp.int64)
    def glorot(k, fan_in, fan_out):
        scale = jnp.sqrt(2.0 / (fan_in + fan_out))
        return jax.random.normal(k, (fan_in, fan_out), dtype=jnp.float32) * scale
    Ws0 = glorot(ks[2], IN_FEATS, N_HIDDEN)
    Wn0 = glorot(ks[3], IN_FEATS, N_HIDDEN)
    b0 = jnp.zeros((N_HIDDEN,), dtype=jnp.float32)
    Ws1 = glorot(ks[4], N_HIDDEN, N_HIDDEN)
    Wn1 = glorot(ks[5], N_HIDDEN, N_HIDDEN)
    b1 = jnp.zeros((N_HIDDEN,), dtype=jnp.float32)
    Ws2 = glorot(ks[6], N_HIDDEN, N_OUT)
    Wn2 = glorot(ks[7], N_HIDDEN, N_OUT)
    b2 = jnp.zeros((N_OUT,), dtype=jnp.float32)
    return {"x": x, "edge_index": edge_index, "Ws0": Ws0, "Wn0": Wn0, "b0": b0,
            "Ws1": Ws1, "Wn1": Wn1, "b1": b1, "Ws2": Ws2, "Wn2": Wn2, "b2": b2}


def _sage_layer(h, src, dst, Wself, Wneigh, b):
    # DGL SAGEConv with 'mean' aggregator: h' = fc_self(h_dst) + fc_neigh(mean_{u in N(v)} h_u)
    msg = jnp.take(h, src, axis=0)
    agg = jax.ops.segment_sum(msg, dst, num_segments=N_NODES)
    deg = jax.ops.segment_sum(jnp.ones((src.shape[0],), dtype=h.dtype), dst, num_segments=N_NODES)
    mean_neigh = agg / jnp.maximum(deg, 1.0)[:, None]
    return h @ Wself + mean_neigh @ Wneigh + b


def reference(x, edge_index, Ws0, Wn0, b0, Ws1, Wn1, b1, Ws2, Wn2, b2):
    src = edge_index[0]
    dst = edge_index[1]
    h = x
    # layer 0 (activation applied every layer per forward(); dropout=0.0 -> identity)
    h = jax.nn.relu(_sage_layer(h, src, dst, Ws0, Wn0, b0))
    # layer 1
    h = jax.nn.relu(_sage_layer(h, src, dst, Ws1, Wn1, b1))
    # layer 2 (final: activation still applied, no dropout)
    h = jax.nn.relu(_sage_layer(h, src, dst, Ws2, Wn2, b2))
    return h

if __name__ == "__main__":
    import jax
    _d = setup_inputs()
    print(jax.jit(kernel)(*tuple(_d.values())))

</pallas_src>

<mosaic_0001>
#map = affine_map<(d0, d1) -> (0, 0)>
#map1 = affine_map<(d0, d1) -> (0)>
module attributes {stable_mosaic.version = 14 : i64} {
  func.func @segsum(%arg0: i32, %arg1: i32, %arg2: memref<20000x128xbf16, #tpu.memory_space<hbm>>, %arg3: memref<163840xi32, #tpu.memory_space<hbm>>, %arg4: memref<1280x128xi32, #tpu.memory_space<hbm>>, %arg5: memref<656x128xbf16, #tpu.memory_space<hbm>>, %arg6: memref<128x128xbf16, #tpu.memory_space<hbm>>, %arg7: memref<20000x128xbf16, #tpu.memory_space<hbm>>, %arg8: memref<10240xi32, #tpu.memory_space<vmem>>, %arg9: memref<80x128xi32, #tpu.memory_space<vmem>>, %arg10: memref<8x128x128xbf16, #tpu.memory_space<vmem>>, %arg11: memref<10016x128xbf16, #tpu.memory_space<vmem_shared>>, %arg12: memref<!tpu.dma_semaphore, #tpu.memory_space<semaphore_mem>>, %arg13: memref<!tpu.dma_semaphore, #tpu.memory_space<semaphore_mem>>, %arg14: memref<!tpu.dma_semaphore, #tpu.memory_space<semaphore_mem>>, %arg15: memref<!tpu.dma_semaphore, #tpu.memory_space<semaphore_mem>>, %arg16: memref<!tpu.dma_semaphore, #tpu.memory_space<semaphore_mem>>, %arg17: memref<!tpu.dma_semaphore, #tpu.memory_space<semaphore_mem>>, %arg18: memref<!tpu.dma_semaphore, #tpu.memory_space<semaphore_mem>>, %arg19: memref<!tpu.dma_semaphore, #tpu.memory_space<semaphore_mem>>, %arg20: memref<!tpu.dma_semaphore, #tpu.memory_space<semaphore_mem>>) attributes {dimension_semantics = [#tpu.dimension_semantics<core_parallel>, #tpu.dimension_semantics<subcore_parallel>], iteration_bounds = array<i64: 2, 16>, scalar_prefetch = 0 : i64, scratch_operands = 13 : i64, tpu.core_type = #tpu.core_type<sc_vector_subcore>, window_params = [{transform_indices = #map}, {transform_indices = #map1}, {transform_indices = #map}, {transform_indices = #map}, {transform_indices = #map}, {transform_indices = #map}]} {
    %mul3A = arith.constant 80 : i32
    %mul3A_0 = arith.muli %arg1, %mul3A : i32
    %mul3A_1 = arith.constant 128 : i32
    %mul3A_2 = arith.muli %mul3A_0, %mul3A_1 : i32
    "tpu.region"() ({
      %run_scoped3A = tpu.sem_alloc : memref<!tpu.dma_semaphore, #tpu.memory_space<semaphore_mem>>
      %dma_start3A_122 = tpu.memref_slice %arg3[%mul3A_2] : memref<163840xi32, #tpu.memory_space<hbm>> -> memref<10240xi32, #tpu.memory_space<hbm>>
      %dma_start3A_123 = tpu.memref_slice %arg3[%mul3A_2] : memref<163840xi32, #tpu.memory_space<hbm>> -> memref<10240xi32, #tpu.memory_space<hbm>>
      tpu.enqueue_dma source(%dma_start3A_123 : memref<10240xi32, #tpu.memory_space<hbm>>) target(%arg8 : memref<10240xi32, #tpu.memory_space<vmem>>) target_semaphore(%run_scoped3A : memref<!tpu.dma_semaphore, #tpu.memory_space<semaphore_mem>>)
      %dma_wait3A_124 = tpu.memref_slice %arg3[%mul3A_2] : memref<163840xi32, #tpu.memory_space<hbm>> -> memref<10240xi32, #tpu.memory_space<hbm>>
      %dma_wait3A_125 = tpu.memref_slice %arg3[%mul3A_2] : memref<163840xi32, #tpu.memory_space<hbm>> -> memref<10240xi32, #tpu.memory_space<hbm>>
      tpu.wait_dma2 semaphore(%run_scoped3A : memref<!tpu.dma_semaphore, #tpu.memory_space<semaphore_mem>>) src(%dma_wait3A_125 : memref<10240xi32, #tpu.memory_space<hbm>>) dst(%arg8 : memref<10240xi32, #tpu.memory_space<vmem>>)
      tpu.yield
    }) : () -> ()
    %mul3A_3 = arith.constant 80 : i32
    %mul3A_4 = arith.muli %arg1, %mul3A_3 : i32
    "tpu.region"() ({
      %run_scoped3A = tpu.sem_alloc : memref<!tpu.dma_semaphore, #tpu.memory_space<semaphore_mem>>
      %dma_start3A_122 = arith.constant 0 : i32
      %dma_start3A_123 = tpu.memref_slice %arg4[%mul3A_4, %dma_start3A_122] : memref<1280x128xi32, #tpu.memory_space<hbm>> -> memref<80x128xi32, #tpu.memory_space<hbm>>
      %dma_start3A_124 = arith.constant 0 : i32
      %dma_start3A_125 = tpu.memref_slice %arg4[%mul3A_4, %dma_start3A_124] : memref<1280x128xi32, #tpu.memory_space<hbm>> -> memref<80x128xi32, #tpu.memory_space<hbm>>
      tpu.enqueue_dma source(%dma_start3A_125 : memref<80x128xi32, #tpu.memory_space<hbm>>) target(%arg9 : memref<80x128xi32, #tpu.memory_space<vmem>>) target_semaphore(%run_scoped3A : memref<!tpu.dma_semaphore, #tpu.memory_space<semaphore_mem>>)
      %dma_wait3A_126 = arith.constant 0 : i32
      %dma_wait3A_127 = tpu.memref_slice %arg4[%mul3A_4, %dma_wait3A_126] : memref<1280x128xi32, #tpu.memory_space<hbm>> -> memref<80x128xi32, #tpu.memory_space<hbm>>
      %dma_wait3A_128 = arith.constant 0 : i32
      %dma_wait3A_129 = tpu.memref_slice %arg4[%mul3A_4, %dma_wait3A_128] : memref<1280x128xi32, #tpu.memory_space<hbm>> -> memref<80x128xi32, #tpu.memory_space<hbm>>
      tpu.wait_dma2 semaphore(%run_scoped3A : memref<!tpu.dma_semaphore, #tpu.memory_space<semaphore_mem>>) src(%dma_wait3A_129 : memref<80x128xi32, #tpu.memory_space<hbm>>) dst(%arg9 : memref<80x128xi32, #tpu.memory_space<vmem>>)
      tpu.yield
    }) : () -> ()
    %mul3A_5 = arith.constant 10000 : i32
    %mul3A_6 = arith.muli %arg0, %mul3A_5 : i32
    %scan3A = arith.constant 0 : i32
    %scan3A_7 = arith.constant 0 : i32
    %scan3A_8 = arith.constant 640 : i32
    %scan3A_9 = arith.addi %scan3A_7, %scan3A_8 : i32
    %scan3A_10 = arith.constant 1 : i32
    %scan3A_11 = scf.for %scan3A_122 = %scan3A_7 to %scan3A_9 step %scan3A_10 iter_args(%scan3A_123 = %scan3A) -> (i32)  : i32 {
      %mul3A_124 = arith.constant 16 : i32
      %mul3A_125 = arith.muli %scan3A_122, %mul3A_124 : i32
      %get3A = arith.index_cast %mul3A_125 : i32 to index
      %get3A_126 = tpu.vector_load %arg8[%get3A] {strides = array<i32>} : memref<10240xi32, #tpu.memory_space<vmem>>, vector<16xi32>,
      %get3A_127 = vector.shape_cast %get3A_126 : vector<16xi32> to vector<16xi32>
      %add3A_128 = vector.broadcast %mul3A_6 : i32 to vector<16xi32>
      %add3A_129 = arith.addi %get3A_127, %add3A_128 : vector<16xi32>
      %mul3A_130 = arith.constant 16 : i32
      %mul3A_131 = arith.muli %scan3A_122, %mul3A_130 : i32
      %swap3A = arith.index_cast %mul3A_131 : i32 to index
      %swap3A_132 = tpu.vector_load %arg8[%swap3A] {strides = array<i32>} : memref<10240xi32, #tpu.memory_space<vmem>>, vector<16xi32>,
      %swap3A_133 = vector.shape_cast %swap3A_132 : vector<16xi32> to vector<16xi32>
      %swap3A_134 = vector.shape_cast %add3A_129 : vector<16xi32> to vector<16xi32>
      tpu.vector_store %arg8[%swap3A], %swap3A_134 {strides = array<i32>} : memref<10240xi32, #tpu.memory_space<vmem>>, vector<16xi32>,
      %scan3A_135 = arith.constant 0 : i32
      scf.yield %scan3A_135 : i32
    }
    %scan3A_12 = arith.constant 640 : i32
    %lt3A = arith.constant 15 : i32
    %lt3A_13 = arith.cmpi slt, %arg1, %lt3A : i32
    %convert_element_type3A = arith.extui %lt3A_13 : i1 to i32
    %cond3A = arith.constant 0 : i32
    %cond3A_14 = arith.cmpi ne, %convert_element_type3A, %cond3A : i32
    scf.if %cond3A_14 {
      %mul3A_122 = arith.constant 624 : i32
      %mul3A_123 = arith.muli %arg1, %mul3A_122 : i32
      "tpu.region"() ({
        %run_scoped3A = tpu.sem_alloc : memref<!tpu.dma_semaphore, #tpu.memory_space<semaphore_mem>>
        %dma_start3A_124 = arith.constant 0 : i32
        %dma_start3A_125 = tpu.memref_slice %arg11[%mul3A_123, %dma_start3A_124] : memref<10016x128xbf16, #tpu.memory_space<vmem_shared>> -> memref<624x128xbf16, #tpu.memory_space<vmem_shared>>
        %dma_start3A_126 = arith.constant 0 : i32
        %dma_start3A_127 = arith.constant 0 : i32
        %dma_start3A_128 = tpu.memref_slice %arg5[%dma_start3A_126, %dma_start3A_127] : memref<656x128xbf16, #tpu.memory_space<hbm>> -> memref<624x128xbf16, #tpu.memory_space<hbm>>
        tpu.enqueue_dma source(%dma_start3A_128 : memref<624x128xbf16, #tpu.memory_space<hbm>>) target(%dma_start3A_125 : memref<624x128xbf16, #tpu.memory_space<vmem_shared>>) target_semaphore(%run_scoped3A : memref<!tpu.dma_semaphore, #tpu.memory_space<semaphore_mem>>)
        %dma_wait3A_129 = arith.constant 0 : i32
        %dma_wait3A_130 = tpu.memref_slice %arg11[%mul3A_123, %dma_wait3A_129] : memref<10016x128xbf16, #tpu.memory_space<vmem_shared>> -> memref<624x128xbf16, #tpu.memory_space<vmem_shared>>
        %dma_wait3A_131 = arith.constant 0 : i32
        %dma_wait3A_132 = arith.constant 0 : i32
        %dma_wait3A_133 = tpu.memref_slice %arg5[%dma_wait3A_131, %dma_wait3A_132] : memref<656x128xbf16, #tpu.memory_space<hbm>> -> memref<624x128xbf16, #tpu.memory_space<hbm>>
        tpu.wait_dma2 semaphore(%run_scoped3A : memref<!tpu.dma_semaphore, #tpu.memory_space<semaphore_mem>>) src(%dma_wait3A_133 : memref<624x128xbf16, #tpu.memory_space<hbm>>) dst(%dma_wait3A_130 : memref<624x128xbf16, #tpu.memory_space<vmem_shared>>)
        tpu.yield
      }) : () -> ()
    } else {
    }
    %eq3A = arith.constant 15 : i32
    %eq3A_15 = arith.cmpi eq, %arg1, %eq3A : i32
    %convert_element_type3A_16 = arith.extui %eq3A_15 : i1 to i32
    %cond3A_17 = arith.constant 0 : i32
    %cond3A_18 = arith.cmpi ne, %convert_element_type3A_16, %cond3A_17 : i32
    scf.if %cond3A_18 {
      "tpu.region"() ({
        %run_scoped3A = tpu.sem_alloc : memref<!tpu.dma_semaphore, #tpu.memory_space<semaphore_mem>>
        %dma_start3A_122 = arith.constant 9360 : i32
        %dma_start3A_123 = arith.constant 0 : i32
        %dma_start3A_124 = tpu.memref_slice %arg11[%dma_start3A_122, %dma_start3A_123] : memref<10016x128xbf16, #tpu.memory_space<vmem_shared>> -> memref<656x128xbf16, #tpu.memory_space<vmem_shared>>
        tpu.enqueue_dma source(%arg5 : memref<656x128xbf16, #tpu.memory_space<hbm>>) target(%dma_start3A_124 : memref<656x128xbf16, #tpu.memory_space<vmem_shared>>) target_semaphore(%run_scoped3A : memref<!tpu.dma_semaphore, #tpu.memory_space<semaphore_mem>>)
        %dma_wait3A_125 = arith.constant 9360 : i32
        %dma_wait3A_126 = arith.constant 0 : i32
        %dma_wait3A_127 = tpu.memref_slice %arg11[%dma_wait3A_125, %dma_wait3A_126] : memref<10016x128xbf16, #tpu.memory_space<vmem_shared>> -> memref<656x128xbf16, #tpu.memory_space<vmem_shared>>
        tpu.wait_dma2 semaphore(%run_scoped3A : memref<!tpu.dma_semaphore, #tpu.memory_space<semaphore_mem>>) src(%arg5 : memref<656x128xbf16, #tpu.memory_space<hbm>>) dst(%dma_wait3A_127 : memref<656x128xbf16, #tpu.memory_space<vmem_shared>>)
        tpu.yield
      }) : () -> ()
    } else {
    }
    %barrier3A = arith.constant 0 : index
    tpu.barrier barrier_id(%barrier3A)
    %dma_start3A = arith.constant 0 : i32
    %dma_start3A_19 = arith.constant 0 : i32
    %dma_start3A_20 = arith.constant 0 : i32
    %dma_start3A_21 = tpu.memref_slice %arg10[%dma_start3A, %dma_start3A_19, %dma_start3A_20] : memref<8x128x128xbf16, #tpu.memory_space<vmem>> -> memref<1x128x128xbf16, #tpu.memory_space<vmem>>
    %dma_start3A_22 = tpu.memref_squeeze %dma_start3A_21 : memref<1x128x128xbf16, #tpu.memory_space<vmem>> -> memref<128x128xbf16, #tpu.memory_space<vmem>>
    %dma_start3A_23 = arith.constant 0 : i32
    %dma_start3A_24 = tpu.memref_slice %arg8[%dma_start3A_23] : memref<10240xi32, #tpu.memory_space<vmem>> -> memref<128xi32, #tpu.memory_space<vmem>>
    %dma_start3A_25 = arith.constant 0 : i32
    %dma_start3A_26 = arith.constant 0 : i32
    %dma_start3A_27 = tpu.memref_slice %arg2[%dma_start3A_25, %dma_start3A_26] : memref<20000x128xbf16, #tpu.memory_space<hbm>> -> memref<20000x128xbf16, #tpu.memory_space<hbm>>
    tpu.enqueue_indirect_dma source(%dma_start3A_27 : memref<20000x128xbf16, #tpu.memory_space<hbm>>) target(%dma_start3A_22 : memref<128x128xbf16, #tpu.memory_space<vmem>>) offsets(%dma_start3A_24 : memref<128xi32, #tpu.memory_space<vmem>>) semaphore(%arg12 : memref<!tpu.dma_semaphore, #tpu.memory_space<semaphore_mem>>)
    %dma_start3A_28 = arith.constant 1 : i32
    %dma_start3A_29 = arith.constant 0 : i32
    %dma_start3A_30 = arith.constant 0 : i32
    %dma_start3A_31 = tpu.memref_slice %arg10[%dma_start3A_28, %dma_start3A_29, %dma_start3A_30] : memref<8x128x128xbf16, #tpu.memory_space<vmem>> -> memref<1x128x128xbf16, #tpu.memory_space<vmem>>
    %dma_start3A_32 = tpu.memref_squeeze %dma_start3A_31 : memref<1x128x128xbf16, #tpu.memory_space<vmem>> -> memref<128x128xbf16, #tpu.memory_space<vmem>>
    %dma_start3A_33 = arith.constant 128 : i32
    %dma_start3A_34 = tpu.memref_slice %arg8[%dma_start3A_33] : memref<10240xi32, #tpu.memory_space<vmem>> -> memref<128xi32, #tpu.memory_space<vmem>>
    %dma_start3A_35 = arith.constant 0 : i32
    %dma_start3A_36 = arith.constant 0 : i32
    %dma_start3A_37 = tpu.memref_slice %arg2[%dma_start3A_35, %dma_start3A_36] : memref<20000x128xbf16, #tpu.memory_space<hbm>> -> memref<20000x128xbf16, #tpu.memory_space<hbm>>
    tpu.enqueue_indirect_dma source(%dma_start3A_37 : memref<20000x128xbf16, #tpu.memory_space<hbm>>) target(%dma_start3A_32 : memref<128x128xbf16, #tpu.memory_space<vmem>>) offsets(%dma_start3A_34 : memref<128xi32, #tpu.memory_space<vmem>>) semaphore(%arg12 : memref<!tpu.dma_semaphore, #tpu.memory_space<semaphore_mem>>)
    %dma_start3A_38 = arith.constant 2 : i32
    %dma_start3A_39 = arith.constant 0 : i32
    %dma_start3A_40 = arith.constant 0 : i32
    %dma_start3A_41 = tpu.memref_slice %arg10[%dma_start3A_38, %dma_start3A_39, %dma_start3A_40] : memref<8x128x128xbf16, #tpu.memory_space<vmem>> -> memref<1x128x128xbf16, #tpu.memory_space<vmem>>
    %dma_start3A_42 = tpu.memref_squeeze %dma_start3A_41 : memref<1x128x128xbf16, #tpu.memory_space<vmem>> -> memref<128x128xbf16, #tpu.memory_space<vmem>>
    %dma_start3A_43 = arith.constant 256 : i32
    %dma_start3A_44 = tpu.memref_slice %arg8[%dma_start3A_43] : memref<10240xi32, #tpu.memory_space<vmem>> -> memref<128xi32, #tpu.memory_space<vmem>>
    %dma_start3A_45 = arith.constant 0 : i32
    %dma_start3A_46 = arith.constant 0 : i32
    %dma_start3A_47 = tpu.memref_slice %arg2[%dma_start3A_45, %dma_start3A_46] : memref<20000x128xbf16, #tpu.memory_space<hbm>> -> memref<20000x128xbf16, #tpu.memory_space<hbm>>
    tpu.enqueue_indirect_dma source(%dma_start3A_47 : memref<20000x128xbf16, #tpu.memory_space<hbm>>) target(%dma_start3A_42 : memref<128x128xbf16, #tpu.memory_space<vmem>>) offsets(%dma_start3A_44 : memref<128xi32, #tpu.memory_space<vmem>>) semaphore(%arg12 : memref<!tpu.dma_semaphore, #tpu.memory_space<semaphore_mem>>)
    %dma_start3A_48 = arith.constant 3 : i32
    %dma_start3A_49 = arith.constant 0 : i32
    %dma_start3A_50 = arith.constant 0 : i32
    %dma_start3A_51 = tpu.memref_slice %arg10[%dma_start3A_48, %dma_start3A_49, %dma_start3A_50] : memref<8x128x128xbf16, #tpu.memory_space<vmem>> -> memref<1x128x128xbf16, #tpu.memory_space<vmem>>
    %dma_start3A_52 = tpu.memref_squeeze %dma_start3A_51 : memref<1x128x128xbf16, #tpu.memory_space<vmem>> -> memref<128x128xbf16, #tpu.memory_space<vmem>>
    %dma_start3A_53 = arith.constant 384 : i32
    %dma_start3A_54 = tpu.memref_slice %arg8[%dma_start3A_53] : memref<10240xi32, #tpu.memory_space<vmem>> -> memref<128xi32, #tpu.memory_space<vmem>>
    %dma_start3A_55 = arith.constant 0 : i32
    %dma_start3A_56 = arith.constant 0 : i32
    %dma_start3A_57 = tpu.memref_slice %arg2[%dma_start3A_55, %dma_start3A_56] : memref<20000x128xbf16, #tpu.memory_space<hbm>> -> memref<20000x128xbf16, #tpu.memory_space<hbm>>
    tpu.enqueue_indirect_dma source(%dma_start3A_57 : memref<20000x128xbf16, #tpu.memory_space<hbm>>) target(%dma_start3A_52 : memref<128x128xbf16, #tpu.memory_space<vmem>>) offsets(%dma_start3A_54 : memref<128xi32, #tpu.memory_space<vmem>>) semaphore(%arg12 : memref<!tpu.dma_semaphore, #tpu.memory_space<semaphore_mem>>)
    %dma_start3A_58 = arith.constant 4 : i32
    %dma_start3A_59 = arith.constant 0 : i32
    %dma_start3A_60 = arith.constant 0 : i32
    %dma_start3A_61 = tpu.memref_slice %arg10[%dma_start3A_58, %dma_start3A_59, %dma_start3A_60] : memref<8x128x128xbf16, #tpu.memory_space<vmem>> -> memref<1x128x128xbf16, #tpu.memory_space<vmem>>
    %dma_start3A_62 = tpu.memref_squeeze %dma_start3A_61 : memref<1x128x128xbf16, #tpu.memory_space<vmem>> -> memref<128x128xbf16, #tpu.memory_space<vmem>>
    %dma_start3A_63 = arith.constant 512 : i32
    %dma_start3A_64 = tpu.memref_slice %arg8[%dma_start3A_63] : memref<10240xi32, #tpu.memory_space<vmem>> -> memref<128xi32, #tpu.memory_space<vmem>>
    %dma_start3A_65 = arith.constant 0 : i32
    %dma_start3A_66 = arith.constant 0 : i32
    %dma_start3A_67 = tpu.memref_slice %arg2[%dma_start3A_65, %dma_start3A_66] : memref<20000x128xbf16, #tpu.memory_space<hbm>> -> memref<20000x128xbf16, #tpu.memory_space<hbm>>
    tpu.enqueue_indirect_dma source(%dma_start3A_67 : memref<20000x128xbf16, #tpu.memory_space<hbm>>) target(%dma_start3A_62 : memref<128x128xbf16, #tpu.memory_space<vmem>>) offsets(%dma_start3A_64 : memref<128xi32, #tpu.memory_space<vmem>>) semaphore(%arg12 : memref<!tpu.dma_semaphore, #tpu.memory_space<semaphore_mem>>)
    %dma_start3A_68 = arith.constant 5 : i32
    %dma_start3A_69 = arith.constant 0 : i32
    %dma_start3A_70 = arith.constant 0 : i32
    %dma_start3A_71 = tpu.memref_slice %arg10[%dma_start3A_68, %dma_start3A_69, %dma_start3A_70] : memref<8x128x128xbf16, #tpu.memory_space<vmem>> -> memref<1x128x128xbf16, #tpu.memory_space<vmem>>
    %dma_start3A_72 = tpu.memref_squeeze %dma_start3A_71 : memref<1x128x128xbf16, #tpu.memory_space<vmem>> -> memref<128x128xbf16, #tpu.memory_space<vmem>>
    %dma_start3A_73 = arith.constant 640 : i32
    %dma_start3A_74 = tpu.memref_slice %arg8[%dma_start3A_73] : memref<10240xi32, #tpu.memory_space<vmem>> -> memref<128xi32, #tpu.memory_space<vmem>>
    %dma_start3A_75 = arith.constant 0 : i32
    %dma_start3A_76 = arith.constant 0 : i32
    %dma_start3A_77 = tpu.memref_slice %arg2[%dma_start3A_75, %dma_start3A_76] : memref<20000x128xbf16, #tpu.memory_space<hbm>> -> memref<20000x128xbf16, #tpu.memory_space<hbm>>
    tpu.enqueue_indirect_dma source(%dma_start3A_77 : memref<20000x128xbf16, #tpu.memory_space<hbm>>) target(%dma_start3A_72 : memref<128x128xbf16, #tpu.memory_space<vmem>>) offsets(%dma_start3A_74 : memref<128xi32, #tpu.memory_space<vmem>>) semaphore(%arg12 : memref<!tpu.dma_semaphore, #tpu.memory_space<semaphore_mem>>)
    %dma_start3A_78 = arith.constant 6 : i32
    %dma_start3A_79 = arith.constant 0 : i32
    %dma_start3A_80 = arith.constant 0 : i32
    %dma_start3A_81 = tpu.memref_slice %arg10[%dma_start3A_78, %dma_start3A_79, %dma_start3A_80] : memref<8x128x128xbf16, #tpu.memory_space<vmem>> -> memref<1x128x128xbf16, #tpu.memory_space<vmem>>
    %dma_start3A_82 = tpu.memref_squeeze %dma_start3A_81 : memref<1x128x128xbf16, #tpu.memory_space<vmem>> -> memref<128x128xbf16, #tpu.memory_space<vmem>>
    %dma_start3A_83 = arith.constant 768 : i32
    %dma_start3A_84 = tpu.memref_slice %arg8[%dma_start3A_83] : memref<10240xi32, #tpu.memory_space<vmem>> -> memref<128xi32, #tpu.memory_space<vmem>>
    %dma_start3A_85 = arith.constant 0 : i32
    %dma_start3A_86 = arith.constant 0 : i32
    %dma_start3A_87 = tpu.memref_slice %arg2[%dma_start3A_85, %dma_start3A_86] : memref<20000x128xbf16, #tpu.memory_space<hbm>> -> memref<20000x128xbf16, #tpu.memory_space<hbm>>
    tpu.enqueue_indirect_dma source(%dma_start3A_87 : memref<20000x128xbf16, #tpu.memory_space<hbm>>) target(%dma_start3A_82 : memref<128x128xbf16, #tpu.memory_space<vmem>>) offsets(%dma_start3A_84 : memref<128xi32, #tpu.memory_space<vmem>>) semaphore(%arg12 : memref<!tpu.dma_semaphore, #tpu.memory_space<semaphore_mem>>)
    %scan3A_88 = arith.constant 0 : i32
    %scan3A_89 = arith.constant 0 : i32
    %scan3A_90 = arith.constant 10 : i32
    %scan3A_91 = arith.addi %scan3A_89, %scan3A_90 : i32
    %scan3A_92 = arith.constant 1 : i32
    %scan3A_93 = scf.for %scan3A_122 = %scan3A_89 to %scan3A_91 step %scan3A_92 iter_args(%scan3A_123 = %scan3A_88) -> (i32)  : i32 {
      %mul3A_124 = arith.constant 8 : i32
      %mul3A_125 = arith.muli %scan3A_122, %mul3A_124 : i32
      %add3A_126 = arith.constant 0 : i32
      %add3A_127 = arith.addi %mul3A_125, %add3A_126 : i32
      %dma_wait3A_128 = arith.constant 0 : i32
      %dma_wait3A_129 = arith.constant 0 : i32
      %dma_wait3A_130 = arith.constant 0 : i32
      %dma_wait3A_131 = tpu.memref_slice %arg10[%dma_wait3A_128, %dma_wait3A_129, %dma_wait3A_130] : memref<8x128x128xbf16, #tpu.memory_space<vmem>> -> memref<1x128x128xbf16, #tpu.memory_space<vmem>>
      %dma_wait3A_132 = tpu.memref_squeeze %dma_wait3A_131 : memref<1x128x128xbf16, #tpu.memory_space<vmem>> -> memref<128x128xbf16, #tpu.memory_space<vmem>>
      %dma_wait3A_133 = arith.constant 0 : i32
      %dma_wait3A_134 = tpu.memref_slice %arg8[%dma_wait3A_133] : memref<10240xi32, #tpu.memory_space<vmem>> -> memref<128xi32, #tpu.memory_space<vmem>>
      %dma_wait3A_135 = arith.constant 0 : i32
      %dma_wait3A_136 = arith.constant 0 : i32
      %dma_wait3A_137 = tpu.memref_slice %arg2[%dma_wait3A_135, %dma_wait3A_136] : memref<20000x128xbf16, #tpu.memory_space<hbm>> -> memref<20000x128xbf16, #tpu.memory_space<hbm>>
      tpu.wait_indirect_dma semaphore(%arg12 : memref<!tpu.dma_semaphore, #tpu.memory_space<semaphore_mem>>) src(%dma_wait3A_137 : memref<20000x128xbf16, #tpu.memory_space<hbm>>) dst(%dma_wait3A_132 : memref<128x128xbf16, #tpu.memory_space<vmem>>)
      %dma_start3A_138 = arith.constant 0 : i32
      %dma_start3A_139 = arith.constant 0 : i32
      %dma_start3A_140 = arith.constant 0 : i32
      %dma_start3A_141 = tpu.memref_slice %arg10[%dma_start3A_138, %dma_start3A_139, %dma_start3A_140] : memref<8x128x128xbf16, #tpu.memory_space<vmem>> -> memref<1x128x128xbf16, #tpu.memory_space<vmem>>
      %dma_start3A_142 = tpu.memref_squeeze %dma_start3A_141 : memref<1x128x128xbf16, #tpu.memory_space<vmem>> -> memref<128x128xbf16, #tpu.memory_space<vmem>>
      %dma_start3A_143 = arith.constant 0 : i32
      %dma_start3A_144 = tpu.memref_slice %arg9[%add3A_127, %dma_start3A_143] : memref<80x128xi32, #tpu.memory_space<vmem>> -> memref<1x128xi32, #tpu.memory_space<vmem>>
      %dma_start3A_145 = tpu.memref_squeeze %dma_start3A_144 : memref<1x128xi32, #tpu.memory_space<vmem>> -> memref<128xi32, #tpu.memory_space<vmem>>
      %dma_start3A_146 = arith.constant 0 : i32
      %dma_start3A_147 = arith.constant 0 : i32
      %dma_start3A_148 = tpu.memref_slice %arg11[%dma_start3A_146, %dma_start3A_147] : memref<10016x128xbf16, #tpu.memory_space<vmem_shared>> -> memref<10016x128xbf16, #tpu.memory_space<vmem_shared>>
      tpu.enqueue_indirect_dma source(%dma_start3A_142 : memref<128x128xbf16, #tpu.memory_space<vmem>>) target(%dma_start3A_148 : memref<10016x128xbf16, #tpu.memory_space<vmem_shared>>) offsets(%dma_start3A_145 : memref<128xi32, #tpu.memory_space<vmem>>) semaphore(%arg13 : memref<!tpu.dma_semaphore, #tpu.memory_space<semaphore_mem>>) {add = true}
      %gt3A = arith.constant 0 : i32
      %gt3A_149 = arith.cmpi sgt, %add3A_127, %gt3A : i32
      %convert_element_type3A_150 = arith.extui %gt3A_149 : i1 to i32
      %cond3A_151 = arith.constant 0 : i32
      %cond3A_152 = arith.cmpi ne, %convert_element_type3A_150, %cond3A_151 : i32
      scf.if %cond3A_152 {
        %dma_wait3A_435 = arith.constant 7 : i32
        %dma_wait3A_436 = arith.constant 0 : i32
        %dma_wait3A_437 = arith.constant 0 : i32
        %dma_wait3A_438 = arith.constant 0 : i32
        %dma_wait3A_439 = tpu.memref_slice %arg10[%dma_wait3A_435, %dma_wait3A_437, %dma_wait3A_438] : memref<8x128x128xbf16, #tpu.memory_space<vmem>> -> memref<1x128x128xbf16, #tpu.memory_space<vmem>>
        %dma_wait3A_440 = tpu.memref_squeeze %dma_wait3A_439 : memref<1x128x128xbf16, #tpu.memory_space<vmem>> -> memref<128x128xbf16, #tpu.memory_space<vmem>>
        %dma_wait3A_441 = arith.constant 0 : i32
        %dma_wait3A_442 = tpu.memref_slice %arg9[%dma_wait3A_436, %dma_wait3A_441] : memref<80x128xi32, #tpu.memory_space<vmem>> -> memref<1x128xi32, #tpu.memory_space<vmem>>
        %dma_wait3A_443 = tpu.memref_squeeze %dma_wait3A_442 : memref<1x128xi32, #tpu.memory_space<vmem>> -> memref<128xi32, #tpu.memory_space<vmem>>
        %dma_wait3A_444 = arith.constant 0 : i32
        %dma_wait3A_445 = arith.constant 0 : i32
        %dma_wait3A_446 = tpu.memref_slice %arg11[%dma_wait3A_444, %dma_wait3A_445] : memref<10016x128xbf16, #tpu.memory_space<vmem_shared>> -> memref<10016x128xbf16, #tpu.memory_space<vmem_shared>>
        tpu.wait_indirect_dma semaphore(%arg20 : memref<!tpu.dma_semaphore, #tpu.memory_space<semaphore_mem>>) src(%dma_wait3A_440 : memref<128x128xbf16, #tpu.memory_space<vmem>>) dst(%dma_wait3A_446 : memref<10016x128xbf16, #tpu.memory_space<vmem_shared>>)
      } else {
      }
      %add3A_153 = arith.constant 8 : i32
      %add3A_154 = arith.addi %add3A_127, %add3A_153 : i32
      %sub3A = arith.constant 1 : i32
      %sub3A_155 = arith.subi %add3A_154, %sub3A : i32
      %lt3A_156 = arith.constant 80 : i32
      %lt3A_157 = arith.cmpi slt, %sub3A_155, %lt3A_156 : i32
      %convert_element_type3A_158 = arith.extui %lt3A_157 : i1 to i32
      %cond3A_159 = arith.constant 0 : i32
      %cond3A_160 = arith.cmpi ne, %convert_element_type3A_158, %cond3A_159 : i32
      scf.if %cond3A_160 {
        %add3A_435 = arith.constant 8 : i32
        %add3A_436 = arith.addi %add3A_127, %add3A_435 : i32
        %sub3A_437 = arith.constant 1 : i32
        %sub3A_438 = arith.subi %add3A_436, %sub3A_437 : i32
        %mul3A_439 = arith.constant 128 : i32
        %mul3A_440 = arith.muli %sub3A_438, %mul3A_439 : i32
        %dma_start3A_441 = arith.constant 7 : i32
        %dma_start3A_442 = arith.constant 0 : i32
        %dma_start3A_443 = arith.constant 0 : i32
        %dma_start3A_444 = tpu.memref_slice %arg10[%dma_start3A_441, %dma_start3A_442, %dma_start3A_443] : memref<8x128x128xbf16, #tpu.memory_space<vmem>> -> memref<1x128x128xbf16, #tpu.memory_space<vmem>>
        %dma_start3A_445 = tpu.memref_squeeze %dma_start3A_444 : memref<1x128x128xbf16, #tpu.memory_space<vmem>> -> memref<128x128xbf16, #tpu.memory_space<vmem>>
        %dma_start3A_446 = tpu.memref_slice %arg8[%mul3A_440] : memref<10240xi32, #tpu.memory_space<vmem>> -> memref<128xi32, #tpu.memory_space<vmem>>
        %dma_start3A_447 = arith.constant 0 : i32
        %dma_start3A_448 = arith.constant 0 : i32
        %dma_start3A_449 = tpu.memref_slice %arg2[%dma_start3A_447, %dma_start3A_448] : memref<20000x128xbf16, #tpu.memory_space<hbm>> -> memref<20000x128xbf16, #tpu.memory_space<hbm>>
        tpu.enqueue_indirect_dma source(%dma_start3A_449 : memref<20000x128xbf16, #tpu.memory_space<hbm>>) target(%dma_start3A_445 : memref<128x128xbf16, #tpu.memory_space<vmem>>) offsets(%dma_start3A_446 : memref<128xi32, #tpu.memory_space<vmem>>) semaphore(%arg12 : memref<!tpu.dma_semaphore, #tpu.memory_space<semaphore_mem>>)
      } else {
      }
      %mul3A_161 = arith.constant 8 : i32
      %mul3A_162 = arith.muli %scan3A_122, %mul3A_161 : i32
      %add3A_163 = arith.constant 1 : i32
      %add3A_164 = arith.addi %mul3A_162, %add3A_163 : i32
      %dma_wait3A_165 = arith.constant 1 : i32
      %dma_wait3A_166 = arith.constant 0 : i32
      %dma_wait3A_167 = arith.constant 0 : i32
      %dma_wait3A_168 = tpu.memref_slice %arg10[%dma_wait3A_165, %dma_wait3A_166, %dma_wait3A_167] : memref<8x128x128xbf16, #tpu.memory_space<vmem>> -> memref<1x128x128xbf16, #tpu.memory_space<vmem>>
      %dma_wait3A_169 = tpu.memref_squeeze %dma_wait3A_168 : memref<1x128x128xbf16, #tpu.memory_space<vmem>> -> memref<128x128xbf16, #tpu.memory_space<vmem>>
      %dma_wait3A_170 = arith.constant 0 : i32
      %dma_wait3A_171 = tpu.memref_slice %arg8[%dma_wait3A_170] : memref<10240xi32, #tpu.memory_space<vmem>> -> memref<128xi32, #tpu.memory_space<vmem>>
      %dma_wait3A_172 = arith.constant 0 : i32
      %dma_wait3A_173 = arith.constant 0 : i32
      %dma_wait3A_174 = tpu.memref_slice %arg2[%dma_wait3A_172, %dma_wait3A_173] : memref<20000x128xbf16, #tpu.memory_space<hbm>> -> memref<20000x128xbf16, #tpu.memory_space<hbm>>
      tpu.wait_indirect_dma semaphore(%arg12 : memref<!tpu.dma_semaphore, #tpu.memory_space<semaphore_mem>>) src(%dma_wait3A_174 : memref<20000x128xbf16, #tpu.memory_space<hbm>>) dst(%dma_wait3A_169 : memref<128x128xbf16, #tpu.memory_space<vmem>>)
      %dma_start3A_175 = arith.constant 1 : i32
      %dma_start3A_176 = arith.constant 0 : i32
      %dma_start3A_177 = arith.constant 0 : i32
      %dma_start3A_178 = tpu.memref_slice %arg10[%dma_start3A_175, %dma_start3A_176, %dma_start3A_177] : memref<8x128x128xbf16, #tpu.memory_space<vmem>> -> memref<1x128x128xbf16, #tpu.memory_space<vmem>>
      %dma_start3A_179 = tpu.memref_squeeze %dma_start3A_178 : memref<1x128x128xbf16, #tpu.memory_space<vmem>> -> memref<128x128xbf16, #tpu.memory_space<vmem>>
      %dma_start3A_180 = arith.constant 0 : i32
      %dma_start3A_181 = tpu.memref_slice %arg9[%add3A_164, %dma_start3A_180] : memref<80x128xi32, #tpu.memory_space<vmem>> -> memref<1x128xi32, #tpu.memory_space<vmem>>
      %dma_start3A_182 = tpu.memref_squeeze %dma_start3A_181 : memref<1x128xi32, #tpu.memory_space<vmem>> -> memref<128xi32, #tpu.memory_space<vmem>>
      %dma_start3A_183 = arith.constant 0 : i32
      %dma_start3A_184 = arith.constant 0 : i32
      %dma_start3A_185 = tpu.memref_slice %arg11[%dma_start3A_183, %dma_start3A_184] : memref<10016x128xbf16, #tpu.memory_space<vmem_shared>> -> memref<10016x128xbf16, #tpu.memory_space<vmem_shared>>
      tpu.enqueue_indirect_dma source(%dma_start3A_179 : memref<128x128xbf16, #tpu.memory_space<vmem>>) target(%dma_start3A_185 : memref<10016x128xbf16, #tpu.memory_space<vmem_shared>>) offsets(%dma_start3A_182 : memref<128xi32, #tpu.memory_space<vmem>>) semaphore(%arg14 : memref<!tpu.dma_semaphore, #tpu.memory_space<semaphore_mem>>) {add = true}
      %gt3A_186 = arith.constant 0 : i32
      %gt3A_187 = arith.cmpi sgt, %add3A_164, %gt3A_186 : i32
      %convert_element_type3A_188 = arith.extui %gt3A_187 : i1 to i32
      %cond3A_189 = arith.constant 0 : i32
      %cond3A_190 = arith.cmpi ne, %convert_element_type3A_188, %cond3A_189 : i32
      scf.if %cond3A_190 {
        %dma_wait3A_435 = arith.constant 0 : i32
        %dma_wait3A_436 = arith.constant 0 : i32
        %dma_wait3A_437 = arith.constant 0 : i32
        %dma_wait3A_438 = arith.constant 0 : i32
        %dma_wait3A_439 = tpu.memref_slice %arg10[%dma_wait3A_435, %dma_wait3A_437, %dma_wait3A_438] : memref<8x128x128xbf16, #tpu.memory_space<vmem>> -> memref<1x128x128xbf16, #tpu.memory_space<vmem>>
        %dma_wait3A_440 = tpu.memref_squeeze %dma_wait3A_439 : memref<1x128x128xbf16, #tpu.memory_space<vmem>> -> memref<128x128xbf16, #tpu.memory_space<vmem>>
        %dma_wait3A_441 = arith.constant 0 : i32
        %dma_wait3A_442 = tpu.memref_slice %arg9[%dma_wait3A_436, %dma_wait3A_441] : memref<80x128xi32, #tpu.memory_space<vmem>> -> memref<1x128xi32, #tpu.memory_space<vmem>>
        %dma_wait3A_443 = tpu.memref_squeeze %dma_wait3A_442 : memref<1x128xi32, #tpu.memory_space<vmem>> -> memref<128xi32, #tpu.memory_space<vmem>>
        %dma_wait3A_444 = arith.constant 0 : i32
        %dma_wait3A_445 = arith.constant 0 : i32
        %dma_wait3A_446 = tpu.memref_slice %arg11[%dma_wait3A_444, %dma_wait3A_445] : memref<10016x128xbf16, #tpu.memory_space<vmem_shared>> -> memref<10016x128xbf16, #tpu.memory_space<vmem_shared>>
        tpu.wait_indirect_dma semaphore(%arg13 : memref<!tpu.dma_semaphore, #tpu.memory_space<semaphore_mem>>) src(%dma_wait3A_440 : memref<128x128xbf16, #tpu.memory_space<vmem>>) dst(%dma_wait3A_446 : memref<10016x128xbf16, #tpu.memory_space<vmem_shared>>)
      } else {
      }
      %add3A_191 = arith.constant 8 : i32
      %add3A_192 = arith.addi %add3A_164, %add3A_191 : i32
      %sub3A_193 = arith.constant 1 : i32
      %sub3A_194 = arith.subi %add3A_192, %sub3A_193 : i32
      %lt3A_195 = arith.constant 80 : i32
      %lt3A_196 = arith.cmpi slt, %sub3A_194, %lt3A_195 : i32
      %convert_element_type3A_197 = arith.extui %lt3A_196 : i1 to i32
      %cond3A_198 = arith.constant 0 : i32
      %cond3A_199 = arith.cmpi ne, %convert_element_type3A_197, %cond3A_198 : i32
      scf.if %cond3A_199 {
        %add3A_435 = arith.constant 8 : i32
        %add3A_436 = arith.addi %add3A_164, %add3A_435 : i32
        %sub3A_437 = arith.constant 1 : i32
        %sub3A_438 = arith.subi %add3A_436, %sub3A_437 : i32
        %mul3A_439 = arith.constant 128 : i32
        %mul3A_440 = arith.muli %sub3A_438, %mul3A_439 : i32
        %dma_start3A_441 = arith.constant 0 : i32
        %dma_start3A_442 = arith.constant 0 : i32
        %dma_start3A_443 = arith.constant 0 : i32
        %dma_start3A_444 = tpu.memref_slice %arg10[%dma_start3A_441, %dma_start3A_442, %dma_start3A_443] : memref<8x128x128xbf16, #tpu.memory_space<vmem>> -> memref<1x128x128xbf16, #tpu.memory_space<vmem>>
        %dma_start3A_445 = tpu.memref_squeeze %dma_start3A_444 : memref<1x128x128xbf16, #tpu.memory_space<vmem>> -> memref<128x128xbf16, #tpu.memory_space<vmem>>
        %dma_start3A_446 = tpu.memref_slice %arg8[%mul3A_440] : memref<10240xi32, #tpu.memory_space<vmem>> -> memref<128xi32, #tpu.memory_space<vmem>>
        %dma_start3A_447 = arith.constant 0 : i32
        %dma_start3A_448 = arith.constant 0 : i32
        %dma_start3A_449 = tpu.memref_slice %arg2[%dma_start3A_447, %dma_start3A_448] : memref<20000x128xbf16, #tpu.memory_space<hbm>> -> memref<20000x128xbf16, #tpu.memory_space<hbm>>
        tpu.enqueue_indirect_dma source(%dma_start3A_449 : memref<20000x128xbf16, #tpu.memory_space<hbm>>) target(%dma_start3A_445 : memref<128x128xbf16, #tpu.memory_space<vmem>>) offsets(%dma_start3A_446 : memref<128xi32, #tpu.memory_space<vmem>>) semaphore(%arg12 : memref<!tpu.dma_semaphore, #tpu.memory_space<semaphore_mem>>)
      } else {
      }
      %mul3A_200 = arith.constant 8 : i32
      %mul3A_201 = arith.muli %scan3A_122, %mul3A_200 : i32
      %add3A_202 = arith.constant 2 : i32
      %add3A_203 = arith.addi %mul3A_201, %add3A_202 : i32
      %dma_wait3A_204 = arith.constant 2 : i32
      %dma_wait3A_205 = arith.constant 0 : i32
      %dma_wait3A_206 = arith.constant 0 : i32
      %dma_wait3A_207 = tpu.memref_slice %arg10[%dma_wait3A_204, %dma_wait3A_205, %dma_wait3A_206] : memref<8x128x128xbf16, #tpu.memory_space<vmem>> -> memref<1x128x128xbf16, #tpu.memory_space<vmem>>
      %dma_wait3A_208 = tpu.memref_squeeze %dma_wait3A_207 : memref<1x128x128xbf16, #tpu.memory_space<vmem>> -> memref<128x128xbf16, #tpu.memory_space<vmem>>
      %dma_wait3A_209 = arith.constant 0 : i32
      %dma_wait3A_210 = tpu.memref_slice %arg8[%dma_wait3A_209] : memref<10240xi32, #tpu.memory_space<vmem>> -> memref<128xi32, #tpu.memory_space<vmem>>
      %dma_wait3A_211 = arith.constant 0 : i32
      %dma_wait3A_212 = arith.constant 0 : i32
      %dma_wait3A_213 = tpu.memref_slice %arg2[%dma_wait3A_211, %dma_wait3A_212] : memref<20000x128xbf16, #tpu.memory_space<hbm>> -> memref<20000x128xbf16, #tpu.memory_space<hbm>>
      tpu.wait_indirect_dma semaphore(%arg12 : memref<!tpu.dma_semaphore, #tpu.memory_space<semaphore_mem>>) src(%dma_wait3A_213 : memref<20000x128xbf16, #tpu.memory_space<hbm>>) dst(%dma_wait3A_208 : memref<128x128xbf16, #tpu.memory_space<vmem>>)
      %dma_start3A_214 = arith.constant 2 : i32
      %dma_start3A_215 = arith.constant 0 : i32
      %dma_start3A_216 = arith.constant 0 : i32
      %dma_start3A_217 = tpu.memref_slice %arg10[%dma_start3A_214, %dma_start3A_215, %dma_start3A_216] : memref<8x128x128xbf16, #tpu.memory_space<vmem>> -> memref<1x128x128xbf16, #tpu.memory_space<vmem>>
      %dma_start3A_218 = tpu.memref_squeeze %dma_start3A_217 : memref<1x128x128xbf16, #tpu.memory_space<vmem>> -> memref<128x128xbf16, #tpu.memory_space<vmem>>
      %dma_start3A_219 = arith.constant 0 : i32
      %dma_start3A_220 = tpu.memref_slice %arg9[%add3A_203, %dma_start3A_219] : memref<80x128xi32, #tpu.memory_space<vmem>> -> memref<1x128xi32, #tpu.memory_space<vmem>>
      %dma_start3A_221 = tpu.memref_squeeze %dma_start3A_220 : memref<1x128xi32, #tpu.memory_space<vmem>> -> memref<128xi32, #tpu.memory_space<vmem>>
      %dma_start3A_222 = arith.constant 0 : i32
      %dma_start3A_223 = arith.constant 0 : i32
      %dma_start3A_224 = tpu.memref_slice %arg11[%dma_start3A_222, %dma_start3A_223] : memref<10016x128xbf16, #tpu.memory_space<vmem_shared>> -> memref<10016x128xbf16, #tpu.memory_space<vmem_shared>>
      tpu.enqueue_indirect_dma source(%dma_start3A_218 : memref<128x128xbf16, #tpu.memory_space<vmem>>) target(%dma_start3A_224 : memref<10016x128xbf16, #tpu.memory_space<vmem_shared>>) offsets(%dma_start3A_221 : memref<128xi32, #tpu.memory_space<vmem>>) semaphore(%arg15 : memref<!tpu.dma_semaphore, #tpu.memory_space<semaphore_mem>>) {add = true}
      %gt3A_225 = arith.constant 0 : i32
      %gt3A_226 = arith.cmpi sgt, %add3A_203, %gt3A_225 : i32
      %convert_element_type3A_227 = arith.extui %gt3A_226 : i1 to i32
      %cond3A_228 = arith.constant 0 : i32
      %cond3A_229 = arith.cmpi ne, %convert_element_type3A_227, %cond3A_228 : i32
      scf.if %cond3A_229 {
        %dma_wait3A_435 = arith.constant 1 : i32
        %dma_wait3A_436 = arith.constant 0 : i32
        %dma_wait3A_437 = arith.constant 0 : i32
        %dma_wait3A_438 = arith.constant 0 : i32
        %dma_wait3A_439 = tpu.memref_slice %arg10[%dma_wait3A_435, %dma_wait3A_437, %dma_wait3A_438] : memref<8x128x128xbf16, #tpu.memory_space<vmem>> -> memref<1x128x128xbf16, #tpu.memory_space<vmem>>
        %dma_wait3A_440 = tpu.memref_squeeze %dma_wait3A_439 : memref<1x128x128xbf16, #tpu.memory_space<vmem>> -> memref<128x128xbf16, #tpu.memory_space<vmem>>
        %dma_wait3A_441 = arith.constant 0 : i32
        %dma_wait3A_442 = tpu.memref_slice %arg9[%dma_wait3A_436, %dma_wait3A_441] : memref<80x128xi32, #tpu.memory_space<vmem>> -> memref<1x128xi32, #tpu.memory_space<vmem>>
        %dma_wait3A_443 = tpu.memref_squeeze %dma_wait3A_442 : memref<1x128xi32, #tpu.memory_space<vmem>> -> memref<128xi32, #tpu.memory_space<vmem>>
        %dma_wait3A_444 = arith.constant 0 : i32
        %dma_wait3A_445 = arith.constant 0 : i32
        %dma_wait3A_446 = tpu.memref_slice %arg11[%dma_wait3A_444, %dma_wait3A_445] : memref<10016x128xbf16, #tpu.memory_space<vmem_shared>> -> memref<10016x128xbf16, #tpu.memory_space<vmem_shared>>
        tpu.wait_indirect_dma semaphore(%arg14 : memref<!tpu.dma_semaphore, #tpu.memory_space<semaphore_mem>>) src(%dma_wait3A_440 : memref<128x128xbf16, #tpu.memory_space<vmem>>) dst(%dma_wait3A_446 : memref<10016x128xbf16, #tpu.memory_space<vmem_shared>>)
      } else {
      }
      %add3A_230 = arith.constant 8 : i32
      %add3A_231 = arith.addi %add3A_203, %add3A_230 : i32
      %sub3A_232 = arith.constant 1 : i32
      %sub3A_233 = arith.subi %add3A_231, %sub3A_232 : i32
      %lt3A_234 = arith.constant 80 : i32
      %lt3A_235 = arith.cmpi slt, %sub3A_233, %lt3A_234 : i32
      %convert_element_type3A_236 = arith.extui %lt3A_235 : i1 to i32
      %cond3A_237 = arith.constant 0 : i32
      %cond3A_238 = arith.cmpi ne, %convert_element_type3A_236, %cond3A_237 : i32
      scf.if %cond3A_238 {
        %add3A_435 = arith.constant 8 : i32
        %add3A_436 = arith.addi %add3A_203, %add3A_435 : i32
        %sub3A_437 = arith.constant 1 : i32
        %sub3A_438 = arith.subi %add3A_436, %sub3A_437 : i32
        %mul3A_439 = arith.constant 128 : i32
        %mul3A_440 = arith.muli %sub3A_438, %mul3A_439 : i32
        %dma_start3A_441 = arith.constant 1 : i32
        %dma_start3A_442 = arith.constant 0 : i32
        %dma_start3A_443 = arith.constant 0 : i32
        %dma_start3A_444 = tpu.memref_slice %arg10[%dma_start3A_441, %dma_start3A_442, %dma_start3A_443] : memref<8x128x128xbf16, #tpu.memory_space<vmem>> -> memref<1x128x128xbf16, #tpu.memory_space<vmem>>
        %dma_start3A_445 = tpu.memref_squeeze %dma_start3A_444 : memref<1x128x128xbf16, #tpu.memory_space<vmem>> -> memref<128x128xbf16, #tpu.memory_space<vmem>>
        %dma_start3A_446 = tpu.memref_slice %arg8[%mul3A_440] : memref<10240xi32, #tpu.memory_space<vmem>> -> memref<128xi32, #tpu.memory_space<vmem>>
        %dma_start3A_447 = arith.constant 0 : i32
        %dma_start3A_448 = arith.constant 0 : i32
        %dma_start3A_449 = tpu.memref_slice %arg2[%dma_start3A_447, %dma_start3A_448] : memref<20000x128xbf16, #tpu.memory_space<hbm>> -> memref<20000x128xbf16, #tpu.memory_space<hbm>>
        tpu.enqueue_indirect_dma source(%dma_start3A_449 : memref<20000x128xbf16, #tpu.memory_space<hbm>>) target(%dma_start3A_445 : memref<128x128xbf16, #tpu.memory_space<vmem>>) offsets(%dma_start3A_446 : memref<128xi32, #tpu.memory_space<vmem>>) semaphore(%arg12 : memref<!tpu.dma_semaphore, #tpu.memory_space<semaphore_mem>>)
      } else {
      }
      %mul3A_239 = arith.constant 8 : i32
      %mul3A_240 = arith.muli %scan3A_122, %mul3A_239 : i32
      %add3A_241 = arith.constant 3 : i32
      %add3A_242 = arith.addi %mul3A_240, %add3A_241 : i32
      %dma_wait3A_243 = arith.constant 3 : i32
      %dma_wait3A_244 = arith.constant 0 : i32
      %dma_wait3A_245 = arith.constant 0 : i32
      %dma_wait3A_246 = tpu.memref_slice %arg10[%dma_wait3A_243, %dma_wait3A_244, %dma_wait3A_245] : memref<8x128x128xbf16, #tpu.memory_space<vmem>> -> memref<1x128x128xbf16, #tpu.memory_space<vmem>>
      %dma_wait3A_247 = tpu.memref_squeeze %dma_wait3A_246 : memref<1x128x128xbf16, #tpu.memory_space<vmem>> -> memref<128x128xbf16, #tpu.memory_space<vmem>>
      %dma_wait3A_248 = arith.constant 0 : i32
      %dma_wait3A_249 = tpu.memref_slice %arg8[%dma_wait3A_248] : memref<10240xi32, #tpu.memory_space<vmem>> -> memref<128xi32, #tpu.memory_space<vmem>>
      %dma_wait3A_250 = arith.constant 0 : i32
      %dma_wait3A_251 = arith.constant 0 : i32
      %dma_wait3A_252 = tpu.memref_slice %arg2[%dma_wait3A_250, %dma_wait3A_251] : memref<20000x128xbf16, #tpu.memory_space<hbm>> -> memref<20000x128xbf16, #tpu.memory_space<hbm>>
      tpu.wait_indirect_dma semaphore(%arg12 : memref<!tpu.dma_semaphore, #tpu.memory_space<semaphore_mem>>) src(%dma_wait3A_252 : memref<20000x128xbf16, #tpu.memory_space<hbm>>) dst(%dma_wait3A_247 : memref<128x128xbf16, #tpu.memory_space<vmem>>)
      %dma_start3A_253 = arith.constant 3 : i32
      %dma_start3A_254 = arith.constant 0 : i32
      %dma_start3A_255 = arith.constant 0 : i32
      %dma_start3A_256 = tpu.memref_slice %arg10[%dma_start3A_253, %dma_start3A_254, %dma_start3A_255] : memref<8x128x128xbf16, #tpu.memory_space<vmem>> -> memref<1x128x128xbf16, #tpu.memory_space<vmem>>
      %dma_start3A_257 = tpu.memref_squeeze %dma_start3A_256 : memref<1x128x128xbf16, #tpu.memory_space<vmem>> -> memref<128x128xbf16, #tpu.memory_space<vmem>>
      %dma_start3A_258 = arith.constant 0 : i32
      %dma_start3A_259 = tpu.memref_slice %arg9[%add3A_242, %dma_start3A_258] : memref<80x128xi32, #tpu.memory_space<vmem>> -> memref<1x128xi32, #tpu.memory_space<vmem>>
      %dma_start3A_260 = tpu.memref_squeeze %dma_start3A_259 : memref<1x128xi32, #tpu.memory_space<vmem>> -> memref<128xi32, #tpu.memory_space<vmem>>
      %dma_start3A_261 = arith.constant 0 : i32
      %dma_start3A_262 = arith.constant 0 : i32
      %dma_start3A_263 = tpu.memref_slice %arg11[%dma_start3A_261, %dma_start3A_262] : memref<10016x128xbf16, #tpu.memory_space<vmem_shared>> -> memref<10016x128xbf16, #tpu.memory_space<vmem_shared>>
      tpu.enqueue_indirect_dma source(%dma_start3A_257 : memref<128x128xbf16, #tpu.memory_space<vmem>>) target(%dma_start3A_263 : memref<10016x128xbf16, #tpu.memory_space<vmem_shared>>) offsets(%dma_start3A_260 : memref<128xi32, #tpu.memory_space<vmem>>) semaphore(%arg16 : memref<!tpu.dma_semaphore, #tpu.memory_space<semaphore_mem>>) {add = true}
      %gt3A_264 = arith.constant 0 : i32
      %gt3A_265 = arith.cmpi sgt, %add3A_242, %gt3A_264 : i32
      %convert_element_type3A_266 = arith.extui %gt3A_265 : i1 to i32
      %cond3A_267 = arith.constant 0 : i32
      %cond3A_268 = arith.cmpi ne, %convert_element_type3A_266, %cond3A_267 : i32
      scf.if %cond3A_268 {
        %dma_wait3A_435 = arith.constant 2 : i32
        %dma_wait3A_436 = arith.constant 0 : i32
        %dma_wait3A_437 = arith.constant 0 : i32
        %dma_wait3A_438 = arith.constant 0 : i32
        %dma_wait3A_439 = tpu.memref_slice %arg10[%dma_wait3A_435, %dma_wait3A_437, %dma_wait3A_438] : memref<8x128x128xbf16, #tpu.memory_space<vmem>> -> memref<1x128x128xbf16, #tpu.memory_space<vmem>>
        %dma_wait3A_440 = tpu.memref_squeeze %dma_wait3A_439 : memref<1x128x128xbf16, #tpu.memory_space<vmem>> -> memref<128x128xbf16, #tpu.memory_space<vmem>>
        %dma_wait3A_441 = arith.constant 0 : i32
        %dma_wait3A_442 = tpu.memref_slice %arg9[%dma_wait3A_436, %dma_wait3A_441] : memref<80x128xi32, #tpu.memory_space<vmem>> -> memref<1x128xi32, #tpu.memory_space<vmem>>
        %dma_wait3A_443 = tpu.memref_squeeze %dma_wait3A_442 : memref<1x128xi32, #tpu.memory_space<vmem>> -> memref<128xi32, #tpu.memory_space<vmem>>
        %dma_wait3A_444 = arith.constant 0 : i32
        %dma_wait3A_445 = arith.constant 0 : i32
        %dma_wait3A_446 = tpu.memref_slice %arg11[%dma_wait3A_444, %dma_wait3A_445] : memref<10016x128xbf16, #tpu.memory_space<vmem_shared>> -> memref<10016x128xbf16, #tpu.memory_space<vmem_shared>>
        tpu.wait_indirect_dma semaphore(%arg15 : memref<!tpu.dma_semaphore, #tpu.memory_space<semaphore_mem>>) src(%dma_wait3A_440 : memref<128x128xbf16, #tpu.memory_space<vmem>>) dst(%dma_wait3A_446 : memref<10016x128xbf16, #tpu.memory_space<vmem_shared>>)
      } else {
      }
      %add3A_269 = arith.constant 8 : i32
      %add3A_270 = arith.addi %add3A_242, %add3A_269 : i32
      %sub3A_271 = arith.constant 1 : i32
      %sub3A_272 = arith.subi %add3A_270, %sub3A_271 : i32
      %lt3A_273 = arith.constant 80 : i32
      %lt3A_274 = arith.cmpi slt, %sub3A_272, %lt3A_273 : i32
      %convert_element_type3A_275 = arith.extui %lt3A_274 : i1 to i32
      %cond3A_276 = arith.constant 0 : i32
      %cond3A_277 = arith.cmpi ne, %convert_element_type3A_275, %cond3A_276 : i32
      scf.if %cond3A_277 {
        %add3A_435 = arith.constant 8 : i32
        %add3A_436 = arith.addi %add3A_242, %add3A_435 : i32
        %sub3A_437 = arith.constant 1 : i32
        %sub3A_438 = arith.subi %add3A_436, %sub3A_437 : i32
        %mul3A_439 = arith.constant 128 : i32
        %mul3A_440 = arith.muli %sub3A_438, %mul3A_439 : i32
        %dma_start3A_441 = arith.constant 2 : i32
        %dma_start3A_442 = arith.constant 0 : i32
        %dma_start3A_443 = arith.constant 0 : i32
        %dma_start3A_444 = tpu.memref_slice %arg10[%dma_start3A_441, %dma_start3A_442, %dma_start3A_443] : memref<8x128x128xbf16, #tpu.memory_space<vmem>> -> memref<1x128x128xbf16, #tpu.memory_space<vmem>>
        %dma_start3A_445 = tpu.memref_squeeze %dma_start3A_444 : memref<1x128x128xbf16, #tpu.memory_space<vmem>> -> memref<128x128xbf16, #tpu.memory_space<vmem>>
        %dma_start3A_446 = tpu.memref_slice %arg8[%mul3A_440] : memref<10240xi32, #tpu.memory_space<vmem>> -> memref<128xi32, #tpu.memory_space<vmem>>
        %dma_start3A_447 = arith.constant 0 : i32
        %dma_start3A_448 = arith.constant 0 : i32
        %dma_start3A_449 = tpu.memref_slice %arg2[%dma_start3A_447, %dma_start3A_448] : memref<20000x128xbf16, #tpu.memory_space<hbm>> -> memref<20000x128xbf16, #tpu.memory_space<hbm>>
        tpu.enqueue_indirect_dma source(%dma_start3A_449 : memref<20000x128xbf16, #tpu.memory_space<hbm>>) target(%dma_start3A_445 : memref<128x128xbf16, #tpu.memory_space<vmem>>) offsets(%dma_start3A_446 : memref<128xi32, #tpu.memory_space<vmem>>) semaphore(%arg12 : memref<!tpu.dma_semaphore, #tpu.memory_space<semaphore_mem>>)
      } else {
      }
      %mul3A_278 = arith.constant 8 : i32
      %mul3A_279 = arith.muli %scan3A_122, %mul3A_278 : i32
      %add3A_280 = arith.constant 4 : i32
      %add3A_281 = arith.addi %mul3A_279, %add3A_280 : i32
      %dma_wait3A_282 = arith.constant 4 : i32
      %dma_wait3A_283 = arith.constant 0 : i32
      %dma_wait3A_284 = arith.constant 0 : i32
      %dma_wait3A_285 = tpu.memref_slice %arg10[%dma_wait3A_282, %dma_wait3A_283, %dma_wait3A_284] : memref<8x128x128xbf16, #tpu.memory_space<vmem>> -> memref<1x128x128xbf16, #tpu.memory_space<vmem>>
      %dma_wait3A_286 = tpu.memref_squeeze %dma_wait3A_285 : memref<1x128x128xbf16, #tpu.memory_space<vmem>> -> memref<128x128xbf16, #tpu.memory_space<vmem>>
      %dma_wait3A_287 = arith.constant 0 : i32
      %dma_wait3A_288 = tpu.memref_slice %arg8[%dma_wait3A_287] : memref<10240xi32, #tpu.memory_space<vmem>> -> memref<128xi32, #tpu.memory_space<vmem>>
      %dma_wait3A_289 = arith.constant 0 : i32
      %dma_wait3A_290 = arith.constant 0 : i32
      %dma_wait3A_291 = tpu.memref_slice %arg2[%dma_wait3A_289, %dma_wait3A_290] : memref<20000x128xbf16, #tpu.memory_space<hbm>> -> memref<20000x128xbf16, #tpu.memory_space<hbm>>
      tpu.wait_indirect_dma semaphore(%arg12 : memref<!tpu.dma_semaphore, #tpu.memory_space<semaphore_mem>>) src(%dma_wait3A_291 : memref<20000x128xbf16, #tpu.memory_space<hbm>>) dst(%dma_wait3A_286 : memref<128x128xbf16, #tpu.memory_space<vmem>>)
      %dma_start3A_292 = arith.constant 4 : i32
      %dma_start3A_293 = arith.constant 0 : i32
      %dma_start3A_294 = arith.constant 0 : i32
      %dma_start3A_295 = tpu.memref_slice %arg10[%dma_start3A_292, %dma_start3A_293, %dma_start3A_294] : memref<8x128x128xbf16, #tpu.memory_space<vmem>> -> memref<1x128x128xbf16, #tpu.memory_space<vmem>>
      %dma_start3A_296 = tpu.memref_squeeze %dma_start3A_295 : memref<1x128x128xbf16, #tpu.memory_space<vmem>> -> memref<128x128xbf16, #tpu.memory_space<vmem>>
      %dma_start3A_297 = arith.constant 0 : i32
      %dma_start3A_298 = tpu.memref_slice %arg9[%add3A_281, %dma_start3A_297] : memref<80x128xi32, #tpu.memory_space<vmem>> -> memref<1x128xi32, #tpu.memory_space<vmem>>
      %dma_start3A_299 = tpu.memref_squeeze %dma_start3A_298 : memref<1x128xi32, #tpu.memory_space<vmem>> -> memref<128xi32, #tpu.memory_space<vmem>>
      %dma_start3A_300 = arith.constant 0 : i32
      %dma_start3A_301 = arith.constant 0 : i32
      %dma_start3A_302 = tpu.memref_slice %arg11[%dma_start3A_300, %dma_start3A_301] : memref<10016x128xbf16, #tpu.memory_space<vmem_shared>> -> memref<10016x128xbf16, #tpu.memory_space<vmem_shared>>
      tpu.enqueue_indirect_dma source(%dma_start3A_296 : memref<128x128xbf16, #tpu.memory_space<vmem>>) target(%dma_start3A_302 : memref<10016x128xbf16, #tpu.memory_space<vmem_shared>>) offsets(%dma_start3A_299 : memref<128xi32, #tpu.memory_space<vmem>>) semaphore(%arg17 : memref<!tpu.dma_semaphore, #tpu.memory_space<semaphore_mem>>) {add = true}
      %gt3A_303 = arith.constant 0 : i32
      %gt3A_304 = arith.cmpi sgt, %add3A_281, %gt3A_303 : i32
      %convert_element_type3A_305 = arith.extui %gt3A_304 : i1 to i32
      %cond3A_306 = arith.constant 0 : i32
      %cond3A_307 = arith.cmpi ne, %convert_element_type3A_305, %cond3A_306 : i32
      scf.if %cond3A_307 {
        %dma_wait3A_435 = arith.constant 3 : i32
        %dma_wait3A_436 = arith.constant 0 : i32
        %dma_wait3A_437 = arith.constant 0 : i32
        %dma_wait3A_438 = arith.constant 0 : i32
        %dma_wait3A_439 = tpu.memref_slice %arg10[%dma_wait3A_435, %dma_wait3A_437, %dma_wait3A_438] : memref<8x128x128xbf16, #tpu.memory_space<vmem>> -> memref<1x128x128xbf16, #tpu.memory_space<vmem>>
        %dma_wait3A_440 = tpu.memref_squeeze %dma_wait3A_439 : memref<1x128x128xbf16, #tpu.memory_space<vmem>> -> memref<128x128xbf16, #tpu.memory_space<vmem>>
        %dma_wait3A_441 = arith.constant 0 : i32
        %dma_wait3A_442 = tpu.memref_slice %arg9[%dma_wait3A_436, %dma_wait3A_441] : memref<80x128xi32, #tpu.memory_space<vmem>> -> memref<1x128xi32, #tpu.memory_space<vmem>>
        %dma_wait3A_443 = tpu.memref_squeeze %dma_wait3A_442 : memref<1x128xi32, #tpu.memory_space<vmem>> -> memref<128xi32, #tpu.memory_space<vmem>>
        %dma_wait3A_444 = arith.constant 0 : i32
        %dma_wait3A_445 = arith.constant 0 : i32
        %dma_wait3A_446 = tpu.memref_slice %arg11[%dma_wait3A_444, %dma_wait3A_445] : memref<10016x128xbf16, #tpu.memory_space<vmem_shared>> -> memref<10016x128xbf16, #tpu.memory_space<vmem_shared>>
        tpu.wait_indirect_dma semaphore(%arg16 : memref<!tpu.dma_semaphore, #tpu.memory_space<semaphore_mem>>) src(%dma_wait3A_440 : memref<128x128xbf16, #tpu.memory_space<vmem>>) dst(%dma_wait3A_446 : memref<10016x128xbf16, #tpu.memory_space<vmem_shared>>)
      } else {
      }
      %add3A_308 = arith.constant 8 : i32
      %add3A_309 = arith.addi %add3A_281, %add3A_308 : i32
      %sub3A_310 = arith.constant 1 : i32
      %sub3A_311 = arith.subi %add3A_309, %sub3A_310 : i32
      %lt3A_312 = arith.constant 80 : i32
      %lt3A_313 = arith.cmpi slt, %sub3A_311, %lt3A_312 : i32
      %convert_element_type3A_314 = arith.extui %lt3A_313 : i1 to i32
      %cond3A_315 = arith.constant 0 : i32
      %cond3A_316 = arith.cmpi ne, %convert_element_type3A_314, %cond3A_315 : i32
      scf.if %cond3A_316 {
        %add3A_435 = arith.constant 8 : i32
        %add3A_436 = arith.addi %add3A_281, %add3A_435 : i32
        %sub3A_437 = arith.constant 1 : i32
        %sub3A_438 = arith.subi %add3A_436, %sub3A_437 : i32
        %mul3A_439 = arith.constant 128 : i32
        %mul3A_440 = arith.muli %sub3A_438, %mul3A_439 : i32
        %dma_start3A_441 = arith.constant 3 : i32
        %dma_start3A_442 = arith.constant 0 : i32
        %dma_start3A_443 = arith.constant 0 : i32
        %dma_start3A_444 = tpu.memref_slice %arg10[%dma_start3A_441, %dma_start3A_442, %dma_start3A_443] : memref<8x128x128xbf16, #tpu.memory_space<vmem>> -> memref<1x128x128xbf16, #tpu.memory_space<vmem>>
        %dma_start3A_445 = tpu.memref_squeeze %dma_start3A_444 : memref<1x128x128xbf16, #tpu.memory_space<vmem>> -> memref<128x128xbf16, #tpu.memory_space<vmem>>
        %dma_start3A_446 = tpu.memref_slice %arg8[%mul3A_440] : memref<10240xi32, #tpu.memory_space<vmem>> -> memref<128xi32, #tpu.memory_space<vmem>>
        %dma_start3A_447 = arith.constant 0 : i32
        %dma_start3A_448 = arith.constant 0 : i32
        %dma_start3A_449 = tpu.memref_slice %arg2[%dma_start3A_447, %dma_start3A_448] : memref<20000x128xbf16, #tpu.memory_space<hbm>> -> memref<20000x128xbf16, #tpu.memory_space<hbm>>
        tpu.enqueue_indirect_dma source(%dma_start3A_449 : memref<20000x128xbf16, #tpu.memory_space<hbm>>) target(%dma_start3A_445 : memref<128x128xbf16, #tpu.memory_space<vmem>>) offsets(%dma_start3A_446 : memref<128xi32, #tpu.memory_space<vmem>>) semaphore(%arg12 : memref<!tpu.dma_semaphore, #tpu.memory_space<semaphore_mem>>)
      } else {
      }
      %mul3A_317 = arith.constant 8 : i32
      %mul3A_318 = arith.muli %scan3A_122, %mul3A_317 : i32
      %add3A_319 = arith.constant 5 : i32
      %add3A_320 = arith.addi %mul3A_318, %add3A_319 : i32
      %dma_wait3A_321 = arith.constant 5 : i32
      %dma_wait3A_322 = arith.constant 0 : i32
      %dma_wait3A_323 = arith.constant 0 : i32
      %dma_wait3A_324 = tpu.memref_slice %arg10[%dma_wait3A_321, %dma_wait3A_322, %dma_wait3A_323] : memref<8x128x128xbf16, #tpu.memory_space<vmem>> -> memref<1x128x128xbf16, #tpu.memory_space<vmem>>
      %dma_wait3A_325 = tpu.memref_squeeze %dma_wait3A_324 : memref<1x128x128xbf16, #tpu.memory_space<vmem>> -> memref<128x128xbf16, #tpu.memory_space<vmem>>
      %dma_wait3A_326 = arith.constant 0 : i32
      %dma_wait3A_327 = tpu.memref_slice %arg8[%dma_wait3A_326] : memref<10240xi32, #tpu.memory_space<vmem>> -> memref<128xi32, #tpu.memory_space<vmem>>
      %dma_wait3A_328 = arith.constant 0 : i32
      %dma_wait3A_329 = arith.constant 0 : i32
      %dma_wait3A_330 = tpu.memref_slice %arg2[%dma_wait3A_328, %dma_wait3A_329] : memref<20000x128xbf16, #tpu.memory_space<hbm>> -> memref<20000x128xbf16, #tpu.memory_space<hbm>>
      tpu.wait_indirect_dma semaphore(%arg12 : memref<!tpu.dma_semaphore, #tpu.memory_space<semaphore_mem>>) src(%dma_wait3A_330 : memref<20000x128xbf16, #tpu.memory_space<hbm>>) dst(%dma_wait3A_325 : memref<128x128xbf16, #tpu.memory_space<vmem>>)
      %dma_start3A_331 = arith.constant 5 : i32
      %dma_start3A_332 = arith.constant 0 : i32
      %dma_start3A_333 = arith.constant 0 : i32
      %dma_start3A_334 = tpu.memref_slice %arg10[%dma_start3A_331, %dma_start3A_332, %dma_start3A_333] : memref<8x128x128xbf16, #tpu.memory_space<vmem>> -> memref<1x128x128xbf16, #tpu.memory_space<vmem>>
      %dma_start3A_335 = tpu.memref_squeeze %dma_start3A_334 : memref<1x128x128xbf16, #tpu.memory_space<vmem>> -> memref<128x128xbf16, #tpu.memory_space<vmem>>
      %dma_start3A_336 = arith.constant 0 : i32
      %dma_start3A_337 = tpu.memref_slice %arg9[%add3A_320, %dma_start3A_336] : memref<80x128xi32, #tpu.memory_space<vmem>> -> memref<1x128xi32, #tpu.memory_space<vmem>>
      %dma_start3A_338 = tpu.memref_squeeze %dma_start3A_337 : memref<1x128xi32, #tpu.memory_space<vmem>> -> memref<128xi32, #tpu.memory_space<vmem>>
      %dma_start3A_339 = arith.constant 0 : i32
      %dma_start3A_340 = arith.constant 0 : i32
      %dma_start3A_341 = tpu.memref_slice %arg11[%dma_start3A_339, %dma_start3A_340] : memref<10016x128xbf16, #tpu.memory_space<vmem_shared>> -> memref<10016x128xbf16, #tpu.memory_space<vmem_shared>>
      tpu.enqueue_indirect_dma source(%dma_start3A_335 : memref<128x128xbf16, #tpu.memory_space<vmem>>) target(%dma_start3A_341 : memref<10016x128xbf16, #tpu.memory_space<vmem_shared>>) offsets(%dma_start3A_338 : memref<128xi32, #tpu.memory_space<vmem>>) semaphore(%arg18 : memref<!tpu.dma_semaphore, #tpu.memory_space<semaphore_mem>>) {add = true}
      %gt3A_342 = arith.constant 0 : i32
      %gt3A_343 = arith.cmpi sgt, %add3A_320, %gt3A_342 : i32
      %convert_element_type3A_344 = arith.extui %gt3A_343 : i1 to i32
      %cond3A_345 = arith.constant 0 : i32
      %cond3A_346 = arith.cmpi ne, %convert_element_type3A_344, %cond3A_345 : i32
      scf.if %cond3A_346 {
        %dma_wait3A_435 = arith.constant 4 : i32
        %dma_wait3A_436 = arith.constant 0 : i32
        %dma_wait3A_437 = arith.constant 0 : i32
        %dma_wait3A_438 = arith.constant 0 : i32
        %dma_wait3A_439 = tpu.memref_slice %arg10[%dma_wait3A_435, %dma_wait3A_437, %dma_wait3A_438] : memref<8x128x128xbf16, #tpu.memory_space<vmem>> -> memref<1x128x128xbf16, #tpu.memory_space<vmem>>
        %dma_wait3A_440 = tpu.memref_squeeze %dma_wait3A_439 : memref<1x128x128xbf16, #tpu.memory_space<vmem>> -> memref<128x128xbf16, #tpu.memory_space<vmem>>
        %dma_wait3A_441 = arith.constant 0 : i32
        %dma_wait3A_442 = tpu.memref_slice %arg9[%dma_wait3A_436, %dma_wait3A_441] : memref<80x128xi32, #tpu.memory_space<vmem>> -> memref<1x128xi32, #tpu.memory_space<vmem>>
        %dma_wait3A_443 = tpu.memref_squeeze %dma_wait3A_442 : memref<1x128xi32, #tpu.memory_space<vmem>> -> memref<128xi32, #tpu.memory_space<vmem>>
        %dma_wait3A_444 = arith.constant 0 : i32
        %dma_wait3A_445 = arith.constant 0 : i32
        %dma_wait3A_446 = tpu.memref_slice %arg11[%dma_wait3A_444, %dma_wait3A_445] : memref<10016x128xbf16, #tpu.memory_space<vmem_shared>> -> memref<10016x128xbf16, #tpu.memory_space<vmem_shared>>
        tpu.wait_indirect_dma semaphore(%arg17 : memref<!tpu.dma_semaphore, #tpu.memory_space<semaphore_mem>>) src(%dma_wait3A_440 : memref<128x128xbf16, #tpu.memory_space<vmem>>) dst(%dma_wait3A_446 : memref<10016x128xbf16, #tpu.memory_space<vmem_shared>>)
      } else {
      }
      %add3A_347 = arith.constant 8 : i32
      %add3A_348 = arith.addi %add3A_320, %add3A_347 : i32
      %sub3A_349 = arith.constant 1 : i32
      %sub3A_350 = arith.subi %add3A_348, %sub3A_349 : i32
      %lt3A_351 = arith.constant 80 : i32
      %lt3A_352 = arith.cmpi slt, %sub3A_350, %lt3A_351 : i32
      %convert_element_type3A_353 = arith.extui %lt3A_352 : i1 to i32
      %cond3A_354 = arith.constant 0 : i32
      %cond3A_355 = arith.cmpi ne, %convert_element_type3A_353, %cond3A_354 : i32
      scf.if %cond3A_355 {
        %add3A_435 = arith.constant 8 : i32
        %add3A_436 = arith.addi %add3A_320, %add3A_435 : i32
        %sub3A_437 = arith.constant 1 : i32
        %sub3A_438 = arith.subi %add3A_436, %sub3A_437 : i32
        %mul3A_439 = arith.constant 128 : i32
        %mul3A_440 = arith.muli %sub3A_438, %mul3A_439 : i32
        %dma_start3A_441 = arith.constant 4 : i32
        %dma_start3A_442 = arith.constant 0 : i32
        %dma_start3A_443 = arith.constant 0 : i32
        %dma_start3A_444 = tpu.memref_slice %arg10[%dma_start3A_441, %dma_start3A_442, %dma_start3A_443] : memref<8x128x128xbf16, #tpu.memory_space<vmem>> -> memref<1x128x128xbf16, #tpu.memory_space<vmem>>
        %dma_start3A_445 = tpu.memref_squeeze %dma_start3A_444 : memref<1x128x128xbf16, #tpu.memory_space<vmem>> -> memref<128x128xbf16, #tpu.memory_space<vmem>>
        %dma_start3A_446 = tpu.memref_slice %arg8[%mul3A_440] : memref<10240xi32, #tpu.memory_space<vmem>> -> memref<128xi32, #tpu.memory_space<vmem>>
        %dma_start3A_447 = arith.constant 0 : i32
        %dma_start3A_448 = arith.constant 0 : i32
        %dma_start3A_449 = tpu.memref_slice %arg2[%dma_start3A_447, %dma_start3A_448] : memref<20000x128xbf16, #tpu.memory_space<hbm>> -> memref<20000x128xbf16, #tpu.memory_space<hbm>>
        tpu.enqueue_indirect_dma source(%dma_start3A_449 : memref<20000x128xbf16, #tpu.memory_space<hbm>>) target(%dma_start3A_445 : memref<128x128xbf16, #tpu.memory_space<vmem>>) offsets(%dma_start3A_446 : memref<128xi32, #tpu.memory_space<vmem>>) semaphore(%arg12 : memref<!tpu.dma_semaphore, #tpu.memory_space<semaphore_mem>>)
      } else {
      }
      %mul3A_356 = arith.constant 8 : i32
      %mul3A_357 = arith.muli %scan3A_122, %mul3A_356 : i32
      %add3A_358 = arith.constant 6 : i32
      %add3A_359 = arith.addi %mul3A_357, %add3A_358 : i32
      %dma_wait3A_360 = arith.constant 6 : i32
      %dma_wait3A_361 = arith.constant 0 : i32
      %dma_wait3A_362 = arith.constant 0 : i32
      %dma_wait3A_363 = tpu.memref_slice %arg10[%dma_wait3A_360, %dma_wait3A_361, %dma_wait3A_362] : memref<8x128x128xbf16, #tpu.memory_space<vmem>> -> memref<1x128x128xbf16, #tpu.memory_space<vmem>>
      %dma_wait3A_364 = tpu.memref_squeeze %dma_wait3A_363 : memref<1x128x128xbf16, #tpu.memory_space<vmem>> -> memref<128x128xbf16, #tpu.memory_space<vmem>>
      %dma_wait3A_365 = arith.constant 0 : i32
      %dma_wait3A_366 = tpu.memref_slice %arg8[%dma_wait3A_365] : memref<10240xi32, #tpu.memory_space<vmem>> -> memref<128xi32, #tpu.memory_space<vmem>>
      %dma_wait3A_367 = arith.constant 0 : i32
      %dma_wait3A_368 = arith.constant 0 : i32
      %dma_wait3A_369 = tpu.memref_slice %arg2[%dma_wait3A_367, %dma_wait3A_368] : memref<20000x128xbf16, #tpu.memory_space<hbm>> -> memref<20000x128xbf16, #tpu.memory_space<hbm>>
      tpu.wait_indirect_dma semaphore(%arg12 : memref<!tpu.dma_semaphore, #tpu.memory_space<semaphore_mem>>) src(%dma_wait3A_369 : memref<20000x128xbf16, #tpu.memory_space<hbm>>) dst(%dma_wait3A_364 : memref<128x128xbf16, #tpu.memory_space<vmem>>)
      %dma_start3A_370 = arith.constant 6 : i32
      %dma_start3A_371 = arith.constant 0 : i32
      %dma_start3A_372 = arith.constant 0 : i32
      %dma_start3A_373 = tpu.memref_slice %arg10[%dma_start3A_370, %dma_start3A_371, %dma_start3A_372] : memref<8x128x128xbf16, #tpu.memory_space<vmem>> -> memref<1x128x128xbf16, #tpu.memory_space<vmem>>
      %dma_start3A_374 = tpu.memref_squeeze %dma_start3A_373 : memref<1x128x128xbf16, #tpu.memory_space<vmem>> -> memref<128x128xbf16, #tpu.memory_space<vmem>>
      %dma_start3A_375 = arith.constant 0 : i32
      %dma_start3A_376 = tpu.memref_slice %arg9[%add3A_359, %dma_start3A_375] : memref<80x128xi32, #tpu.memory_space<vmem>> -> memref<1x128xi32, #tpu.memory_space<vmem>>
      %dma_start3A_377 = tpu.memref_squeeze %dma_start3A_376 : memref<1x128xi32, #tpu.memory_space<vmem>> -> memref<128xi32, #tpu.memory_space<vmem>>
      %dma_start3A_378 = arith.constant 0 : i32
      %dma_start3A_379 = arith.constant 0 : i32
      %dma_start3A_380 = tpu.memref_slice %arg11[%dma_start3A_378, %dma_start3A_379] : memref<10016x128xbf16, #tpu.memory_space<vmem_shared>> -> memref<10016x128xbf16, #tpu.memory_space<vmem_shared>>
      tpu.enqueue_indirect_dma source(%dma_start3A_374 : memref<128x128xbf16, #tpu.memory_space<vmem>>) target(%dma_start3A_380 : memref<10016x128xbf16, #tpu.memory_space<vmem_shared>>) offsets(%dma_start3A_377 : memref<128xi32, #tpu.memory_space<vmem>>) semaphore(%arg19 : memref<!tpu.dma_semaphore, #tpu.memory_space<semaphore_mem>>) {add = true}
      %gt3A_381 = arith.constant 0 : i32
      %gt3A_382 = arith.cmpi sgt, %add3A_359, %gt3A_381 : i32
      %convert_element_type3A_383 = arith.extui %gt3A_382 : i1 to i32
      %cond3A_384 = arith.constant 0 : i32
      %cond3A_385 = arith.cmpi ne, %convert_element_type3A_383, %cond3A_384 : i32
      scf.if %cond3A_385 {
        %dma_wait3A_435 = arith.constant 5 : i32
        %dma_wait3A_436 = arith.constant 0 : i32
        %dma_wait3A_437 = arith.constant 0 : i32
        %dma_wait3A_438 = arith.constant 0 : i32
        %dma_wait3A_439 = tpu.memref_slice %arg10[%dma_wait3A_435, %dma_wait3A_437, %dma_wait3A_438] : memref<8x128x128xbf16, #tpu.memory_space<vmem>> -> memref<1x128x128xbf16, #tpu.memory_space<vmem>>
        %dma_wait3A_440 = tpu.memref_squeeze %dma_wait3A_439 : memref<1x128x128xbf16, #tpu.memory_space<vmem>> -> memref<128x128xbf16, #tpu.memory_space<vmem>>
        %dma_wait3A_441 = arith.constant 0 : i32
        %dma_wait3A_442 = tpu.memref_slice %arg9[%dma_wait3A_436, %dma_wait3A_441] : memref<80x128xi32, #tpu.memory_space<vmem>> -> memref<1x128xi32, #tpu.memory_space<vmem>>
        %dma_wait3A_443 = tpu.memref_squeeze %dma_wait3A_442 : memref<1x128xi32, #tpu.memory_space<vmem>> -> memref<128xi32, #tpu.memory_space<vmem>>
        %dma_wait3A_444 = arith.constant 0 : i32
        %dma_wait3A_445 = arith.constant 0 : i32
        %dma_wait3A_446 = tpu.memref_slice %arg11[%dma_wait3A_444, %dma_wait3A_445] : memref<10016x128xbf16, #tpu.memory_space<vmem_shared>> -> memref<10016x128xbf16, #tpu.memory_space<vmem_shared>>
        tpu.wait_indirect_dma semaphore(%arg18 : memref<!tpu.dma_semaphore, #tpu.memory_space<semaphore_mem>>) src(%dma_wait3A_440 : memref<128x128xbf16, #tpu.memory_space<vmem>>) dst(%dma_wait3A_446 : memref<10016x128xbf16, #tpu.memory_space<vmem_shared>>)
      } else {
      }
      %add3A_386 = arith.constant 8 : i32
      %add3A_387 = arith.addi %add3A_359, %add3A_386 : i32
      %sub3A_388 = arith.constant 1 : i32
      %sub3A_389 = arith.subi %add3A_387, %sub3A_388 : i32
      %lt3A_390 = arith.constant 80 : i32
      %lt3A_391 = arith.cmpi slt, %sub3A_389, %lt3A_390 : i32
      %convert_element_type3A_392 = arith.extui %lt3A_391 : i1 to i32
      %cond3A_393 = arith.constant 0 : i32
      %cond3A_394 = arith.cmpi ne, %convert_element_type3A_392, %cond3A_393 : i32
      scf.if %cond3A_394 {
        %add3A_435 = arith.constant 8 : i32
        %add3A_436 = arith.addi %add3A_359, %add3A_435 : i32
        %sub3A_437 = arith.constant 1 : i32
        %sub3A_438 = arith.subi %add3A_436, %sub3A_437 : i32
        %mul3A_439 = arith.constant 128 : i32
        %mul3A_440 = arith.muli %sub3A_438, %mul3A_439 : i32
        %dma_start3A_441 = arith.constant 5 : i32
        %dma_start3A_442 = arith.constant 0 : i32
        %dma_start3A_443 = arith.constant 0 : i32
        %dma_start3A_444 = tpu.memref_slice %arg10[%dma_start3A_441, %dma_start3A_442, %dma_start3A_443] : memref<8x128x128xbf16, #tpu.memory_space<vmem>> -> memref<1x128x128xbf16, #tpu.memory_space<vmem>>
        %dma_start3A_445 = tpu.memref_squeeze %dma_start3A_444 : memref<1x128x128xbf16, #tpu.memory_space<vmem>> -> memref<128x128xbf16, #tpu.memory_space<vmem>>
        %dma_start3A_446 = tpu.memref_slice %arg8[%mul3A_440] : memref<10240xi32, #tpu.memory_space<vmem>> -> memref<128xi32, #tpu.memory_space<vmem>>
        %dma_start3A_447 = arith.constant 0 : i32
        %dma_start3A_448 = arith.constant 0 : i32
        %dma_start3A_449 = tpu.memref_slice %arg2[%dma_start3A_447, %dma_start3A_448] : memref<20000x128xbf16, #tpu.memory_space<hbm>> -> memref<20000x128xbf16, #tpu.memory_space<hbm>>
        tpu.enqueue_indirect_dma source(%dma_start3A_449 : memref<20000x128xbf16, #tpu.memory_space<hbm>>) target(%dma_start3A_445 : memref<128x128xbf16, #tpu.memory_space<vmem>>) offsets(%dma_start3A_446 : memref<128xi32, #tpu.memory_space<vmem>>) semaphore(%arg12 : memref<!tpu.dma_semaphore, #tpu.memory_space<semaphore_mem>>)
      } else {
      }
      %mul3A_395 = arith.constant 8 : i32
      %mul3A_396 = arith.muli %scan3A_122, %mul3A_395 : i32
      %add3A_397 = arith.constant 7 : i32
      %add3A_398 = arith.addi %mul3A_396, %add3A_397 : i32
      %dma_wait3A_399 = arith.constant 7 : i32
      %dma_wait3A_400 = arith.constant 0 : i32
      %dma_wait3A_401 = arith.constant 0 : i32
      %dma_wait3A_402 = tpu.memref_slice %arg10[%dma_wait3A_399, %dma_wait3A_400, %dma_wait3A_401] : memref<8x128x128xbf16, #tpu.memory_space<vmem>> -> memref<1x128x128xbf16, #tpu.memory_space<vmem>>
      %dma_wait3A_403 = tpu.memref_squeeze %dma_wait3A_402 : memref<1x128x128xbf16, #tpu.memory_space<vmem>> -> memref<128x128xbf16, #tpu.memory_space<vmem>>
      %dma_wait3A_404 = arith.constant 0 : i32
      %dma_wait3A_405 = tpu.memref_slice %arg8[%dma_wait3A_404] : memref<10240xi32, #tpu.memory_space<vmem>> -> memref<128xi32, #tpu.memory_space<vmem>>
      %dma_wait3A_406 = arith.constant 0 : i32
      %dma_wait3A_407 = arith.constant 0 : i32
      %dma_wait3A_408 = tpu.memref_slice %arg2[%dma_wait3A_406, %dma_wait3A_407] : memref<20000x128xbf16, #tpu.memory_space<hbm>> -> memref<20000x128xbf16, #tpu.memory_space<hbm>>
      tpu.wait_indirect_dma semaphore(%arg12 : memref<!tpu.dma_semaphore, #tpu.memory_space<semaphore_mem>>) src(%dma_wait3A_408 : memref<20000x128xbf16, #tpu.memory_space<hbm>>) dst(%dma_wait3A_403 : memref<128x128xbf16, #tpu.memory_space<vmem>>)
      %dma_start3A_409 = arith.constant 7 : i32
      %dma_start3A_410 = arith.constant 0 : i32
      %dma_start3A_411 = arith.constant 0 : i32
      %dma_start3A_412 = tpu.memref_slice %arg10[%dma_start3A_409, %dma_start3A_410, %dma_start3A_411] : memref<8x128x128xbf16, #tpu.memory_space<vmem>> -> memref<1x128x128xbf16, #tpu.memory_space<vmem>>
      %dma_start3A_413 = tpu.memref_squeeze %dma_start3A_412 : memref<1x128x128xbf16, #tpu.memory_space<vmem>> -> memref<128x128xbf16, #tpu.memory_space<vmem>>
      %dma_start3A_414 = arith.constant 0 : i32
      %dma_start3A_415 = tpu.memref_slice %arg9[%add3A_398, %dma_start3A_414] : memref<80x128xi32, #tpu.memory_space<vmem>> -> memref<1x128xi32, #tpu.memory_space<vmem>>
      %dma_start3A_416 = tpu.memref_squeeze %dma_start3A_415 : memref<1x128xi32, #tpu.memory_space<vmem>> -> memref<128xi32, #tpu.memory_space<vmem>>
      %dma_start3A_417 = arith.constant 0 : i32
      %dma_start3A_418 = arith.constant 0 : i32
      %dma_start3A_419 = tpu.memref_slice %arg11[%dma_start3A_417, %dma_start3A_418] : memref<10016x128xbf16, #tpu.memory_space<vmem_shared>> -> memref<10016x128xbf16, #tpu.memory_space<vmem_shared>>
      tpu.enqueue_indirect_dma source(%dma_start3A_413 : memref<128x128xbf16, #tpu.memory_space<vmem>>) target(%dma_start3A_419 : memref<10016x128xbf16, #tpu.memory_space<vmem_shared>>) offsets(%dma_start3A_416 : memref<128xi32, #tpu.memory_space<vmem>>) semaphore(%arg20 : memref<!tpu.dma_semaphore, #tpu.memory_space<semaphore_mem>>) {add = true}
      %gt3A_420 = arith.constant 0 : i32
      %gt3A_421 = arith.cmpi sgt, %add3A_398, %gt3A_420 : i32
      %convert_element_type3A_422 = arith.extui %gt3A_421 : i1 to i32
      %cond3A_423 = arith.constant 0 : i32
      %cond3A_424 = arith.cmpi ne, %convert_element_type3A_422, %cond3A_423 : i32
      scf.if %cond3A_424 {
        %dma_wait3A_435 = arith.constant 6 : i32
        %dma_wait3A_436 = arith.constant 0 : i32
        %dma_wait3A_437 = arith.constant 0 : i32
        %dma_wait3A_438 = arith.constant 0 : i32
        %dma_wait3A_439 = tpu.memref_slice %arg10[%dma_wait3A_435, %dma_wait3A_437, %dma_wait3A_438] : memref<8x128x128xbf16, #tpu.memory_space<vmem>> -> memref<1x128x128xbf16, #tpu.memory_space<vmem>>
        %dma_wait3A_440 = tpu.memref_squeeze %dma_wait3A_439 : memref<1x128x128xbf16, #tpu.memory_space<vmem>> -> memref<128x128xbf16, #tpu.memory_space<vmem>>
        %dma_wait3A_441 = arith.constant 0 : i32
        %dma_wait3A_442 = tpu.memref_slice %arg9[%dma_wait3A_436, %dma_wait3A_441] : memref<80x128xi32, #tpu.memory_space<vmem>> -> memref<1x128xi32, #tpu.memory_space<vmem>>
        %dma_wait3A_443 = tpu.memref_squeeze %dma_wait3A_442 : memref<1x128xi32, #tpu.memory_space<vmem>> -> memref<128xi32, #tpu.memory_space<vmem>>
        %dma_wait3A_444 = arith.constant 0 : i32
        %dma_wait3A_445 = arith.constant 0 : i32
        %dma_wait3A_446 = tpu.memref_slice %arg11[%dma_wait3A_444, %dma_wait3A_445] : memref<10016x128xbf16, #tpu.memory_space<vmem_shared>> -> memref<10016x128xbf16, #tpu.memory_space<vmem_shared>>
        tpu.wait_indirect_dma semaphore(%arg19 : memref<!tpu.dma_semaphore, #tpu.memory_space<semaphore_mem>>) src(%dma_wait3A_440 : memref<128x128xbf16, #tpu.memory_space<vmem>>) dst(%dma_wait3A_446 : memref<10016x128xbf16, #tpu.memory_space<vmem_shared>>)
      } else {
      }
      %add3A_425 = arith.constant 8 : i32
      %add3A_426 = arith.addi %add3A_398, %add3A_425 : i32
      %sub3A_427 = arith.constant 1 : i32
      %sub3A_428 = arith.subi %add3A_426, %sub3A_427 : i32
      %lt3A_429 = arith.constant 80 : i32
      %lt3A_430 = arith.cmpi slt, %sub3A_428, %lt3A_429 : i32
      %convert_element_type3A_431 = arith.extui %lt3A_430 : i1 to i32
      %cond3A_432 = arith.constant 0 : i32
      %cond3A_433 = arith.cmpi ne, %convert_element_type3A_431, %cond3A_432 : i32
      scf.if %cond3A_433 {
        %add3A_435 = arith.constant 8 : i32
        %add3A_436 = arith.addi %add3A_398, %add3A_435 : i32
        %sub3A_437 = arith.constant 1 : i32
        %sub3A_438 = arith.subi %add3A_436, %sub3A_437 : i32
        %mul3A_439 = arith.constant 128 : i32
        %mul3A_440 = arith.muli %sub3A_438, %mul3A_439 : i32
        %dma_start3A_441 = arith.constant 6 : i32
        %dma_start3A_442 = arith.constant 0 : i32
        %dma_start3A_443 = arith.constant 0 : i32
        %dma_start3A_444 = tpu.memref_slice %arg10[%dma_start3A_441, %dma_start3A_442, %dma_start3A_443] : memref<8x128x128xbf16, #tpu.memory_space<vmem>> -> memref<1x128x128xbf16, #tpu.memory_space<vmem>>
        %dma_start3A_445 = tpu.memref_squeeze %dma_start3A_444 : memref<1x128x128xbf16, #tpu.memory_space<vmem>> -> memref<128x128xbf16, #tpu.memory_space<vmem>>
        %dma_start3A_446 = tpu.memref_slice %arg8[%mul3A_440] : memref<10240xi32, #tpu.memory_space<vmem>> -> memref<128xi32, #tpu.memory_space<vmem>>
        %dma_start3A_447 = arith.constant 0 : i32
        %dma_start3A_448 = arith.constant 0 : i32
        %dma_start3A_449 = tpu.memref_slice %arg2[%dma_start3A_447, %dma_start3A_448] : memref<20000x128xbf16, #tpu.memory_space<hbm>> -> memref<20000x128xbf16, #tpu.memory_space<hbm>>
        tpu.enqueue_indirect_dma source(%dma_start3A_449 : memref<20000x128xbf16, #tpu.memory_space<hbm>>) target(%dma_start3A_445 : memref<128x128xbf16, #tpu.memory_space<vmem>>) offsets(%dma_start3A_446 : memref<128xi32, #tpu.memory_space<vmem>>) semaphore(%arg12 : memref<!tpu.dma_semaphore, #tpu.memory_space<semaphore_mem>>)
      } else {
      }
      %scan3A_434 = arith.constant 0 : i32
      scf.yield %scan3A_434 : i32
    }
    %scan3A_94 = arith.constant 10 : i32
    %dma_wait3A = arith.constant 7 : i32
    %dma_wait3A_95 = arith.constant 0 : i32
    %dma_wait3A_96 = arith.constant 0 : i32
    %dma_wait3A_97 = arith.constant 0 : i32
    %dma_wait3A_98 = tpu.memref_slice %arg10[%dma_wait3A, %dma_wait3A_96, %dma_wait3A_97] : memref<8x128x128xbf16, #tpu.memory_space<vmem>> -> memref<1x128x128xbf16, #tpu.memory_space<vmem>>
    %dma_wait3A_99 = tpu.memref_squeeze %dma_wait3A_98 : memref<1x128x128xbf16, #tpu.memory_space<vmem>> -> memref<128x128xbf16, #tpu.memory_space<vmem>>
    %dma_wait3A_100 = arith.constant 0 : i32
    %dma_wait3A_101 = tpu.memref_slice %arg9[%dma_wait3A_95, %dma_wait3A_100] : memref<80x128xi32, #tpu.memory_space<vmem>> -> memref<1x128xi32, #tpu.memory_space<vmem>>
    %dma_wait3A_102 = tpu.memref_squeeze %dma_wait3A_101 : memref<1x128xi32, #tpu.memory_space<vmem>> -> memref<128xi32, #tpu.memory_space<vmem>>
    %dma_wait3A_103 = arith.constant 0 : i32
    %dma_wait3A_104 = arith.constant 0 : i32
    %dma_wait3A_105 = tpu.memref_slice %arg11[%dma_wait3A_103, %dma_wait3A_104] : memref<10016x128xbf16, #tpu.memory_space<vmem_shared>> -> memref<10016x128xbf16, #tpu.memory_space<vmem_shared>>
    tpu.wait_indirect_dma semaphore(%arg20 : memref<!tpu.dma_semaphore, #tpu.memory_space<semaphore_mem>>) src(%dma_wait3A_99 : memref<128x128xbf16, #tpu.memory_space<vmem>>) dst(%dma_wait3A_105 : memref<10016x128xbf16, #tpu.memory_space<vmem_shared>>)
    %barrier3A_106 = arith.constant 0 : index
    tpu.barrier barrier_id(%barrier3A_106)
    %mul3A_107 = arith.constant 1 : i32
    %mul3A_108 = arith.muli %arg0, %mul3A_107 : i32
    %add3A = arith.constant 0 : i32
    %add3A_109 = arith.addi %mul3A_108, %add3A : i32
    %mul3A_110 = arith.constant 10000 : i32
    %mul3A_111 = arith.muli %add3A_109, %mul3A_110 : i32
    %lt3A_112 = arith.constant 15 : i32
    %lt3A_113 = arith.cmpi slt, %arg1, %lt3A_112 : i32
    %convert_element_type3A_114 = arith.extui %lt3A_113 : i1 to i32
    %cond3A_115 = arith.constant 0 : i32
    %cond3A_116 = arith.cmpi ne, %convert_element_type3A_114, %cond3A_115 : i32
    scf.if %cond3A_116 {
      %mul3A_122 = arith.constant 624 : i32
      %mul3A_123 = arith.muli %arg1, %mul3A_122 : i32
      %mul3A_124 = arith.constant 624 : i32
      %mul3A_125 = arith.muli %arg1, %mul3A_124 : i32
      %add3A_126 = arith.addi %mul3A_111, %mul3A_125 : i32
      "tpu.region"() ({
        %run_scoped3A = tpu.sem_alloc : memref<!tpu.dma_semaphore, #tpu.memory_space<semaphore_mem>>
        %dma_start3A_127 = arith.constant 0 : i32
        %dma_start3A_128 = tpu.memref_slice %arg7[%add3A_126, %dma_start3A_127] : memref<20000x128xbf16, #tpu.memory_space<hbm>> -> memref<624x128xbf16, #tpu.memory_space<hbm>>
        %dma_start3A_129 = arith.constant 0 : i32
        %dma_start3A_130 = tpu.memref_slice %arg11[%mul3A_123, %dma_start3A_129] : memref<10016x128xbf16, #tpu.memory_space<vmem_shared>> -> memref<624x128xbf16, #tpu.memory_space<vmem_shared>>
        tpu.enqueue_dma source(%dma_start3A_130 : memref<624x128xbf16, #tpu.memory_space<vmem_shared>>) target(%dma_start3A_128 : memref<624x128xbf16, #tpu.memory_space<hbm>>) target_semaphore(%run_scoped3A : memref<!tpu.dma_semaphore, #tpu.memory_space<semaphore_mem>>)
        %dma_wait3A_131 = arith.constant 0 : i32
        %dma_wait3A_132 = tpu.memref_slice %arg7[%add3A_126, %dma_wait3A_131] : memref<20000x128xbf16, #tpu.memory_space<hbm>> -> memref<624x128xbf16, #tpu.memory_space<hbm>>
        %dma_wait3A_133 = arith.constant 0 : i32
        %dma_wait3A_134 = tpu.memref_slice %arg11[%mul3A_123, %dma_wait3A_133] : memref<10016x128xbf16, #tpu.memory_space<vmem_shared>> -> memref<624x128xbf16, #tpu.memory_space<vmem_shared>>
        tpu.wait_dma2 semaphore(%run_scoped3A : memref<!tpu.dma_semaphore, #tpu.memory_space<semaphore_mem>>) src(%dma_wait3A_134 : memref<624x128xbf16, #tpu.memory_space<vmem_shared>>) dst(%dma_wait3A_132 : memref<624x128xbf16, #tpu.memory_space<hbm>>)
        tpu.yield
      }) : () -> ()
    } else {
    }
    %eq3A_117 = arith.constant 15 : i32
    %eq3A_118 = arith.cmpi eq, %arg1, %eq3A_117 : i32
    %convert_element_type3A_119 = arith.extui %eq3A_118 : i1 to i32
    %cond3A_120 = arith.constant 0 : i32
    %cond3A_121 = arith.cmpi ne, %convert_element_type3A_119, %cond3A_120 : i32
    scf.if %cond3A_121 {
      %add3A_122 = arith.constant 9360 : i32
      %add3A_123 = arith.addi %mul3A_111, %add3A_122 : i32
      "tpu.region"() ({
        %run_scoped3A = tpu.sem_alloc : memref<!tpu.dma_semaphore, #tpu.memory_space<semaphore_mem>>
        %dma_start3A_124 = arith.constant 0 : i32
        %dma_start3A_125 = tpu.memref_slice %arg7[%add3A_123, %dma_start3A_124] : memref<20000x128xbf16, #tpu.memory_space<hbm>> -> memref<640x128xbf16, #tpu.memory_space<hbm>>
        %dma_start3A_126 = arith.constant 9360 : i32
        %dma_start3A_127 = arith.constant 0 : i32
        %dma_start3A_128 = tpu.memref_slice %arg11[%dma_start3A_126, %dma_start3A_127] : memref<10016x128xbf16, #tpu.memory_space<vmem_shared>> -> memref<640x128xbf16, #tpu.memory_space<vmem_shared>>
        tpu.enqueue_dma source(%dma_start3A_128 : memref<640x128xbf16, #tpu.memory_space<vmem_shared>>) target(%dma_start3A_125 : memref<640x128xbf16, #tpu.memory_space<hbm>>) target_semaphore(%run_scoped3A : memref<!tpu.dma_semaphore, #tpu.memory_space<semaphore_mem>>)
        %dma_wait3A_129 = arith.constant 0 : i32
        %dma_wait3A_130 = tpu.memref_slice %arg7[%add3A_123, %dma_wait3A_129] : memref<20000x128xbf16, #tpu.memory_space<hbm>> -> memref<640x128xbf16, #tpu.memory_space<hbm>>
        %dma_wait3A_131 = arith.constant 9360 : i32
        %dma_wait3A_132 = arith.constant 0 : i32
        %dma_wait3A_133 = tpu.memref_slice %arg11[%dma_wait3A_131, %dma_wait3A_132] : memref<10016x128xbf16, #tpu.memory_space<vmem_shared>> -> memref<640x128xbf16, #tpu.memory_space<vmem_shared>>
        tpu.wait_dma2 semaphore(%run_scoped3A : memref<!tpu.dma_semaphore, #tpu.memory_space<semaphore_mem>>) src(%dma_wait3A_133 : memref<640x128xbf16, #tpu.memory_space<vmem_shared>>) dst(%dma_wait3A_130 : memref<640x128xbf16, #tpu.memory_space<hbm>>)
        tpu.yield
      }) : () -> ()
    } else {
    }
    return
  }
}

#map = affine_map<(d0, d1) -> (0, 0)>
#map1 = affine_map<(d0, d1) -> (0)>
module attributes {stable_mosaic.version = 14 : i64} {
  func.func @segsum(%arg0: i32, %arg1: i32, %arg2: memref<20000x128xbf16, #tpu.memory_space<hbm>>, %arg3: memref<163840xi32, #tpu.memory_space<hbm>>, %arg4: memref<1280x128xi32, #tpu.memory_space<hbm>>, %arg5: memref<656x128xbf16, #tpu.memory_space<hbm>>, %arg6: memref<128x128xbf16, #tpu.memory_space<hbm>>, %arg7: memref<30000x128xbf16, #tpu.memory_space<hbm>>, %arg8: memref<10240xi32, #tpu.memory_space<vmem>>, %arg9: memref<80x128xi32, #tpu.memory_space<vmem>>, %arg10: memref<8x128x128xbf16, #tpu.memory_space<vmem>>, %arg11: memref<10016x128xbf16, #tpu.memory_space<vmem_shared>>, %arg12: memref<!tpu.dma_semaphore, #tpu.memory_space<semaphore_mem>>, %arg13: memref<!tpu.dma_semaphore, #tpu.memory_space<semaphore_mem>>, %arg14: memref<!tpu.dma_semaphore, #tpu.memory_space<semaphore_mem>>, %arg15: memref<!tpu.dma_semaphore, #tpu.memory_space<semaphore_mem>>, %arg16: memref<!tpu.dma_semaphore, #tpu.memory_space<semaphore_mem>>, %arg17: memref<!tpu.dma_semaphore, #tpu.memory_space<semaphore_mem>>, %arg18: memref<!tpu.dma_semaphore, #tpu.memory_space<semaphore_mem>>, %arg19: memref<!tpu.dma_semaphore, #tpu.memory_space<semaphore_mem>>, %arg20: memref<!tpu.dma_semaphore, #tpu.memory_space<semaphore_mem>>) attributes {dimension_semantics = [#tpu.dimension_semantics<core_parallel>, #tpu.dimension_semantics<subcore_parallel>], iteration_bounds = array<i64: 2, 16>, scalar_prefetch = 0 : i64, scratch_operands = 13 : i64, tpu.core_type = #tpu.core_type<sc_vector_subcore>, window_params = [{transform_indices = #map}, {transform_indices = #map1}, {transform_indices = #map}, {transform_indices = #map}, {transform_indices = #map}, {transform_indices = #map}]} {
    %mul3A = arith.constant 80 : i32
    %mul3A_0 = arith.muli %arg1, %mul3A : i32
    %mul3A_1 = arith.constant 128 : i32
    %mul3A_2 = arith.muli %mul3A_0, %mul3A_1 : i32
    "tpu.region"() ({
      %run_scoped3A_147 = tpu.sem_alloc : memref<!tpu.dma_semaphore, #tpu.memory_space<semaphore_mem>>
      %dma_start3A_148 = tpu.memref_slice %arg3[%mul3A_2] : memref<163840xi32, #tpu.memory_space<hbm>> -> memref<10240xi32, #tpu.memory_space<hbm>>
      %dma_start3A_149 = tpu.memref_slice %arg3[%mul3A_2] : memref<163840xi32, #tpu.memory_space<hbm>> -> memref<10240xi32, #tpu.memory_space<hbm>>
      tpu.enqueue_dma source(%dma_start3A_149 : memref<10240xi32, #tpu.memory_space<hbm>>) target(%arg8 : memref<10240xi32, #tpu.memory_space<vmem>>) target_semaphore(%run_scoped3A_147 : memref<!tpu.dma_semaphore, #tpu.memory_space<semaphore_mem>>)
      %dma_wait3A_150 = tpu.memref_slice %arg3[%mul3A_2] : memref<163840xi32, #tpu.memory_space<hbm>> -> memref<10240xi32, #tpu.memory_space<hbm>>
      %dma_wait3A_151 = tpu.memref_slice %arg3[%mul3A_2] : memref<163840xi32, #tpu.memory_space<hbm>> -> memref<10240xi32, #tpu.memory_space<hbm>>
      tpu.wait_dma2 semaphore(%run_scoped3A_147 : memref<!tpu.dma_semaphore, #tpu.memory_space<semaphore_mem>>) src(%dma_wait3A_151 : memref<10240xi32, #tpu.memory_space<hbm>>) dst(%arg8 : memref<10240xi32, #tpu.memory_space<vmem>>)
      tpu.yield
    }) : () -> ()
    %mul3A_3 = arith.constant 80 : i32
    %mul3A_4 = arith.muli %arg1, %mul3A_3 : i32
    "tpu.region"() ({
      %run_scoped3A_147 = tpu.sem_alloc : memref<!tpu.dma_semaphore, #tpu.memory_space<semaphore_mem>>
      %dma_start3A_148 = arith.constant 0 : i32
      %dma_start3A_149 = tpu.memref_slice %arg4[%mul3A_4, %dma_start3A_148] : memref<1280x128xi32, #tpu.memory_space<hbm>> -> memref<80x128xi32, #tpu.memory_space<hbm>>
      %dma_start3A_150 = arith.constant 0 : i32
      %dma_start3A_151 = tpu.memref_slice %arg4[%mul3A_4, %dma_start3A_150] : memref<1280x128xi32, #tpu.memory_space<hbm>> -> memref<80x128xi32, #tpu.memory_space<hbm>>
      tpu.enqueue_dma source(%dma_start3A_151 : memref<80x128xi32, #tpu.memory_space<hbm>>) target(%arg9 : memref<80x128xi32, #tpu.memory_space<vmem>>) target_semaphore(%run_scoped3A_147 : memref<!tpu.dma_semaphore, #tpu.memory_space<semaphore_mem>>)
      %dma_wait3A_152 = arith.constant 0 : i32
      %dma_wait3A_153 = tpu.memref_slice %arg4[%mul3A_4, %dma_wait3A_152] : memref<1280x128xi32, #tpu.memory_space<hbm>> -> memref<80x128xi32, #tpu.memory_space<hbm>>
      %dma_wait3A_154 = arith.constant 0 : i32
      %dma_wait3A_155 = tpu.memref_slice %arg4[%mul3A_4, %dma_wait3A_154] : memref<1280x128xi32, #tpu.memory_space<hbm>> -> memref<80x128xi32, #tpu.memory_space<hbm>>
      tpu.wait_dma2 semaphore(%run_scoped3A_147 : memref<!tpu.dma_semaphore, #tpu.memory_space<semaphore_mem>>) src(%dma_wait3A_155 : memref<80x128xi32, #tpu.memory_space<hbm>>) dst(%arg9 : memref<80x128xi32, #tpu.memory_space<vmem>>)
      tpu.yield
    }) : () -> ()
    %mul3A_5 = arith.constant 10000 : i32
    %mul3A_6 = arith.muli %arg0, %mul3A_5 : i32
    %scan3A = arith.constant 0 : i32
    %scan3A_7 = arith.constant 0 : i32
    %scan3A_8 = arith.constant 640 : i32
    %scan3A_9 = arith.addi %scan3A_7, %scan3A_8 : i32
    %scan3A_10 = arith.constant 1 : i32
    %scan3A_11 = scf.for %scan3A_147 = %scan3A_7 to %scan3A_9 step %scan3A_10 iter_args(%scan3A_148 = %scan3A) -> (i32)  : i32 {
      %mul3A_149 = arith.constant 16 : i32
      %mul3A_150 = arith.muli %scan3A_147, %mul3A_149 : i32
      %get3A = arith.index_cast %mul3A_150 : i32 to index
      %get3A_151 = tpu.vector_load %arg8[%get3A] {strides = array<i32>} : memref<10240xi32, #tpu.memory_space<vmem>>, vector<16xi32>,
      %get3A_152 = vector.shape_cast %get3A_151 : vector<16xi32> to vector<16xi32>
      %add3A_153 = vector.broadcast %mul3A_6 : i32 to vector<16xi32>
      %add3A_154 = arith.addi %get3A_152, %add3A_153 : vector<16xi32>
      %mul3A_155 = arith.constant 16 : i32
      %mul3A_156 = arith.muli %scan3A_147, %mul3A_155 : i32
      %swap3A = arith.index_cast %mul3A_156 : i32 to index
      %swap3A_157 = tpu.vector_load %arg8[%swap3A] {strides = array<i32>} : memref<10240xi32, #tpu.memory_space<vmem>>, vector<16xi32>,
      %swap3A_158 = vector.shape_cast %swap3A_157 : vector<16xi32> to vector<16xi32>
      %swap3A_159 = vector.shape_cast %add3A_154 : vector<16xi32> to vector<16xi32>
      tpu.vector_store %arg8[%swap3A], %swap3A_159 {strides = array<i32>} : memref<10240xi32, #tpu.memory_space<vmem>>, vector<16xi32>,
      %scan3A_160 = arith.constant 0 : i32
      scf.yield %scan3A_160 : i32
    }
    %scan3A_12 = arith.constant 640 : i32
    %lt3A = arith.constant 15 : i32
    %lt3A_13 = arith.cmpi slt, %arg1, %lt3A : i32
    %convert_element_type3A = arith.extui %lt3A_13 : i1 to i32
    %cond3A = arith.constant 0 : i32
    %cond3A_14 = arith.cmpi ne, %convert_element_type3A, %cond3A : i32
    scf.if %cond3A_14 {
      %mul3A_147 = arith.constant 624 : i32
      %mul3A_148 = arith.muli %arg1, %mul3A_147 : i32
      "tpu.region"() ({
        %run_scoped3A_149 = tpu.sem_alloc : memref<!tpu.dma_semaphore, #tpu.memory_space<semaphore_mem>>
        %dma_start3A_150 = arith.constant 0 : i32
        %dma_start3A_151 = tpu.memref_slice %arg11[%mul3A_148, %dma_start3A_150] : memref<10016x128xbf16, #tpu.memory_space<vmem_shared>> -> memref<624x128xbf16, #tpu.memory_space<vmem_shared>>
        %dma_start3A_152 = arith.constant 0 : i32
        %dma_start3A_153 = arith.constant 0 : i32
        %dma_start3A_154 = tpu.memref_slice %arg5[%dma_start3A_152, %dma_start3A_153] : memref<656x128xbf16, #tpu.memory_space<hbm>> -> memref<624x128xbf16, #tpu.memory_space<hbm>>
        tpu.enqueue_dma source(%dma_start3A_154 : memref<624x128xbf16, #tpu.memory_space<hbm>>) target(%dma_start3A_151 : memref<624x128xbf16, #tpu.memory_space<vmem_shared>>) target_semaphore(%run_scoped3A_149 : memref<!tpu.dma_semaphore, #tpu.memory_space<semaphore_mem>>)
        %dma_wait3A_155 = arith.constant 0 : i32
        %dma_wait3A_156 = tpu.memref_slice %arg11[%mul3A_148, %dma_wait3A_155] : memref<10016x128xbf16, #tpu.memory_space<vmem_shared>> -> memref<624x128xbf16, #tpu.memory_space<vmem_shared>>
        %dma_wait3A_157 = arith.constant 0 : i32
        %dma_wait3A_158 = arith.constant 0 : i32
        %dma_wait3A_159 = tpu.memref_slice %arg5[%dma_wait3A_157, %dma_wait3A_158] : memref<656x128xbf16, #tpu.memory_space<hbm>> -> memref<624x128xbf16, #tpu.memory_space<hbm>>
        tpu.wait_dma2 semaphore(%run_scoped3A_149 : memref<!tpu.dma_semaphore, #tpu.memory_space<semaphore_mem>>) src(%dma_wait3A_159 : memref<624x128xbf16, #tpu.memory_space<hbm>>) dst(%dma_wait3A_156 : memref<624x128xbf16, #tpu.memory_space<vmem_shared>>)
        tpu.yield
      }) : () -> ()
    } else {
    }
    %eq3A = arith.constant 15 : i32
    %eq3A_15 = arith.cmpi eq, %arg1, %eq3A : i32
    %convert_element_type3A_16 = arith.extui %eq3A_15 : i1 to i32
    %cond3A_17 = arith.constant 0 : i32
    %cond3A_18 = arith.cmpi ne, %convert_element_type3A_16, %cond3A_17 : i32
    scf.if %cond3A_18 {
      "tpu.region"() ({
        %run_scoped3A_147 = tpu.sem_alloc : memref<!tpu.dma_semaphore, #tpu.memory_space<semaphore_mem>>
        %dma_start3A_148 = arith.constant 9360 : i32
        %dma_start3A_149 = arith.constant 0 : i32
        %dma_start3A_150 = tpu.memref_slice %arg11[%dma_start3A_148, %dma_start3A_149] : memref<10016x128xbf16, #tpu.memory_space<vmem_shared>> -> memref<656x128xbf16, #tpu.memory_space<vmem_shared>>
        tpu.enqueue_dma source(%arg5 : memref<656x128xbf16, #tpu.memory_space<hbm>>) target(%dma_start3A_150 : memref<656x128xbf16, #tpu.memory_space<vmem_shared>>) target_semaphore(%run_scoped3A_147 : memref<!tpu.dma_semaphore, #tpu.memory_space<semaphore_mem>>)
        %dma_wait3A_151 = arith.constant 9360 : i32
        %dma_wait3A_152 = arith.constant 0 : i32
        %dma_wait3A_153 = tpu.memref_slice %arg11[%dma_wait3A_151, %dma_wait3A_152] : memref<10016x128xbf16, #tpu.memory_space<vmem_shared>> -> memref<656x128xbf16, #tpu.memory_space<vmem_shared>>
        tpu.wait_dma2 semaphore(%run_scoped3A_147 : memref<!tpu.dma_semaphore, #tpu.memory_space<semaphore_mem>>) src(%arg5 : memref<656x128xbf16, #tpu.memory_space<hbm>>) dst(%dma_wait3A_153 : memref<656x128xbf16, #tpu.memory_space<vmem_shared>>)
        tpu.yield
      }) : () -> ()
    } else {
    }
    %barrier3A = arith.constant 0 : index
    tpu.barrier barrier_id(%barrier3A)
    %dma_start3A = arith.constant 0 : i32
    %dma_start3A_19 = arith.constant 0 : i32
    %dma_start3A_20 = arith.constant 0 : i32
    %dma_start3A_21 = tpu.memref_slice %arg10[%dma_start3A, %dma_start3A_19, %dma_start3A_20] : memref<8x128x128xbf16, #tpu.memory_space<vmem>> -> memref<1x128x128xbf16, #tpu.memory_space<vmem>>
    %dma_start3A_22 = tpu.memref_squeeze %dma_start3A_21 : memref<1x128x128xbf16, #tpu.memory_space<vmem>> -> memref<128x128xbf16, #tpu.memory_space<vmem>>
    %dma_start3A_23 = arith.constant 0 : i32
    %dma_start3A_24 = tpu.memref_slice %arg8[%dma_start3A_23] : memref<10240xi32, #tpu.memory_space<vmem>> -> memref<128xi32, #tpu.memory_space<vmem>>
    %dma_start3A_25 = arith.constant 0 : i32
    %dma_start3A_26 = arith.constant 0 : i32
    %dma_start3A_27 = tpu.memref_slice %arg2[%dma_start3A_25, %dma_start3A_26] : memref<20000x128xbf16, #tpu.memory_space<hbm>> -> memref<20000x128xbf16, #tpu.memory_space<hbm>>
    tpu.enqueue_indirect_dma source(%dma_start3A_27 : memref<20000x128xbf16, #tpu.memory_space<hbm>>) target(%dma_start3A_22 : memref<128x128xbf16, #tpu.memory_space<vmem>>) offsets(%dma_start3A_24 : memref<128xi32, #tpu.memory_space<vmem>>) semaphore(%arg12 : memref<!tpu.dma_semaphore, #tpu.memory_space<semaphore_mem>>)
    %dma_start3A_28 = arith.constant 1 : i32
    %dma_start3A_29 = arith.constant 0 : i32
    %dma_start3A_30 = arith.constant 0 : i32
    %dma_start3A_31 = tpu.memref_slice %arg10[%dma_start3A_28, %dma_start3A_29, %dma_start3A_30] : memref<8x128x128xbf16, #tpu.memory_space<vmem>> -> memref<1x128x128xbf16, #tpu.memory_space<vmem>>
    %dma_start3A_32 = tpu.memref_squeeze %dma_start3A_31 : memref<1x128x128xbf16, #tpu.memory_space<vmem>> -> memref<128x128xbf16, #tpu.memory_space<vmem>>
    %dma_start3A_33 = arith.constant 128 : i32
    %dma_start3A_34 = tpu.memref_slice %arg8[%dma_start3A_33] : memref<10240xi32, #tpu.memory_space<vmem>> -> memref<128xi32, #tpu.memory_space<vmem>>
    %dma_start3A_35 = arith.constant 0 : i32
    %dma_start3A_36 = arith.constant 0 : i32
    %dma_start3A_37 = tpu.memref_slice %arg2[%dma_start3A_35, %dma_start3A_36] : memref<20000x128xbf16, #tpu.memory_space<hbm>> -> memref<20000x128xbf16, #tpu.memory_space<hbm>>
    tpu.enqueue_indirect_dma source(%dma_start3A_37 : memref<20000x128xbf16, #tpu.memory_space<hbm>>) target(%dma_start3A_32 : memref<128x128xbf16, #tpu.memory_space<vmem>>) offsets(%dma_start3A_34 : memref<128xi32, #tpu.memory_space<vmem>>) semaphore(%arg12 : memref<!tpu.dma_semaphore, #tpu.memory_space<semaphore_mem>>)
    %dma_start3A_38 = arith.constant 2 : i32
    %dma_start3A_39 = arith.constant 0 : i32
    %dma_start3A_40 = arith.constant 0 : i32
    %dma_start3A_41 = tpu.memref_slice %arg10[%dma_start3A_38, %dma_start3A_39, %dma_start3A_40] : memref<8x128x128xbf16, #tpu.memory_space<vmem>> -> memref<1x128x128xbf16, #tpu.memory_space<vmem>>
    %dma_start3A_42 = tpu.memref_squeeze %dma_start3A_41 : memref<1x128x128xbf16, #tpu.memory_space<vmem>> -> memref<128x128xbf16, #tpu.memory_space<vmem>>
    %dma_start3A_43 = arith.constant 256 : i32
    %dma_start3A_44 = tpu.memref_slice %arg8[%dma_start3A_43] : memref<10240xi32, #tpu.memory_space<vmem>> -> memref<128xi32, #tpu.memory_space<vmem>>
    %dma_start3A_45 = arith.constant 0 : i32
    %dma_start3A_46 = arith.constant 0 : i32
    %dma_start3A_47 = tpu.memref_slice %arg2[%dma_start3A_45, %dma_start3A_46] : memref<20000x128xbf16, #tpu.memory_space<hbm>> -> memref<20000x128xbf16, #tpu.memory_space<hbm>>
    tpu.enqueue_indirect_dma source(%dma_start3A_47 : memref<20000x128xbf16, #tpu.memory_space<hbm>>) target(%dma_start3A_42 : memref<128x128xbf16, #tpu.memory_space<vmem>>) offsets(%dma_start3A_44 : memref<128xi32, #tpu.memory_space<vmem>>) semaphore(%arg12 : memref<!tpu.dma_semaphore, #tpu.memory_space<semaphore_mem>>)
    %dma_start3A_48 = arith.constant 3 : i32
    %dma_start3A_49 = arith.constant 0 : i32
    %dma_start3A_50 = arith.constant 0 : i32
    %dma_start3A_51 = tpu.memref_slice %arg10[%dma_start3A_48, %dma_start3A_49, %dma_start3A_50] : memref<8x128x128xbf16, #tpu.memory_space<vmem>> -> memref<1x128x128xbf16, #tpu.memory_space<vmem>>
    %dma_start3A_52 = tpu.memref_squeeze %dma_start3A_51 : memref<1x128x128xbf16, #tpu.memory_space<vmem>> -> memref<128x128xbf16, #tpu.memory_space<vmem>>
    %dma_start3A_53 = arith.constant 384 : i32
    %dma_start3A_54 = tpu.memref_slice %arg8[%dma_start3A_53] : memref<10240xi32, #tpu.memory_space<vmem>> -> memref<128xi32, #tpu.memory_space<vmem>>
    %dma_start3A_55 = arith.constant 0 : i32
    %dma_start3A_56 = arith.constant 0 : i32
    %dma_start3A_57 = tpu.memref_slice %arg2[%dma_start3A_55, %dma_start3A_56] : memref<20000x128xbf16, #tpu.memory_space<hbm>> -> memref<20000x128xbf16, #tpu.memory_space<hbm>>
    tpu.enqueue_indirect_dma source(%dma_start3A_57 : memref<20000x128xbf16, #tpu.memory_space<hbm>>) target(%dma_start3A_52 : memref<128x128xbf16, #tpu.memory_space<vmem>>) offsets(%dma_start3A_54 : memref<128xi32, #tpu.memory_space<vmem>>) semaphore(%arg12 : memref<!tpu.dma_semaphore, #tpu.memory_space<semaphore_mem>>)
    %dma_start3A_58 = arith.constant 4 : i32
    %dma_start3A_59 = arith.constant 0 : i32
    %dma_start3A_60 = arith.constant 0 : i32
    %dma_start3A_61 = tpu.memref_slice %arg10[%dma_start3A_58, %dma_start3A_59, %dma_start3A_60] : memref<8x128x128xbf16, #tpu.memory_space<vmem>> -> memref<1x128x128xbf16, #tpu.memory_space<vmem>>
    %dma_start3A_62 = tpu.memref_squeeze %dma_start3A_61 : memref<1x128x128xbf16, #tpu.memory_space<vmem>> -> memref<128x128xbf16, #tpu.memory_space<vmem>>
    %dma_start3A_63 = arith.constant 512 : i32
    %dma_start3A_64 = tpu.memref_slice %arg8[%dma_start3A_63] : memref<10240xi32, #tpu.memory_space<vmem>> -> memref<128xi32, #tpu.memory_space<vmem>>
    %dma_start3A_65 = arith.constant 0 : i32
    %dma_start3A_66 = arith.constant 0 : i32
    %dma_start3A_67 = tpu.memref_slice %arg2[%dma_start3A_65, %dma_start3A_66] : memref<20000x128xbf16, #tpu.memory_space<hbm>> -> memref<20000x128xbf16, #tpu.memory_space<hbm>>
    tpu.enqueue_indirect_dma source(%dma_start3A_67 : memref<20000x128xbf16, #tpu.memory_space<hbm>>) target(%dma_start3A_62 : memref<128x128xbf16, #tpu.memory_space<vmem>>) offsets(%dma_start3A_64 : memref<128xi32, #tpu.memory_space<vmem>>) semaphore(%arg12 : memref<!tpu.dma_semaphore, #tpu.memory_space<semaphore_mem>>)
    %dma_start3A_68 = arith.constant 5 : i32
    %dma_start3A_69 = arith.constant 0 : i32
    %dma_start3A_70 = arith.constant 0 : i32
    %dma_start3A_71 = tpu.memref_slice %arg10[%dma_start3A_68, %dma_start3A_69, %dma_start3A_70] : memref<8x128x128xbf16, #tpu.memory_space<vmem>> -> memref<1x128x128xbf16, #tpu.memory_space<vmem>>
    %dma_start3A_72 = tpu.memref_squeeze %dma_start3A_71 : memref<1x128x128xbf16, #tpu.memory_space<vmem>> -> memref<128x128xbf16, #tpu.memory_space<vmem>>
    %dma_start3A_73 = arith.constant 640 : i32
    %dma_start3A_74 = tpu.memref_slice %arg8[%dma_start3A_73] : memref<10240xi32, #tpu.memory_space<vmem>> -> memref<128xi32, #tpu.memory_space<vmem>>
    %dma_start3A_75 = arith.constant 0 : i32
    %dma_start3A_76 = arith.constant 0 : i32
    %dma_start3A_77 = tpu.memref_slice %arg2[%dma_start3A_75, %dma_start3A_76] : memref<20000x128xbf16, #tpu.memory_space<hbm>> -> memref<20000x128xbf16, #tpu.memory_space<hbm>>
    tpu.enqueue_indirect_dma source(%dma_start3A_77 : memref<20000x128xbf16, #tpu.memory_space<hbm>>) target(%dma_start3A_72 : memref<128x128xbf16, #tpu.memory_space<vmem>>) offsets(%dma_start3A_74 : memref<128xi32, #tpu.memory_space<vmem>>) semaphore(%arg12 : memref<!tpu.dma_semaphore, #tpu.memory_space<semaphore_mem>>)
    %dma_start3A_78 = arith.constant 6 : i32
    %dma_start3A_79 = arith.constant 0 : i32
    %dma_start3A_80 = arith.constant 0 : i32
    %dma_start3A_81 = tpu.memref_slice %arg10[%dma_start3A_78, %dma_start3A_79, %dma_start3A_80] : memref<8x128x128xbf16, #tpu.memory_space<vmem>> -> memref<1x128x128xbf16, #tpu.memory_space<vmem>>
    %dma_start3A_82 = tpu.memref_squeeze %dma_start3A_81 : memref<1x128x128xbf16, #tpu.memory_space<vmem>> -> memref<128x128xbf16, #tpu.memory_space<vmem>>
    %dma_start3A_83 = arith.constant 768 : i32
    %dma_start3A_84 = tpu.memref_slice %arg8[%dma_start3A_83] : memref<10240xi32, #tpu.memory_space<vmem>> -> memref<128xi32, #tpu.memory_space<vmem>>
    %dma_start3A_85 = arith.constant 0 : i32
    %dma_start3A_86 = arith.constant 0 : i32
    %dma_start3A_87 = tpu.memref_slice %arg2[%dma_start3A_85, %dma_start3A_86] : memref<20000x128xbf16, #tpu.memory_space<hbm>> -> memref<20000x128xbf16, #tpu.memory_space<hbm>>
    tpu.enqueue_indirect_dma source(%dma_start3A_87 : memref<20000x128xbf16, #tpu.memory_space<hbm>>) target(%dma_start3A_82 : memref<128x128xbf16, #tpu.memory_space<vmem>>) offsets(%dma_start3A_84 : memref<128xi32, #tpu.memory_space<vmem>>) semaphore(%arg12 : memref<!tpu.dma_semaphore, #tpu.memory_space<semaphore_mem>>)
    %scan3A_88 = arith.constant 0 : i32
    %scan3A_89 = arith.constant 0 : i32
    %scan3A_90 = arith.constant 10 : i32
    %scan3A_91 = arith.addi %scan3A_89, %scan3A_90 : i32
    %scan3A_92 = arith.constant 1 : i32
    %scan3A_93 = scf.for %scan3A_147 = %scan3A_89 to %scan3A_91 step %scan3A_92 iter_args(%scan3A_148 = %scan3A_88) -> (i32)  : i32 {
      %mul3A_149 = arith.constant 8 : i32
      %mul3A_150 = arith.muli %scan3A_147, %mul3A_149 : i32
      %add3A_151 = arith.constant 0 : i32
      %add3A_152 = arith.addi %mul3A_150, %add3A_151 : i32
      %dma_wait3A_153 = arith.constant 0 : i32
      %dma_wait3A_154 = arith.constant 0 : i32
      %dma_wait3A_155 = arith.constant 0 : i32
      %dma_wait3A_156 = tpu.memref_slice %arg10[%dma_wait3A_153, %dma_wait3A_154, %dma_wait3A_155] : memref<8x128x128xbf16, #tpu.memory_space<vmem>> -> memref<1x128x128xbf16, #tpu.memory_space<vmem>>
      %dma_wait3A_157 = tpu.memref_squeeze %dma_wait3A_156 : memref<1x128x128xbf16, #tpu.memory_space<vmem>> -> memref<128x128xbf16, #tpu.memory_space<vmem>>
      %dma_wait3A_158 = arith.constant 0 : i32
      %dma_wait3A_159 = tpu.memref_slice %arg8[%dma_wait3A_158] : memref<10240xi32, #tpu.memory_space<vmem>> -> memref<128xi32, #tpu.memory_space<vmem>>
      %dma_wait3A_160 = arith.constant 0 : i32
      %dma_wait3A_161 = arith.constant 0 : i32
      %dma_wait3A_162 = tpu.memref_slice %arg2[%dma_wait3A_160, %dma_wait3A_161] : memref<20000x128xbf16, #tpu.memory_space<hbm>> -> memref<20000x128xbf16, #tpu.memory_space<hbm>>
      tpu.wait_indirect_dma semaphore(%arg12 : memref<!tpu.dma_semaphore, #tpu.memory_space<semaphore_mem>>) src(%dma_wait3A_162 : memref<20000x128xbf16, #tpu.memory_space<hbm>>) dst(%dma_wait3A_157 : memref<128x128xbf16, #tpu.memory_space<vmem>>)
      %dma_start3A_163 = arith.constant 0 : i32
      %dma_start3A_164 = arith.constant 0 : i32
      %dma_start3A_165 = arith.constant 0 : i32
      %dma_start3A_166 = tpu.memref_slice %arg10[%dma_start3A_163, %dma_start3A_164, %dma_start3A_165] : memref<8x128x128xbf16, #tpu.memory_space<vmem>> -> memref<1x128x128xbf16, #tpu.memory_space<vmem>>
      %dma_start3A_167 = tpu.memref_squeeze %dma_start3A_166 : memref<1x128x128xbf16, #tpu.memory_space<vmem>> -> memref<128x128xbf16, #tpu.memory_space<vmem>>
      %dma_start3A_168 = arith.constant 0 : i32
      %dma_start3A_169 = tpu.memref_slice %arg9[%add3A_152, %dma_start3A_168] : memref<80x128xi32, #tpu.memory_space<vmem>> -> memref<1x128xi32, #tpu.memory_space<vmem>>
      %dma_start3A_170 = tpu.memref_squeeze %dma_start3A_169 : memref<1x128xi32, #tpu.memory_space<vmem>> -> memref<128xi32, #tpu.memory_space<vmem>>
      %dma_start3A_171 = arith.constant 0 : i32
      %dma_start3A_172 = arith.constant 0 : i32
      %dma_start3A_173 = tpu.memref_slice %arg11[%dma_start3A_171, %dma_start3A_172] : memref<10016x128xbf16, #tpu.memory_space<vmem_shared>> -> memref<10016x128xbf16, #tpu.memory_space<vmem_shared>>
      tpu.enqueue_indirect_dma source(%dma_start3A_167 : memref<128x128xbf16, #tpu.memory_space<vmem>>) target(%dma_start3A_173 : memref<10016x128xbf16, #tpu.memory_space<vmem_shared>>) offsets(%dma_start3A_170 : memref<128xi32, #tpu.memory_space<vmem>>) semaphore(%arg13 : memref<!tpu.dma_semaphore, #tpu.memory_space<semaphore_mem>>) {add = true}
      %gt3A = arith.constant 0 : i32
      %gt3A_174 = arith.cmpi sgt, %add3A_152, %gt3A : i32
      %convert_element_type3A_175 = arith.extui %gt3A_174 : i1 to i32
      %cond3A_176 = arith.constant 0 : i32
      %cond3A_177 = arith.cmpi ne, %convert_element_type3A_175, %cond3A_176 : i32
      scf.if %cond3A_177 {
        %dma_wait3A_460 = arith.constant 7 : i32
        %dma_wait3A_461 = arith.constant 0 : i32
        %dma_wait3A_462 = arith.constant 0 : i32
        %dma_wait3A_463 = arith.constant 0 : i32
        %dma_wait3A_464 = tpu.memref_slice %arg10[%dma_wait3A_460, %dma_wait3A_462, %dma_wait3A_463] : memref<8x128x128xbf16, #tpu.memory_space<vmem>> -> memref<1x128x128xbf16, #tpu.memory_space<vmem>>
        %dma_wait3A_465 = tpu.memref_squeeze %dma_wait3A_464 : memref<1x128x128xbf16, #tpu.memory_space<vmem>> -> memref<128x128xbf16, #tpu.memory_space<vmem>>
        %dma_wait3A_466 = arith.constant 0 : i32
        %dma_wait3A_467 = tpu.memref_slice %arg9[%dma_wait3A_461, %dma_wait3A_466] : memref<80x128xi32, #tpu.memory_space<vmem>> -> memref<1x128xi32, #tpu.memory_space<vmem>>
        %dma_wait3A_468 = tpu.memref_squeeze %dma_wait3A_467 : memref<1x128xi32, #tpu.memory_space<vmem>> -> memref<128xi32, #tpu.memory_space<vmem>>
        %dma_wait3A_469 = arith.constant 0 : i32
        %dma_wait3A_470 = arith.constant 0 : i32
        %dma_wait3A_471 = tpu.memref_slice %arg11[%dma_wait3A_469, %dma_wait3A_470] : memref<10016x128xbf16, #tpu.memory_space<vmem_shared>> -> memref<10016x128xbf16, #tpu.memory_space<vmem_shared>>
        tpu.wait_indirect_dma semaphore(%arg20 : memref<!tpu.dma_semaphore, #tpu.memory_space<semaphore_mem>>) src(%dma_wait3A_465 : memref<128x128xbf16, #tpu.memory_space<vmem>>) dst(%dma_wait3A_471 : memref<10016x128xbf16, #tpu.memory_space<vmem_shared>>)
      } else {
      }
      %add3A_178 = arith.constant 8 : i32
      %add3A_179 = arith.addi %add3A_152, %add3A_178 : i32
      %sub3A = arith.constant 1 : i32
      %sub3A_180 = arith.subi %add3A_179, %sub3A : i32
      %lt3A_181 = arith.constant 80 : i32
      %lt3A_182 = arith.cmpi slt, %sub3A_180, %lt3A_181 : i32
      %convert_element_type3A_183 = arith.extui %lt3A_182 : i1 to i32
      %cond3A_184 = arith.constant 0 : i32
      %cond3A_185 = arith.cmpi ne, %convert_element_type3A_183, %cond3A_184 : i32
      scf.if %cond3A_185 {
        %add3A_460 = arith.constant 8 : i32
        %add3A_461 = arith.addi %add3A_152, %add3A_460 : i32
        %sub3A_462 = arith.constant 1 : i32
        %sub3A_463 = arith.subi %add3A_461, %sub3A_462 : i32
        %mul3A_464 = arith.constant 128 : i32
        %mul3A_465 = arith.muli %sub3A_463, %mul3A_464 : i32
        %dma_start3A_466 = arith.constant 7 : i32
        %dma_start3A_467 = arith.constant 0 : i32
        %dma_start3A_468 = arith.constant 0 : i32
        %dma_start3A_469 = tpu.memref_slice %arg10[%dma_start3A_466, %dma_start3A_467, %dma_start3A_468] : memref<8x128x128xbf16, #tpu.memory_space<vmem>> -> memref<1x128x128xbf16, #tpu.memory_space<vmem>>
        %dma_start3A_470 = tpu.memref_squeeze %dma_start3A_469 : memref<1x128x128xbf16, #tpu.memory_space<vmem>> -> memref<128x128xbf16, #tpu.memory_space<vmem>>
        %dma_start3A_471 = tpu.memref_slice %arg8[%mul3A_465] : memref<10240xi32, #tpu.memory_space<vmem>> -> memref<128xi32, #tpu.memory_space<vmem>>
        %dma_start3A_472 = arith.constant 0 : i32
        %dma_start3A_473 = arith.constant 0 : i32
        %dma_start3A_474 = tpu.memref_slice %arg2[%dma_start3A_472, %dma_start3A_473] : memref<20000x128xbf16, #tpu.memory_space<hbm>> -> memref<20000x128xbf16, #tpu.memory_space<hbm>>
        tpu.enqueue_indirect_dma source(%dma_start3A_474 : memref<20000x128xbf16, #tpu.memory_space<hbm>>) target(%dma_start3A_470 : memref<128x128xbf16, #tpu.memory_space<vmem>>) offsets(%dma_start3A_471 : memref<128xi32, #tpu.memory_space<vmem>>) semaphore(%arg12 : memref<!tpu.dma_semaphore, #tpu.memory_space<semaphore_mem>>)
      } else {
      }
      %mul3A_186 = arith.constant 8 : i32
      %mul3A_187 = arith.muli %scan3A_147, %mul3A_186 : i32
      %add3A_188 = arith.constant 1 : i32
      %add3A_189 = arith.addi %mul3A_187, %add3A_188 : i32
      %dma_wait3A_190 = arith.constant 1 : i32
      %dma_wait3A_191 = arith.constant 0 : i32
      %dma_wait3A_192 = arith.constant 0 : i32
      %dma_wait3A_193 = tpu.memref_slice %arg10[%dma_wait3A_190, %dma_wait3A_191, %dma_wait3A_192] : memref<8x128x128xbf16, #tpu.memory_space<vmem>> -> memref<1x128x128xbf16, #tpu.memory_space<vmem>>
      %dma_wait3A_194 = tpu.memref_squeeze %dma_wait3A_193 : memref<1x128x128xbf16, #tpu.memory_space<vmem>> -> memref<128x128xbf16, #tpu.memory_space<vmem>>
      %dma_wait3A_195 = arith.constant 0 : i32
      %dma_wait3A_196 = tpu.memref_slice %arg8[%dma_wait3A_195] : memref<10240xi32, #tpu.memory_space<vmem>> -> memref<128xi32, #tpu.memory_space<vmem>>
      %dma_wait3A_197 = arith.constant 0 : i32
      %dma_wait3A_198 = arith.constant 0 : i32
      %dma_wait3A_199 = tpu.memref_slice %arg2[%dma_wait3A_197, %dma_wait3A_198] : memref<20000x128xbf16, #tpu.memory_space<hbm>> -> memref<20000x128xbf16, #tpu.memory_space<hbm>>
      tpu.wait_indirect_dma semaphore(%arg12 : memref<!tpu.dma_semaphore, #tpu.memory_space<semaphore_mem>>) src(%dma_wait3A_199 : memref<20000x128xbf16, #tpu.memory_space<hbm>>) dst(%dma_wait3A_194 : memref<128x128xbf16, #tpu.memory_space<vmem>>)
      %dma_start3A_200 = arith.constant 1 : i32
      %dma_start3A_201 = arith.constant 0 : i32
      %dma_start3A_202 = arith.constant 0 : i32
      %dma_start3A_203 = tpu.memref_slice %arg10[%dma_start3A_200, %dma_start3A_201, %dma_start3A_202] : memref<8x128x128xbf16, #tpu.memory_space<vmem>> -> memref<1x128x128xbf16, #tpu.memory_space<vmem>>
      %dma_start3A_204 = tpu.memref_squeeze %dma_start3A_203 : memref<1x128x128xbf16, #tpu.memory_space<vmem>> -> memref<128x128xbf16, #tpu.memory_space<vmem>>
      %dma_start3A_205 = arith.constant 0 : i32
      %dma_start3A_206 = tpu.memref_slice %arg9[%add3A_189, %dma_start3A_205] : memref<80x128xi32, #tpu.memory_space<vmem>> -> memref<1x128xi32, #tpu.memory_space<vmem>>
      %dma_start3A_207 = tpu.memref_squeeze %dma_start3A_206 : memref<1x128xi32, #tpu.memory_space<vmem>> -> memref<128xi32, #tpu.memory_space<vmem>>
      %dma_start3A_208 = arith.constant 0 : i32
      %dma_start3A_209 = arith.constant 0 : i32
      %dma_start3A_210 = tpu.memref_slice %arg11[%dma_start3A_208, %dma_start3A_209] : memref<10016x128xbf16, #tpu.memory_space<vmem_shared>> -> memref<10016x128xbf16, #tpu.memory_space<vmem_shared>>
      tpu.enqueue_indirect_dma source(%dma_start3A_204 : memref<128x128xbf16, #tpu.memory_space<vmem>>) target(%dma_start3A_210 : memref<10016x128xbf16, #tpu.memory_space<vmem_shared>>) offsets(%dma_start3A_207 : memref<128xi32, #tpu.memory_space<vmem>>) semaphore(%arg14 : memref<!tpu.dma_semaphore, #tpu.memory_space<semaphore_mem>>) {add = true}
      %gt3A_211 = arith.constant 0 : i32
      %gt3A_212 = arith.cmpi sgt, %add3A_189, %gt3A_211 : i32
      %convert_element_type3A_213 = arith.extui %gt3A_212 : i1 to i32
      %cond3A_214 = arith.constant 0 : i32
      %cond3A_215 = arith.cmpi ne, %convert_element_type3A_213, %cond3A_214 : i32
      scf.if %cond3A_215 {
        %dma_wait3A_460 = arith.constant 0 : i32
        %dma_wait3A_461 = arith.constant 0 : i32
        %dma_wait3A_462 = arith.constant 0 : i32
        %dma_wait3A_463 = arith.constant 0 : i32
        %dma_wait3A_464 = tpu.memref_slice %arg10[%dma_wait3A_460, %dma_wait3A_462, %dma_wait3A_463] : memref<8x128x128xbf16, #tpu.memory_space<vmem>> -> memref<1x128x128xbf16, #tpu.memory_space<vmem>>
        %dma_wait3A_465 = tpu.memref_squeeze %dma_wait3A_464 : memref<1x128x128xbf16, #tpu.memory_space<vmem>> -> memref<128x128xbf16, #tpu.memory_space<vmem>>
        %dma_wait3A_466 = arith.constant 0 : i32
        %dma_wait3A_467 = tpu.memref_slice %arg9[%dma_wait3A_461, %dma_wait3A_466] : memref<80x128xi32, #tpu.memory_space<vmem>> -> memref<1x128xi32, #tpu.memory_space<vmem>>
        %dma_wait3A_468 = tpu.memref_squeeze %dma_wait3A_467 : memref<1x128xi32, #tpu.memory_space<vmem>> -> memref<128xi32, #tpu.memory_space<vmem>>
        %dma_wait3A_469 = arith.constant 0 : i32
        %dma_wait3A_470 = arith.constant 0 : i32
        %dma_wait3A_471 = tpu.memref_slice %arg11[%dma_wait3A_469, %dma_wait3A_470] : memref<10016x128xbf16, #tpu.memory_space<vmem_shared>> -> memref<10016x128xbf16, #tpu.memory_space<vmem_shared>>
        tpu.wait_indirect_dma semaphore(%arg13 : memref<!tpu.dma_semaphore, #tpu.memory_space<semaphore_mem>>) src(%dma_wait3A_465 : memref<128x128xbf16, #tpu.memory_space<vmem>>) dst(%dma_wait3A_471 : memref<10016x128xbf16, #tpu.memory_space<vmem_shared>>)
      } else {
      }
      %add3A_216 = arith.constant 8 : i32
      %add3A_217 = arith.addi %add3A_189, %add3A_216 : i32
      %sub3A_218 = arith.constant 1 : i32
      %sub3A_219 = arith.subi %add3A_217, %sub3A_218 : i32
      %lt3A_220 = arith.constant 80 : i32
      %lt3A_221 = arith.cmpi slt, %sub3A_219, %lt3A_220 : i32
      %convert_element_type3A_222 = arith.extui %lt3A_221 : i1 to i32
      %cond3A_223 = arith.constant 0 : i32
      %cond3A_224 = arith.cmpi ne, %convert_element_type3A_222, %cond3A_223 : i32
      scf.if %cond3A_224 {
        %add3A_460 = arith.constant 8 : i32
        %add3A_461 = arith.addi %add3A_189, %add3A_460 : i32
        %sub3A_462 = arith.constant 1 : i32
        %sub3A_463 = arith.subi %add3A_461, %sub3A_462 : i32
        %mul3A_464 = arith.constant 128 : i32
        %mul3A_465 = arith.muli %sub3A_463, %mul3A_464 : i32
        %dma_start3A_466 = arith.constant 0 : i32
        %dma_start3A_467 = arith.constant 0 : i32
        %dma_start3A_468 = arith.constant 0 : i32
        %dma_start3A_469 = tpu.memref_slice %arg10[%dma_start3A_466, %dma_start3A_467, %dma_start3A_468] : memref<8x128x128xbf16, #tpu.memory_space<vmem>> -> memref<1x128x128xbf16, #tpu.memory_space<vmem>>
        %dma_start3A_470 = tpu.memref_squeeze %dma_start3A_469 : memref<1x128x128xbf16, #tpu.memory_space<vmem>> -> memref<128x128xbf16, #tpu.memory_space<vmem>>
        %dma_start3A_471 = tpu.memref_slice %arg8[%mul3A_465] : memref<10240xi32, #tpu.memory_space<vmem>> -> memref<128xi32, #tpu.memory_space<vmem>>
        %dma_start3A_472 = arith.constant 0 : i32
        %dma_start3A_473 = arith.constant 0 : i32
        %dma_start3A_474 = tpu.memref_slice %arg2[%dma_start3A_472, %dma_start3A_473] : memref<20000x128xbf16, #tpu.memory_space<hbm>> -> memref<20000x128xbf16, #tpu.memory_space<hbm>>
        tpu.enqueue_indirect_dma source(%dma_start3A_474 : memref<20000x128xbf16, #tpu.memory_space<hbm>>) target(%dma_start3A_470 : memref<128x128xbf16, #tpu.memory_space<vmem>>) offsets(%dma_start3A_471 : memref<128xi32, #tpu.memory_space<vmem>>) semaphore(%arg12 : memref<!tpu.dma_semaphore, #tpu.memory_space<semaphore_mem>>)
      } else {
      }
      %mul3A_225 = arith.constant 8 : i32
      %mul3A_226 = arith.muli %scan3A_147, %mul3A_225 : i32
      %add3A_227 = arith.constant 2 : i32
      %add3A_228 = arith.addi %mul3A_226, %add3A_227 : i32
      %dma_wait3A_229 = arith.constant 2 : i32
      %dma_wait3A_230 = arith.constant 0 : i32
      %dma_wait3A_231 = arith.constant 0 : i32
      %dma_wait3A_232 = tpu.memref_slice %arg10[%dma_wait3A_229, %dma_wait3A_230, %dma_wait3A_231] : memref<8x128x128xbf16, #tpu.memory_space<vmem>> -> memref<1x128x128xbf16, #tpu.memory_space<vmem>>
      %dma_wait3A_233 = tpu.memref_squeeze %dma_wait3A_232 : memref<1x128x128xbf16, #tpu.memory_space<vmem>> -> memref<128x128xbf16, #tpu.memory_space<vmem>>
      %dma_wait3A_234 = arith.constant 0 : i32
      %dma_wait3A_235 = tpu.memref_slice %arg8[%dma_wait3A_234] : memref<10240xi32, #tpu.memory_space<vmem>> -> memref<128xi32, #tpu.memory_space<vmem>>
      %dma_wait3A_236 = arith.constant 0 : i32
      %dma_wait3A_237 = arith.constant 0 : i32
      %dma_wait3A_238 = tpu.memref_slice %arg2[%dma_wait3A_236, %dma_wait3A_237] : memref<20000x128xbf16, #tpu.memory_space<hbm>> -> memref<20000x128xbf16, #tpu.memory_space<hbm>>
      tpu.wait_indirect_dma semaphore(%arg12 : memref<!tpu.dma_semaphore, #tpu.memory_space<semaphore_mem>>) src(%dma_wait3A_238 : memref<20000x128xbf16, #tpu.memory_space<hbm>>) dst(%dma_wait3A_233 : memref<128x128xbf16, #tpu.memory_space<vmem>>)
      %dma_start3A_239 = arith.constant 2 : i32
      %dma_start3A_240 = arith.constant 0 : i32
      %dma_start3A_241 = arith.constant 0 : i32
      %dma_start3A_242 = tpu.memref_slice %arg10[%dma_start3A_239, %dma_start3A_240, %dma_start3A_241] : memref<8x128x128xbf16, #tpu.memory_space<vmem>> -> memref<1x128x128xbf16, #tpu.memory_space<vmem>>
      %dma_start3A_243 = tpu.memref_squeeze %dma_start3A_242 : memref<1x128x128xbf16, #tpu.memory_space<vmem>> -> memref<128x128xbf16, #tpu.memory_space<vmem>>
      %dma_start3A_244 = arith.constant 0 : i32
      %dma_start3A_245 = tpu.memref_slice %arg9[%add3A_228, %dma_start3A_244] : memref<80x128xi32, #tpu.memory_space<vmem>> -> memref<1x128xi32, #tpu.memory_space<vmem>>
      %dma_start3A_246 = tpu.memref_squeeze %dma_start3A_245 : memref<1x128xi32, #tpu.memory_space<vmem>> -> memref<128xi32, #tpu.memory_space<vmem>>
      %dma_start3A_247 = arith.constant 0 : i32
      %dma_start3A_248 = arith.constant 0 : i32
      %dma_start3A_249 = tpu.memref_slice %arg11[%dma_start3A_247, %dma_start3A_248] : memref<10016x128xbf16, #tpu.memory_space<vmem_shared>> -> memref<10016x128xbf16, #tpu.memory_space<vmem_shared>>
      tpu.enqueue_indirect_dma source(%dma_start3A_243 : memref<128x128xbf16, #tpu.memory_space<vmem>>) target(%dma_start3A_249 : memref<10016x128xbf16, #tpu.memory_space<vmem_shared>>) offsets(%dma_start3A_246 : memref<128xi32, #tpu.memory_space<vmem>>) semaphore(%arg15 : memref<!tpu.dma_semaphore, #tpu.memory_space<semaphore_mem>>) {add = true}
      %gt3A_250 = arith.constant 0 : i32
      %gt3A_251 = arith.cmpi sgt, %add3A_228, %gt3A_250 : i32
      %convert_element_type3A_252 = arith.extui %gt3A_251 : i1 to i32
      %cond3A_253 = arith.constant 0 : i32
      %cond3A_254 = arith.cmpi ne, %convert_element_type3A_252, %cond3A_253 : i32
      scf.if %cond3A_254 {
        %dma_wait3A_460 = arith.constant 1 : i32
        %dma_wait3A_461 = arith.constant 0 : i32
        %dma_wait3A_462 = arith.constant 0 : i32
        %dma_wait3A_463 = arith.constant 0 : i32
        %dma_wait3A_464 = tpu.memref_slice %arg10[%dma_wait3A_460, %dma_wait3A_462, %dma_wait3A_463] : memref<8x128x128xbf16, #tpu.memory_space<vmem>> -> memref<1x128x128xbf16, #tpu.memory_space<vmem>>
        %dma_wait3A_465 = tpu.memref_squeeze %dma_wait3A_464 : memref<1x128x128xbf16, #tpu.memory_space<vmem>> -> memref<128x128xbf16, #tpu.memory_space<vmem>>
        %dma_wait3A_466 = arith.constant 0 : i32
        %dma_wait3A_467 = tpu.memref_slice %arg9[%dma_wait3A_461, %dma_wait3A_466] : memref<80x128xi32, #tpu.memory_space<vmem>> -> memref<1x128xi32, #tpu.memory_space<vmem>>
        %dma_wait3A_468 = tpu.memref_squeeze %dma_wait3A_467 : memref<1x128xi32, #tpu.memory_space<vmem>> -> memref<128xi32, #tpu.memory_space<vmem>>
        %dma_wait3A_469 = arith.constant 0 : i32
        %dma_wait3A_470 = arith.constant 0 : i32
        %dma_wait3A_471 = tpu.memref_slice %arg11[%dma_wait3A_469, %dma_wait3A_470] : memref<10016x128xbf16, #tpu.memory_space<vmem_shared>> -> memref<10016x128xbf16, #tpu.memory_space<vmem_shared>>
        tpu.wait_indirect_dma semaphore(%arg14 : memref<!tpu.dma_semaphore, #tpu.memory_space<semaphore_mem>>) src(%dma_wait3A_465 : memref<128x128xbf16, #tpu.memory_space<vmem>>) dst(%dma_wait3A_471 : memref<10016x128xbf16, #tpu.memory_space<vmem_shared>>)
      } else {
      }
      %add3A_255 = arith.constant 8 : i32
      %add3A_256 = arith.addi %add3A_228, %add3A_255 : i32
      %sub3A_257 = arith.constant 1 : i32
      %sub3A_258 = arith.subi %add3A_256, %sub3A_257 : i32
      %lt3A_259 = arith.constant 80 : i32
      %lt3A_260 = arith.cmpi slt, %sub3A_258, %lt3A_259 : i32
      %convert_element_type3A_261 = arith.extui %lt3A_260 : i1 to i32
      %cond3A_262 = arith.constant 0 : i32
      %cond3A_263 = arith.cmpi ne, %convert_element_type3A_261, %cond3A_262 : i32
      scf.if %cond3A_263 {
        %add3A_460 = arith.constant 8 : i32
        %add3A_461 = arith.addi %add3A_228, %add3A_460 : i32
        %sub3A_462 = arith.constant 1 : i32
        %sub3A_463 = arith.subi %add3A_461, %sub3A_462 : i32
        %mul3A_464 = arith.constant 128 : i32
        %mul3A_465 = arith.muli %sub3A_463, %mul3A_464 : i32
        %dma_start3A_466 = arith.constant 1 : i32
        %dma_start3A_467 = arith.constant 0 : i32
        %dma_start3A_468 = arith.constant 0 : i32
        %dma_start3A_469 = tpu.memref_slice %arg10[%dma_start3A_466, %dma_start3A_467, %dma_start3A_468] : memref<8x128x128xbf16, #tpu.memory_space<vmem>> -> memref<1x128x128xbf16, #tpu.memory_space<vmem>>
        %dma_start3A_470 = tpu.memref_squeeze %dma_start3A_469 : memref<1x128x128xbf16, #tpu.memory_space<vmem>> -> memref<128x128xbf16, #tpu.memory_space<vmem>>
        %dma_start3A_471 = tpu.memref_slice %arg8[%mul3A_465] : memref<10240xi32, #tpu.memory_space<vmem>> -> memref<128xi32, #tpu.memory_space<vmem>>
        %dma_start3A_472 = arith.constant 0 : i32
        %dma_start3A_473 = arith.constant 0 : i32
        %dma_start3A_474 = tpu.memref_slice %arg2[%dma_start3A_472, %dma_start3A_473] : memref<20000x128xbf16, #tpu.memory_space<hbm>> -> memref<20000x128xbf16, #tpu.memory_space<hbm>>
        tpu.enqueue_indirect_dma source(%dma_start3A_474 : memref<20000x128xbf16, #tpu.memory_space<hbm>>) target(%dma_start3A_470 : memref<128x128xbf16, #tpu.memory_space<vmem>>) offsets(%dma_start3A_471 : memref<128xi32, #tpu.memory_space<vmem>>) semaphore(%arg12 : memref<!tpu.dma_semaphore, #tpu.memory_space<semaphore_mem>>)
      } else {
      }
      %mul3A_264 = arith.constant 8 : i32
      %mul3A_265 = arith.muli %scan3A_147, %mul3A_264 : i32
      %add3A_266 = arith.constant 3 : i32
      %add3A_267 = arith.addi %mul3A_265, %add3A_266 : i32
      %dma_wait3A_268 = arith.constant 3 : i32
      %dma_wait3A_269 = arith.constant 0 : i32
      %dma_wait3A_270 = arith.constant 0 : i32
      %dma_wait3A_271 = tpu.memref_slice %arg10[%dma_wait3A_268, %dma_wait3A_269, %dma_wait3A_270] : memref<8x128x128xbf16, #tpu.memory_space<vmem>> -> memref<1x128x128xbf16, #tpu.memory_space<vmem>>
      %dma_wait3A_272 = tpu.memref_squeeze %dma_wait3A_271 : memref<1x128x128xbf16, #tpu.memory_space<vmem>> -> memref<128x128xbf16, #tpu.memory_space<vmem>>
      %dma_wait3A_273 = arith.constant 0 : i32
      %dma_wait3A_274 = tpu.memref_slice %arg8[%dma_wait3A_273] : memref<10240xi32, #tpu.memory_space<vmem>> -> memref<128xi32, #tpu.memory_space<vmem>>
      %dma_wait3A_275 = arith.constant 0 : i32
      %dma_wait3A_276 = arith.constant 0 : i32
      %dma_wait3A_277 = tpu.memref_slice %arg2[%dma_wait3A_275, %dma_wait3A_276] : memref<20000x128xbf16, #tpu.memory_space<hbm>> -> memref<20000x128xbf16, #tpu.memory_space<hbm>>
      tpu.wait_indirect_dma semaphore(%arg12 : memref<!tpu.dma_semaphore, #tpu.memory_space<semaphore_mem>>) src(%dma_wait3A_277 : memref<20000x128xbf16, #tpu.memory_space<hbm>>) dst(%dma_wait3A_272 : memref<128x128xbf16, #tpu.memory_space<vmem>>)
      %dma_start3A_278 = arith.constant 3 : i32
      %dma_start3A_279 = arith.constant 0 : i32
      %dma_start3A_280 = arith.constant 0 : i32
      %dma_start3A_281 = tpu.memref_slice %arg10[%dma_start3A_278, %dma_start3A_279, %dma_start3A_280] : memref<8x128x128xbf16, #tpu.memory_space<vmem>> -> memref<1x128x128xbf16, #tpu.memory_space<vmem>>
      %dma_start3A_282 = tpu.memref_squeeze %dma_start3A_281 : memref<1x128x128xbf16, #tpu.memory_space<vmem>> -> memref<128x128xbf16, #tpu.memory_space<vmem>>
      %dma_start3A_283 = arith.constant 0 : i32
      %dma_start3A_284 = tpu.memref_slice %arg9[%add3A_267, %dma_start3A_283] : memref<80x128xi32, #tpu.memory_space<vmem>> -> memref<1x128xi32, #tpu.memory_space<vmem>>
      %dma_start3A_285 = tpu.memref_squeeze %dma_start3A_284 : memref<1x128xi32, #tpu.memory_space<vmem>> -> memref<128xi32, #tpu.memory_space<vmem>>
      %dma_start3A_286 = arith.constant 0 : i32
      %dma_start3A_287 = arith.constant 0 : i32
      %dma_start3A_288 = tpu.memref_slice %arg11[%dma_start3A_286, %dma_start3A_287] : memref<10016x128xbf16, #tpu.memory_space<vmem_shared>> -> memref<10016x128xbf16, #tpu.memory_space<vmem_shared>>
      tpu.enqueue_indirect_dma source(%dma_start3A_282 : memref<128x128xbf16, #tpu.memory_space<vmem>>) target(%dma_start3A_288 : memref<10016x128xbf16, #tpu.memory_space<vmem_shared>>) offsets(%dma_start3A_285 : memref<128xi32, #tpu.memory_space<vmem>>) semaphore(%arg16 : memref<!tpu.dma_semaphore, #tpu.memory_space<semaphore_mem>>) {add = true}
      %gt3A_289 = arith.constant 0 : i32
      %gt3A_290 = arith.cmpi sgt, %add3A_267, %gt3A_289 : i32
      %convert_element_type3A_291 = arith.extui %gt3A_290 : i1 to i32
      %cond3A_292 = arith.constant 0 : i32
      %cond3A_293 = arith.cmpi ne, %convert_element_type3A_291, %cond3A_292 : i32
      scf.if %cond3A_293 {
        %dma_wait3A_460 = arith.constant 2 : i32
        %dma_wait3A_461 = arith.constant 0 : i32
        %dma_wait3A_462 = arith.constant 0 : i32
        %dma_wait3A_463 = arith.constant 0 : i32
        %dma_wait3A_464 = tpu.memref_slice %arg10[%dma_wait3A_460, %dma_wait3A_462, %dma_wait3A_463] : memref<8x128x128xbf16, #tpu.memory_space<vmem>> -> memref<1x128x128xbf16, #tpu.memory_space<vmem>>
        %dma_wait3A_465 = tpu.memref_squeeze %dma_wait3A_464 : memref<1x128x128xbf16, #tpu.memory_space<vmem>> -> memref<128x128xbf16, #tpu.memory_space<vmem>>
        %dma_wait3A_466 = arith.constant 0 : i32
        %dma_wait3A_467 = tpu.memref_slice %arg9[%dma_wait3A_461, %dma_wait3A_466] : memref<80x128xi32, #tpu.memory_space<vmem>> -> memref<1x128xi32, #tpu.memory_space<vmem>>
        %dma_wait3A_468 = tpu.memref_squeeze %dma_wait3A_467 : memref<1x128xi32, #tpu.memory_space<vmem>> -> memref<128xi32, #tpu.memory_space<vmem>>
        %dma_wait3A_469 = arith.constant 0 : i32
        %dma_wait3A_470 = arith.constant 0 : i32
        %dma_wait3A_471 = tpu.memref_slice %arg11[%dma_wait3A_469, %dma_wait3A_470] : memref<10016x128xbf16, #tpu.memory_space<vmem_shared>> -> memref<10016x128xbf16, #tpu.memory_space<vmem_shared>>
        tpu.wait_indirect_dma semaphore(%arg15 : memref<!tpu.dma_semaphore, #tpu.memory_space<semaphore_mem>>) src(%dma_wait3A_465 : memref<128x128xbf16, #tpu.memory_space<vmem>>) dst(%dma_wait3A_471 : memref<10016x128xbf16, #tpu.memory_space<vmem_shared>>)
      } else {
      }
      %add3A_294 = arith.constant 8 : i32
      %add3A_295 = arith.addi %add3A_267, %add3A_294 : i32
      %sub3A_296 = arith.constant 1 : i32
      %sub3A_297 = arith.subi %add3A_295, %sub3A_296 : i32
      %lt3A_298 = arith.constant 80 : i32
      %lt3A_299 = arith.cmpi slt, %sub3A_297, %lt3A_298 : i32
      %convert_element_type3A_300 = arith.extui %lt3A_299 : i1 to i32
      %cond3A_301 = arith.constant 0 : i32
      %cond3A_302 = arith.cmpi ne, %convert_element_type3A_300, %cond3A_301 : i32
      scf.if %cond3A_302 {
        %add3A_460 = arith.constant 8 : i32
        %add3A_461 = arith.addi %add3A_267, %add3A_460 : i32
        %sub3A_462 = arith.constant 1 : i32
        %sub3A_463 = arith.subi %add3A_461, %sub3A_462 : i32
        %mul3A_464 = arith.constant 128 : i32
        %mul3A_465 = arith.muli %sub3A_463, %mul3A_464 : i32
        %dma_start3A_466 = arith.constant 2 : i32
        %dma_start3A_467 = arith.constant 0 : i32
        %dma_start3A_468 = arith.constant 0 : i32
        %dma_start3A_469 = tpu.memref_slice %arg10[%dma_start3A_466, %dma_start3A_467, %dma_start3A_468] : memref<8x128x128xbf16, #tpu.memory_space<vmem>> -> memref<1x128x128xbf16, #tpu.memory_space<vmem>>
        %dma_start3A_470 = tpu.memref_squeeze %dma_start3A_469 : memref<1x128x128xbf16, #tpu.memory_space<vmem>> -> memref<128x128xbf16, #tpu.memory_space<vmem>>
        %dma_start3A_471 = tpu.memref_slice %arg8[%mul3A_465] : memref<10240xi32, #tpu.memory_space<vmem>> -> memref<128xi32, #tpu.memory_space<vmem>>
        %dma_start3A_472 = arith.constant 0 : i32
        %dma_start3A_473 = arith.constant 0 : i32
        %dma_start3A_474 = tpu.memref_slice %arg2[%dma_start3A_472, %dma_start3A_473] : memref<20000x128xbf16, #tpu.memory_space<hbm>> -> memref<20000x128xbf16, #tpu.memory_space<hbm>>
        tpu.enqueue_indirect_dma source(%dma_start3A_474 : memref<20000x128xbf16, #tpu.memory_space<hbm>>) target(%dma_start3A_470 : memref<128x128xbf16, #tpu.memory_space<vmem>>) offsets(%dma_start3A_471 : memref<128xi32, #tpu.memory_space<vmem>>) semaphore(%arg12 : memref<!tpu.dma_semaphore, #tpu.memory_space<semaphore_mem>>)
      } else {
      }
      %mul3A_303 = arith.constant 8 : i32
      %mul3A_304 = arith.muli %scan3A_147, %mul3A_303 : i32
      %add3A_305 = arith.constant 4 : i32
      %add3A_306 = arith.addi %mul3A_304, %add3A_305 : i32
      %dma_wait3A_307 = arith.constant 4 : i32
      %dma_wait3A_308 = arith.constant 0 : i32
      %dma_wait3A_309 = arith.constant 0 : i32
      %dma_wait3A_310 = tpu.memref_slice %arg10[%dma_wait3A_307, %dma_wait3A_308, %dma_wait3A_309] : memref<8x128x128xbf16, #tpu.memory_space<vmem>> -> memref<1x128x128xbf16, #tpu.memory_space<vmem>>
      %dma_wait3A_311 = tpu.memref_squeeze %dma_wait3A_310 : memref<1x128x128xbf16, #tpu.memory_space<vmem>> -> memref<128x128xbf16, #tpu.memory_space<vmem>>
      %dma_wait3A_312 = arith.constant 0 : i32
      %dma_wait3A_313 = tpu.memref_slice %arg8[%dma_wait3A_312] : memref<10240xi32, #tpu.memory_space<vmem>> -> memref<128xi32, #tpu.memory_space<vmem>>
      %dma_wait3A_314 = arith.constant 0 : i32
      %dma_wait3A_315 = arith.constant 0 : i32
      %dma_wait3A_316 = tpu.memref_slice %arg2[%dma_wait3A_314, %dma_wait3A_315] : memref<20000x128xbf16, #tpu.memory_space<hbm>> -> memref<20000x128xbf16, #tpu.memory_space<hbm>>
      tpu.wait_indirect_dma semaphore(%arg12 : memref<!tpu.dma_semaphore, #tpu.memory_space<semaphore_mem>>) src(%dma_wait3A_316 : memref<20000x128xbf16, #tpu.memory_space<hbm>>) dst(%dma_wait3A_311 : memref<128x128xbf16, #tpu.memory_space<vmem>>)
      %dma_start3A_317 = arith.constant 4 : i32
      %dma_start3A_318 = arith.constant 0 : i32
      %dma_start3A_319 = arith.constant 0 : i32
      %dma_start3A_320 = tpu.memref_slice %arg10[%dma_start3A_317, %dma_start3A_318, %dma_start3A_319] : memref<8x128x128xbf16, #tpu.memory_space<vmem>> -> memref<1x128x128xbf16, #tpu.memory_space<vmem>>
      %dma_start3A_321 = tpu.memref_squeeze %dma_start3A_320 : memref<1x128x128xbf16, #tpu.memory_space<vmem>> -> memref<128x128xbf16, #tpu.memory_space<vmem>>
      %dma_start3A_322 = arith.constant 0 : i32
      %dma_start3A_323 = tpu.memref_slice %arg9[%add3A_306, %dma_start3A_322] : memref<80x128xi32, #tpu.memory_space<vmem>> -> memref<1x128xi32, #tpu.memory_space<vmem>>
      %dma_start3A_324 = tpu.memref_squeeze %dma_start3A_323 : memref<1x128xi32, #tpu.memory_space<vmem>> -> memref<128xi32, #tpu.memory_space<vmem>>
      %dma_start3A_325 = arith.constant 0 : i32
      %dma_start3A_326 = arith.constant 0 : i32
      %dma_start3A_327 = tpu.memref_slice %arg11[%dma_start3A_325, %dma_start3A_326] : memref<10016x128xbf16, #tpu.memory_space<vmem_shared>> -> memref<10016x128xbf16, #tpu.memory_space<vmem_shared>>
      tpu.enqueue_indirect_dma source(%dma_start3A_321 : memref<128x128xbf16, #tpu.memory_space<vmem>>) target(%dma_start3A_327 : memref<10016x128xbf16, #tpu.memory_space<vmem_shared>>) offsets(%dma_start3A_324 : memref<128xi32, #tpu.memory_space<vmem>>) semaphore(%arg17 : memref<!tpu.dma_semaphore, #tpu.memory_space<semaphore_mem>>) {add = true}
      %gt3A_328 = arith.constant 0 : i32
      %gt3A_329 = arith.cmpi sgt, %add3A_306, %gt3A_328 : i32
      %convert_element_type3A_330 = arith.extui %gt3A_329 : i1 to i32
      %cond3A_331 = arith.constant 0 : i32
      %cond3A_332 = arith.cmpi ne, %convert_element_type3A_330, %cond3A_331 : i32
      scf.if %cond3A_332 {
        %dma_wait3A_460 = arith.constant 3 : i32
        %dma_wait3A_461 = arith.constant 0 : i32
        %dma_wait3A_462 = arith.constant 0 : i32
        %dma_wait3A_463 = arith.constant 0 : i32
        %dma_wait3A_464 = tpu.memref_slice %arg10[%dma_wait3A_460, %dma_wait3A_462, %dma_wait3A_463] : memref<8x128x128xbf16, #tpu.memory_space<vmem>> -> memref<1x128x128xbf16, #tpu.memory_space<vmem>>
        %dma_wait3A_465 = tpu.memref_squeeze %dma_wait3A_464 : memref<1x128x128xbf16, #tpu.memory_space<vmem>> -> memref<128x128xbf16, #tpu.memory_space<vmem>>
        %dma_wait3A_466 = arith.constant 0 : i32
        %dma_wait3A_467 = tpu.memref_slice %arg9[%dma_wait3A_461, %dma_wait3A_466] : memref<80x128xi32, #tpu.memory_space<vmem>> -> memref<1x128xi32, #tpu.memory_space<vmem>>
        %dma_wait3A_468 = tpu.memref_squeeze %dma_wait3A_467 : memref<1x128xi32, #tpu.memory_space<vmem>> -> memref<128xi32, #tpu.memory_space<vmem>>
        %dma_wait3A_469 = arith.constant 0 : i32
        %dma_wait3A_470 = arith.constant 0 : i32
        %dma_wait3A_471 = tpu.memref_slice %arg11[%dma_wait3A_469, %dma_wait3A_470] : memref<10016x128xbf16, #tpu.memory_space<vmem_shared>> -> memref<10016x128xbf16, #tpu.memory_space<vmem_shared>>
        tpu.wait_indirect_dma semaphore(%arg16 : memref<!tpu.dma_semaphore, #tpu.memory_space<semaphore_mem>>) src(%dma_wait3A_465 : memref<128x128xbf16, #tpu.memory_space<vmem>>) dst(%dma_wait3A_471 : memref<10016x128xbf16, #tpu.memory_space<vmem_shared>>)
      } else {
      }
      %add3A_333 = arith.constant 8 : i32
      %add3A_334 = arith.addi %add3A_306, %add3A_333 : i32
      %sub3A_335 = arith.constant 1 : i32
      %sub3A_336 = arith.subi %add3A_334, %sub3A_335 : i32
      %lt3A_337 = arith.constant 80 : i32
      %lt3A_338 = arith.cmpi slt, %sub3A_336, %lt3A_337 : i32
      %convert_element_type3A_339 = arith.extui %lt3A_338 : i1 to i32
      %cond3A_340 = arith.constant 0 : i32
      %cond3A_341 = arith.cmpi ne, %convert_element_type3A_339, %cond3A_340 : i32
      scf.if %cond3A_341 {
        %add3A_460 = arith.constant 8 : i32
        %add3A_461 = arith.addi %add3A_306, %add3A_460 : i32
        %sub3A_462 = arith.constant 1 : i32
        %sub3A_463 = arith.subi %add3A_461, %sub3A_462 : i32
        %mul3A_464 = arith.constant 128 : i32
        %mul3A_465 = arith.muli %sub3A_463, %mul3A_464 : i32
        %dma_start3A_466 = arith.constant 3 : i32
        %dma_start3A_467 = arith.constant 0 : i32
        %dma_start3A_468 = arith.constant 0 : i32
        %dma_start3A_469 = tpu.memref_slice %arg10[%dma_start3A_466, %dma_start3A_467, %dma_start3A_468] : memref<8x128x128xbf16, #tpu.memory_space<vmem>> -> memref<1x128x128xbf16, #tpu.memory_space<vmem>>
        %dma_start3A_470 = tpu.memref_squeeze %dma_start3A_469 : memref<1x128x128xbf16, #tpu.memory_space<vmem>> -> memref<128x128xbf16, #tpu.memory_space<vmem>>
        %dma_start3A_471 = tpu.memref_slice %arg8[%mul3A_465] : memref<10240xi32, #tpu.memory_space<vmem>> -> memref<128xi32, #tpu.memory_space<vmem>>
        %dma_start3A_472 = arith.constant 0 : i32
        %dma_start3A_473 = arith.constant 0 : i32
        %dma_start3A_474 = tpu.memref_slice %arg2[%dma_start3A_472, %dma_start3A_473] : memref<20000x128xbf16, #tpu.memory_space<hbm>> -> memref<20000x128xbf16, #tpu.memory_space<hbm>>
        tpu.enqueue_indirect_dma source(%dma_start3A_474 : memref<20000x128xbf16, #tpu.memory_space<hbm>>) target(%dma_start3A_470 : memref<128x128xbf16, #tpu.memory_space<vmem>>) offsets(%dma_start3A_471 : memref<128xi32, #tpu.memory_space<vmem>>) semaphore(%arg12 : memref<!tpu.dma_semaphore, #tpu.memory_space<semaphore_mem>>)
      } else {
      }
      %mul3A_342 = arith.constant 8 : i32
      %mul3A_343 = arith.muli %scan3A_147, %mul3A_342 : i32
      %add3A_344 = arith.constant 5 : i32
      %add3A_345 = arith.addi %mul3A_343, %add3A_344 : i32
      %dma_wait3A_346 = arith.constant 5 : i32
      %dma_wait3A_347 = arith.constant 0 : i32
      %dma_wait3A_348 = arith.constant 0 : i32
      %dma_wait3A_349 = tpu.memref_slice %arg10[%dma_wait3A_346, %dma_wait3A_347, %dma_wait3A_348] : memref<8x128x128xbf16, #tpu.memory_space<vmem>> -> memref<1x128x128xbf16, #tpu.memory_space<vmem>>
      %dma_wait3A_350 = tpu.memref_squeeze %dma_wait3A_349 : memref<1x128x128xbf16, #tpu.memory_space<vmem>> -> memref<128x128xbf16, #tpu.memory_space<vmem>>
      %dma_wait3A_351 = arith.constant 0 : i32
      %dma_wait3A_352 = tpu.memref_slice %arg8[%dma_wait3A_351] : memref<10240xi32, #tpu.memory_space<vmem>> -> memref<128xi32, #tpu.memory_space<vmem>>
      %dma_wait3A_353 = arith.constant 0 : i32
      %dma_wait3A_354 = arith.constant 0 : i32
      %dma_wait3A_355 = tpu.memref_slice %arg2[%dma_wait3A_353, %dma_wait3A_354] : memref<20000x128xbf16, #tpu.memory_space<hbm>> -> memref<20000x128xbf16, #tpu.memory_space<hbm>>
      tpu.wait_indirect_dma semaphore(%arg12 : memref<!tpu.dma_semaphore, #tpu.memory_space<semaphore_mem>>) src(%dma_wait3A_355 : memref<20000x128xbf16, #tpu.memory_space<hbm>>) dst(%dma_wait3A_350 : memref<128x128xbf16, #tpu.memory_space<vmem>>)
      %dma_start3A_356 = arith.constant 5 : i32
      %dma_start3A_357 = arith.constant 0 : i32
      %dma_start3A_358 = arith.constant 0 : i32
      %dma_start3A_359 = tpu.memref_slice %arg10[%dma_start3A_356, %dma_start3A_357, %dma_start3A_358] : memref<8x128x128xbf16, #tpu.memory_space<vmem>> -> memref<1x128x128xbf16, #tpu.memory_space<vmem>>
      %dma_start3A_360 = tpu.memref_squeeze %dma_start3A_359 : memref<1x128x128xbf16, #tpu.memory_space<vmem>> -> memref<128x128xbf16, #tpu.memory_space<vmem>>
      %dma_start3A_361 = arith.constant 0 : i32
      %dma_start3A_362 = tpu.memref_slice %arg9[%add3A_345, %dma_start3A_361] : memref<80x128xi32, #tpu.memory_space<vmem>> -> memref<1x128xi32, #tpu.memory_space<vmem>>
      %dma_start3A_363 = tpu.memref_squeeze %dma_start3A_362 : memref<1x128xi32, #tpu.memory_space<vmem>> -> memref<128xi32, #tpu.memory_space<vmem>>
      %dma_start3A_364 = arith.constant 0 : i32
      %dma_start3A_365 = arith.constant 0 : i32
      %dma_start3A_366 = tpu.memref_slice %arg11[%dma_start3A_364, %dma_start3A_365] : memref<10016x128xbf16, #tpu.memory_space<vmem_shared>> -> memref<10016x128xbf16, #tpu.memory_space<vmem_shared>>
      tpu.enqueue_indirect_dma source(%dma_start3A_360 : memref<128x128xbf16, #tpu.memory_space<vmem>>) target(%dma_start3A_366 : memref<10016x128xbf16, #tpu.memory_space<vmem_shared>>) offsets(%dma_start3A_363 : memref<128xi32, #tpu.memory_space<vmem>>) semaphore(%arg18 : memref<!tpu.dma_semaphore, #tpu.memory_space<semaphore_mem>>) {add = true}
      %gt3A_367 = arith.constant 0 : i32
      %gt3A_368 = arith.cmpi sgt, %add3A_345, %gt3A_367 : i32
      %convert_element_type3A_369 = arith.extui %gt3A_368 : i1 to i32
      %cond3A_370 = arith.constant 0 : i32
      %cond3A_371 = arith.cmpi ne, %convert_element_type3A_369, %cond3A_370 : i32
      scf.if %cond3A_371 {
        %dma_wait3A_460 = arith.constant 4 : i32
        %dma_wait3A_461 = arith.constant 0 : i32
        %dma_wait3A_462 = arith.constant 0 : i32
        %dma_wait3A_463 = arith.constant 0 : i32
        %dma_wait3A_464 = tpu.memref_slice %arg10[%dma_wait3A_460, %dma_wait3A_462, %dma_wait3A_463] : memref<8x128x128xbf16, #tpu.memory_space<vmem>> -> memref<1x128x128xbf16, #tpu.memory_space<vmem>>
        %dma_wait3A_465 = tpu.memref_squeeze %dma_wait3A_464 : memref<1x128x128xbf16, #tpu.memory_space<vmem>> -> memref<128x128xbf16, #tpu.memory_space<vmem>>
        %dma_wait3A_466 = arith.constant 0 : i32
        %dma_wait3A_467 = tpu.memref_slice %arg9[%dma_wait3A_461, %dma_wait3A_466] : memref<80x128xi32, #tpu.memory_space<vmem>> -> memref<1x128xi32, #tpu.memory_space<vmem>>
        %dma_wait3A_468 = tpu.memref_squeeze %dma_wait3A_467 : memref<1x128xi32, #tpu.memory_space<vmem>> -> memref<128xi32, #tpu.memory_space<vmem>>
        %dma_wait3A_469 = arith.constant 0 : i32
        %dma_wait3A_470 = arith.constant 0 : i32
        %dma_wait3A_471 = tpu.memref_slice %arg11[%dma_wait3A_469, %dma_wait3A_470] : memref<10016x128xbf16, #tpu.memory_space<vmem_shared>> -> memref<10016x128xbf16, #tpu.memory_space<vmem_shared>>
        tpu.wait_indirect_dma semaphore(%arg17 : memref<!tpu.dma_semaphore, #tpu.memory_space<semaphore_mem>>) src(%dma_wait3A_465 : memref<128x128xbf16, #tpu.memory_space<vmem>>) dst(%dma_wait3A_471 : memref<10016x128xbf16, #tpu.memory_space<vmem_shared>>)
      } else {
      }
      %add3A_372 = arith.constant 8 : i32
      %add3A_373 = arith.addi %add3A_345, %add3A_372 : i32
      %sub3A_374 = arith.constant 1 : i32
      %sub3A_375 = arith.subi %add3A_373, %sub3A_374 : i32
      %lt3A_376 = arith.constant 80 : i32
      %lt3A_377 = arith.cmpi slt, %sub3A_375, %lt3A_376 : i32
      %convert_element_type3A_378 = arith.extui %lt3A_377 : i1 to i32
      %cond3A_379 = arith.constant 0 : i32
      %cond3A_380 = arith.cmpi ne, %convert_element_type3A_378, %cond3A_379 : i32
      scf.if %cond3A_380 {
        %add3A_460 = arith.constant 8 : i32
        %add3A_461 = arith.addi %add3A_345, %add3A_460 : i32
        %sub3A_462 = arith.constant 1 : i32
        %sub3A_463 = arith.subi %add3A_461, %sub3A_462 : i32
        %mul3A_464 = arith.constant 128 : i32
        %mul3A_465 = arith.muli %sub3A_463, %mul3A_464 : i32
        %dma_start3A_466 = arith.constant 4 : i32
        %dma_start3A_467 = arith.constant 0 : i32
        %dma_start3A_468 = arith.constant 0 : i32
        %dma_start3A_469 = tpu.memref_slice %arg10[%dma_start3A_466, %dma_start3A_467, %dma_start3A_468] : memref<8x128x128xbf16, #tpu.memory_space<vmem>> -> memref<1x128x128xbf16, #tpu.memory_space<vmem>>
        %dma_start3A_470 = tpu.memref_squeeze %dma_start3A_469 : memref<1x128x128xbf16, #tpu.memory_space<vmem>> -> memref<128x128xbf16, #tpu.memory_space<vmem>>
        %dma_start3A_471 = tpu.memref_slice %arg8[%mul3A_465] : memref<10240xi32, #tpu.memory_space<vmem>> -> memref<128xi32, #tpu.memory_space<vmem>>
        %dma_start3A_472 = arith.constant 0 : i32
        %dma_start3A_473 = arith.constant 0 : i32
        %dma_start3A_474 = tpu.memref_slice %arg2[%dma_start3A_472, %dma_start3A_473] : memref<20000x128xbf16, #tpu.memory_space<hbm>> -> memref<20000x128xbf16, #tpu.memory_space<hbm>>
        tpu.enqueue_indirect_dma source(%dma_start3A_474 : memref<20000x128xbf16, #tpu.memory_space<hbm>>) target(%dma_start3A_470 : memref<128x128xbf16, #tpu.memory_space<vmem>>) offsets(%dma_start3A_471 : memref<128xi32, #tpu.memory_space<vmem>>) semaphore(%arg12 : memref<!tpu.dma_semaphore, #tpu.memory_space<semaphore_mem>>)
      } else {
      }
      %mul3A_381 = arith.constant 8 : i32
      %mul3A_382 = arith.muli %scan3A_147, %mul3A_381 : i32
      %add3A_383 = arith.constant 6 : i32
      %add3A_384 = arith.addi %mul3A_382, %add3A_383 : i32
      %dma_wait3A_385 = arith.constant 6 : i32
      %dma_wait3A_386 = arith.constant 0 : i32
      %dma_wait3A_387 = arith.constant 0 : i32
      %dma_wait3A_388 = tpu.memref_slice %arg10[%dma_wait3A_385, %dma_wait3A_386, %dma_wait3A_387] : memref<8x128x128xbf16, #tpu.memory_space<vmem>> -> memref<1x128x128xbf16, #tpu.memory_space<vmem>>
      %dma_wait3A_389 = tpu.memref_squeeze %dma_wait3A_388 : memref<1x128x128xbf16, #tpu.memory_space<vmem>> -> memref<128x128xbf16, #tpu.memory_space<vmem>>
      %dma_wait3A_390 = arith.constant 0 : i32
      %dma_wait3A_391 = tpu.memref_slice %arg8[%dma_wait3A_390] : memref<10240xi32, #tpu.memory_space<vmem>> -> memref<128xi32, #tpu.memory_space<vmem>>
      %dma_wait3A_392 = arith.constant 0 : i32
      %dma_wait3A_393 = arith.constant 0 : i32
      %dma_wait3A_394 = tpu.memref_slice %arg2[%dma_wait3A_392, %dma_wait3A_393] : memref<20000x128xbf16, #tpu.memory_space<hbm>> -> memref<20000x128xbf16, #tpu.memory_space<hbm>>
      tpu.wait_indirect_dma semaphore(%arg12 : memref<!tpu.dma_semaphore, #tpu.memory_space<semaphore_mem>>) src(%dma_wait3A_394 : memref<20000x128xbf16, #tpu.memory_space<hbm>>) dst(%dma_wait3A_389 : memref<128x128xbf16, #tpu.memory_space<vmem>>)
      %dma_start3A_395 = arith.constant 6 : i32
      %dma_start3A_396 = arith.constant 0 : i32
      %dma_start3A_397 = arith.constant 0 : i32
      %dma_start3A_398 = tpu.memref_slice %arg10[%dma_start3A_395, %dma_start3A_396, %dma_start3A_397] : memref<8x128x128xbf16, #tpu.memory_space<vmem>> -> memref<1x128x128xbf16, #tpu.memory_space<vmem>>
      %dma_start3A_399 = tpu.memref_squeeze %dma_start3A_398 : memref<1x128x128xbf16, #tpu.memory_space<vmem>> -> memref<128x128xbf16, #tpu.memory_space<vmem>>
      %dma_start3A_400 = arith.constant 0 : i32
      %dma_start3A_401 = tpu.memref_slice %arg9[%add3A_384, %dma_start3A_400] : memref<80x128xi32, #tpu.memory_space<vmem>> -> memref<1x128xi32, #tpu.memory_space<vmem>>
      %dma_start3A_402 = tpu.memref_squeeze %dma_start3A_401 : memref<1x128xi32, #tpu.memory_space<vmem>> -> memref<128xi32, #tpu.memory_space<vmem>>
      %dma_start3A_403 = arith.constant 0 : i32
      %dma_start3A_404 = arith.constant 0 : i32
      %dma_start3A_405 = tpu.memref_slice %arg11[%dma_start3A_403, %dma_start3A_404] : memref<10016x128xbf16, #tpu.memory_space<vmem_shared>> -> memref<10016x128xbf16, #tpu.memory_space<vmem_shared>>
      tpu.enqueue_indirect_dma source(%dma_start3A_399 : memref<128x128xbf16, #tpu.memory_space<vmem>>) target(%dma_start3A_405 : memref<10016x128xbf16, #tpu.memory_space<vmem_shared>>) offsets(%dma_start3A_402 : memref<128xi32, #tpu.memory_space<vmem>>) semaphore(%arg19 : memref<!tpu.dma_semaphore, #tpu.memory_space<semaphore_mem>>) {add = true}
      %gt3A_406 = arith.constant 0 : i32
      %gt3A_407 = arith.cmpi sgt, %add3A_384, %gt3A_406 : i32
      %convert_element_type3A_408 = arith.extui %gt3A_407 : i1 to i32
      %cond3A_409 = arith.constant 0 : i32
      %cond3A_410 = arith.cmpi ne, %convert_element_type3A_408, %cond3A_409 : i32
      scf.if %cond3A_410 {
        %dma_wait3A_460 = arith.constant 5 : i32
        %dma_wait3A_461 = arith.constant 0 : i32
        %dma_wait3A_462 = arith.constant 0 : i32
        %dma_wait3A_463 = arith.constant 0 : i32
        %dma_wait3A_464 = tpu.memref_slice %arg10[%dma_wait3A_460, %dma_wait3A_462, %dma_wait3A_463] : memref<8x128x128xbf16, #tpu.memory_space<vmem>> -> memref<1x128x128xbf16, #tpu.memory_space<vmem>>
        %dma_wait3A_465 = tpu.memref_squeeze %dma_wait3A_464 : memref<1x128x128xbf16, #tpu.memory_space<vmem>> -> memref<128x128xbf16, #tpu.memory_space<vmem>>
        %dma_wait3A_466 = arith.constant 0 : i32
        %dma_wait3A_467 = tpu.memref_slice %arg9[%dma_wait3A_461, %dma_wait3A_466] : memref<80x128xi32, #tpu.memory_space<vmem>> -> memref<1x128xi32, #tpu.memory_space<vmem>>
        %dma_wait3A_468 = tpu.memref_squeeze %dma_wait3A_467 : memref<1x128xi32, #tpu.memory_space<vmem>> -> memref<128xi32, #tpu.memory_space<vmem>>
        %dma_wait3A_469 = arith.constant 0 : i32
        %dma_wait3A_470 = arith.constant 0 : i32
        %dma_wait3A_471 = tpu.memref_slice %arg11[%dma_wait3A_469, %dma_wait3A_470] : memref<10016x128xbf16, #tpu.memory_space<vmem_shared>> -> memref<10016x128xbf16, #tpu.memory_space<vmem_shared>>
        tpu.wait_indirect_dma semaphore(%arg18 : memref<!tpu.dma_semaphore, #tpu.memory_space<semaphore_mem>>) src(%dma_wait3A_465 : memref<128x128xbf16, #tpu.memory_space<vmem>>) dst(%dma_wait3A_471 : memref<10016x128xbf16, #tpu.memory_space<vmem_shared>>)
      } else {
      }
      %add3A_411 = arith.constant 8 : i32
      %add3A_412 = arith.addi %add3A_384, %add3A_411 : i32
      %sub3A_413 = arith.constant 1 : i32
      %sub3A_414 = arith.subi %add3A_412, %sub3A_413 : i32
      %lt3A_415 = arith.constant 80 : i32
      %lt3A_416 = arith.cmpi slt, %sub3A_414, %lt3A_415 : i32
      %convert_element_type3A_417 = arith.extui %lt3A_416 : i1 to i32
      %cond3A_418 = arith.constant 0 : i32
      %cond3A_419 = arith.cmpi ne, %convert_element_type3A_417, %cond3A_418 : i32
      scf.if %cond3A_419 {
        %add3A_460 = arith.constant 8 : i32
        %add3A_461 = arith.addi %add3A_384, %add3A_460 : i32
        %sub3A_462 = arith.constant 1 : i32
        %sub3A_463 = arith.subi %add3A_461, %sub3A_462 : i32
        %mul3A_464 = arith.constant 128 : i32
        %mul3A_465 = arith.muli %sub3A_463, %mul3A_464 : i32
        %dma_start3A_466 = arith.constant 5 : i32
        %dma_start3A_467 = arith.constant 0 : i32
        %dma_start3A_468 = arith.constant 0 : i32
        %dma_start3A_469 = tpu.memref_slice %arg10[%dma_start3A_466, %dma_start3A_467, %dma_start3A_468] : memref<8x128x128xbf16, #tpu.memory_space<vmem>> -> memref<1x128x128xbf16, #tpu.memory_space<vmem>>
        %dma_start3A_470 = tpu.memref_squeeze %dma_start3A_469 : memref<1x128x128xbf16, #tpu.memory_space<vmem>> -> memref<128x128xbf16, #tpu.memory_space<vmem>>
        %dma_start3A_471 = tpu.memref_slice %arg8[%mul3A_465] : memref<10240xi32, #tpu.memory_space<vmem>> -> memref<128xi32, #tpu.memory_space<vmem>>
        %dma_start3A_472 = arith.constant 0 : i32
        %dma_start3A_473 = arith.constant 0 : i32
        %dma_start3A_474 = tpu.memref_slice %arg2[%dma_start3A_472, %dma_start3A_473] : memref<20000x128xbf16, #tpu.memory_space<hbm>> -> memref<20000x128xbf16, #tpu.memory_space<hbm>>
        tpu.enqueue_indirect_dma source(%dma_start3A_474 : memref<20000x128xbf16, #tpu.memory_space<hbm>>) target(%dma_start3A_470 : memref<128x128xbf16, #tpu.memory_space<vmem>>) offsets(%dma_start3A_471 : memref<128xi32, #tpu.memory_space<vmem>>) semaphore(%arg12 : memref<!tpu.dma_semaphore, #tpu.memory_space<semaphore_mem>>)
      } else {
      }
      %mul3A_420 = arith.constant 8 : i32
      %mul3A_421 = arith.muli %scan3A_147, %mul3A_420 : i32
      %add3A_422 = arith.constant 7 : i32
      %add3A_423 = arith.addi %mul3A_421, %add3A_422 : i32
      %dma_wait3A_424 = arith.constant 7 : i32
      %dma_wait3A_425 = arith.constant 0 : i32
      %dma_wait3A_426 = arith.constant 0 : i32
      %dma_wait3A_427 = tpu.memref_slice %arg10[%dma_wait3A_424, %dma_wait3A_425, %dma_wait3A_426] : memref<8x128x128xbf16, #tpu.memory_space<vmem>> -> memref<1x128x128xbf16, #tpu.memory_space<vmem>>
      %dma_wait3A_428 = tpu.memref_squeeze %dma_wait3A_427 : memref<1x128x128xbf16, #tpu.memory_space<vmem>> -> memref<128x128xbf16, #tpu.memory_space<vmem>>
      %dma_wait3A_429 = arith.constant 0 : i32
      %dma_wait3A_430 = tpu.memref_slice %arg8[%dma_wait3A_429] : memref<10240xi32, #tpu.memory_space<vmem>> -> memref<128xi32, #tpu.memory_space<vmem>>
      %dma_wait3A_431 = arith.constant 0 : i32
      %dma_wait3A_432 = arith.constant 0 : i32
      %dma_wait3A_433 = tpu.memref_slice %arg2[%dma_wait3A_431, %dma_wait3A_432] : memref<20000x128xbf16, #tpu.memory_space<hbm>> -> memref<20000x128xbf16, #tpu.memory_space<hbm>>
      tpu.wait_indirect_dma semaphore(%arg12 : memref<!tpu.dma_semaphore, #tpu.memory_space<semaphore_mem>>) src(%dma_wait3A_433 : memref<20000x128xbf16, #tpu.memory_space<hbm>>) dst(%dma_wait3A_428 : memref<128x128xbf16, #tpu.memory_space<vmem>>)
      %dma_start3A_434 = arith.constant 7 : i32
      %dma_start3A_435 = arith.constant 0 : i32
      %dma_start3A_436 = arith.constant 0 : i32
      %dma_start3A_437 = tpu.memref_slice %arg10[%dma_start3A_434, %dma_start3A_435, %dma_start3A_436] : memref<8x128x128xbf16, #tpu.memory_space<vmem>> -> memref<1x128x128xbf16, #tpu.memory_space<vmem>>
      %dma_start3A_438 = tpu.memref_squeeze %dma_start3A_437 : memref<1x128x128xbf16, #tpu.memory_space<vmem>> -> memref<128x128xbf16, #tpu.memory_space<vmem>>
      %dma_start3A_439 = arith.constant 0 : i32
      %dma_start3A_440 = tpu.memref_slice %arg9[%add3A_423, %dma_start3A_439] : memref<80x128xi32, #tpu.memory_space<vmem>> -> memref<1x128xi32, #tpu.memory_space<vmem>>
      %dma_start3A_441 = tpu.memref_squeeze %dma_start3A_440 : memref<1x128xi32, #tpu.memory_space<vmem>> -> memref<128xi32, #tpu.memory_space<vmem>>
      %dma_start3A_442 = arith.constant 0 : i32
      %dma_start3A_443 = arith.constant 0 : i32
      %dma_start3A_444 = tpu.memref_slice %arg11[%dma_start3A_442, %dma_start3A_443] : memref<10016x128xbf16, #tpu.memory_space<vmem_shared>> -> memref<10016x128xbf16, #tpu.memory_space<vmem_shared>>
      tpu.enqueue_indirect_dma source(%dma_start3A_438 : memref<128x128xbf16, #tpu.memory_space<vmem>>) target(%dma_start3A_444 : memref<10016x128xbf16, #tpu.memory_space<vmem_shared>>) offsets(%dma_start3A_441 : memref<128xi32, #tpu.memory_space<vmem>>) semaphore(%arg20 : memref<!tpu.dma_semaphore, #tpu.memory_space<semaphore_mem>>) {add = true}
      %gt3A_445 = arith.constant 0 : i32
      %gt3A_446 = arith.cmpi sgt, %add3A_423, %gt3A_445 : i32
      %convert_element_type3A_447 = arith.extui %gt3A_446 : i1 to i32
      %cond3A_448 = arith.constant 0 : i32
      %cond3A_449 = arith.cmpi ne, %convert_element_type3A_447, %cond3A_448 : i32
      scf.if %cond3A_449 {
        %dma_wait3A_460 = arith.constant 6 : i32
        %dma_wait3A_461 = arith.constant 0 : i32
        %dma_wait3A_462 = arith.constant 0 : i32
        %dma_wait3A_463 = arith.constant 0 : i32
        %dma_wait3A_464 = tpu.memref_slice %arg10[%dma_wait3A_460, %dma_wait3A_462, %dma_wait3A_463] : memref<8x128x128xbf16, #tpu.memory_space<vmem>> -> memref<1x128x128xbf16, #tpu.memory_space<vmem>>
        %dma_wait3A_465 = tpu.memref_squeeze %dma_wait3A_464 : memref<1x128x128xbf16, #tpu.memory_space<vmem>> -> memref<128x128xbf16, #tpu.memory_space<vmem>>
        %dma_wait3A_466 = arith.constant 0 : i32
        %dma_wait3A_467 = tpu.memref_slice %arg9[%dma_wait3A_461, %dma_wait3A_466] : memref<80x128xi32, #tpu.memory_space<vmem>> -> memref<1x128xi32, #tpu.memory_space<vmem>>
        %dma_wait3A_468 = tpu.memref_squeeze %dma_wait3A_467 : memref<1x128xi32, #tpu.memory_space<vmem>> -> memref<128xi32, #tpu.memory_space<vmem>>
        %dma_wait3A_469 = arith.constant 0 : i32
        %dma_wait3A_470 = arith.constant 0 : i32
        %dma_wait3A_471 = tpu.memref_slice %arg11[%dma_wait3A_469, %dma_wait3A_470] : memref<10016x128xbf16, #tpu.memory_space<vmem_shared>> -> memref<10016x128xbf16, #tpu.memory_space<vmem_shared>>
        tpu.wait_indirect_dma semaphore(%arg19 : memref<!tpu.dma_semaphore, #tpu.memory_space<semaphore_mem>>) src(%dma_wait3A_465 : memref<128x128xbf16, #tpu.memory_space<vmem>>) dst(%dma_wait3A_471 : memref<10016x128xbf16, #tpu.memory_space<vmem_shared>>)
      } else {
      }
      %add3A_450 = arith.constant 8 : i32
      %add3A_451 = arith.addi %add3A_423, %add3A_450 : i32
      %sub3A_452 = arith.constant 1 : i32
      %sub3A_453 = arith.subi %add3A_451, %sub3A_452 : i32
      %lt3A_454 = arith.constant 80 : i32
      %lt3A_455 = arith.cmpi slt, %sub3A_453, %lt3A_454 : i32
      %convert_element_type3A_456 = arith.extui %lt3A_455 : i1 to i32
      %cond3A_457 = arith.constant 0 : i32
      %cond3A_458 = arith.cmpi ne, %convert_element_type3A_456, %cond3A_457 : i32
      scf.if %cond3A_458 {
        %add3A_460 = arith.constant 8 : i32
        %add3A_461 = arith.addi %add3A_423, %add3A_460 : i32
        %sub3A_462 = arith.constant 1 : i32
        %sub3A_463 = arith.subi %add3A_461, %sub3A_462 : i32
        %mul3A_464 = arith.constant 128 : i32
        %mul3A_465 = arith.muli %sub3A_463, %mul3A_464 : i32
        %dma_start3A_466 = arith.constant 6 : i32
        %dma_start3A_467 = arith.constant 0 : i32
        %dma_start3A_468 = arith.constant 0 : i32
        %dma_start3A_469 = tpu.memref_slice %arg10[%dma_start3A_466, %dma_start3A_467, %dma_start3A_468] : memref<8x128x128xbf16, #tpu.memory_space<vmem>> -> memref<1x128x128xbf16, #tpu.memory_space<vmem>>
        %dma_start3A_470 = tpu.memref_squeeze %dma_start3A_469 : memref<1x128x128xbf16, #tpu.memory_space<vmem>> -> memref<128x128xbf16, #tpu.memory_space<vmem>>
        %dma_start3A_471 = tpu.memref_slice %arg8[%mul3A_465] : memref<10240xi32, #tpu.memory_space<vmem>> -> memref<128xi32, #tpu.memory_space<vmem>>
        %dma_start3A_472 = arith.constant 0 : i32
        %dma_start3A_473 = arith.constant 0 : i32
        %dma_start3A_474 = tpu.memref_slice %arg2[%dma_start3A_472, %dma_start3A_473] : memref<20000x128xbf16, #tpu.memory_space<hbm>> -> memref<20000x128xbf16, #tpu.memory_space<hbm>>
        tpu.enqueue_indirect_dma source(%dma_start3A_474 : memref<20000x128xbf16, #tpu.memory_space<hbm>>) target(%dma_start3A_470 : memref<128x128xbf16, #tpu.memory_space<vmem>>) offsets(%dma_start3A_471 : memref<128xi32, #tpu.memory_space<vmem>>) semaphore(%arg12 : memref<!tpu.dma_semaphore, #tpu.memory_space<semaphore_mem>>)
      } else {
      }
      %scan3A_459 = arith.constant 0 : i32
      scf.yield %scan3A_459 : i32
    }
    %scan3A_94 = arith.constant 10 : i32
    %dma_wait3A = arith.constant 7 : i32
    %dma_wait3A_95 = arith.constant 0 : i32
    %dma_wait3A_96 = arith.constant 0 : i32
    %dma_wait3A_97 = arith.constant 0 : i32
    %dma_wait3A_98 = tpu.memref_slice %arg10[%dma_wait3A, %dma_wait3A_96, %dma_wait3A_97] : memref<8x128x128xbf16, #tpu.memory_space<vmem>> -> memref<1x128x128xbf16, #tpu.memory_space<vmem>>
    %dma_wait3A_99 = tpu.memref_squeeze %dma_wait3A_98 : memref<1x128x128xbf16, #tpu.memory_space<vmem>> -> memref<128x128xbf16, #tpu.memory_space<vmem>>
    %dma_wait3A_100 = arith.constant 0 : i32
    %dma_wait3A_101 = tpu.memref_slice %arg9[%dma_wait3A_95, %dma_wait3A_100] : memref<80x128xi32, #tpu.memory_space<vmem>> -> memref<1x128xi32, #tpu.memory_space<vmem>>
    %dma_wait3A_102 = tpu.memref_squeeze %dma_wait3A_101 : memref<1x128xi32, #tpu.memory_space<vmem>> -> memref<128xi32, #tpu.memory_space<vmem>>
    %dma_wait3A_103 = arith.constant 0 : i32
    %dma_wait3A_104 = arith.constant 0 : i32
    %dma_wait3A_105 = tpu.memref_slice %arg11[%dma_wait3A_103, %dma_wait3A_104] : memref<10016x128xbf16, #tpu.memory_space<vmem_shared>> -> memref<10016x128xbf16, #tpu.memory_space<vmem_shared>>
    tpu.wait_indirect_dma semaphore(%arg20 : memref<!tpu.dma_semaphore, #tpu.memory_space<semaphore_mem>>) src(%dma_wait3A_99 : memref<128x128xbf16, #tpu.memory_space<vmem>>) dst(%dma_wait3A_105 : memref<10016x128xbf16, #tpu.memory_space<vmem_shared>>)
    %barrier3A_106 = arith.constant 0 : index
    tpu.barrier barrier_id(%barrier3A_106)
    %mul3A_107 = arith.constant 1 : i32
    %mul3A_108 = arith.muli %arg0, %mul3A_107 : i32
    %add3A = arith.constant 0 : i32
    %add3A_109 = arith.addi %mul3A_108, %add3A : i32
    %mul3A_110 = arith.constant 10000 : i32
    %mul3A_111 = arith.muli %add3A_109, %mul3A_110 : i32
    %lt3A_112 = arith.constant 15 : i32
    %lt3A_113 = arith.cmpi slt, %arg1, %lt3A_112 : i32
    %convert_element_type3A_114 = arith.extui %lt3A_113 : i1 to i32
    %cond3A_115 = arith.constant 0 : i32
    %cond3A_116 = arith.cmpi ne, %convert_element_type3A_114, %cond3A_115 : i32
    scf.if %cond3A_116 {
      %mul3A_147 = arith.constant 624 : i32
      %mul3A_148 = arith.muli %arg1, %mul3A_147 : i32
      %mul3A_149 = arith.constant 624 : i32
      %mul3A_150 = arith.muli %arg1, %mul3A_149 : i32
      %add3A_151 = arith.addi %mul3A_111, %mul3A_150 : i32
      "tpu.region"() ({
        %run_scoped3A_152 = tpu.sem_alloc : memref<!tpu.dma_semaphore, #tpu.memory_space<semaphore_mem>>
        %dma_start3A_153 = arith.constant 0 : i32
        %dma_start3A_154 = tpu.memref_slice %arg7[%add3A_151, %dma_start3A_153] : memref<30000x128xbf16, #tpu.memory_space<hbm>> -> memref<624x128xbf16, #tpu.memory_space<hbm>>
        %dma_start3A_155 = arith.constant 0 : i32
        %dma_start3A_156 = tpu.memref_slice %arg11[%mul3A_148, %dma_start3A_155] : memref<10016x128xbf16, #tpu.memory_space<vmem_shared>> -> memref<624x128xbf16, #tpu.memory_space<vmem_shared>>
        tpu.enqueue_dma source(%dma_start3A_156 : memref<624x128xbf16, #tpu.memory_space<vmem_shared>>) target(%dma_start3A_154 : memref<624x128xbf16, #tpu.memory_space<hbm>>) target_semaphore(%run_scoped3A_152 : memref<!tpu.dma_semaphore, #tpu.memory_space<semaphore_mem>>)
        %dma_wait3A_157 = arith.constant 0 : i32
        %dma_wait3A_158 = tpu.memref_slice %arg7[%add3A_151, %dma_wait3A_157] : memref<30000x128xbf16, #tpu.memory_space<hbm>> -> memref<624x128xbf16, #tpu.memory_space<hbm>>
        %dma_wait3A_159 = arith.constant 0 : i32
        %dma_wait3A_160 = tpu.memref_slice %arg11[%mul3A_148, %dma_wait3A_159] : memref<10016x128xbf16, #tpu.memory_space<vmem_shared>> -> memref<624x128xbf16, #tpu.memory_space<vmem_shared>>
        tpu.wait_dma2 semaphore(%run_scoped3A_152 : memref<!tpu.dma_semaphore, #tpu.memory_space<semaphore_mem>>) src(%dma_wait3A_160 : memref<624x128xbf16, #tpu.memory_space<vmem_shared>>) dst(%dma_wait3A_158 : memref<624x128xbf16, #tpu.memory_space<hbm>>)
        tpu.yield
      }) : () -> ()
    } else {
    }
    %eq3A_117 = arith.constant 15 : i32
    %eq3A_118 = arith.cmpi eq, %arg1, %eq3A_117 : i32
    %convert_element_type3A_119 = arith.extui %eq3A_118 : i1 to i32
    %cond3A_120 = arith.constant 0 : i32
    %cond3A_121 = arith.cmpi ne, %convert_element_type3A_119, %cond3A_120 : i32
    scf.if %cond3A_121 {
      %add3A_147 = arith.constant 9360 : i32
      %add3A_148 = arith.addi %mul3A_111, %add3A_147 : i32
      "tpu.region"() ({
        %run_scoped3A_149 = tpu.sem_alloc : memref<!tpu.dma_semaphore, #tpu.memory_space<semaphore_mem>>
        %dma_start3A_150 = arith.constant 0 : i32
        %dma_start3A_151 = tpu.memref_slice %arg7[%add3A_148, %dma_start3A_150] : memref<30000x128xbf16, #tpu.memory_space<hbm>> -> memref<640x128xbf16, #tpu.memory_space<hbm>>
        %dma_start3A_152 = arith.constant 9360 : i32
        %dma_start3A_153 = arith.constant 0 : i32
        %dma_start3A_154 = tpu.memref_slice %arg11[%dma_start3A_152, %dma_start3A_153] : memref<10016x128xbf16, #tpu.memory_space<vmem_shared>> -> memref<640x128xbf16, #tpu.memory_space<vmem_shared>>
        tpu.enqueue_dma source(%dma_start3A_154 : memref<640x128xbf16, #tpu.memory_space<vmem_shared>>) target(%dma_start3A_151 : memref<640x128xbf16, #tpu.memory_space<hbm>>) target_semaphore(%run_scoped3A_149 : memref<!tpu.dma_semaphore, #tpu.memory_space<semaphore_mem>>)
        %dma_wait3A_155 = arith.constant 0 : i32
        %dma_wait3A_156 = tpu.memref_slice %arg7[%add3A_148, %dma_wait3A_155] : memref<30000x128xbf16, #tpu.memory_space<hbm>> -> memref<640x128xbf16, #tpu.memory_space<hbm>>
        %dma_wait3A_157 = arith.constant 9360 : i32
        %dma_wait3A_158 = arith.constant 0 : i32
        %dma_wait3A_159 = tpu.memref_slice %arg11[%dma_wait3A_157, %dma_wait3A_158] : memref<10016x128xbf16, #tpu.memory_space<vmem_shared>> -> memref<640x128xbf16, #tpu.memory_space<vmem_shared>>
        tpu.wait_dma2 semaphore(%run_scoped3A_149 : memref<!tpu.dma_semaphore, #tpu.memory_space<semaphore_mem>>) src(%dma_wait3A_159 : memref<640x128xbf16, #tpu.memory_space<vmem_shared>>) dst(%dma_wait3A_156 : memref<640x128xbf16, #tpu.memory_space<hbm>>)
        tpu.yield
      }) : () -> ()
    } else {
    }
    %barrier3A_122 = arith.constant 0 : index
    tpu.barrier barrier_id(%barrier3A_122)
    %run_scoped3A = arith.constant 0 : i32
    "tpu.region"() ({
      %run_scoped3A_147 = tpu.sem_alloc : memref<!tpu.dma_semaphore, #tpu.memory_space<semaphore_mem>>
      %dma_start3A_148 = arith.constant 0 : i32
      %dma_start3A_149 = arith.constant 0 : i32
      %dma_start3A_150 = tpu.memref_slice %arg10[%run_scoped3A, %dma_start3A_148, %dma_start3A_149] : memref<8x128x128xbf16, #tpu.memory_space<vmem>> -> memref<1x128x128xbf16, #tpu.memory_space<vmem>>
      %dma_start3A_151 = tpu.memref_squeeze %dma_start3A_150 : memref<1x128x128xbf16, #tpu.memory_space<vmem>> -> memref<128x128xbf16, #tpu.memory_space<vmem>>
      %dma_start3A_152 = arith.constant 0 : i32
      %dma_start3A_153 = arith.constant 0 : i32
      %dma_start3A_154 = tpu.memref_slice %arg10[%run_scoped3A, %dma_start3A_152, %dma_start3A_153] : memref<8x128x128xbf16, #tpu.memory_space<vmem>> -> memref<1x128x128xbf16, #tpu.memory_space<vmem>>
      %dma_start3A_155 = tpu.memref_squeeze %dma_start3A_154 : memref<1x128x128xbf16, #tpu.memory_space<vmem>> -> memref<128x128xbf16, #tpu.memory_space<vmem>>
      tpu.enqueue_dma source(%arg6 : memref<128x128xbf16, #tpu.memory_space<hbm>>) target(%dma_start3A_155 : memref<128x128xbf16, #tpu.memory_space<vmem>>) target_semaphore(%run_scoped3A_147 : memref<!tpu.dma_semaphore, #tpu.memory_space<semaphore_mem>>)
      %dma_wait3A_156 = arith.constant 0 : i32
      %dma_wait3A_157 = arith.constant 0 : i32
      %dma_wait3A_158 = tpu.memref_slice %arg10[%run_scoped3A, %dma_wait3A_156, %dma_wait3A_157] : memref<8x128x128xbf16, #tpu.memory_space<vmem>> -> memref<1x128x128xbf16, #tpu.memory_space<vmem>>
      %dma_wait3A_159 = tpu.memref_squeeze %dma_wait3A_158 : memref<1x128x128xbf16, #tpu.memory_space<vmem>> -> memref<128x128xbf16, #tpu.memory_space<vmem>>
      %dma_wait3A_160 = arith.constant 0 : i32
      %dma_wait3A_161 = arith.constant 0 : i32
      %dma_wait3A_162 = tpu.memref_slice %arg10[%run_scoped3A, %dma_wait3A_160, %dma_wait3A_161] : memref<8x128x128xbf16, #tpu.memory_space<vmem>> -> memref<1x128x128xbf16, #tpu.memory_space<vmem>>
      %dma_wait3A_163 = tpu.memref_squeeze %dma_wait3A_162 : memref<1x128x128xbf16, #tpu.memory_space<vmem>> -> memref<128x128xbf16, #tpu.memory_space<vmem>>
      tpu.wait_dma2 semaphore(%run_scoped3A_147 : memref<!tpu.dma_semaphore, #tpu.memory_space<semaphore_mem>>) src(%arg6 : memref<128x128xbf16, #tpu.memory_space<hbm>>) dst(%dma_wait3A_163 : memref<128x128xbf16, #tpu.memory_space<vmem>>)
      tpu.yield
    }) : () -> ()
    %lt3A_123 = arith.constant 15 : i32
    %lt3A_124 = arith.cmpi slt, %arg1, %lt3A_123 : i32
    %convert_element_type3A_125 = arith.extui %lt3A_124 : i1 to i32
    %cond3A_126 = arith.constant 0 : i32
    %cond3A_127 = arith.cmpi ne, %convert_element_type3A_125, %cond3A_126 : i32
    scf.if %cond3A_127 {
      %mul3A_147 = arith.constant 624 : i32
      %mul3A_148 = arith.muli %arg1, %mul3A_147 : i32
      "tpu.region"() ({
        %run_scoped3A_149 = tpu.sem_alloc : memref<!tpu.dma_semaphore, #tpu.memory_space<semaphore_mem>>
        %dma_start3A_150 = arith.constant 0 : i32
        %dma_start3A_151 = tpu.memref_slice %arg11[%mul3A_148, %dma_start3A_150] : memref<10016x128xbf16, #tpu.memory_space<vmem_shared>> -> memref<624x128xbf16, #tpu.memory_space<vmem_shared>>
        %dma_start3A_152 = arith.constant 0 : i32
        %dma_start3A_153 = arith.constant 0 : i32
        %dma_start3A_154 = tpu.memref_slice %arg5[%dma_start3A_152, %dma_start3A_153] : memref<656x128xbf16, #tpu.memory_space<hbm>> -> memref<624x128xbf16, #tpu.memory_space<hbm>>
        tpu.enqueue_dma source(%dma_start3A_154 : memref<624x128xbf16, #tpu.memory_space<hbm>>) target(%dma_start3A_151 : memref<624x128xbf16, #tpu.memory_space<vmem_shared>>) target_semaphore(%run_scoped3A_149 : memref<!tpu.dma_semaphore, #tpu.memory_space<semaphore_mem>>)
        %dma_wait3A_155 = arith.constant 0 : i32
        %dma_wait3A_156 = tpu.memref_slice %arg11[%mul3A_148, %dma_wait3A_155] : memref<10016x128xbf16, #tpu.memory_space<vmem_shared>> -> memref<624x128xbf16, #tpu.memory_space<vmem_shared>>
        %dma_wait3A_157 = arith.constant 0 : i32
        %dma_wait3A_158 = arith.constant 0 : i32
        %dma_wait3A_159 = tpu.memref_slice %arg5[%dma_wait3A_157, %dma_wait3A_158] : memref<656x128xbf16, #tpu.memory_space<hbm>> -> memref<624x128xbf16, #tpu.memory_space<hbm>>
        tpu.wait_dma2 semaphore(%run_scoped3A_149 : memref<!tpu.dma_semaphore, #tpu.memory_space<semaphore_mem>>) src(%dma_wait3A_159 : memref<624x128xbf16, #tpu.memory_space<hbm>>) dst(%dma_wait3A_156 : memref<624x128xbf16, #tpu.memory_space<vmem_shared>>)
        tpu.yield
      }) : () -> ()
    } else {
    }
    %eq3A_128 = arith.constant 15 : i32
    %eq3A_129 = arith.cmpi eq, %arg1, %eq3A_128 : i32
    %convert_element_type3A_130 = arith.extui %eq3A_129 : i1 to i32
    %cond3A_131 = arith.constant 0 : i32
    %cond3A_132 = arith.cmpi ne, %convert_element_type3A_130, %cond3A_131 : i32
    scf.if %cond3A_132 {
      "tpu.region"() ({
        %run_scoped3A_147 = tpu.sem_alloc : memref<!tpu.dma_semaphore, #tpu.memory_space<semaphore_mem>>
        %dma_start3A_148 = arith.constant 9360 : i32
        %dma_start3A_149 = arith.constant 0 : i32
        %dma_start3A_150 = tpu.memref_slice %arg11[%dma_start3A_148, %dma_start3A_149] : memref<10016x128xbf16, #tpu.memory_space<vmem_shared>> -> memref<656x128xbf16, #tpu.memory_space<vmem_shared>>
        tpu.enqueue_dma source(%arg5 : memref<656x128xbf16, #tpu.memory_space<hbm>>) target(%dma_start3A_150 : memref<656x128xbf16, #tpu.memory_space<vmem_shared>>) target_semaphore(%run_scoped3A_147 : memref<!tpu.dma_semaphore, #tpu.memory_space<semaphore_mem>>)
        %dma_wait3A_151 = arith.constant 9360 : i32
        %dma_wait3A_152 = arith.constant 0 : i32
        %dma_wait3A_153 = tpu.memref_slice %arg11[%dma_wait3A_151, %dma_wait3A_152] : memref<10016x128xbf16, #tpu.memory_space<vmem_shared>> -> memref<656x128xbf16, #tpu.memory_space<vmem_shared>>
        tpu.wait_dma2 semaphore(%run_scoped3A_147 : memref<!tpu.dma_semaphore, #tpu.memory_space<semaphore_mem>>) src(%arg5 : memref<656x128xbf16, #tpu.memory_space<hbm>>) dst(%dma_wait3A_153 : memref<656x128xbf16, #tpu.memory_space<vmem_shared>>)
        tpu.yield
      }) : () -> ()
    } else {
    }
    %barrier3A_133 = arith.constant 0 : index
    tpu.barrier barrier_id(%barrier3A_133)
    %scan3A_134 = arith.constant 0 : i32
    %scan3A_135 = arith.constant 0 : i32
    %scan3A_136 = arith.constant 80 : i32
    %scan3A_137 = arith.addi %scan3A_135, %scan3A_136 : i32
    %scan3A_138 = arith.constant 1 : i32
    %scan3A_139 = scf.for %scan3A_147 = %scan3A_135 to %scan3A_137 step %scan3A_138 iter_args(%scan3A_148 = %scan3A_134) -> (i32)  : i32 {
      %run_scoped3A_149 = arith.constant 0 : i32
      "tpu.region"() ({
        %run_scoped3A_151 = tpu.sem_alloc : memref<!tpu.dma_semaphore, #tpu.memory_space<semaphore_mem>>
        %dma_start3A_152 = arith.constant 0 : i32
        %dma_start3A_153 = arith.constant 0 : i32
        %dma_start3A_154 = tpu.memref_slice %arg10[%run_scoped3A_149, %dma_start3A_152, %dma_start3A_153] : memref<8x128x128xbf16, #tpu.memory_space<vmem>> -> memref<1x128x128xbf16, #tpu.memory_space<vmem>>
        %dma_start3A_155 = tpu.memref_squeeze %dma_start3A_154 : memref<1x128x128xbf16, #tpu.memory_space<vmem>> -> memref<128x128xbf16, #tpu.memory_space<vmem>>
        %dma_start3A_156 = arith.constant 0 : i32
        %dma_start3A_157 = tpu.memref_slice %arg9[%scan3A_147, %dma_start3A_156] : memref<80x128xi32, #tpu.memory_space<vmem>> -> memref<1x128xi32, #tpu.memory_space<vmem>>
        %dma_start3A_158 = tpu.memref_squeeze %dma_start3A_157 : memref<1x128xi32, #tpu.memory_space<vmem>> -> memref<128xi32, #tpu.memory_space<vmem>>
        %dma_start3A_159 = arith.constant 0 : i32
        %dma_start3A_160 = arith.constant 0 : i32
        %dma_start3A_161 = tpu.memref_slice %arg11[%dma_start3A_159, %dma_start3A_160] : memref<10016x128xbf16, #tpu.memory_space<vmem_shared>> -> memref<10016x128xbf16, #tpu.memory_space<vmem_shared>>
        tpu.enqueue_indirect_dma source(%dma_start3A_155 : memref<128x128xbf16, #tpu.memory_space<vmem>>) target(%dma_start3A_161 : memref<10016x128xbf16, #tpu.memory_space<vmem_shared>>) offsets(%dma_start3A_158 : memref<128xi32, #tpu.memory_space<vmem>>) semaphore(%run_scoped3A_151 : memref<!tpu.dma_semaphore, #tpu.memory_space<semaphore_mem>>) {add = true}
        %dma_wait3A_162 = arith.constant 0 : i32
        %dma_wait3A_163 = arith.constant 0 : i32
        %dma_wait3A_164 = tpu.memref_slice %arg10[%run_scoped3A_149, %dma_wait3A_162, %dma_wait3A_163] : memref<8x128x128xbf16, #tpu.memory_space<vmem>> -> memref<1x128x128xbf16, #tpu.memory_space<vmem>>
        %dma_wait3A_165 = tpu.memref_squeeze %dma_wait3A_164 : memref<1x128x128xbf16, #tpu.memory_space<vmem>> -> memref<128x128xbf16, #tpu.memory_space<vmem>>
        %dma_wait3A_166 = arith.constant 0 : i32
        %dma_wait3A_167 = tpu.memref_slice %arg9[%scan3A_147, %dma_wait3A_166] : memref<80x128xi32, #tpu.memory_space<vmem>> -> memref<1x128xi32, #tpu.memory_space<vmem>>
        %dma_wait3A_168 = tpu.memref_squeeze %dma_wait3A_167 : memref<1x128xi32, #tpu.memory_space<vmem>> -> memref<128xi32, #tpu.memory_space<vmem>>
        %dma_wait3A_169 = arith.constant 0 : i32
        %dma_wait3A_170 = arith.constant 0 : i32
        %dma_wait3A_171 = tpu.memref_slice %arg11[%dma_wait3A_169, %dma_wait3A_170] : memref<10016x128xbf16, #tpu.memory_space<vmem_shared>> -> memref<10016x128xbf16, #tpu.memory_space<vmem_shared>>
        tpu.wait_indirect_dma semaphore(%run_scoped3A_151 : memref<!tpu.dma_semaphore, #tpu.memory_space<semaphore_mem>>) src(%dma_wait3A_165 : memref<128x128xbf16, #tpu.memory_space<vmem>>) dst(%dma_wait3A_171 : memref<10016x128xbf16, #tpu.memory_space<vmem_shared>>)
        tpu.yield
      }) : () -> ()
      %scan3A_150 = arith.constant 0 : i32
      scf.yield %scan3A_150 : i32
    }
    %scan3A_140 = arith.constant 80 : i32
    %barrier3A_141 = arith.constant 0 : index
    tpu.barrier barrier_id(%barrier3A_141)
    %eq3A_142 = arith.constant 0 : i32
    %eq3A_143 = arith.cmpi eq, %arg0, %eq3A_142 : i32
    %convert_element_type3A_144 = arith.extui %eq3A_143 : i1 to i32
    %cond3A_145 = arith.constant 0 : i32
    %cond3A_146 = arith.cmpi ne, %convert_element_type3A_144, %cond3A_145 : i32
    scf.if %cond3A_146 {
      %lt3A_147 = arith.constant 15 : i32
      %lt3A_148 = arith.cmpi slt, %arg1, %lt3A_147 : i32
      %convert_element_type3A_149 = arith.extui %lt3A_148 : i1 to i32
      %cond3A_150 = arith.constant 0 : i32
      %cond3A_151 = arith.cmpi ne, %convert_element_type3A_149, %cond3A_150 : i32
      scf.if %cond3A_151 {
        %mul3A_157 = arith.constant 624 : i32
        %mul3A_158 = arith.muli %arg1, %mul3A_157 : i32
        %mul3A_159 = arith.constant 624 : i32
        %mul3A_160 = arith.muli %arg1, %mul3A_159 : i32
        %add3A_161 = arith.constant 20000 : i32
        %add3A_162 = arith.addi %add3A_161, %mul3A_160 : i32
        "tpu.region"() ({
          %run_scoped3A_163 = tpu.sem_alloc : memref<!tpu.dma_semaphore, #tpu.memory_space<semaphore_mem>>
          %dma_start3A_164 = arith.constant 0 : i32
          %dma_start3A_165 = tpu.memref_slice %arg7[%add3A_162, %dma_start3A_164] : memref<30000x128xbf16, #tpu.memory_space<hbm>> -> memref<624x128xbf16, #tpu.memory_space<hbm>>
          %dma_start3A_166 = arith.constant 0 : i32
          %dma_start3A_167 = tpu.memref_slice %arg11[%mul3A_158, %dma_start3A_166] : memref<10016x128xbf16, #tpu.memory_space<vmem_shared>> -> memref<624x128xbf16, #tpu.memory_space<vmem_shared>>
          tpu.enqueue_dma source(%dma_start3A_167 : memref<624x128xbf16, #tpu.memory_space<vmem_shared>>) target(%dma_start3A_165 : memref<624x128xbf16, #tpu.memory_space<hbm>>) target_semaphore(%run_scoped3A_163 : memref<!tpu.dma_semaphore, #tpu.memory_space<semaphore_mem>>)
          %dma_wait3A_168 = arith.constant 0 : i32
          %dma_wait3A_169 = tpu.memref_slice %arg7[%add3A_162, %dma_wait3A_168] : memref<30000x128xbf16, #tpu.memory_space<hbm>> -> memref<624x128xbf16, #tpu.memory_space<hbm>>
          %dma_wait3A_170 = arith.constant 0 : i32
          %dma_wait3A_171 = tpu.memref_slice %arg11[%mul3A_158, %dma_wait3A_170] : memref<10016x128xbf16, #tpu.memory_space<vmem_shared>> -> memref<624x128xbf16, #tpu.memory_space<vmem_shared>>
          tpu.wait_dma2 semaphore(%run_scoped3A_163 : memref<!tpu.dma_semaphore, #tpu.memory_space<semaphore_mem>>) src(%dma_wait3A_171 : memref<624x128xbf16, #tpu.memory_space<vmem_shared>>) dst(%dma_wait3A_169 : memref<624x128xbf16, #tpu.memory_space<hbm>>)
          tpu.yield
        }) : () -> ()
      } else {
      }
      %eq3A_152 = arith.constant 15 : i32
      %eq3A_153 = arith.cmpi eq, %arg1, %eq3A_152 : i32
      %convert_element_type3A_154 = arith.extui %eq3A_153 : i1 to i32
      %cond3A_155 = arith.constant 0 : i32
      %cond3A_156 = arith.cmpi ne, %convert_element_type3A_154, %cond3A_155 : i32
      scf.if %cond3A_156 {
        "tpu.region"() ({
          %run_scoped3A_157 = tpu.sem_alloc : memref<!tpu.dma_semaphore, #tpu.memory_space<semaphore_mem>>
          %dma_start3A_158 = arith.constant 29360 : i32
          %dma_start3A_159 = arith.constant 0 : i32
          %dma_start3A_160 = tpu.memref_slice %arg7[%dma_start3A_158, %dma_start3A_159] : memref<30000x128xbf16, #tpu.memory_space<hbm>> -> memref<640x128xbf16, #tpu.memory_space<hbm>>
          %dma_start3A_161 = arith.constant 9360 : i32
          %dma_start3A_162 = arith.constant 0 : i32
          %dma_start3A_163 = tpu.memref_slice %arg11[%dma_start3A_161, %dma_start3A_162] : memref<10016x128xbf16, #tpu.memory_space<vmem_shared>> -> memref<640x128xbf16, #tpu.memory_space<vmem_shared>>
          tpu.enqueue_dma source(%dma_start3A_163 : memref<640x128xbf16, #tpu.memory_space<vmem_shared>>) target(%dma_start3A_160 : memref<640x128xbf16, #tpu.memory_space<hbm>>) target_semaphore(%run_scoped3A_157 : memref<!tpu.dma_semaphore, #tpu.memory_space<semaphore_mem>>)
          %dma_wait3A_164 = arith.constant 29360 : i32
          %dma_wait3A_165 = arith.constant 0 : i32
          %dma_wait3A_166 = tpu.memref_slice %arg7[%dma_wait3A_164, %dma_wait3A_165] : memref<30000x128xbf16, #tpu.memory_space<hbm>> -> memref<640x128xbf16, #tpu.memory_space<hbm>>
          %dma_wait3A_167 = arith.constant 9360 : i32
          %dma_wait3A_168 = arith.constant 0 : i32
          %dma_wait3A_169 = tpu.memref_slice %arg11[%dma_wait3A_167, %dma_wait3A_168] : memref<10016x128xbf16, #tpu.memory_space<vmem_shared>> -> memref<640x128xbf16, #tpu.memory_space<vmem_shared>>
          tpu.wait_dma2 semaphore(%run_scoped3A_157 : memref<!tpu.dma_semaphore, #tpu.memory_space<semaphore_mem>>) src(%dma_wait3A_169 : memref<640x128xbf16, #tpu.memory_space<vmem_shared>>) dst(%dma_wait3A_166 : memref<640x128xbf16, #tpu.memory_space<hbm>>)
          tpu.yield
        }) : () -> ()
      } else {
      }
    } else {
    }
    return
  }
}

#map = affine_map<(d0, d1) -> (0, 0)>
#map1 = affine_map<(d0, d1) -> (0)>
module attributes {stable_mosaic.version = 14 : i64} {
  func.func @segsum(%arg0: i32, %arg1: i32, %arg2: memref<40000x128xbf16, #tpu.memory_space<hbm>>, %arg3: memref<163840xi32, #tpu.memory_space<hbm>>, %arg4: memref<1280x128xi32, #tpu.memory_space<hbm>>, %arg5: memref<656x128xbf16, #tpu.memory_space<hbm>>, %arg6: memref<128x128xbf16, #tpu.memory_space<hbm>>, %arg7: memref<40000x128xbf16, #tpu.memory_space<hbm>>, %arg8: memref<10240xi32, #tpu.memory_space<vmem>>, %arg9: memref<80x128xi32, #tpu.memory_space<vmem>>, %arg10: memref<8x128x128xbf16, #tpu.memory_space<vmem>>, %arg11: memref<10016x128xbf16, #tpu.memory_space<vmem_shared>>, %arg12: memref<!tpu.dma_semaphore, #tpu.memory_space<semaphore_mem>>, %arg13: memref<!tpu.dma_semaphore, #tpu.memory_space<semaphore_mem>>, %arg14: memref<!tpu.dma_semaphore, #tpu.memory_space<semaphore_mem>>, %arg15: memref<!tpu.dma_semaphore, #tpu.memory_space<semaphore_mem>>, %arg16: memref<!tpu.dma_semaphore, #tpu.memory_space<semaphore_mem>>, %arg17: memref<!tpu.dma_semaphore, #tpu.memory_space<semaphore_mem>>, %arg18: memref<!tpu.dma_semaphore, #tpu.memory_space<semaphore_mem>>, %arg19: memref<!tpu.dma_semaphore, #tpu.memory_space<semaphore_mem>>, %arg20: memref<!tpu.dma_semaphore, #tpu.memory_space<semaphore_mem>>) attributes {dimension_semantics = [#tpu.dimension_semantics<core_parallel>, #tpu.dimension_semantics<subcore_parallel>], iteration_bounds = array<i64: 2, 16>, scalar_prefetch = 0 : i64, scratch_operands = 13 : i64, tpu.core_type = #tpu.core_type<sc_vector_subcore>, window_params = [{transform_indices = #map}, {transform_indices = #map1}, {transform_indices = #map}, {transform_indices = #map}, {transform_indices = #map}, {transform_indices = #map}]} {
    %mul3A = arith.constant 80 : i32
    %mul3A_0 = arith.muli %arg1, %mul3A : i32
    %mul3A_1 = arith.constant 128 : i32
    %mul3A_2 = arith.muli %mul3A_0, %mul3A_1 : i32
    "tpu.region"() ({
      %run_scoped3A = tpu.sem_alloc : memref<!tpu.dma_semaphore, #tpu.memory_space<semaphore_mem>>
      %dma_start3A_246 = tpu.memref_slice %arg3[%mul3A_2] : memref<163840xi32, #tpu.memory_space<hbm>> -> memref<10240xi32, #tpu.memory_space<hbm>>
      %dma_start3A_247 = tpu.memref_slice %arg3[%mul3A_2] : memref<163840xi32, #tpu.memory_space<hbm>> -> memref<10240xi32, #tpu.memory_space<hbm>>
      tpu.enqueue_dma source(%dma_start3A_247 : memref<10240xi32, #tpu.memory_space<hbm>>) target(%arg8 : memref<10240xi32, #tpu.memory_space<vmem>>) target_semaphore(%run_scoped3A : memref<!tpu.dma_semaphore, #tpu.memory_space<semaphore_mem>>)
      %dma_wait3A_248 = tpu.memref_slice %arg3[%mul3A_2] : memref<163840xi32, #tpu.memory_space<hbm>> -> memref<10240xi32, #tpu.memory_space<hbm>>
      %dma_wait3A_249 = tpu.memref_slice %arg3[%mul3A_2] : memref<163840xi32, #tpu.memory_space<hbm>> -> memref<10240xi32, #tpu.memory_space<hbm>>
      tpu.wait_dma2 semaphore(%run_scoped3A : memref<!tpu.dma_semaphore, #tpu.memory_space<semaphore_mem>>) src(%dma_wait3A_249 : memref<10240xi32, #tpu.memory_space<hbm>>) dst(%arg8 : memref<10240xi32, #tpu.memory_space<vmem>>)
      tpu.yield
    }) : () -> ()
    %mul3A_3 = arith.constant 80 : i32
    %mul3A_4 = arith.muli %arg1, %mul3A_3 : i32
    "tpu.region"() ({
      %run_scoped3A = tpu.sem_alloc : memref<!tpu.dma_semaphore, #tpu.memory_space<semaphore_mem>>
      %dma_start3A_246 = arith.constant 0 : i32
      %dma_start3A_247 = tpu.memref_slice %arg4[%mul3A_4, %dma_start3A_246] : memref<1280x128xi32, #tpu.memory_space<hbm>> -> memref<80x128xi32, #tpu.memory_space<hbm>>
      %dma_start3A_248 = arith.constant 0 : i32
      %dma_start3A_249 = tpu.memref_slice %arg4[%mul3A_4, %dma_start3A_248] : memref<1280x128xi32, #tpu.memory_space<hbm>> -> memref<80x128xi32, #tpu.memory_space<hbm>>
      tpu.enqueue_dma source(%dma_start3A_249 : memref<80x128xi32, #tpu.memory_space<hbm>>) target(%arg9 : memref<80x128xi32, #tpu.memory_space<vmem>>) target_semaphore(%run_scoped3A : memref<!tpu.dma_semaphore, #tpu.memory_space<semaphore_mem>>)
      %dma_wait3A_250 = arith.constant 0 : i32
      %dma_wait3A_251 = tpu.memref_slice %arg4[%mul3A_4, %dma_wait3A_250] : memref<1280x128xi32, #tpu.memory_space<hbm>> -> memref<80x128xi32, #tpu.memory_space<hbm>>
      %dma_wait3A_252 = arith.constant 0 : i32
      %dma_wait3A_253 = tpu.memref_slice %arg4[%mul3A_4, %dma_wait3A_252] : memref<1280x128xi32, #tpu.memory_space<hbm>> -> memref<80x128xi32, #tpu.memory_space<hbm>>
      tpu.wait_dma2 semaphore(%run_scoped3A : memref<!tpu.dma_semaphore, #tpu.memory_space<semaphore_mem>>) src(%dma_wait3A_253 : memref<80x128xi32, #tpu.memory_space<hbm>>) dst(%arg9 : memref<80x128xi32, #tpu.memory_space<vmem>>)
      tpu.yield
    }) : () -> ()
    %mul3A_5 = arith.constant 20000 : i32
    %mul3A_6 = arith.muli %arg0, %mul3A_5 : i32
    %scan3A = arith.constant 0 : i32
    %scan3A_7 = arith.constant 0 : i32
    %scan3A_8 = arith.constant 640 : i32
    %scan3A_9 = arith.addi %scan3A_7, %scan3A_8 : i32
    %scan3A_10 = arith.constant 1 : i32
    %scan3A_11 = scf.for %scan3A_246 = %scan3A_7 to %scan3A_9 step %scan3A_10 iter_args(%scan3A_247 = %scan3A) -> (i32)  : i32 {
      %mul3A_248 = arith.constant 16 : i32
      %mul3A_249 = arith.muli %scan3A_246, %mul3A_248 : i32
      %get3A = arith.index_cast %mul3A_249 : i32 to index
      %get3A_250 = tpu.vector_load %arg8[%get3A] {strides = array<i32>} : memref<10240xi32, #tpu.memory_space<vmem>>, vector<16xi32>,
      %get3A_251 = vector.shape_cast %get3A_250 : vector<16xi32> to vector<16xi32>
      %add3A_252 = vector.broadcast %mul3A_6 : i32 to vector<16xi32>
      %add3A_253 = arith.addi %get3A_251, %add3A_252 : vector<16xi32>
      %mul3A_254 = arith.constant 16 : i32
      %mul3A_255 = arith.muli %scan3A_246, %mul3A_254 : i32
      %swap3A = arith.index_cast %mul3A_255 : i32 to index
      %swap3A_256 = tpu.vector_load %arg8[%swap3A] {strides = array<i32>} : memref<10240xi32, #tpu.memory_space<vmem>>, vector<16xi32>,
      %swap3A_257 = vector.shape_cast %swap3A_256 : vector<16xi32> to vector<16xi32>
      %swap3A_258 = vector.shape_cast %add3A_253 : vector<16xi32> to vector<16xi32>
      tpu.vector_store %arg8[%swap3A], %swap3A_258 {strides = array<i32>} : memref<10240xi32, #tpu.memory_space<vmem>>, vector<16xi32>,
      %scan3A_259 = arith.constant 0 : i32
      scf.yield %scan3A_259 : i32
    }
    %scan3A_12 = arith.constant 640 : i32
    %lt3A = arith.constant 15 : i32
    %lt3A_13 = arith.cmpi slt, %arg1, %lt3A : i32
    %convert_element_type3A = arith.extui %lt3A_13 : i1 to i32
    %cond3A = arith.constant 0 : i32
    %cond3A_14 = arith.cmpi ne, %convert_element_type3A, %cond3A : i32
    scf.if %cond3A_14 {
      %mul3A_246 = arith.constant 624 : i32
      %mul3A_247 = arith.muli %arg1, %mul3A_246 : i32
      "tpu.region"() ({
        %run_scoped3A = tpu.sem_alloc : memref<!tpu.dma_semaphore, #tpu.memory_space<semaphore_mem>>
        %dma_start3A_248 = arith.constant 0 : i32
        %dma_start3A_249 = tpu.memref_slice %arg11[%mul3A_247, %dma_start3A_248] : memref<10016x128xbf16, #tpu.memory_space<vmem_shared>> -> memref<624x128xbf16, #tpu.memory_space<vmem_shared>>
        %dma_start3A_250 = arith.constant 0 : i32
        %dma_start3A_251 = arith.constant 0 : i32
        %dma_start3A_252 = tpu.memref_slice %arg5[%dma_start3A_250, %dma_start3A_251] : memref<656x128xbf16, #tpu.memory_space<hbm>> -> memref<624x128xbf16, #tpu.memory_space<hbm>>
        tpu.enqueue_dma source(%dma_start3A_252 : memref<624x128xbf16, #tpu.memory_space<hbm>>) target(%dma_start3A_249 : memref<624x128xbf16, #tpu.memory_space<vmem_shared>>) target_semaphore(%run_scoped3A : memref<!tpu.dma_semaphore, #tpu.memory_space<semaphore_mem>>)
        %dma_wait3A_253 = arith.constant 0 : i32
        %dma_wait3A_254 = tpu.memref_slice %arg11[%mul3A_247, %dma_wait3A_253] : memref<10016x128xbf16, #tpu.memory_space<vmem_shared>> -> memref<624x128xbf16, #tpu.memory_space<vmem_shared>>
        %dma_wait3A_255 = arith.constant 0 : i32
        %dma_wait3A_256 = arith.constant 0 : i32
        %dma_wait3A_257 = tpu.memref_slice %arg5[%dma_wait3A_255, %dma_wait3A_256] : memref<656x128xbf16, #tpu.memory_space<hbm>> -> memref<624x128xbf16, #tpu.memory_space<hbm>>
        tpu.wait_dma2 semaphore(%run_scoped3A : memref<!tpu.dma_semaphore, #tpu.memory_space<semaphore_mem>>) src(%dma_wait3A_257 : memref<624x128xbf16, #tpu.memory_space<hbm>>) dst(%dma_wait3A_254 : memref<624x128xbf16, #tpu.memory_space<vmem_shared>>)
        tpu.yield
      }) : () -> ()
    } else {
    }
    %eq3A = arith.constant 15 : i32
    %eq3A_15 = arith.cmpi eq, %arg1, %eq3A : i32
    %convert_element_type3A_16 = arith.extui %eq3A_15 : i1 to i32
    %cond3A_17 = arith.constant 0 : i32
    %cond3A_18 = arith.cmpi ne, %convert_element_type3A_16, %cond3A_17 : i32
    scf.if %cond3A_18 {
      "tpu.region"() ({
        %run_scoped3A = tpu.sem_alloc : memref<!tpu.dma_semaphore, #tpu.memory_space<semaphore_mem>>
        %dma_start3A_246 = arith.constant 9360 : i32
        %dma_start3A_247 = arith.constant 0 : i32
        %dma_start3A_248 = tpu.memref_slice %arg11[%dma_start3A_246, %dma_start3A_247] : memref<10016x128xbf16, #tpu.memory_space<vmem_shared>> -> memref<656x128xbf16, #tpu.memory_space<vmem_shared>>
        tpu.enqueue_dma source(%arg5 : memref<656x128xbf16, #tpu.memory_space<hbm>>) target(%dma_start3A_248 : memref<656x128xbf16, #tpu.memory_space<vmem_shared>>) target_semaphore(%run_scoped3A : memref<!tpu.dma_semaphore, #tpu.memory_space<semaphore_mem>>)
        %dma_wait3A_249 = arith.constant 9360 : i32
        %dma_wait3A_250 = arith.constant 0 : i32
        %dma_wait3A_251 = tpu.memref_slice %arg11[%dma_wait3A_249, %dma_wait3A_250] : memref<10016x128xbf16, #tpu.memory_space<vmem_shared>> -> memref<656x128xbf16, #tpu.memory_space<vmem_shared>>
        tpu.wait_dma2 semaphore(%run_scoped3A : memref<!tpu.dma_semaphore, #tpu.memory_space<semaphore_mem>>) src(%arg5 : memref<656x128xbf16, #tpu.memory_space<hbm>>) dst(%dma_wait3A_251 : memref<656x128xbf16, #tpu.memory_space<vmem_shared>>)
        tpu.yield
      }) : () -> ()
    } else {
    }
    %barrier3A = arith.constant 0 : index
    tpu.barrier barrier_id(%barrier3A)
    %dma_start3A = arith.constant 0 : i32
    %dma_start3A_19 = arith.constant 0 : i32
    %dma_start3A_20 = arith.constant 0 : i32
    %dma_start3A_21 = tpu.memref_slice %arg10[%dma_start3A, %dma_start3A_19, %dma_start3A_20] : memref<8x128x128xbf16, #tpu.memory_space<vmem>> -> memref<1x128x128xbf16, #tpu.memory_space<vmem>>
    %dma_start3A_22 = tpu.memref_squeeze %dma_start3A_21 : memref<1x128x128xbf16, #tpu.memory_space<vmem>> -> memref<128x128xbf16, #tpu.memory_space<vmem>>
    %dma_start3A_23 = arith.constant 0 : i32
    %dma_start3A_24 = tpu.memref_slice %arg8[%dma_start3A_23] : memref<10240xi32, #tpu.memory_space<vmem>> -> memref<128xi32, #tpu.memory_space<vmem>>
    %dma_start3A_25 = arith.constant 0 : i32
    %dma_start3A_26 = arith.constant 0 : i32
    %dma_start3A_27 = tpu.memref_slice %arg2[%dma_start3A_25, %dma_start3A_26] : memref<40000x128xbf16, #tpu.memory_space<hbm>> -> memref<40000x128xbf16, #tpu.memory_space<hbm>>
    tpu.enqueue_indirect_dma source(%dma_start3A_27 : memref<40000x128xbf16, #tpu.memory_space<hbm>>) target(%dma_start3A_22 : memref<128x128xbf16, #tpu.memory_space<vmem>>) offsets(%dma_start3A_24 : memref<128xi32, #tpu.memory_space<vmem>>) semaphore(%arg12 : memref<!tpu.dma_semaphore, #tpu.memory_space<semaphore_mem>>)
    %dma_start3A_28 = arith.constant 1 : i32
    %dma_start3A_29 = arith.constant 0 : i32
    %dma_start3A_30 = arith.constant 0 : i32
    %dma_start3A_31 = tpu.memref_slice %arg10[%dma_start3A_28, %dma_start3A_29, %dma_start3A_30] : memref<8x128x128xbf16, #tpu.memory_space<vmem>> -> memref<1x128x128xbf16, #tpu.memory_space<vmem>>
    %dma_start3A_32 = tpu.memref_squeeze %dma_start3A_31 : memref<1x128x128xbf16, #tpu.memory_space<vmem>> -> memref<128x128xbf16, #tpu.memory_space<vmem>>
    %dma_start3A_33 = arith.constant 128 : i32
    %dma_start3A_34 = tpu.memref_slice %arg8[%dma_start3A_33] : memref<10240xi32, #tpu.memory_space<vmem>> -> memref<128xi32, #tpu.memory_space<vmem>>
    %dma_start3A_35 = arith.constant 0 : i32
    %dma_start3A_36 = arith.constant 0 : i32
    %dma_start3A_37 = tpu.memref_slice %arg2[%dma_start3A_35, %dma_start3A_36] : memref<40000x128xbf16, #tpu.memory_space<hbm>> -> memref<40000x128xbf16, #tpu.memory_space<hbm>>
    tpu.enqueue_indirect_dma source(%dma_start3A_37 : memref<40000x128xbf16, #tpu.memory_space<hbm>>) target(%dma_start3A_32 : memref<128x128xbf16, #tpu.memory_space<vmem>>) offsets(%dma_start3A_34 : memref<128xi32, #tpu.memory_space<vmem>>) semaphore(%arg12 : memref<!tpu.dma_semaphore, #tpu.memory_space<semaphore_mem>>)
    %dma_start3A_38 = arith.constant 2 : i32
    %dma_start3A_39 = arith.constant 0 : i32
    %dma_start3A_40 = arith.constant 0 : i32
    %dma_start3A_41 = tpu.memref_slice %arg10[%dma_start3A_38, %dma_start3A_39, %dma_start3A_40] : memref<8x128x128xbf16, #tpu.memory_space<vmem>> -> memref<1x128x128xbf16, #tpu.memory_space<vmem>>
    %dma_start3A_42 = tpu.memref_squeeze %dma_start3A_41 : memref<1x128x128xbf16, #tpu.memory_space<vmem>> -> memref<128x128xbf16, #tpu.memory_space<vmem>>
    %dma_start3A_43 = arith.constant 256 : i32
    %dma_start3A_44 = tpu.memref_slice %arg8[%dma_start3A_43] : memref<10240xi32, #tpu.memory_space<vmem>> -> memref<128xi32, #tpu.memory_space<vmem>>
    %dma_start3A_45 = arith.constant 0 : i32
    %dma_start3A_46 = arith.constant 0 : i32
    %dma_start3A_47 = tpu.memref_slice %arg2[%dma_start3A_45, %dma_start3A_46] : memref<40000x128xbf16, #tpu.memory_space<hbm>> -> memref<40000x128xbf16, #tpu.memory_space<hbm>>
    tpu.enqueue_indirect_dma source(%dma_start3A_47 : memref<40000x128xbf16, #tpu.memory_space<hbm>>) target(%dma_start3A_42 : memref<128x128xbf16, #tpu.memory_space<vmem>>) offsets(%dma_start3A_44 : memref<128xi32, #tpu.memory_space<vmem>>) semaphore(%arg12 : memref<!tpu.dma_semaphore, #tpu.memory_space<semaphore_mem>>)
    %dma_start3A_48 = arith.constant 3 : i32
    %dma_start3A_49 = arith.constant 0 : i32
    %dma_start3A_50 = arith.constant 0 : i32
    %dma_start3A_51 = tpu.memref_slice %arg10[%dma_start3A_48, %dma_start3A_49, %dma_start3A_50] : memref<8x128x128xbf16, #tpu.memory_space<vmem>> -> memref<1x128x128xbf16, #tpu.memory_space<vmem>>
    %dma_start3A_52 = tpu.memref_squeeze %dma_start3A_51 : memref<1x128x128xbf16, #tpu.memory_space<vmem>> -> memref<128x128xbf16, #tpu.memory_space<vmem>>
    %dma_start3A_53 = arith.constant 384 : i32
    %dma_start3A_54 = tpu.memref_slice %arg8[%dma_start3A_53] : memref<10240xi32, #tpu.memory_space<vmem>> -> memref<128xi32, #tpu.memory_space<vmem>>
    %dma_start3A_55 = arith.constant 0 : i32
    %dma_start3A_56 = arith.constant 0 : i32
    %dma_start3A_57 = tpu.memref_slice %arg2[%dma_start3A_55, %dma_start3A_56] : memref<40000x128xbf16, #tpu.memory_space<hbm>> -> memref<40000x128xbf16, #tpu.memory_space<hbm>>
    tpu.enqueue_indirect_dma source(%dma_start3A_57 : memref<40000x128xbf16, #tpu.memory_space<hbm>>) target(%dma_start3A_52 : memref<128x128xbf16, #tpu.memory_space<vmem>>) offsets(%dma_start3A_54 : memref<128xi32, #tpu.memory_space<vmem>>) semaphore(%arg12 : memref<!tpu.dma_semaphore, #tpu.memory_space<semaphore_mem>>)
    %dma_start3A_58 = arith.constant 4 : i32
    %dma_start3A_59 = arith.constant 0 : i32
    %dma_start3A_60 = arith.constant 0 : i32
    %dma_start3A_61 = tpu.memref_slice %arg10[%dma_start3A_58, %dma_start3A_59, %dma_start3A_60] : memref<8x128x128xbf16, #tpu.memory_space<vmem>> -> memref<1x128x128xbf16, #tpu.memory_space<vmem>>
    %dma_start3A_62 = tpu.memref_squeeze %dma_start3A_61 : memref<1x128x128xbf16, #tpu.memory_space<vmem>> -> memref<128x128xbf16, #tpu.memory_space<vmem>>
    %dma_start3A_63 = arith.constant 512 : i32
    %dma_start3A_64 = tpu.memref_slice %arg8[%dma_start3A_63] : memref<10240xi32, #tpu.memory_space<vmem>> -> memref<128xi32, #tpu.memory_space<vmem>>
    %dma_start3A_65 = arith.constant 0 : i32
    %dma_start3A_66 = arith.constant 0 : i32
    %dma_start3A_67 = tpu.memref_slice %arg2[%dma_start3A_65, %dma_start3A_66] : memref<40000x128xbf16, #tpu.memory_space<hbm>> -> memref<40000x128xbf16, #tpu.memory_space<hbm>>
    tpu.enqueue_indirect_dma source(%dma_start3A_67 : memref<40000x128xbf16, #tpu.memory_space<hbm>>) target(%dma_start3A_62 : memref<128x128xbf16, #tpu.memory_space<vmem>>) offsets(%dma_start3A_64 : memref<128xi32, #tpu.memory_space<vmem>>) semaphore(%arg12 : memref<!tpu.dma_semaphore, #tpu.memory_space<semaphore_mem>>)
    %dma_start3A_68 = arith.constant 5 : i32
    %dma_start3A_69 = arith.constant 0 : i32
    %dma_start3A_70 = arith.constant 0 : i32
    %dma_start3A_71 = tpu.memref_slice %arg10[%dma_start3A_68, %dma_start3A_69, %dma_start3A_70] : memref<8x128x128xbf16, #tpu.memory_space<vmem>> -> memref<1x128x128xbf16, #tpu.memory_space<vmem>>
    %dma_start3A_72 = tpu.memref_squeeze %dma_start3A_71 : memref<1x128x128xbf16, #tpu.memory_space<vmem>> -> memref<128x128xbf16, #tpu.memory_space<vmem>>
    %dma_start3A_73 = arith.constant 640 : i32
    %dma_start3A_74 = tpu.memref_slice %arg8[%dma_start3A_73] : memref<10240xi32, #tpu.memory_space<vmem>> -> memref<128xi32, #tpu.memory_space<vmem>>
    %dma_start3A_75 = arith.constant 0 : i32
    %dma_start3A_76 = arith.constant 0 : i32
    %dma_start3A_77 = tpu.memref_slice %arg2[%dma_start3A_75, %dma_start3A_76] : memref<40000x128xbf16, #tpu.memory_space<hbm>> -> memref<40000x128xbf16, #tpu.memory_space<hbm>>
    tpu.enqueue_indirect_dma source(%dma_start3A_77 : memref<40000x128xbf16, #tpu.memory_space<hbm>>) target(%dma_start3A_72 : memref<128x128xbf16, #tpu.memory_space<vmem>>) offsets(%dma_start3A_74 : memref<128xi32, #tpu.memory_space<vmem>>) semaphore(%arg12 : memref<!tpu.dma_semaphore, #tpu.memory_space<semaphore_mem>>)
    %dma_start3A_78 = arith.constant 6 : i32
    %dma_start3A_79 = arith.constant 0 : i32
    %dma_start3A_80 = arith.constant 0 : i32
    %dma_start3A_81 = tpu.memref_slice %arg10[%dma_start3A_78, %dma_start3A_79, %dma_start3A_80] : memref<8x128x128xbf16, #tpu.memory_space<vmem>> -> memref<1x128x128xbf16, #tpu.memory_space<vmem>>
    %dma_start3A_82 = tpu.memref_squeeze %dma_start3A_81 : memref<1x128x128xbf16, #tpu.memory_space<vmem>> -> memref<128x128xbf16, #tpu.memory_space<vmem>>
    %dma_start3A_83 = arith.constant 768 : i32
    %dma_start3A_84 = tpu.memref_slice %arg8[%dma_start3A_83] : memref<10240xi32, #tpu.memory_space<vmem>> -> memref<128xi32, #tpu.memory_space<vmem>>
    %dma_start3A_85 = arith.constant 0 : i32
    %dma_start3A_86 = arith.constant 0 : i32
    %dma_start3A_87 = tpu.memref_slice %arg2[%dma_start3A_85, %dma_start3A_86] : memref<40000x128xbf16, #tpu.memory_space<hbm>> -> memref<40000x128xbf16, #tpu.memory_space<hbm>>
    tpu.enqueue_indirect_dma source(%dma_start3A_87 : memref<40000x128xbf16, #tpu.memory_space<hbm>>) target(%dma_start3A_82 : memref<128x128xbf16, #tpu.memory_space<vmem>>) offsets(%dma_start3A_84 : memref<128xi32, #tpu.memory_space<vmem>>) semaphore(%arg12 : memref<!tpu.dma_semaphore, #tpu.memory_space<semaphore_mem>>)
    %scan3A_88 = arith.constant 0 : i32
    %scan3A_89 = arith.constant 0 : i32
    %scan3A_90 = arith.constant 10 : i32
    %scan3A_91 = arith.addi %scan3A_89, %scan3A_90 : i32
    %scan3A_92 = arith.constant 1 : i32
    %scan3A_93 = scf.for %scan3A_246 = %scan3A_89 to %scan3A_91 step %scan3A_92 iter_args(%scan3A_247 = %scan3A_88) -> (i32)  : i32 {
      %mul3A_248 = arith.constant 8 : i32
      %mul3A_249 = arith.muli %scan3A_246, %mul3A_248 : i32
      %add3A_250 = arith.constant 0 : i32
      %add3A_251 = arith.addi %mul3A_249, %add3A_250 : i32
      %dma_wait3A_252 = arith.constant 0 : i32
      %dma_wait3A_253 = arith.constant 0 : i32
      %dma_wait3A_254 = arith.constant 0 : i32
      %dma_wait3A_255 = tpu.memref_slice %arg10[%dma_wait3A_252, %dma_wait3A_253, %dma_wait3A_254] : memref<8x128x128xbf16, #tpu.memory_space<vmem>> -> memref<1x128x128xbf16, #tpu.memory_space<vmem>>
      %dma_wait3A_256 = tpu.memref_squeeze %dma_wait3A_255 : memref<1x128x128xbf16, #tpu.memory_space<vmem>> -> memref<128x128xbf16, #tpu.memory_space<vmem>>
      %dma_wait3A_257 = arith.constant 0 : i32
      %dma_wait3A_258 = tpu.memref_slice %arg8[%dma_wait3A_257] : memref<10240xi32, #tpu.memory_space<vmem>> -> memref<128xi32, #tpu.memory_space<vmem>>
      %dma_wait3A_259 = arith.constant 0 : i32
      %dma_wait3A_260 = arith.constant 0 : i32
      %dma_wait3A_261 = tpu.memref_slice %arg2[%dma_wait3A_259, %dma_wait3A_260] : memref<40000x128xbf16, #tpu.memory_space<hbm>> -> memref<40000x128xbf16, #tpu.memory_space<hbm>>
      tpu.wait_indirect_dma semaphore(%arg12 : memref<!tpu.dma_semaphore, #tpu.memory_space<semaphore_mem>>) src(%dma_wait3A_261 : memref<40000x128xbf16, #tpu.memory_space<hbm>>) dst(%dma_wait3A_256 : memref<128x128xbf16, #tpu.memory_space<vmem>>)
      %dma_start3A_262 = arith.constant 0 : i32
      %dma_start3A_263 = arith.constant 0 : i32
      %dma_start3A_264 = arith.constant 0 : i32
      %dma_start3A_265 = tpu.memref_slice %arg10[%dma_start3A_262, %dma_start3A_263, %dma_start3A_264] : memref<8x128x128xbf16, #tpu.memory_space<vmem>> -> memref<1x128x128xbf16, #tpu.memory_space<vmem>>
      %dma_start3A_266 = tpu.memref_squeeze %dma_start3A_265 : memref<1x128x128xbf16, #tpu.memory_space<vmem>> -> memref<128x128xbf16, #tpu.memory_space<vmem>>
      %dma_start3A_267 = arith.constant 0 : i32
      %dma_start3A_268 = tpu.memref_slice %arg9[%add3A_251, %dma_start3A_267] : memref<80x128xi32, #tpu.memory_space<vmem>> -> memref<1x128xi32, #tpu.memory_space<vmem>>
      %dma_start3A_269 = tpu.memref_squeeze %dma_start3A_268 : memref<1x128xi32, #tpu.memory_space<vmem>> -> memref<128xi32, #tpu.memory_space<vmem>>
      %dma_start3A_270 = arith.constant 0 : i32
      %dma_start3A_271 = arith.constant 0 : i32
      %dma_start3A_272 = tpu.memref_slice %arg11[%dma_start3A_270, %dma_start3A_271] : memref<10016x128xbf16, #tpu.memory_space<vmem_shared>> -> memref<10016x128xbf16, #tpu.memory_space<vmem_shared>>
      tpu.enqueue_indirect_dma source(%dma_start3A_266 : memref<128x128xbf16, #tpu.memory_space<vmem>>) target(%dma_start3A_272 : memref<10016x128xbf16, #tpu.memory_space<vmem_shared>>) offsets(%dma_start3A_269 : memref<128xi32, #tpu.memory_space<vmem>>) semaphore(%arg13 : memref<!tpu.dma_semaphore, #tpu.memory_space<semaphore_mem>>) {add = true}
      %gt3A = arith.constant 0 : i32
      %gt3A_273 = arith.cmpi sgt, %add3A_251, %gt3A : i32
      %convert_element_type3A_274 = arith.extui %gt3A_273 : i1 to i32
      %cond3A_275 = arith.constant 0 : i32
      %cond3A_276 = arith.cmpi ne, %convert_element_type3A_274, %cond3A_275 : i32
      scf.if %cond3A_276 {
        %dma_wait3A_559 = arith.constant 7 : i32
        %dma_wait3A_560 = arith.constant 0 : i32
        %dma_wait3A_561 = arith.constant 0 : i32
        %dma_wait3A_562 = arith.constant 0 : i32
        %dma_wait3A_563 = tpu.memref_slice %arg10[%dma_wait3A_559, %dma_wait3A_561, %dma_wait3A_562] : memref<8x128x128xbf16, #tpu.memory_space<vmem>> -> memref<1x128x128xbf16, #tpu.memory_space<vmem>>
        %dma_wait3A_564 = tpu.memref_squeeze %dma_wait3A_563 : memref<1x128x128xbf16, #tpu.memory_space<vmem>> -> memref<128x128xbf16, #tpu.memory_space<vmem>>
        %dma_wait3A_565 = arith.constant 0 : i32
        %dma_wait3A_566 = tpu.memref_slice %arg9[%dma_wait3A_560, %dma_wait3A_565] : memref<80x128xi32, #tpu.memory_space<vmem>> -> memref<1x128xi32, #tpu.memory_space<vmem>>
        %dma_wait3A_567 = tpu.memref_squeeze %dma_wait3A_566 : memref<1x128xi32, #tpu.memory_space<vmem>> -> memref<128xi32, #tpu.memory_space<vmem>>
        %dma_wait3A_568 = arith.constant 0 : i32
        %dma_wait3A_569 = arith.constant 0 : i32
        %dma_wait3A_570 = tpu.memref_slice %arg11[%dma_wait3A_568, %dma_wait3A_569] : memref<10016x128xbf16, #tpu.memory_space<vmem_shared>> -> memref<10016x128xbf16, #tpu.memory_space<vmem_shared>>
        tpu.wait_indirect_dma semaphore(%arg20 : memref<!tpu.dma_semaphore, #tpu.memory_space<semaphore_mem>>) src(%dma_wait3A_564 : memref<128x128xbf16, #tpu.memory_space<vmem>>) dst(%dma_wait3A_570 : memref<10016x128xbf16, #tpu.memory_space<vmem_shared>>)
      } else {
      }
      %add3A_277 = arith.constant 8 : i32
      %add3A_278 = arith.addi %add3A_251, %add3A_277 : i32
      %sub3A = arith.constant 1 : i32
      %sub3A_279 = arith.subi %add3A_278, %sub3A : i32
      %lt3A_280 = arith.constant 80 : i32
      %lt3A_281 = arith.cmpi slt, %sub3A_279, %lt3A_280 : i32
      %convert_element_type3A_282 = arith.extui %lt3A_281 : i1 to i32
      %cond3A_283 = arith.constant 0 : i32
      %cond3A_284 = arith.cmpi ne, %convert_element_type3A_282, %cond3A_283 : i32
      scf.if %cond3A_284 {
        %add3A_559 = arith.constant 8 : i32
        %add3A_560 = arith.addi %add3A_251, %add3A_559 : i32
        %sub3A_561 = arith.constant 1 : i32
        %sub3A_562 = arith.subi %add3A_560, %sub3A_561 : i32
        %mul3A_563 = arith.constant 128 : i32
        %mul3A_564 = arith.muli %sub3A_562, %mul3A_563 : i32
        %dma_start3A_565 = arith.constant 7 : i32
        %dma_start3A_566 = arith.constant 0 : i32
        %dma_start3A_567 = arith.constant 0 : i32
        %dma_start3A_568 = tpu.memref_slice %arg10[%dma_start3A_565, %dma_start3A_566, %dma_start3A_567] : memref<8x128x128xbf16, #tpu.memory_space<vmem>> -> memref<1x128x128xbf16, #tpu.memory_space<vmem>>
        %dma_start3A_569 = tpu.memref_squeeze %dma_start3A_568 : memref<1x128x128xbf16, #tpu.memory_space<vmem>> -> memref<128x128xbf16, #tpu.memory_space<vmem>>
        %dma_start3A_570 = tpu.memref_slice %arg8[%mul3A_564] : memref<10240xi32, #tpu.memory_space<vmem>> -> memref<128xi32, #tpu.memory_space<vmem>>
        %dma_start3A_571 = arith.constant 0 : i32
        %dma_start3A_572 = arith.constant 0 : i32
        %dma_start3A_573 = tpu.memref_slice %arg2[%dma_start3A_571, %dma_start3A_572] : memref<40000x128xbf16, #tpu.memory_space<hbm>> -> memref<40000x128xbf16, #tpu.memory_space<hbm>>
        tpu.enqueue_indirect_dma source(%dma_start3A_573 : memref<40000x128xbf16, #tpu.memory_space<hbm>>) target(%dma_start3A_569 : memref<128x128xbf16, #tpu.memory_space<vmem>>) offsets(%dma_start3A_570 : memref<128xi32, #tpu.memory_space<vmem>>) semaphore(%arg12 : memref<!tpu.dma_semaphore, #tpu.memory_space<semaphore_mem>>)
      } else {
      }
      %mul3A_285 = arith.constant 8 : i32
      %mul3A_286 = arith.muli %scan3A_246, %mul3A_285 : i32
      %add3A_287 = arith.constant 1 : i32
      %add3A_288 = arith.addi %mul3A_286, %add3A_287 : i32
      %dma_wait3A_289 = arith.constant 1 : i32
      %dma_wait3A_290 = arith.constant 0 : i32
      %dma_wait3A_291 = arith.constant 0 : i32
      %dma_wait3A_292 = tpu.memref_slice %arg10[%dma_wait3A_289, %dma_wait3A_290, %dma_wait3A_291] : memref<8x128x128xbf16, #tpu.memory_space<vmem>> -> memref<1x128x128xbf16, #tpu.memory_space<vmem>>
      %dma_wait3A_293 = tpu.memref_squeeze %dma_wait3A_292 : memref<1x128x128xbf16, #tpu.memory_space<vmem>> -> memref<128x128xbf16, #tpu.memory_space<vmem>>
      %dma_wait3A_294 = arith.constant 0 : i32
      %dma_wait3A_295 = tpu.memref_slice %arg8[%dma_wait3A_294] : memref<10240xi32, #tpu.memory_space<vmem>> -> memref<128xi32, #tpu.memory_space<vmem>>
      %dma_wait3A_296 = arith.constant 0 : i32
      %dma_wait3A_297 = arith.constant 0 : i32
      %dma_wait3A_298 = tpu.memref_slice %arg2[%dma_wait3A_296, %dma_wait3A_297] : memref<40000x128xbf16, #tpu.memory_space<hbm>> -> memref<40000x128xbf16, #tpu.memory_space<hbm>>
      tpu.wait_indirect_dma semaphore(%arg12 : memref<!tpu.dma_semaphore, #tpu.memory_space<semaphore_mem>>) src(%dma_wait3A_298 : memref<40000x128xbf16, #tpu.memory_space<hbm>>) dst(%dma_wait3A_293 : memref<128x128xbf16, #tpu.memory_space<vmem>>)
      %dma_start3A_299 = arith.constant 1 : i32
      %dma_start3A_300 = arith.constant 0 : i32
      %dma_start3A_301 = arith.constant 0 : i32
      %dma_start3A_302 = tpu.memref_slice %arg10[%dma_start3A_299, %dma_start3A_300, %dma_start3A_301] : memref<8x128x128xbf16, #tpu.memory_space<vmem>> -> memref<1x128x128xbf16, #tpu.memory_space<vmem>>
      %dma_start3A_303 = tpu.memref_squeeze %dma_start3A_302 : memref<1x128x128xbf16, #tpu.memory_space<vmem>> -> memref<128x128xbf16, #tpu.memory_space<vmem>>
      %dma_start3A_304 = arith.constant 0 : i32
      %dma_start3A_305 = tpu.memref_slice %arg9[%add3A_288, %dma_start3A_304] : memref<80x128xi32, #tpu.memory_space<vmem>> -> memref<1x128xi32, #tpu.memory_space<vmem>>
      %dma_start3A_306 = tpu.memref_squeeze %dma_start3A_305 : memref<1x128xi32, #tpu.memory_space<vmem>> -> memref<128xi32, #tpu.memory_space<vmem>>
      %dma_start3A_307 = arith.constant 0 : i32
      %dma_start3A_308 = arith.constant 0 : i32
      %dma_start3A_309 = tpu.memref_slice %arg11[%dma_start3A_307, %dma_start3A_308] : memref<10016x128xbf16, #tpu.memory_space<vmem_shared>> -> memref<10016x128xbf16, #tpu.memory_space<vmem_shared>>
      tpu.enqueue_indirect_dma source(%dma_start3A_303 : memref<128x128xbf16, #tpu.memory_space<vmem>>) target(%dma_start3A_309 : memref<10016x128xbf16, #tpu.memory_space<vmem_shared>>) offsets(%dma_start3A_306 : memref<128xi32, #tpu.memory_space<vmem>>) semaphore(%arg14 : memref<!tpu.dma_semaphore, #tpu.memory_space<semaphore_mem>>) {add = true}
      %gt3A_310 = arith.constant 0 : i32
      %gt3A_311 = arith.cmpi sgt, %add3A_288, %gt3A_310 : i32
      %convert_element_type3A_312 = arith.extui %gt3A_311 : i1 to i32
      %cond3A_313 = arith.constant 0 : i32
      %cond3A_314 = arith.cmpi ne, %convert_element_type3A_312, %cond3A_313 : i32
      scf.if %cond3A_314 {
        %dma_wait3A_559 = arith.constant 0 : i32
        %dma_wait3A_560 = arith.constant 0 : i32
        %dma_wait3A_561 = arith.constant 0 : i32
        %dma_wait3A_562 = arith.constant 0 : i32
        %dma_wait3A_563 = tpu.memref_slice %arg10[%dma_wait3A_559, %dma_wait3A_561, %dma_wait3A_562] : memref<8x128x128xbf16, #tpu.memory_space<vmem>> -> memref<1x128x128xbf16, #tpu.memory_space<vmem>>
        %dma_wait3A_564 = tpu.memref_squeeze %dma_wait3A_563 : memref<1x128x128xbf16, #tpu.memory_space<vmem>> -> memref<128x128xbf16, #tpu.memory_space<vmem>>
        %dma_wait3A_565 = arith.constant 0 : i32
        %dma_wait3A_566 = tpu.memref_slice %arg9[%dma_wait3A_560, %dma_wait3A_565] : memref<80x128xi32, #tpu.memory_space<vmem>> -> memref<1x128xi32, #tpu.memory_space<vmem>>
        %dma_wait3A_567 = tpu.memref_squeeze %dma_wait3A_566 : memref<1x128xi32, #tpu.memory_space<vmem>> -> memref<128xi32, #tpu.memory_space<vmem>>
        %dma_wait3A_568 = arith.constant 0 : i32
        %dma_wait3A_569 = arith.constant 0 : i32
        %dma_wait3A_570 = tpu.memref_slice %arg11[%dma_wait3A_568, %dma_wait3A_569] : memref<10016x128xbf16, #tpu.memory_space<vmem_shared>> -> memref<10016x128xbf16, #tpu.memory_space<vmem_shared>>
        tpu.wait_indirect_dma semaphore(%arg13 : memref<!tpu.dma_semaphore, #tpu.memory_space<semaphore_mem>>) src(%dma_wait3A_564 : memref<128x128xbf16, #tpu.memory_space<vmem>>) dst(%dma_wait3A_570 : memref<10016x128xbf16, #tpu.memory_space<vmem_shared>>)
      } else {
      }
      %add3A_315 = arith.constant 8 : i32
      %add3A_316 = arith.addi %add3A_288, %add3A_315 : i32
      %sub3A_317 = arith.constant 1 : i32
      %sub3A_318 = arith.subi %add3A_316, %sub3A_317 : i32
      %lt3A_319 = arith.constant 80 : i32
      %lt3A_320 = arith.cmpi slt, %sub3A_318, %lt3A_319 : i32
      %convert_element_type3A_321 = arith.extui %lt3A_320 : i1 to i32
      %cond3A_322 = arith.constant 0 : i32
      %cond3A_323 = arith.cmpi ne, %convert_element_type3A_321, %cond3A_322 : i32
      scf.if %cond3A_323 {
        %add3A_559 = arith.constant 8 : i32
        %add3A_560 = arith.addi %add3A_288, %add3A_559 : i32
        %sub3A_561 = arith.constant 1 : i32
        %sub3A_562 = arith.subi %add3A_560, %sub3A_561 : i32
        %mul3A_563 = arith.constant 128 : i32
        %mul3A_564 = arith.muli %sub3A_562, %mul3A_563 : i32
        %dma_start3A_565 = arith.constant 0 : i32
        %dma_start3A_566 = arith.constant 0 : i32
        %dma_start3A_567 = arith.constant 0 : i32
        %dma_start3A_568 = tpu.memref_slice %arg10[%dma_start3A_565, %dma_start3A_566, %dma_start3A_567] : memref<8x128x128xbf16, #tpu.memory_space<vmem>> -> memref<1x128x128xbf16, #tpu.memory_space<vmem>>
        %dma_start3A_569 = tpu.memref_squeeze %dma_start3A_568 : memref<1x128x128xbf16, #tpu.memory_space<vmem>> -> memref<128x128xbf16, #tpu.memory_space<vmem>>
        %dma_start3A_570 = tpu.memref_slice %arg8[%mul3A_564] : memref<10240xi32, #tpu.memory_space<vmem>> -> memref<128xi32, #tpu.memory_space<vmem>>
        %dma_start3A_571 = arith.constant 0 : i32
        %dma_start3A_572 = arith.constant 0 : i32
        %dma_start3A_573 = tpu.memref_slice %arg2[%dma_start3A_571, %dma_start3A_572] : memref<40000x128xbf16, #tpu.memory_space<hbm>> -> memref<40000x128xbf16, #tpu.memory_space<hbm>>
        tpu.enqueue_indirect_dma source(%dma_start3A_573 : memref<40000x128xbf16, #tpu.memory_space<hbm>>) target(%dma_start3A_569 : memref<128x128xbf16, #tpu.memory_space<vmem>>) offsets(%dma_start3A_570 : memref<128xi32, #tpu.memory_space<vmem>>) semaphore(%arg12 : memref<!tpu.dma_semaphore, #tpu.memory_space<semaphore_mem>>)
      } else {
      }
      %mul3A_324 = arith.constant 8 : i32
      %mul3A_325 = arith.muli %scan3A_246, %mul3A_324 : i32
      %add3A_326 = arith.constant 2 : i32
      %add3A_327 = arith.addi %mul3A_325, %add3A_326 : i32
      %dma_wait3A_328 = arith.constant 2 : i32
      %dma_wait3A_329 = arith.constant 0 : i32
      %dma_wait3A_330 = arith.constant 0 : i32
      %dma_wait3A_331 = tpu.memref_slice %arg10[%dma_wait3A_328, %dma_wait3A_329, %dma_wait3A_330] : memref<8x128x128xbf16, #tpu.memory_space<vmem>> -> memref<1x128x128xbf16, #tpu.memory_space<vmem>>
      %dma_wait3A_332 = tpu.memref_squeeze %dma_wait3A_331 : memref<1x128x128xbf16, #tpu.memory_space<vmem>> -> memref<128x128xbf16, #tpu.memory_space<vmem>>
      %dma_wait3A_333 = arith.constant 0 : i32
      %dma_wait3A_334 = tpu.memref_slice %arg8[%dma_wait3A_333] : memref<10240xi32, #tpu.memory_space<vmem>> -> memref<128xi32, #tpu.memory_space<vmem>>
      %dma_wait3A_335 = arith.constant 0 : i32
      %dma_wait3A_336 = arith.constant 0 : i32
      %dma_wait3A_337 = tpu.memref_slice %arg2[%dma_wait3A_335, %dma_wait3A_336] : memref<40000x128xbf16, #tpu.memory_space<hbm>> -> memref<40000x128xbf16, #tpu.memory_space<hbm>>
      tpu.wait_indirect_dma semaphore(%arg12 : memref<!tpu.dma_semaphore, #tpu.memory_space<semaphore_mem>>) src(%dma_wait3A_337 : memref<40000x128xbf16, #tpu.memory_space<hbm>>) dst(%dma_wait3A_332 : memref<128x128xbf16, #tpu.memory_space<vmem>>)
      %dma_start3A_338 = arith.constant 2 : i32
      %dma_start3A_339 = arith.constant 0 : i32
      %dma_start3A_340 = arith.constant 0 : i32
      %dma_start3A_341 = tpu.memref_slice %arg10[%dma_start3A_338, %dma_start3A_339, %dma_start3A_340] : memref<8x128x128xbf16, #tpu.memory_space<vmem>> -> memref<1x128x128xbf16, #tpu.memory_space<vmem>>
      %dma_start3A_342 = tpu.memref_squeeze %dma_start3A_341 : memref<1x128x128xbf16, #tpu.memory_space<vmem>> -> memref<128x128xbf16, #tpu.memory_space<vmem>>
      %dma_start3A_343 = arith.constant 0 : i32
      %dma_start3A_344 = tpu.memref_slice %arg9[%add3A_327, %dma_start3A_343] : memref<80x128xi32, #tpu.memory_space<vmem>> -> memref<1x128xi32, #tpu.memory_space<vmem>>
      %dma_start3A_345 = tpu.memref_squeeze %dma_start3A_344 : memref<1x128xi32, #tpu.memory_space<vmem>> -> memref<128xi32, #tpu.memory_space<vmem>>
      %dma_start3A_346 = arith.constant 0 : i32
      %dma_start3A_347 = arith.constant 0 : i32
      %dma_start3A_348 = tpu.memref_slice %arg11[%dma_start3A_346, %dma_start3A_347] : memref<10016x128xbf16, #tpu.memory_space<vmem_shared>> -> memref<10016x128xbf16, #tpu.memory_space<vmem_shared>>
      tpu.enqueue_indirect_dma source(%dma_start3A_342 : memref<128x128xbf16, #tpu.memory_space<vmem>>) target(%dma_start3A_348 : memref<10016x128xbf16, #tpu.memory_space<vmem_shared>>) offsets(%dma_start3A_345 : memref<128xi32, #tpu.memory_space<vmem>>) semaphore(%arg15 : memref<!tpu.dma_semaphore, #tpu.memory_space<semaphore_mem>>) {add = true}
      %gt3A_349 = arith.constant 0 : i32
      %gt3A_350 = arith.cmpi sgt, %add3A_327, %gt3A_349 : i32
      %convert_element_type3A_351 = arith.extui %gt3A_350 : i1 to i32
      %cond3A_352 = arith.constant 0 : i32
      %cond3A_353 = arith.cmpi ne, %convert_element_type3A_351, %cond3A_352 : i32
      scf.if %cond3A_353 {
        %dma_wait3A_559 = arith.constant 1 : i32
        %dma_wait3A_560 = arith.constant 0 : i32
        %dma_wait3A_561 = arith.constant 0 : i32
        %dma_wait3A_562 = arith.constant 0 : i32
        %dma_wait3A_563 = tpu.memref_slice %arg10[%dma_wait3A_559, %dma_wait3A_561, %dma_wait3A_562] : memref<8x128x128xbf16, #tpu.memory_space<vmem>> -> memref<1x128x128xbf16, #tpu.memory_space<vmem>>
        %dma_wait3A_564 = tpu.memref_squeeze %dma_wait3A_563 : memref<1x128x128xbf16, #tpu.memory_space<vmem>> -> memref<128x128xbf16, #tpu.memory_space<vmem>>
        %dma_wait3A_565 = arith.constant 0 : i32
        %dma_wait3A_566 = tpu.memref_slice %arg9[%dma_wait3A_560, %dma_wait3A_565] : memref<80x128xi32, #tpu.memory_space<vmem>> -> memref<1x128xi32, #tpu.memory_space<vmem>>
        %dma_wait3A_567 = tpu.memref_squeeze %dma_wait3A_566 : memref<1x128xi32, #tpu.memory_space<vmem>> -> memref<128xi32, #tpu.memory_space<vmem>>
        %dma_wait3A_568 = arith.constant 0 : i32
        %dma_wait3A_569 = arith.constant 0 : i32
        %dma_wait3A_570 = tpu.memref_slice %arg11[%dma_wait3A_568, %dma_wait3A_569] : memref<10016x128xbf16, #tpu.memory_space<vmem_shared>> -> memref<10016x128xbf16, #tpu.memory_space<vmem_shared>>
        tpu.wait_indirect_dma semaphore(%arg14 : memref<!tpu.dma_semaphore, #tpu.memory_space<semaphore_mem>>) src(%dma_wait3A_564 : memref<128x128xbf16, #tpu.memory_space<vmem>>) dst(%dma_wait3A_570 : memref<10016x128xbf16, #tpu.memory_space<vmem_shared>>)
      } else {
      }
      %add3A_354 = arith.constant 8 : i32
      %add3A_355 = arith.addi %add3A_327, %add3A_354 : i32
      %sub3A_356 = arith.constant 1 : i32
      %sub3A_357 = arith.subi %add3A_355, %sub3A_356 : i32
      %lt3A_358 = arith.constant 80 : i32
      %lt3A_359 = arith.cmpi slt, %sub3A_357, %lt3A_358 : i32
      %convert_element_type3A_360 = arith.extui %lt3A_359 : i1 to i32
      %cond3A_361 = arith.constant 0 : i32
      %cond3A_362 = arith.cmpi ne, %convert_element_type3A_360, %cond3A_361 : i32
      scf.if %cond3A_362 {
        %add3A_559 = arith.constant 8 : i32
        %add3A_560 = arith.addi %add3A_327, %add3A_559 : i32
        %sub3A_561 = arith.constant 1 : i32
        %sub3A_562 = arith.subi %add3A_560, %sub3A_561 : i32
        %mul3A_563 = arith.constant 128 : i32
        %mul3A_564 = arith.muli %sub3A_562, %mul3A_563 : i32
        %dma_start3A_565 = arith.constant 1 : i32
        %dma_start3A_566 = arith.constant 0 : i32
        %dma_start3A_567 = arith.constant 0 : i32
        %dma_start3A_568 = tpu.memref_slice %arg10[%dma_start3A_565, %dma_start3A_566, %dma_start3A_567] : memref<8x128x128xbf16, #tpu.memory_space<vmem>> -> memref<1x128x128xbf16, #tpu.memory_space<vmem>>
        %dma_start3A_569 = tpu.memref_squeeze %dma_start3A_568 : memref<1x128x128xbf16, #tpu.memory_space<vmem>> -> memref<128x128xbf16, #tpu.memory_space<vmem>>
        %dma_start3A_570 = tpu.memref_slice %arg8[%mul3A_564] : memref<10240xi32, #tpu.memory_space<vmem>> -> memref<128xi32, #tpu.memory_space<vmem>>
        %dma_start3A_571 = arith.constant 0 : i32
        %dma_start3A_572 = arith.constant 0 : i32
        %dma_start3A_573 = tpu.memref_slice %arg2[%dma_start3A_571, %dma_start3A_572] : memref<40000x128xbf16, #tpu.memory_space<hbm>> -> memref<40000x128xbf16, #tpu.memory_space<hbm>>
        tpu.enqueue_indirect_dma source(%dma_start3A_573 : memref<40000x128xbf16, #tpu.memory_space<hbm>>) target(%dma_start3A_569 : memref<128x128xbf16, #tpu.memory_space<vmem>>) offsets(%dma_start3A_570 : memref<128xi32, #tpu.memory_space<vmem>>) semaphore(%arg12 : memref<!tpu.dma_semaphore, #tpu.memory_space<semaphore_mem>>)
      } else {
      }
      %mul3A_363 = arith.constant 8 : i32
      %mul3A_364 = arith.muli %scan3A_246, %mul3A_363 : i32
      %add3A_365 = arith.constant 3 : i32
      %add3A_366 = arith.addi %mul3A_364, %add3A_365 : i32
      %dma_wait3A_367 = arith.constant 3 : i32
      %dma_wait3A_368 = arith.constant 0 : i32
      %dma_wait3A_369 = arith.constant 0 : i32
      %dma_wait3A_370 = tpu.memref_slice %arg10[%dma_wait3A_367, %dma_wait3A_368, %dma_wait3A_369] : memref<8x128x128xbf16, #tpu.memory_space<vmem>> -> memref<1x128x128xbf16, #tpu.memory_space<vmem>>
      %dma_wait3A_371 = tpu.memref_squeeze %dma_wait3A_370 : memref<1x128x128xbf16, #tpu.memory_space<vmem>> -> memref<128x128xbf16, #tpu.memory_space<vmem>>
      %dma_wait3A_372 = arith.constant 0 : i32
      %dma_wait3A_373 = tpu.memref_slice %arg8[%dma_wait3A_372] : memref<10240xi32, #tpu.memory_space<vmem>> -> memref<128xi32, #tpu.memory_space<vmem>>
      %dma_wait3A_374 = arith.constant 0 : i32
      %dma_wait3A_375 = arith.constant 0 : i32
      %dma_wait3A_376 = tpu.memref_slice %arg2[%dma_wait3A_374, %dma_wait3A_375] : memref<40000x128xbf16, #tpu.memory_space<hbm>> -> memref<40000x128xbf16, #tpu.memory_space<hbm>>
      tpu.wait_indirect_dma semaphore(%arg12 : memref<!tpu.dma_semaphore, #tpu.memory_space<semaphore_mem>>) src(%dma_wait3A_376 : memref<40000x128xbf16, #tpu.memory_space<hbm>>) dst(%dma_wait3A_371 : memref<128x128xbf16, #tpu.memory_space<vmem>>)
      %dma_start3A_377 = arith.constant 3 : i32
      %dma_start3A_378 = arith.constant 0 : i32
      %dma_start3A_379 = arith.constant 0 : i32
      %dma_start3A_380 = tpu.memref_slice %arg10[%dma_start3A_377, %dma_start3A_378, %dma_start3A_379] : memref<8x128x128xbf16, #tpu.memory_space<vmem>> -> memref<1x128x128xbf16, #tpu.memory_space<vmem>>
      %dma_start3A_381 = tpu.memref_squeeze %dma_start3A_380 : memref<1x128x128xbf16, #tpu.memory_space<vmem>> -> memref<128x128xbf16, #tpu.memory_space<vmem>>
      %dma_start3A_382 = arith.constant 0 : i32
      %dma_start3A_383 = tpu.memref_slice %arg9[%add3A_366, %dma_start3A_382] : memref<80x128xi32, #tpu.memory_space<vmem>> -> memref<1x128xi32, #tpu.memory_space<vmem>>
      %dma_start3A_384 = tpu.memref_squeeze %dma_start3A_383 : memref<1x128xi32, #tpu.memory_space<vmem>> -> memref<128xi32, #tpu.memory_space<vmem>>
      %dma_start3A_385 = arith.constant 0 : i32
      %dma_start3A_386 = arith.constant 0 : i32
      %dma_start3A_387 = tpu.memref_slice %arg11[%dma_start3A_385, %dma_start3A_386] : memref<10016x128xbf16, #tpu.memory_space<vmem_shared>> -> memref<10016x128xbf16, #tpu.memory_space<vmem_shared>>
      tpu.enqueue_indirect_dma source(%dma_start3A_381 : memref<128x128xbf16, #tpu.memory_space<vmem>>) target(%dma_start3A_387 : memref<10016x128xbf16, #tpu.memory_space<vmem_shared>>) offsets(%dma_start3A_384 : memref<128xi32, #tpu.memory_space<vmem>>) semaphore(%arg16 : memref<!tpu.dma_semaphore, #tpu.memory_space<semaphore_mem>>) {add = true}
      %gt3A_388 = arith.constant 0 : i32
      %gt3A_389 = arith.cmpi sgt, %add3A_366, %gt3A_388 : i32
      %convert_element_type3A_390 = arith.extui %gt3A_389 : i1 to i32
      %cond3A_391 = arith.constant 0 : i32
      %cond3A_392 = arith.cmpi ne, %convert_element_type3A_390, %cond3A_391 : i32
      scf.if %cond3A_392 {
        %dma_wait3A_559 = arith.constant 2 : i32
        %dma_wait3A_560 = arith.constant 0 : i32
        %dma_wait3A_561 = arith.constant 0 : i32
        %dma_wait3A_562 = arith.constant 0 : i32
        %dma_wait3A_563 = tpu.memref_slice %arg10[%dma_wait3A_559, %dma_wait3A_561, %dma_wait3A_562] : memref<8x128x128xbf16, #tpu.memory_space<vmem>> -> memref<1x128x128xbf16, #tpu.memory_space<vmem>>
        %dma_wait3A_564 = tpu.memref_squeeze %dma_wait3A_563 : memref<1x128x128xbf16, #tpu.memory_space<vmem>> -> memref<128x128xbf16, #tpu.memory_space<vmem>>
        %dma_wait3A_565 = arith.constant 0 : i32
        %dma_wait3A_566 = tpu.memref_slice %arg9[%dma_wait3A_560, %dma_wait3A_565] : memref<80x128xi32, #tpu.memory_space<vmem>> -> memref<1x128xi32, #tpu.memory_space<vmem>>
        %dma_wait3A_567 = tpu.memref_squeeze %dma_wait3A_566 : memref<1x128xi32, #tpu.memory_space<vmem>> -> memref<128xi32, #tpu.memory_space<vmem>>
        %dma_wait3A_568 = arith.constant 0 : i32
        %dma_wait3A_569 = arith.constant 0 : i32
        %dma_wait3A_570 = tpu.memref_slice %arg11[%dma_wait3A_568, %dma_wait3A_569] : memref<10016x128xbf16, #tpu.memory_space<vmem_shared>> -> memref<10016x128xbf16, #tpu.memory_space<vmem_shared>>
        tpu.wait_indirect_dma semaphore(%arg15 : memref<!tpu.dma_semaphore, #tpu.memory_space<semaphore_mem>>) src(%dma_wait3A_564 : memref<128x128xbf16, #tpu.memory_space<vmem>>) dst(%dma_wait3A_570 : memref<10016x128xbf16, #tpu.memory_space<vmem_shared>>)
      } else {
      }
      %add3A_393 = arith.constant 8 : i32
      %add3A_394 = arith.addi %add3A_366, %add3A_393 : i32
      %sub3A_395 = arith.constant 1 : i32
      %sub3A_396 = arith.subi %add3A_394, %sub3A_395 : i32
      %lt3A_397 = arith.constant 80 : i32
      %lt3A_398 = arith.cmpi slt, %sub3A_396, %lt3A_397 : i32
      %convert_element_type3A_399 = arith.extui %lt3A_398 : i1 to i32
      %cond3A_400 = arith.constant 0 : i32
      %cond3A_401 = arith.cmpi ne, %convert_element_type3A_399, %cond3A_400 : i32
      scf.if %cond3A_401 {
        %add3A_559 = arith.constant 8 : i32
        %add3A_560 = arith.addi %add3A_366, %add3A_559 : i32
        %sub3A_561 = arith.constant 1 : i32
        %sub3A_562 = arith.subi %add3A_560, %sub3A_561 : i32
        %mul3A_563 = arith.constant 128 : i32
        %mul3A_564 = arith.muli %sub3A_562, %mul3A_563 : i32
        %dma_start3A_565 = arith.constant 2 : i32
        %dma_start3A_566 = arith.constant 0 : i32
        %dma_start3A_567 = arith.constant 0 : i32
        %dma_start3A_568 = tpu.memref_slice %arg10[%dma_start3A_565, %dma_start3A_566, %dma_start3A_567] : memref<8x128x128xbf16, #tpu.memory_space<vmem>> -> memref<1x128x128xbf16, #tpu.memory_space<vmem>>
        %dma_start3A_569 = tpu.memref_squeeze %dma_start3A_568 : memref<1x128x128xbf16, #tpu.memory_space<vmem>> -> memref<128x128xbf16, #tpu.memory_space<vmem>>
        %dma_start3A_570 = tpu.memref_slice %arg8[%mul3A_564] : memref<10240xi32, #tpu.memory_space<vmem>> -> memref<128xi32, #tpu.memory_space<vmem>>
        %dma_start3A_571 = arith.constant 0 : i32
        %dma_start3A_572 = arith.constant 0 : i32
        %dma_start3A_573 = tpu.memref_slice %arg2[%dma_start3A_571, %dma_start3A_572] : memref<40000x128xbf16, #tpu.memory_space<hbm>> -> memref<40000x128xbf16, #tpu.memory_space<hbm>>
        tpu.enqueue_indirect_dma source(%dma_start3A_573 : memref<40000x128xbf16, #tpu.memory_space<hbm>>) target(%dma_start3A_569 : memref<128x128xbf16, #tpu.memory_space<vmem>>) offsets(%dma_start3A_570 : memref<128xi32, #tpu.memory_space<vmem>>) semaphore(%arg12 : memref<!tpu.dma_semaphore, #tpu.memory_space<semaphore_mem>>)
      } else {
      }
      %mul3A_402 = arith.constant 8 : i32
      %mul3A_403 = arith.muli %scan3A_246, %mul3A_402 : i32
      %add3A_404 = arith.constant 4 : i32
      %add3A_405 = arith.addi %mul3A_403, %add3A_404 : i32
      %dma_wait3A_406 = arith.constant 4 : i32
      %dma_wait3A_407 = arith.constant 0 : i32
      %dma_wait3A_408 = arith.constant 0 : i32
      %dma_wait3A_409 = tpu.memref_slice %arg10[%dma_wait3A_406, %dma_wait3A_407, %dma_wait3A_408] : memref<8x128x128xbf16, #tpu.memory_space<vmem>> -> memref<1x128x128xbf16, #tpu.memory_space<vmem>>
      %dma_wait3A_410 = tpu.memref_squeeze %dma_wait3A_409 : memref<1x128x128xbf16, #tpu.memory_space<vmem>> -> memref<128x128xbf16, #tpu.memory_space<vmem>>
      %dma_wait3A_411 = arith.constant 0 : i32
      %dma_wait3A_412 = tpu.memref_slice %arg8[%dma_wait3A_411] : memref<10240xi32, #tpu.memory_space<vmem>> -> memref<128xi32, #tpu.memory_space<vmem>>
      %dma_wait3A_413 = arith.constant 0 : i32
      %dma_wait3A_414 = arith.constant 0 : i32
      %dma_wait3A_415 = tpu.memref_slice %arg2[%dma_wait3A_413, %dma_wait3A_414] : memref<40000x128xbf16, #tpu.memory_space<hbm>> -> memref<40000x128xbf16, #tpu.memory_space<hbm>>
      tpu.wait_indirect_dma semaphore(%arg12 : memref<!tpu.dma_semaphore, #tpu.memory_space<semaphore_mem>>) src(%dma_wait3A_415 : memref<40000x128xbf16, #tpu.memory_space<hbm>>) dst(%dma_wait3A_410 : memref<128x128xbf16, #tpu.memory_space<vmem>>)
      %dma_start3A_416 = arith.constant 4 : i32
      %dma_start3A_417 = arith.constant 0 : i32
      %dma_start3A_418 = arith.constant 0 : i32
      %dma_start3A_419 = tpu.memref_slice %arg10[%dma_start3A_416, %dma_start3A_417, %dma_start3A_418] : memref<8x128x128xbf16, #tpu.memory_space<vmem>> -> memref<1x128x128xbf16, #tpu.memory_space<vmem>>
      %dma_start3A_420 = tpu.memref_squeeze %dma_start3A_419 : memref<1x128x128xbf16, #tpu.memory_space<vmem>> -> memref<128x128xbf16, #tpu.memory_space<vmem>>
      %dma_start3A_421 = arith.constant 0 : i32
      %dma_start3A_422 = tpu.memref_slice %arg9[%add3A_405, %dma_start3A_421] : memref<80x128xi32, #tpu.memory_space<vmem>> -> memref<1x128xi32, #tpu.memory_space<vmem>>
      %dma_start3A_423 = tpu.memref_squeeze %dma_start3A_422 : memref<1x128xi32, #tpu.memory_space<vmem>> -> memref<128xi32, #tpu.memory_space<vmem>>
      %dma_start3A_424 = arith.constant 0 : i32
      %dma_start3A_425 = arith.constant 0 : i32
      %dma_start3A_426 = tpu.memref_slice %arg11[%dma_start3A_424, %dma_start3A_425] : memref<10016x128xbf16, #tpu.memory_space<vmem_shared>> -> memref<10016x128xbf16, #tpu.memory_space<vmem_shared>>
      tpu.enqueue_indirect_dma source(%dma_start3A_420 : memref<128x128xbf16, #tpu.memory_space<vmem>>) target(%dma_start3A_426 : memref<10016x128xbf16, #tpu.memory_space<vmem_shared>>) offsets(%dma_start3A_423 : memref<128xi32, #tpu.memory_space<vmem>>) semaphore(%arg17 : memref<!tpu.dma_semaphore, #tpu.memory_space<semaphore_mem>>) {add = true}
      %gt3A_427 = arith.constant 0 : i32
      %gt3A_428 = arith.cmpi sgt, %add3A_405, %gt3A_427 : i32
      %convert_element_type3A_429 = arith.extui %gt3A_428 : i1 to i32
      %cond3A_430 = arith.constant 0 : i32
      %cond3A_431 = arith.cmpi ne, %convert_element_type3A_429, %cond3A_430 : i32
      scf.if %cond3A_431 {
        %dma_wait3A_559 = arith.constant 3 : i32
        %dma_wait3A_560 = arith.constant 0 : i32
        %dma_wait3A_561 = arith.constant 0 : i32
        %dma_wait3A_562 = arith.constant 0 : i32
        %dma_wait3A_563 = tpu.memref_slice %arg10[%dma_wait3A_559, %dma_wait3A_561, %dma_wait3A_562] : memref<8x128x128xbf16, #tpu.memory_space<vmem>> -> memref<1x128x128xbf16, #tpu.memory_space<vmem>>
        %dma_wait3A_564 = tpu.memref_squeeze %dma_wait3A_563 : memref<1x128x128xbf16, #tpu.memory_space<vmem>> -> memref<128x128xbf16, #tpu.memory_space<vmem>>
        %dma_wait3A_565 = arith.constant 0 : i32
        %dma_wait3A_566 = tpu.memref_slice %arg9[%dma_wait3A_560, %dma_wait3A_565] : memref<80x128xi32, #tpu.memory_space<vmem>> -> memref<1x128xi32, #tpu.memory_space<vmem>>
        %dma_wait3A_567 = tpu.memref_squeeze %dma_wait3A_566 : memref<1x128xi32, #tpu.memory_space<vmem>> -> memref<128xi32, #tpu.memory_space<vmem>>
        %dma_wait3A_568 = arith.constant 0 : i32
        %dma_wait3A_569 = arith.constant 0 : i32
        %dma_wait3A_570 = tpu.memref_slice %arg11[%dma_wait3A_568, %dma_wait3A_569] : memref<10016x128xbf16, #tpu.memory_space<vmem_shared>> -> memref<10016x128xbf16, #tpu.memory_space<vmem_shared>>
        tpu.wait_indirect_dma semaphore(%arg16 : memref<!tpu.dma_semaphore, #tpu.memory_space<semaphore_mem>>) src(%dma_wait3A_564 : memref<128x128xbf16, #tpu.memory_space<vmem>>) dst(%dma_wait3A_570 : memref<10016x128xbf16, #tpu.memory_space<vmem_shared>>)
      } else {
      }
      %add3A_432 = arith.constant 8 : i32
      %add3A_433 = arith.addi %add3A_405, %add3A_432 : i32
      %sub3A_434 = arith.constant 1 : i32
      %sub3A_435 = arith.subi %add3A_433, %sub3A_434 : i32
      %lt3A_436 = arith.constant 80 : i32
      %lt3A_437 = arith.cmpi slt, %sub3A_435, %lt3A_436 : i32
      %convert_element_type3A_438 = arith.extui %lt3A_437 : i1 to i32
      %cond3A_439 = arith.constant 0 : i32
      %cond3A_440 = arith.cmpi ne, %convert_element_type3A_438, %cond3A_439 : i32
      scf.if %cond3A_440 {
        %add3A_559 = arith.constant 8 : i32
        %add3A_560 = arith.addi %add3A_405, %add3A_559 : i32
        %sub3A_561 = arith.constant 1 : i32
        %sub3A_562 = arith.subi %add3A_560, %sub3A_561 : i32
        %mul3A_563 = arith.constant 128 : i32
        %mul3A_564 = arith.muli %sub3A_562, %mul3A_563 : i32
        %dma_start3A_565 = arith.constant 3 : i32
        %dma_start3A_566 = arith.constant 0 : i32
        %dma_start3A_567 = arith.constant 0 : i32
        %dma_start3A_568 = tpu.memref_slice %arg10[%dma_start3A_565, %dma_start3A_566, %dma_start3A_567] : memref<8x128x128xbf16, #tpu.memory_space<vmem>> -> memref<1x128x128xbf16, #tpu.memory_space<vmem>>
        %dma_start3A_569 = tpu.memref_squeeze %dma_start3A_568 : memref<1x128x128xbf16, #tpu.memory_space<vmem>> -> memref<128x128xbf16, #tpu.memory_space<vmem>>
        %dma_start3A_570 = tpu.memref_slice %arg8[%mul3A_564] : memref<10240xi32, #tpu.memory_space<vmem>> -> memref<128xi32, #tpu.memory_space<vmem>>
        %dma_start3A_571 = arith.constant 0 : i32
        %dma_start3A_572 = arith.constant 0 : i32
        %dma_start3A_573 = tpu.memref_slice %arg2[%dma_start3A_571, %dma_start3A_572] : memref<40000x128xbf16, #tpu.memory_space<hbm>> -> memref<40000x128xbf16, #tpu.memory_space<hbm>>
        tpu.enqueue_indirect_dma source(%dma_start3A_573 : memref<40000x128xbf16, #tpu.memory_space<hbm>>) target(%dma_start3A_569 : memref<128x128xbf16, #tpu.memory_space<vmem>>) offsets(%dma_start3A_570 : memref<128xi32, #tpu.memory_space<vmem>>) semaphore(%arg12 : memref<!tpu.dma_semaphore, #tpu.memory_space<semaphore_mem>>)
      } else {
      }
      %mul3A_441 = arith.constant 8 : i32
      %mul3A_442 = arith.muli %scan3A_246, %mul3A_441 : i32
      %add3A_443 = arith.constant 5 : i32
      %add3A_444 = arith.addi %mul3A_442, %add3A_443 : i32
      %dma_wait3A_445 = arith.constant 5 : i32
      %dma_wait3A_446 = arith.constant 0 : i32
      %dma_wait3A_447 = arith.constant 0 : i32
      %dma_wait3A_448 = tpu.memref_slice %arg10[%dma_wait3A_445, %dma_wait3A_446, %dma_wait3A_447] : memref<8x128x128xbf16, #tpu.memory_space<vmem>> -> memref<1x128x128xbf16, #tpu.memory_space<vmem>>
      %dma_wait3A_449 = tpu.memref_squeeze %dma_wait3A_448 : memref<1x128x128xbf16, #tpu.memory_space<vmem>> -> memref<128x128xbf16, #tpu.memory_space<vmem>>
      %dma_wait3A_450 = arith.constant 0 : i32
      %dma_wait3A_451 = tpu.memref_slice %arg8[%dma_wait3A_450] : memref<10240xi32, #tpu.memory_space<vmem>> -> memref<128xi32, #tpu.memory_space<vmem>>
      %dma_wait3A_452 = arith.constant 0 : i32
      %dma_wait3A_453 = arith.constant 0 : i32
      %dma_wait3A_454 = tpu.memref_slice %arg2[%dma_wait3A_452, %dma_wait3A_453] : memref<40000x128xbf16, #tpu.memory_space<hbm>> -> memref<40000x128xbf16, #tpu.memory_space<hbm>>
      tpu.wait_indirect_dma semaphore(%arg12 : memref<!tpu.dma_semaphore, #tpu.memory_space<semaphore_mem>>) src(%dma_wait3A_454 : memref<40000x128xbf16, #tpu.memory_space<hbm>>) dst(%dma_wait3A_449 : memref<128x128xbf16, #tpu.memory_space<vmem>>)
      %dma_start3A_455 = arith.constant 5 : i32
      %dma_start3A_456 = arith.constant 0 : i32
      %dma_start3A_457 = arith.constant 0 : i32
      %dma_start3A_458 = tpu.memref_slice %arg10[%dma_start3A_455, %dma_start3A_456, %dma_start3A_457] : memref<8x128x128xbf16, #tpu.memory_space<vmem>> -> memref<1x128x128xbf16, #tpu.memory_space<vmem>>
      %dma_start3A_459 = tpu.memref_squeeze %dma_start3A_458 : memref<1x128x128xbf16, #tpu.memory_space<vmem>> -> memref<128x128xbf16, #tpu.memory_space<vmem>>
      %dma_start3A_460 = arith.constant 0 : i32
      %dma_start3A_461 = tpu.memref_slice %arg9[%add3A_444, %dma_start3A_460] : memref<80x128xi32, #tpu.memory_space<vmem>> -> memref<1x128xi32, #tpu.memory_space<vmem>>
      %dma_start3A_462 = tpu.memref_squeeze %dma_start3A_461 : memref<1x128xi32, #tpu.memory_space<vmem>> -> memref<128xi32, #tpu.memory_space<vmem>>
      %dma_start3A_463 = arith.constant 0 : i32
      %dma_start3A_464 = arith.constant 0 : i32
      %dma_start3A_465 = tpu.memref_slice %arg11[%dma_start3A_463, %dma_start3A_464] : memref<10016x128xbf16, #tpu.memory_space<vmem_shared>> -> memref<10016x128xbf16, #tpu.memory_space<vmem_shared>>
      tpu.enqueue_indirect_dma source(%dma_start3A_459 : memref<128x128xbf16, #tpu.memory_space<vmem>>) target(%dma_start3A_465 : memref<10016x128xbf16, #tpu.memory_space<vmem_shared>>) offsets(%dma_start3A_462 : memref<128xi32, #tpu.memory_space<vmem>>) semaphore(%arg18 : memref<!tpu.dma_semaphore, #tpu.memory_space<semaphore_mem>>) {add = true}
      %gt3A_466 = arith.constant 0 : i32
      %gt3A_467 = arith.cmpi sgt, %add3A_444, %gt3A_466 : i32
      %convert_element_type3A_468 = arith.extui %gt3A_467 : i1 to i32
      %cond3A_469 = arith.constant 0 : i32
      %cond3A_470 = arith.cmpi ne, %convert_element_type3A_468, %cond3A_469 : i32
      scf.if %cond3A_470 {
        %dma_wait3A_559 = arith.constant 4 : i32
        %dma_wait3A_560 = arith.constant 0 : i32
        %dma_wait3A_561 = arith.constant 0 : i32
        %dma_wait3A_562 = arith.constant 0 : i32
        %dma_wait3A_563 = tpu.memref_slice %arg10[%dma_wait3A_559, %dma_wait3A_561, %dma_wait3A_562] : memref<8x128x128xbf16, #tpu.memory_space<vmem>> -> memref<1x128x128xbf16, #tpu.memory_space<vmem>>
        %dma_wait3A_564 = tpu.memref_squeeze %dma_wait3A_563 : memref<1x128x128xbf16, #tpu.memory_space<vmem>> -> memref<128x128xbf16, #tpu.memory_space<vmem>>
        %dma_wait3A_565 = arith.constant 0 : i32
        %dma_wait3A_566 = tpu.memref_slice %arg9[%dma_wait3A_560, %dma_wait3A_565] : memref<80x128xi32, #tpu.memory_space<vmem>> -> memref<1x128xi32, #tpu.memory_space<vmem>>
        %dma_wait3A_567 = tpu.memref_squeeze %dma_wait3A_566 : memref<1x128xi32, #tpu.memory_space<vmem>> -> memref<128xi32, #tpu.memory_space<vmem>>
        %dma_wait3A_568 = arith.constant 0 : i32
        %dma_wait3A_569 = arith.constant 0 : i32
        %dma_wait3A_570 = tpu.memref_slice %arg11[%dma_wait3A_568, %dma_wait3A_569] : memref<10016x128xbf16, #tpu.memory_space<vmem_shared>> -> memref<10016x128xbf16, #tpu.memory_space<vmem_shared>>
        tpu.wait_indirect_dma semaphore(%arg17 : memref<!tpu.dma_semaphore, #tpu.memory_space<semaphore_mem>>) src(%dma_wait3A_564 : memref<128x128xbf16, #tpu.memory_space<vmem>>) dst(%dma_wait3A_570 : memref<10016x128xbf16, #tpu.memory_space<vmem_shared>>)
      } else {
      }
      %add3A_471 = arith.constant 8 : i32
      %add3A_472 = arith.addi %add3A_444, %add3A_471 : i32
      %sub3A_473 = arith.constant 1 : i32
      %sub3A_474 = arith.subi %add3A_472, %sub3A_473 : i32
      %lt3A_475 = arith.constant 80 : i32
      %lt3A_476 = arith.cmpi slt, %sub3A_474, %lt3A_475 : i32
      %convert_element_type3A_477 = arith.extui %lt3A_476 : i1 to i32
      %cond3A_478 = arith.constant 0 : i32
      %cond3A_479 = arith.cmpi ne, %convert_element_type3A_477, %cond3A_478 : i32
      scf.if %cond3A_479 {
        %add3A_559 = arith.constant 8 : i32
        %add3A_560 = arith.addi %add3A_444, %add3A_559 : i32
        %sub3A_561 = arith.constant 1 : i32
        %sub3A_562 = arith.subi %add3A_560, %sub3A_561 : i32
        %mul3A_563 = arith.constant 128 : i32
        %mul3A_564 = arith.muli %sub3A_562, %mul3A_563 : i32
        %dma_start3A_565 = arith.constant 4 : i32
        %dma_start3A_566 = arith.constant 0 : i32
        %dma_start3A_567 = arith.constant 0 : i32
        %dma_start3A_568 = tpu.memref_slice %arg10[%dma_start3A_565, %dma_start3A_566, %dma_start3A_567] : memref<8x128x128xbf16, #tpu.memory_space<vmem>> -> memref<1x128x128xbf16, #tpu.memory_space<vmem>>
        %dma_start3A_569 = tpu.memref_squeeze %dma_start3A_568 : memref<1x128x128xbf16, #tpu.memory_space<vmem>> -> memref<128x128xbf16, #tpu.memory_space<vmem>>
        %dma_start3A_570 = tpu.memref_slice %arg8[%mul3A_564] : memref<10240xi32, #tpu.memory_space<vmem>> -> memref<128xi32, #tpu.memory_space<vmem>>
        %dma_start3A_571 = arith.constant 0 : i32
        %dma_start3A_572 = arith.constant 0 : i32
        %dma_start3A_573 = tpu.memref_slice %arg2[%dma_start3A_571, %dma_start3A_572] : memref<40000x128xbf16, #tpu.memory_space<hbm>> -> memref<40000x128xbf16, #tpu.memory_space<hbm>>
        tpu.enqueue_indirect_dma source(%dma_start3A_573 : memref<40000x128xbf16, #tpu.memory_space<hbm>>) target(%dma_start3A_569 : memref<128x128xbf16, #tpu.memory_space<vmem>>) offsets(%dma_start3A_570 : memref<128xi32, #tpu.memory_space<vmem>>) semaphore(%arg12 : memref<!tpu.dma_semaphore, #tpu.memory_space<semaphore_mem>>)
      } else {
      }
      %mul3A_480 = arith.constant 8 : i32
      %mul3A_481 = arith.muli %scan3A_246, %mul3A_480 : i32
      %add3A_482 = arith.constant 6 : i32
      %add3A_483 = arith.addi %mul3A_481, %add3A_482 : i32
      %dma_wait3A_484 = arith.constant 6 : i32
      %dma_wait3A_485 = arith.constant 0 : i32
      %dma_wait3A_486 = arith.constant 0 : i32
      %dma_wait3A_487 = tpu.memref_slice %arg10[%dma_wait3A_484, %dma_wait3A_485, %dma_wait3A_486] : memref<8x128x128xbf16, #tpu.memory_space<vmem>> -> memref<1x128x128xbf16, #tpu.memory_space<vmem>>
      %dma_wait3A_488 = tpu.memref_squeeze %dma_wait3A_487 : memref<1x128x128xbf16, #tpu.memory_space<vmem>> -> memref<128x128xbf16, #tpu.memory_space<vmem>>
      %dma_wait3A_489 = arith.constant 0 : i32
      %dma_wait3A_490 = tpu.memref_slice %arg8[%dma_wait3A_489] : memref<10240xi32, #tpu.memory_space<vmem>> -> memref<128xi32, #tpu.memory_space<vmem>>
      %dma_wait3A_491 = arith.constant 0 : i32
      %dma_wait3A_492 = arith.constant 0 : i32
      %dma_wait3A_493 = tpu.memref_slice %arg2[%dma_wait3A_491, %dma_wait3A_492] : memref<40000x128xbf16, #tpu.memory_space<hbm>> -> memref<40000x128xbf16, #tpu.memory_space<hbm>>
      tpu.wait_indirect_dma semaphore(%arg12 : memref<!tpu.dma_semaphore, #tpu.memory_space<semaphore_mem>>) src(%dma_wait3A_493 : memref<40000x128xbf16, #tpu.memory_space<hbm>>) dst(%dma_wait3A_488 : memref<128x128xbf16, #tpu.memory_space<vmem>>)
      %dma_start3A_494 = arith.constant 6 : i32
      %dma_start3A_495 = arith.constant 0 : i32
      %dma_start3A_496 = arith.constant 0 : i32
      %dma_start3A_497 = tpu.memref_slice %arg10[%dma_start3A_494, %dma_start3A_495, %dma_start3A_496] : memref<8x128x128xbf16, #tpu.memory_space<vmem>> -> memref<1x128x128xbf16, #tpu.memory_space<vmem>>
      %dma_start3A_498 = tpu.memref_squeeze %dma_start3A_497 : memref<1x128x128xbf16, #tpu.memory_space<vmem>> -> memref<128x128xbf16, #tpu.memory_space<vmem>>
      %dma_start3A_499 = arith.constant 0 : i32
      %dma_start3A_500 = tpu.memref_slice %arg9[%add3A_483, %dma_start3A_499] : memref<80x128xi32, #tpu.memory_space<vmem>> -> memref<1x128xi32, #tpu.memory_space<vmem>>
      %dma_start3A_501 = tpu.memref_squeeze %dma_start3A_500 : memref<1x128xi32, #tpu.memory_space<vmem>> -> memref<128xi32, #tpu.memory_space<vmem>>
      %dma_start3A_502 = arith.constant 0 : i32
      %dma_start3A_503 = arith.constant 0 : i32
      %dma_start3A_504 = tpu.memref_slice %arg11[%dma_start3A_502, %dma_start3A_503] : memref<10016x128xbf16, #tpu.memory_space<vmem_shared>> -> memref<10016x128xbf16, #tpu.memory_space<vmem_shared>>
      tpu.enqueue_indirect_dma source(%dma_start3A_498 : memref<128x128xbf16, #tpu.memory_space<vmem>>) target(%dma_start3A_504 : memref<10016x128xbf16, #tpu.memory_space<vmem_shared>>) offsets(%dma_start3A_501 : memref<128xi32, #tpu.memory_space<vmem>>) semaphore(%arg19 : memref<!tpu.dma_semaphore, #tpu.memory_space<semaphore_mem>>) {add = true}
      %gt3A_505 = arith.constant 0 : i32
      %gt3A_506 = arith.cmpi sgt, %add3A_483, %gt3A_505 : i32
      %convert_element_type3A_507 = arith.extui %gt3A_506 : i1 to i32
      %cond3A_508 = arith.constant 0 : i32
      %cond3A_509 = arith.cmpi ne, %convert_element_type3A_507, %cond3A_508 : i32
      scf.if %cond3A_509 {
        %dma_wait3A_559 = arith.constant 5 : i32
        %dma_wait3A_560 = arith.constant 0 : i32
        %dma_wait3A_561 = arith.constant 0 : i32
        %dma_wait3A_562 = arith.constant 0 : i32
        %dma_wait3A_563 = tpu.memref_slice %arg10[%dma_wait3A_559, %dma_wait3A_561, %dma_wait3A_562] : memref<8x128x128xbf16, #tpu.memory_space<vmem>> -> memref<1x128x128xbf16, #tpu.memory_space<vmem>>
        %dma_wait3A_564 = tpu.memref_squeeze %dma_wait3A_563 : memref<1x128x128xbf16, #tpu.memory_space<vmem>> -> memref<128x128xbf16, #tpu.memory_space<vmem>>
        %dma_wait3A_565 = arith.constant 0 : i32
        %dma_wait3A_566 = tpu.memref_slice %arg9[%dma_wait3A_560, %dma_wait3A_565] : memref<80x128xi32, #tpu.memory_space<vmem>> -> memref<1x128xi32, #tpu.memory_space<vmem>>
        %dma_wait3A_567 = tpu.memref_squeeze %dma_wait3A_566 : memref<1x128xi32, #tpu.memory_space<vmem>> -> memref<128xi32, #tpu.memory_space<vmem>>
        %dma_wait3A_568 = arith.constant 0 : i32
        %dma_wait3A_569 = arith.constant 0 : i32
        %dma_wait3A_570 = tpu.memref_slice %arg11[%dma_wait3A_568, %dma_wait3A_569] : memref<10016x128xbf16, #tpu.memory_space<vmem_shared>> -> memref<10016x128xbf16, #tpu.memory_space<vmem_shared>>
        tpu.wait_indirect_dma semaphore(%arg18 : memref<!tpu.dma_semaphore, #tpu.memory_space<semaphore_mem>>) src(%dma_wait3A_564 : memref<128x128xbf16, #tpu.memory_space<vmem>>) dst(%dma_wait3A_570 : memref<10016x128xbf16, #tpu.memory_space<vmem_shared>>)
      } else {
      }
      %add3A_510 = arith.constant 8 : i32
      %add3A_511 = arith.addi %add3A_483, %add3A_510 : i32
      %sub3A_512 = arith.constant 1 : i32
      %sub3A_513 = arith.subi %add3A_511, %sub3A_512 : i32
      %lt3A_514 = arith.constant 80 : i32
      %lt3A_515 = arith.cmpi slt, %sub3A_513, %lt3A_514 : i32
      %convert_element_type3A_516 = arith.extui %lt3A_515 : i1 to i32
      %cond3A_517 = arith.constant 0 : i32
      %cond3A_518 = arith.cmpi ne, %convert_element_type3A_516, %cond3A_517 : i32
      scf.if %cond3A_518 {
        %add3A_559 = arith.constant 8 : i32
        %add3A_560 = arith.addi %add3A_483, %add3A_559 : i32
        %sub3A_561 = arith.constant 1 : i32
        %sub3A_562 = arith.subi %add3A_560, %sub3A_561 : i32
        %mul3A_563 = arith.constant 128 : i32
        %mul3A_564 = arith.muli %sub3A_562, %mul3A_563 : i32
        %dma_start3A_565 = arith.constant 5 : i32
        %dma_start3A_566 = arith.constant 0 : i32
        %dma_start3A_567 = arith.constant 0 : i32
        %dma_start3A_568 = tpu.memref_slice %arg10[%dma_start3A_565, %dma_start3A_566, %dma_start3A_567] : memref<8x128x128xbf16, #tpu.memory_space<vmem>> -> memref<1x128x128xbf16, #tpu.memory_space<vmem>>
        %dma_start3A_569 = tpu.memref_squeeze %dma_start3A_568 : memref<1x128x128xbf16, #tpu.memory_space<vmem>> -> memref<128x128xbf16, #tpu.memory_space<vmem>>
        %dma_start3A_570 = tpu.memref_slice %arg8[%mul3A_564] : memref<10240xi32, #tpu.memory_space<vmem>> -> memref<128xi32, #tpu.memory_space<vmem>>
        %dma_start3A_571 = arith.constant 0 : i32
        %dma_start3A_572 = arith.constant 0 : i32
        %dma_start3A_573 = tpu.memref_slice %arg2[%dma_start3A_571, %dma_start3A_572] : memref<40000x128xbf16, #tpu.memory_space<hbm>> -> memref<40000x128xbf16, #tpu.memory_space<hbm>>
        tpu.enqueue_indirect_dma source(%dma_start3A_573 : memref<40000x128xbf16, #tpu.memory_space<hbm>>) target(%dma_start3A_569 : memref<128x128xbf16, #tpu.memory_space<vmem>>) offsets(%dma_start3A_570 : memref<128xi32, #tpu.memory_space<vmem>>) semaphore(%arg12 : memref<!tpu.dma_semaphore, #tpu.memory_space<semaphore_mem>>)
      } else {
      }
      %mul3A_519 = arith.constant 8 : i32
      %mul3A_520 = arith.muli %scan3A_246, %mul3A_519 : i32
      %add3A_521 = arith.constant 7 : i32
      %add3A_522 = arith.addi %mul3A_520, %add3A_521 : i32
      %dma_wait3A_523 = arith.constant 7 : i32
      %dma_wait3A_524 = arith.constant 0 : i32
      %dma_wait3A_525 = arith.constant 0 : i32
      %dma_wait3A_526 = tpu.memref_slice %arg10[%dma_wait3A_523, %dma_wait3A_524, %dma_wait3A_525] : memref<8x128x128xbf16, #tpu.memory_space<vmem>> -> memref<1x128x128xbf16, #tpu.memory_space<vmem>>
      %dma_wait3A_527 = tpu.memref_squeeze %dma_wait3A_526 : memref<1x128x128xbf16, #tpu.memory_space<vmem>> -> memref<128x128xbf16, #tpu.memory_space<vmem>>
      %dma_wait3A_528 = arith.constant 0 : i32
      %dma_wait3A_529 = tpu.memref_slice %arg8[%dma_wait3A_528] : memref<10240xi32, #tpu.memory_space<vmem>> -> memref<128xi32, #tpu.memory_space<vmem>>
      %dma_wait3A_530 = arith.constant 0 : i32
      %dma_wait3A_531 = arith.constant 0 : i32
      %dma_wait3A_532 = tpu.memref_slice %arg2[%dma_wait3A_530, %dma_wait3A_531] : memref<40000x128xbf16, #tpu.memory_space<hbm>> -> memref<40000x128xbf16, #tpu.memory_space<hbm>>
      tpu.wait_indirect_dma semaphore(%arg12 : memref<!tpu.dma_semaphore, #tpu.memory_space<semaphore_mem>>) src(%dma_wait3A_532 : memref<40000x128xbf16, #tpu.memory_space<hbm>>) dst(%dma_wait3A_527 : memref<128x128xbf16, #tpu.memory_space<vmem>>)
      %dma_start3A_533 = arith.constant 7 : i32
      %dma_start3A_534 = arith.constant 0 : i32
      %dma_start3A_535 = arith.constant 0 : i32
      %dma_start3A_536 = tpu.memref_slice %arg10[%dma_start3A_533, %dma_start3A_534, %dma_start3A_535] : memref<8x128x128xbf16, #tpu.memory_space<vmem>> -> memref<1x128x128xbf16, #tpu.memory_space<vmem>>
      %dma_start3A_537 = tpu.memref_squeeze %dma_start3A_536 : memref<1x128x128xbf16, #tpu.memory_space<vmem>> -> memref<128x128xbf16, #tpu.memory_space<vmem>>
      %dma_start3A_538 = arith.constant 0 : i32
      %dma_start3A_539 = tpu.memref_slice %arg9[%add3A_522, %dma_start3A_538] : memref<80x128xi32, #tpu.memory_space<vmem>> -> memref<1x128xi32, #tpu.memory_space<vmem>>
      %dma_start3A_540 = tpu.memref_squeeze %dma_start3A_539 : memref<1x128xi32, #tpu.memory_space<vmem>> -> memref<128xi32, #tpu.memory_space<vmem>>
      %dma_start3A_541 = arith.constant 0 : i32
      %dma_start3A_542 = arith.constant 0 : i32
      %dma_start3A_543 = tpu.memref_slice %arg11[%dma_start3A_541, %dma_start3A_542] : memref<10016x128xbf16, #tpu.memory_space<vmem_shared>> -> memref<10016x128xbf16, #tpu.memory_space<vmem_shared>>
      tpu.enqueue_indirect_dma source(%dma_start3A_537 : memref<128x128xbf16, #tpu.memory_space<vmem>>) target(%dma_start3A_543 : memref<10016x128xbf16, #tpu.memory_space<vmem_shared>>) offsets(%dma_start3A_540 : memref<128xi32, #tpu.memory_space<vmem>>) semaphore(%arg20 : memref<!tpu.dma_semaphore, #tpu.memory_space<semaphore_mem>>) {add = true}
      %gt3A_544 = arith.constant 0 : i32
      %gt3A_545 = arith.cmpi sgt, %add3A_522, %gt3A_544 : i32
      %convert_element_type3A_546 = arith.extui %gt3A_545 : i1 to i32
      %cond3A_547 = arith.constant 0 : i32
      %cond3A_548 = arith.cmpi ne, %convert_element_type3A_546, %cond3A_547 : i32
      scf.if %cond3A_548 {
        %dma_wait3A_559 = arith.constant 6 : i32
        %dma_wait3A_560 = arith.constant 0 : i32
        %dma_wait3A_561 = arith.constant 0 : i32
        %dma_wait3A_562 = arith.constant 0 : i32
        %dma_wait3A_563 = tpu.memref_slice %arg10[%dma_wait3A_559, %dma_wait3A_561, %dma_wait3A_562] : memref<8x128x128xbf16, #tpu.memory_space<vmem>> -> memref<1x128x128xbf16, #tpu.memory_space<vmem>>
        %dma_wait3A_564 = tpu.memref_squeeze %dma_wait3A_563 : memref<1x128x128xbf16, #tpu.memory_space<vmem>> -> memref<128x128xbf16, #tpu.memory_space<vmem>>
        %dma_wait3A_565 = arith.constant 0 : i32
        %dma_wait3A_566 = tpu.memref_slice %arg9[%dma_wait3A_560, %dma_wait3A_565] : memref<80x128xi32, #tpu.memory_space<vmem>> -> memref<1x128xi32, #tpu.memory_space<vmem>>
        %dma_wait3A_567 = tpu.memref_squeeze %dma_wait3A_566 : memref<1x128xi32, #tpu.memory_space<vmem>> -> memref<128xi32, #tpu.memory_space<vmem>>
        %dma_wait3A_568 = arith.constant 0 : i32
        %dma_wait3A_569 = arith.constant 0 : i32
        %dma_wait3A_570 = tpu.memref_slice %arg11[%dma_wait3A_568, %dma_wait3A_569] : memref<10016x128xbf16, #tpu.memory_space<vmem_shared>> -> memref<10016x128xbf16, #tpu.memory_space<vmem_shared>>
        tpu.wait_indirect_dma semaphore(%arg19 : memref<!tpu.dma_semaphore, #tpu.memory_space<semaphore_mem>>) src(%dma_wait3A_564 : memref<128x128xbf16, #tpu.memory_space<vmem>>) dst(%dma_wait3A_570 : memref<10016x128xbf16, #tpu.memory_space<vmem_shared>>)
      } else {
      }
      %add3A_549 = arith.constant 8 : i32
      %add3A_550 = arith.addi %add3A_522, %add3A_549 : i32
      %sub3A_551 = arith.constant 1 : i32
      %sub3A_552 = arith.subi %add3A_550, %sub3A_551 : i32
      %lt3A_553 = arith.constant 80 : i32
      %lt3A_554 = arith.cmpi slt, %sub3A_552, %lt3A_553 : i32
      %convert_element_type3A_555 = arith.extui %lt3A_554 : i1 to i32
      %cond3A_556 = arith.constant 0 : i32
      %cond3A_557 = arith.cmpi ne, %convert_element_type3A_555, %cond3A_556 : i32
      scf.if %cond3A_557 {
        %add3A_559 = arith.constant 8 : i32
        %add3A_560 = arith.addi %add3A_522, %add3A_559 : i32
        %sub3A_561 = arith.constant 1 : i32
        %sub3A_562 = arith.subi %add3A_560, %sub3A_561 : i32
        %mul3A_563 = arith.constant 128 : i32
        %mul3A_564 = arith.muli %sub3A_562, %mul3A_563 : i32
        %dma_start3A_565 = arith.constant 6 : i32
        %dma_start3A_566 = arith.constant 0 : i32
        %dma_start3A_567 = arith.constant 0 : i32
        %dma_start3A_568 = tpu.memref_slice %arg10[%dma_start3A_565, %dma_start3A_566, %dma_start3A_567] : memref<8x128x128xbf16, #tpu.memory_space<vmem>> -> memref<1x128x128xbf16, #tpu.memory_space<vmem>>
        %dma_start3A_569 = tpu.memref_squeeze %dma_start3A_568 : memref<1x128x128xbf16, #tpu.memory_space<vmem>> -> memref<128x128xbf16, #tpu.memory_space<vmem>>
        %dma_start3A_570 = tpu.memref_slice %arg8[%mul3A_564] : memref<10240xi32, #tpu.memory_space<vmem>> -> memref<128xi32, #tpu.memory_space<vmem>>
        %dma_start3A_571 = arith.constant 0 : i32
        %dma_start3A_572 = arith.constant 0 : i32
        %dma_start3A_573 = tpu.memref_slice %arg2[%dma_start3A_571, %dma_start3A_572] : memref<40000x128xbf16, #tpu.memory_space<hbm>> -> memref<40000x128xbf16, #tpu.memory_space<hbm>>
        tpu.enqueue_indirect_dma source(%dma_start3A_573 : memref<40000x128xbf16, #tpu.memory_space<hbm>>) target(%dma_start3A_569 : memref<128x128xbf16, #tpu.memory_space<vmem>>) offsets(%dma_start3A_570 : memref<128xi32, #tpu.memory_space<vmem>>) semaphore(%arg12 : memref<!tpu.dma_semaphore, #tpu.memory_space<semaphore_mem>>)
      } else {
      }
      %scan3A_558 = arith.constant 0 : i32
      scf.yield %scan3A_558 : i32
    }
    %scan3A_94 = arith.constant 10 : i32
    %dma_wait3A = arith.constant 7 : i32
    %dma_wait3A_95 = arith.constant 0 : i32
    %dma_wait3A_96 = arith.constant 0 : i32
    %dma_wait3A_97 = arith.constant 0 : i32
    %dma_wait3A_98 = tpu.memref_slice %arg10[%dma_wait3A, %dma_wait3A_96, %dma_wait3A_97] : memref<8x128x128xbf16, #tpu.memory_space<vmem>> -> memref<1x128x128xbf16, #tpu.memory_space<vmem>>
    %dma_wait3A_99 = tpu.memref_squeeze %dma_wait3A_98 : memref<1x128x128xbf16, #tpu.memory_space<vmem>> -> memref<128x128xbf16, #tpu.memory_space<vmem>>
    %dma_wait3A_100 = arith.constant 0 : i32
    %dma_wait3A_101 = tpu.memref_slice %arg9[%dma_wait3A_95, %dma_wait3A_100] : memref<80x128xi32, #tpu.memory_space<vmem>> -> memref<1x128xi32, #tpu.memory_space<vmem>>
    %dma_wait3A_102 = tpu.memref_squeeze %dma_wait3A_101 : memref<1x128xi32, #tpu.memory_space<vmem>> -> memref<128xi32, #tpu.memory_space<vmem>>
    %dma_wait3A_103 = arith.constant 0 : i32
    %dma_wait3A_104 = arith.constant 0 : i32
    %dma_wait3A_105 = tpu.memref_slice %arg11[%dma_wait3A_103, %dma_wait3A_104] : memref<10016x128xbf16, #tpu.memory_space<vmem_shared>> -> memref<10016x128xbf16, #tpu.memory_space<vmem_shared>>
    tpu.wait_indirect_dma semaphore(%arg20 : memref<!tpu.dma_semaphore, #tpu.memory_space<semaphore_mem>>) src(%dma_wait3A_99 : memref<128x128xbf16, #tpu.memory_space<vmem>>) dst(%dma_wait3A_105 : memref<10016x128xbf16, #tpu.memory_space<vmem_shared>>)
    %barrier3A_106 = arith.constant 0 : index
    tpu.barrier barrier_id(%barrier3A_106)
    %mul3A_107 = arith.constant 2 : i32
    %mul3A_108 = arith.muli %arg0, %mul3A_107 : i32
    %add3A = arith.constant 0 : i32
    %add3A_109 = arith.addi %mul3A_108, %add3A : i32
    %mul3A_110 = arith.constant 10000 : i32
    %mul3A_111 = arith.muli %add3A_109, %mul3A_110 : i32
    %lt3A_112 = arith.constant 15 : i32
    %lt3A_113 = arith.cmpi slt, %arg1, %lt3A_112 : i32
    %convert_element_type3A_114 = arith.extui %lt3A_113 : i1 to i32
    %cond3A_115 = arith.constant 0 : i32
    %cond3A_116 = arith.cmpi ne, %convert_element_type3A_114, %cond3A_115 : i32
    scf.if %cond3A_116 {
      %mul3A_246 = arith.constant 624 : i32
      %mul3A_247 = arith.muli %arg1, %mul3A_246 : i32
      %mul3A_248 = arith.constant 624 : i32
      %mul3A_249 = arith.muli %arg1, %mul3A_248 : i32
      %add3A_250 = arith.addi %mul3A_111, %mul3A_249 : i32
      "tpu.region"() ({
        %run_scoped3A = tpu.sem_alloc : memref<!tpu.dma_semaphore, #tpu.memory_space<semaphore_mem>>
        %dma_start3A_251 = arith.constant 0 : i32
        %dma_start3A_252 = tpu.memref_slice %arg7[%add3A_250, %dma_start3A_251] : memref<40000x128xbf16, #tpu.memory_space<hbm>> -> memref<624x128xbf16, #tpu.memory_space<hbm>>
        %dma_start3A_253 = arith.constant 0 : i32
        %dma_start3A_254 = tpu.memref_slice %arg11[%mul3A_247, %dma_start3A_253] : memref<10016x128xbf16, #tpu.memory_space<vmem_shared>> -> memref<624x128xbf16, #tpu.memory_space<vmem_shared>>
        tpu.enqueue_dma source(%dma_start3A_254 : memref<624x128xbf16, #tpu.memory_space<vmem_shared>>) target(%dma_start3A_252 : memref<624x128xbf16, #tpu.memory_space<hbm>>) target_semaphore(%run_scoped3A : memref<!tpu.dma_semaphore, #tpu.memory_space<semaphore_mem>>)
        %dma_wait3A_255 = arith.constant 0 : i32
        %dma_wait3A_256 = tpu.memref_slice %arg7[%add3A_250, %dma_wait3A_255] : memref<40000x128xbf16, #tpu.memory_space<hbm>> -> memref<624x128xbf16, #tpu.memory_space<hbm>>
        %dma_wait3A_257 = arith.constant 0 : i32
        %dma_wait3A_258 = tpu.memref_slice %arg11[%mul3A_247, %dma_wait3A_257] : memref<10016x128xbf16, #tpu.memory_space<vmem_shared>> -> memref<624x128xbf16, #tpu.memory_space<vmem_shared>>
        tpu.wait_dma2 semaphore(%run_scoped3A : memref<!tpu.dma_semaphore, #tpu.memory_space<semaphore_mem>>) src(%dma_wait3A_258 : memref<624x128xbf16, #tpu.memory_space<vmem_shared>>) dst(%dma_wait3A_256 : memref<624x128xbf16, #tpu.memory_space<hbm>>)
        tpu.yield
      }) : () -> ()
    } else {
    }
    %eq3A_117 = arith.constant 15 : i32
    %eq3A_118 = arith.cmpi eq, %arg1, %eq3A_117 : i32
    %convert_element_type3A_119 = arith.extui %eq3A_118 : i1 to i32
    %cond3A_120 = arith.constant 0 : i32
    %cond3A_121 = arith.cmpi ne, %convert_element_type3A_119, %cond3A_120 : i32
    scf.if %cond3A_121 {
      %add3A_246 = arith.constant 9360 : i32
      %add3A_247 = arith.addi %mul3A_111, %add3A_246 : i32
      "tpu.region"() ({
        %run_scoped3A = tpu.sem_alloc : memref<!tpu.dma_semaphore, #tpu.memory_space<semaphore_mem>>
        %dma_start3A_248 = arith.constant 0 : i32
        %dma_start3A_249 = tpu.memref_slice %arg7[%add3A_247, %dma_start3A_248] : memref<40000x128xbf16, #tpu.memory_space<hbm>> -> memref<640x128xbf16, #tpu.memory_space<hbm>>
        %dma_start3A_250 = arith.constant 9360 : i32
        %dma_start3A_251 = arith.constant 0 : i32
        %dma_start3A_252 = tpu.memref_slice %arg11[%dma_start3A_250, %dma_start3A_251] : memref<10016x128xbf16, #tpu.memory_space<vmem_shared>> -> memref<640x128xbf16, #tpu.memory_space<vmem_shared>>
        tpu.enqueue_dma source(%dma_start3A_252 : memref<640x128xbf16, #tpu.memory_space<vmem_shared>>) target(%dma_start3A_249 : memref<640x128xbf16, #tpu.memory_space<hbm>>) target_semaphore(%run_scoped3A : memref<!tpu.dma_semaphore, #tpu.memory_space<semaphore_mem>>)
        %dma_wait3A_253 = arith.constant 0 : i32
        %dma_wait3A_254 = tpu.memref_slice %arg7[%add3A_247, %dma_wait3A_253] : memref<40000x128xbf16, #tpu.memory_space<hbm>> -> memref<640x128xbf16, #tpu.memory_space<hbm>>
        %dma_wait3A_255 = arith.constant 9360 : i32
        %dma_wait3A_256 = arith.constant 0 : i32
        %dma_wait3A_257 = tpu.memref_slice %arg11[%dma_wait3A_255, %dma_wait3A_256] : memref<10016x128xbf16, #tpu.memory_space<vmem_shared>> -> memref<640x128xbf16, #tpu.memory_space<vmem_shared>>
        tpu.wait_dma2 semaphore(%run_scoped3A : memref<!tpu.dma_semaphore, #tpu.memory_space<semaphore_mem>>) src(%dma_wait3A_257 : memref<640x128xbf16, #tpu.memory_space<vmem_shared>>) dst(%dma_wait3A_254 : memref<640x128xbf16, #tpu.memory_space<hbm>>)
        tpu.yield
      }) : () -> ()
    } else {
    }
    %scan3A_122 = arith.constant 0 : i32
    %scan3A_123 = arith.constant 0 : i32
    %scan3A_124 = arith.constant 640 : i32
    %scan3A_125 = arith.addi %scan3A_123, %scan3A_124 : i32
    %scan3A_126 = arith.constant 1 : i32
    %scan3A_127 = scf.for %scan3A_246 = %scan3A_123 to %scan3A_125 step %scan3A_126 iter_args(%scan3A_247 = %scan3A_122) -> (i32)  : i32 {
      %mul3A_248 = arith.constant 16 : i32
      %mul3A_249 = arith.muli %scan3A_246, %mul3A_248 : i32
      %get3A = arith.index_cast %mul3A_249 : i32 to index
      %get3A_250 = tpu.vector_load %arg8[%get3A] {strides = array<i32>} : memref<10240xi32, #tpu.memory_space<vmem>>, vector<16xi32>,
      %get3A_251 = vector.shape_cast %get3A_250 : vector<16xi32> to vector<16xi32>
      %add3A_252 = arith.constant 10000 : i32
      %add3A_253 = vector.broadcast %add3A_252 : i32 to vector<16xi32>
      %add3A_254 = arith.addi %get3A_251, %add3A_253 : vector<16xi32>
      %mul3A_255 = arith.constant 16 : i32
      %mul3A_256 = arith.muli %scan3A_246, %mul3A_255 : i32
      %swap3A = arith.index_cast %mul3A_256 : i32 to index
      %swap3A_257 = tpu.vector_load %arg8[%swap3A] {strides = array<i32>} : memref<10240xi32, #tpu.memory_space<vmem>>, vector<16xi32>,
      %swap3A_258 = vector.shape_cast %swap3A_257 : vector<16xi32> to vector<16xi32>
      %swap3A_259 = vector.shape_cast %add3A_254 : vector<16xi32> to vector<16xi32>
      tpu.vector_store %arg8[%swap3A], %swap3A_259 {strides = array<i32>} : memref<10240xi32, #tpu.memory_space<vmem>>, vector<16xi32>,
      %scan3A_260 = arith.constant 0 : i32
      scf.yield %scan3A_260 : i32
    }
    %scan3A_128 = arith.constant 640 : i32
    %lt3A_129 = arith.constant 15 : i32
    %lt3A_130 = arith.cmpi slt, %arg1, %lt3A_129 : i32
    %convert_element_type3A_131 = arith.extui %lt3A_130 : i1 to i32
    %cond3A_132 = arith.constant 0 : i32
    %cond3A_133 = arith.cmpi ne, %convert_element_type3A_131, %cond3A_132 : i32
    scf.if %cond3A_133 {
      %mul3A_246 = arith.constant 624 : i32
      %mul3A_247 = arith.muli %arg1, %mul3A_246 : i32
      "tpu.region"() ({
        %run_scoped3A = tpu.sem_alloc : memref<!tpu.dma_semaphore, #tpu.memory_space<semaphore_mem>>
        %dma_start3A_248 = arith.constant 0 : i32
        %dma_start3A_249 = tpu.memref_slice %arg11[%mul3A_247, %dma_start3A_248] : memref<10016x128xbf16, #tpu.memory_space<vmem_shared>> -> memref<624x128xbf16, #tpu.memory_space<vmem_shared>>
        %dma_start3A_250 = arith.constant 0 : i32
        %dma_start3A_251 = arith.constant 0 : i32
        %dma_start3A_252 = tpu.memref_slice %arg5[%dma_start3A_250, %dma_start3A_251] : memref<656x128xbf16, #tpu.memory_space<hbm>> -> memref<624x128xbf16, #tpu.memory_space<hbm>>
        tpu.enqueue_dma source(%dma_start3A_252 : memref<624x128xbf16, #tpu.memory_space<hbm>>) target(%dma_start3A_249 : memref<624x128xbf16, #tpu.memory_space<vmem_shared>>) target_semaphore(%run_scoped3A : memref<!tpu.dma_semaphore, #tpu.memory_space<semaphore_mem>>)
        %dma_wait3A_253 = arith.constant 0 : i32
        %dma_wait3A_254 = tpu.memref_slice %arg11[%mul3A_247, %dma_wait3A_253] : memref<10016x128xbf16, #tpu.memory_space<vmem_shared>> -> memref<624x128xbf16, #tpu.memory_space<vmem_shared>>
        %dma_wait3A_255 = arith.constant 0 : i32
        %dma_wait3A_256 = arith.constant 0 : i32
        %dma_wait3A_257 = tpu.memref_slice %arg5[%dma_wait3A_255, %dma_wait3A_256] : memref<656x128xbf16, #tpu.memory_space<hbm>> -> memref<624x128xbf16, #tpu.memory_space<hbm>>
        tpu.wait_dma2 semaphore(%run_scoped3A : memref<!tpu.dma_semaphore, #tpu.memory_space<semaphore_mem>>) src(%dma_wait3A_257 : memref<624x128xbf16, #tpu.memory_space<hbm>>) dst(%dma_wait3A_254 : memref<624x128xbf16, #tpu.memory_space<vmem_shared>>)
        tpu.yield
      }) : () -> ()
    } else {
    }
    %eq3A_134 = arith.constant 15 : i32
    %eq3A_135 = arith.cmpi eq, %arg1, %eq3A_134 : i32
    %convert_element_type3A_136 = arith.extui %eq3A_135 : i1 to i32
    %cond3A_137 = arith.constant 0 : i32
    %cond3A_138 = arith.cmpi ne, %convert_element_type3A_136, %cond3A_137 : i32
    scf.if %cond3A_138 {
      "tpu.region"() ({
        %run_scoped3A = tpu.sem_alloc : memref<!tpu.dma_semaphore, #tpu.memory_space<semaphore_mem>>
        %dma_start3A_246 = arith.constant 9360 : i32
        %dma_start3A_247 = arith.constant 0 : i32
        %dma_start3A_248 = tpu.memref_slice %arg11[%dma_start3A_246, %dma_start3A_247] : memref<10016x128xbf16, #tpu.memory_space<vmem_shared>> -> memref<656x128xbf16, #tpu.memory_space<vmem_shared>>
        tpu.enqueue_dma source(%arg5 : memref<656x128xbf16, #tpu.memory_space<hbm>>) target(%dma_start3A_248 : memref<656x128xbf16, #tpu.memory_space<vmem_shared>>) target_semaphore(%run_scoped3A : memref<!tpu.dma_semaphore, #tpu.memory_space<semaphore_mem>>)
        %dma_wait3A_249 = arith.constant 9360 : i32
        %dma_wait3A_250 = arith.constant 0 : i32
        %dma_wait3A_251 = tpu.memref_slice %arg11[%dma_wait3A_249, %dma_wait3A_250] : memref<10016x128xbf16, #tpu.memory_space<vmem_shared>> -> memref<656x128xbf16, #tpu.memory_space<vmem_shared>>
        tpu.wait_dma2 semaphore(%run_scoped3A : memref<!tpu.dma_semaphore, #tpu.memory_space<semaphore_mem>>) src(%arg5 : memref<656x128xbf16, #tpu.memory_space<hbm>>) dst(%dma_wait3A_251 : memref<656x128xbf16, #tpu.memory_space<vmem_shared>>)
        tpu.yield
      }) : () -> ()
    } else {
    }
    %barrier3A_139 = arith.constant 0 : index
    tpu.barrier barrier_id(%barrier3A_139)
    %dma_start3A_140 = arith.constant 0 : i32
    %dma_start3A_141 = arith.constant 0 : i32
    %dma_start3A_142 = arith.constant 0 : i32
    %dma_start3A_143 = tpu.memref_slice %arg10[%dma_start3A_140, %dma_start3A_141, %dma_start3A_142] : memref<8x128x128xbf16, #tpu.memory_space<vmem>> -> memref<1x128x128xbf16, #tpu.memory_space<vmem>>
    %dma_start3A_144 = tpu.memref_squeeze %dma_start3A_143 : memref<1x128x128xbf16, #tpu.memory_space<vmem>> -> memref<128x128xbf16, #tpu.memory_space<vmem>>
    %dma_start3A_145 = arith.constant 0 : i32
    %dma_start3A_146 = tpu.memref_slice %arg8[%dma_start3A_145] : memref<10240xi32, #tpu.memory_space<vmem>> -> memref<128xi32, #tpu.memory_space<vmem>>
    %dma_start3A_147 = arith.constant 0 : i32
    %dma_start3A_148 = arith.constant 0 : i32
    %dma_start3A_149 = tpu.memref_slice %arg2[%dma_start3A_147, %dma_start3A_148] : memref<40000x128xbf16, #tpu.memory_space<hbm>> -> memref<40000x128xbf16, #tpu.memory_space<hbm>>
    tpu.enqueue_indirect_dma source(%dma_start3A_149 : memref<40000x128xbf16, #tpu.memory_space<hbm>>) target(%dma_start3A_144 : memref<128x128xbf16, #tpu.memory_space<vmem>>) offsets(%dma_start3A_146 : memref<128xi32, #tpu.memory_space<vmem>>) semaphore(%arg12 : memref<!tpu.dma_semaphore, #tpu.memory_space<semaphore_mem>>)
    %dma_start3A_150 = arith.constant 1 : i32
    %dma_start3A_151 = arith.constant 0 : i32
    %dma_start3A_152 = arith.constant 0 : i32
    %dma_start3A_153 = tpu.memref_slice %arg10[%dma_start3A_150, %dma_start3A_151, %dma_start3A_152] : memref<8x128x128xbf16, #tpu.memory_space<vmem>> -> memref<1x128x128xbf16, #tpu.memory_space<vmem>>
    %dma_start3A_154 = tpu.memref_squeeze %dma_start3A_153 : memref<1x128x128xbf16, #tpu.memory_space<vmem>> -> memref<128x128xbf16, #tpu.memory_space<vmem>>
    %dma_start3A_155 = arith.constant 128 : i32
    %dma_start3A_156 = tpu.memref_slice %arg8[%dma_start3A_155] : memref<10240xi32, #tpu.memory_space<vmem>> -> memref<128xi32, #tpu.memory_space<vmem>>
    %dma_start3A_157 = arith.constant 0 : i32
    %dma_start3A_158 = arith.constant 0 : i32
    %dma_start3A_159 = tpu.memref_slice %arg2[%dma_start3A_157, %dma_start3A_158] : memref<40000x128xbf16, #tpu.memory_space<hbm>> -> memref<40000x128xbf16, #tpu.memory_space<hbm>>
    tpu.enqueue_indirect_dma source(%dma_start3A_159 : memref<40000x128xbf16, #tpu.memory_space<hbm>>) target(%dma_start3A_154 : memref<128x128xbf16, #tpu.memory_space<vmem>>) offsets(%dma_start3A_156 : memref<128xi32, #tpu.memory_space<vmem>>) semaphore(%arg12 : memref<!tpu.dma_semaphore, #tpu.memory_space<semaphore_mem>>)
    %dma_start3A_160 = arith.constant 2 : i32
    %dma_start3A_161 = arith.constant 0 : i32
    %dma_start3A_162 = arith.constant 0 : i32
    %dma_start3A_163 = tpu.memref_slice %arg10[%dma_start3A_160, %dma_start3A_161, %dma_start3A_162] : memref<8x128x128xbf16, #tpu.memory_space<vmem>> -> memref<1x128x128xbf16, #tpu.memory_space<vmem>>
    %dma_start3A_164 = tpu.memref_squeeze %dma_start3A_163 : memref<1x128x128xbf16, #tpu.memory_space<vmem>> -> memref<128x128xbf16, #tpu.memory_space<vmem>>
    %dma_start3A_165 = arith.constant 256 : i32
    %dma_start3A_166 = tpu.memref_slice %arg8[%dma_start3A_165] : memref<10240xi32, #tpu.memory_space<vmem>> -> memref<128xi32, #tpu.memory_space<vmem>>
    %dma_start3A_167 = arith.constant 0 : i32
    %dma_start3A_168 = arith.constant 0 : i32
    %dma_start3A_169 = tpu.memref_slice %arg2[%dma_start3A_167, %dma_start3A_168] : memref<40000x128xbf16, #tpu.memory_space<hbm>> -> memref<40000x128xbf16, #tpu.memory_space<hbm>>
    tpu.enqueue_indirect_dma source(%dma_start3A_169 : memref<40000x128xbf16, #tpu.memory_space<hbm>>) target(%dma_start3A_164 : memref<128x128xbf16, #tpu.memory_space<vmem>>) offsets(%dma_start3A_166 : memref<128xi32, #tpu.memory_space<vmem>>) semaphore(%arg12 : memref<!tpu.dma_semaphore, #tpu.memory_space<semaphore_mem>>)
    %dma_start3A_170 = arith.constant 3 : i32
    %dma_start3A_171 = arith.constant 0 : i32
    %dma_start3A_172 = arith.constant 0 : i32
    %dma_start3A_173 = tpu.memref_slice %arg10[%dma_start3A_170, %dma_start3A_171, %dma_start3A_172] : memref<8x128x128xbf16, #tpu.memory_space<vmem>> -> memref<1x128x128xbf16, #tpu.memory_space<vmem>>
    %dma_start3A_174 = tpu.memref_squeeze %dma_start3A_173 : memref<1x128x128xbf16, #tpu.memory_space<vmem>> -> memref<128x128xbf16, #tpu.memory_space<vmem>>
    %dma_start3A_175 = arith.constant 384 : i32
    %dma_start3A_176 = tpu.memref_slice %arg8[%dma_start3A_175] : memref<10240xi32, #tpu.memory_space<vmem>> -> memref<128xi32, #tpu.memory_space<vmem>>
    %dma_start3A_177 = arith.constant 0 : i32
    %dma_start3A_178 = arith.constant 0 : i32
    %dma_start3A_179 = tpu.memref_slice %arg2[%dma_start3A_177, %dma_start3A_178] : memref<40000x128xbf16, #tpu.memory_space<hbm>> -> memref<40000x128xbf16, #tpu.memory_space<hbm>>
    tpu.enqueue_indirect_dma source(%dma_start3A_179 : memref<40000x128xbf16, #tpu.memory_space<hbm>>) target(%dma_start3A_174 : memref<128x128xbf16, #tpu.memory_space<vmem>>) offsets(%dma_start3A_176 : memref<128xi32, #tpu.memory_space<vmem>>) semaphore(%arg12 : memref<!tpu.dma_semaphore, #tpu.memory_space<semaphore_mem>>)
    %dma_start3A_180 = arith.constant 4 : i32
    %dma_start3A_181 = arith.constant 0 : i32
    %dma_start3A_182 = arith.constant 0 : i32
    %dma_start3A_183 = tpu.memref_slice %arg10[%dma_start3A_180, %dma_start3A_181, %dma_start3A_182] : memref<8x128x128xbf16, #tpu.memory_space<vmem>> -> memref<1x128x128xbf16, #tpu.memory_space<vmem>>
    %dma_start3A_184 = tpu.memref_squeeze %dma_start3A_183 : memref<1x128x128xbf16, #tpu.memory_space<vmem>> -> memref<128x128xbf16, #tpu.memory_space<vmem>>
    %dma_start3A_185 = arith.constant 512 : i32
    %dma_start3A_186 = tpu.memref_slice %arg8[%dma_start3A_185] : memref<10240xi32, #tpu.memory_space<vmem>> -> memref<128xi32, #tpu.memory_space<vmem>>
    %dma_start3A_187 = arith.constant 0 : i32
    %dma_start3A_188 = arith.constant 0 : i32
    %dma_start3A_189 = tpu.memref_slice %arg2[%dma_start3A_187, %dma_start3A_188] : memref<40000x128xbf16, #tpu.memory_space<hbm>> -> memref<40000x128xbf16, #tpu.memory_space<hbm>>
    tpu.enqueue_indirect_dma source(%dma_start3A_189 : memref<40000x128xbf16, #tpu.memory_space<hbm>>) target(%dma_start3A_184 : memref<128x128xbf16, #tpu.memory_space<vmem>>) offsets(%dma_start3A_186 : memref<128xi32, #tpu.memory_space<vmem>>) semaphore(%arg12 : memref<!tpu.dma_semaphore, #tpu.memory_space<semaphore_mem>>)
    %dma_start3A_190 = arith.constant 5 : i32
    %dma_start3A_191 = arith.constant 0 : i32
    %dma_start3A_192 = arith.constant 0 : i32
    %dma_start3A_193 = tpu.memref_slice %arg10[%dma_start3A_190, %dma_start3A_191, %dma_start3A_192] : memref<8x128x128xbf16, #tpu.memory_space<vmem>> -> memref<1x128x128xbf16, #tpu.memory_space<vmem>>
    %dma_start3A_194 = tpu.memref_squeeze %dma_start3A_193 : memref<1x128x128xbf16, #tpu.memory_space<vmem>> -> memref<128x128xbf16, #tpu.memory_space<vmem>>
    %dma_start3A_195 = arith.constant 640 : i32
    %dma_start3A_196 = tpu.memref_slice %arg8[%dma_start3A_195] : memref<10240xi32, #tpu.memory_space<vmem>> -> memref<128xi32, #tpu.memory_space<vmem>>
    %dma_start3A_197 = arith.constant 0 : i32
    %dma_start3A_198 = arith.constant 0 : i32
    %dma_start3A_199 = tpu.memref_slice %arg2[%dma_start3A_197, %dma_start3A_198] : memref<40000x128xbf16, #tpu.memory_space<hbm>> -> memref<40000x128xbf16, #tpu.memory_space<hbm>>
    tpu.enqueue_indirect_dma source(%dma_start3A_199 : memref<40000x128xbf16, #tpu.memory_space<hbm>>) target(%dma_start3A_194 : memref<128x128xbf16, #tpu.memory_space<vmem>>) offsets(%dma_start3A_196 : memref<128xi32, #tpu.memory_space<vmem>>) semaphore(%arg12 : memref<!tpu.dma_semaphore, #tpu.memory_space<semaphore_mem>>)
    %dma_start3A_200 = arith.constant 6 : i32
    %dma_start3A_201 = arith.constant 0 : i32
    %dma_start3A_202 = arith.constant 0 : i32
    %dma_start3A_203 = tpu.memref_slice %arg10[%dma_start3A_200, %dma_start3A_201, %dma_start3A_202] : memref<8x128x128xbf16, #tpu.memory_space<vmem>> -> memref<1x128x128xbf16, #tpu.memory_space<vmem>>
    %dma_start3A_204 = tpu.memref_squeeze %dma_start3A_203 : memref<1x128x128xbf16, #tpu.memory_space<vmem>> -> memref<128x128xbf16, #tpu.memory_space<vmem>>
    %dma_start3A_205 = arith.constant 768 : i32
    %dma_start3A_206 = tpu.memref_slice %arg8[%dma_start3A_205] : memref<10240xi32, #tpu.memory_space<vmem>> -> memref<128xi32, #tpu.memory_space<vmem>>
    %dma_start3A_207 = arith.constant 0 : i32
    %dma_start3A_208 = arith.constant 0 : i32
    %dma_start3A_209 = tpu.memref_slice %arg2[%dma_start3A_207, %dma_start3A_208] : memref<40000x128xbf16, #tpu.memory_space<hbm>> -> memref<40000x128xbf16, #tpu.memory_space<hbm>>
    tpu.enqueue_indirect_dma source(%dma_start3A_209 : memref<40000x128xbf16, #tpu.memory_space<hbm>>) target(%dma_start3A_204 : memref<128x128xbf16, #tpu.memory_space<vmem>>) offsets(%dma_start3A_206 : memref<128xi32, #tpu.memory_space<vmem>>) semaphore(%arg12 : memref<!tpu.dma_semaphore, #tpu.memory_space<semaphore_mem>>)
    %scan3A_210 = arith.constant 0 : i32
    %scan3A_211 = arith.constant 0 : i32
    %scan3A_212 = arith.constant 10 : i32
    %scan3A_213 = arith.addi %scan3A_211, %scan3A_212 : i32
    %scan3A_214 = arith.constant 1 : i32
    %scan3A_215 = scf.for %scan3A_246 = %scan3A_211 to %scan3A_213 step %scan3A_214 iter_args(%scan3A_247 = %scan3A_210) -> (i32)  : i32 {
      %mul3A_248 = arith.constant 8 : i32
      %mul3A_249 = arith.muli %scan3A_246, %mul3A_248 : i32
      %add3A_250 = arith.constant 0 : i32
      %add3A_251 = arith.addi %mul3A_249, %add3A_250 : i32
      %dma_wait3A_252 = arith.constant 0 : i32
      %dma_wait3A_253 = arith.constant 0 : i32
      %dma_wait3A_254 = arith.constant 0 : i32
      %dma_wait3A_255 = tpu.memref_slice %arg10[%dma_wait3A_252, %dma_wait3A_253, %dma_wait3A_254] : memref<8x128x128xbf16, #tpu.memory_space<vmem>> -> memref<1x128x128xbf16, #tpu.memory_space<vmem>>
      %dma_wait3A_256 = tpu.memref_squeeze %dma_wait3A_255 : memref<1x128x128xbf16, #tpu.memory_space<vmem>> -> memref<128x128xbf16, #tpu.memory_space<vmem>>
      %dma_wait3A_257 = arith.constant 0 : i32
      %dma_wait3A_258 = tpu.memref_slice %arg8[%dma_wait3A_257] : memref<10240xi32, #tpu.memory_space<vmem>> -> memref<128xi32, #tpu.memory_space<vmem>>
      %dma_wait3A_259 = arith.constant 0 : i32
      %dma_wait3A_260 = arith.constant 0 : i32
      %dma_wait3A_261 = tpu.memref_slice %arg2[%dma_wait3A_259, %dma_wait3A_260] : memref<40000x128xbf16, #tpu.memory_space<hbm>> -> memref<40000x128xbf16, #tpu.memory_space<hbm>>
      tpu.wait_indirect_dma semaphore(%arg12 : memref<!tpu.dma_semaphore, #tpu.memory_space<semaphore_mem>>) src(%dma_wait3A_261 : memref<40000x128xbf16, #tpu.memory_space<hbm>>) dst(%dma_wait3A_256 : memref<128x128xbf16, #tpu.memory_space<vmem>>)
      %dma_start3A_262 = arith.constant 0 : i32
      %dma_start3A_263 = arith.constant 0 : i32
      %dma_start3A_264 = arith.constant 0 : i32
      %dma_start3A_265 = tpu.memref_slice %arg10[%dma_start3A_262, %dma_start3A_263, %dma_start3A_264] : memref<8x128x128xbf16, #tpu.memory_space<vmem>> -> memref<1x128x128xbf16, #tpu.memory_space<vmem>>
      %dma_start3A_266 = tpu.memref_squeeze %dma_start3A_265 : memref<1x128x128xbf16, #tpu.memory_space<vmem>> -> memref<128x128xbf16, #tpu.memory_space<vmem>>
      %dma_start3A_267 = arith.constant 0 : i32
      %dma_start3A_268 = tpu.memref_slice %arg9[%add3A_251, %dma_start3A_267] : memref<80x128xi32, #tpu.memory_space<vmem>> -> memref<1x128xi32, #tpu.memory_space<vmem>>
      %dma_start3A_269 = tpu.memref_squeeze %dma_start3A_268 : memref<1x128xi32, #tpu.memory_space<vmem>> -> memref<128xi32, #tpu.memory_space<vmem>>
      %dma_start3A_270 = arith.constant 0 : i32
      %dma_start3A_271 = arith.constant 0 : i32
      %dma_start3A_272 = tpu.memref_slice %arg11[%dma_start3A_270, %dma_start3A_271] : memref<10016x128xbf16, #tpu.memory_space<vmem_shared>> -> memref<10016x128xbf16, #tpu.memory_space<vmem_shared>>
      tpu.enqueue_indirect_dma source(%dma_start3A_266 : memref<128x128xbf16, #tpu.memory_space<vmem>>) target(%dma_start3A_272 : memref<10016x128xbf16, #tpu.memory_space<vmem_shared>>) offsets(%dma_start3A_269 : memref<128xi32, #tpu.memory_space<vmem>>) semaphore(%arg13 : memref<!tpu.dma_semaphore, #tpu.memory_space<semaphore_mem>>) {add = true}
      %gt3A = arith.constant 0 : i32
      %gt3A_273 = arith.cmpi sgt, %add3A_251, %gt3A : i32
      %convert_element_type3A_274 = arith.extui %gt3A_273 : i1 to i32
      %cond3A_275 = arith.constant 0 : i32
      %cond3A_276 = arith.cmpi ne, %convert_element_type3A_274, %cond3A_275 : i32
      scf.if %cond3A_276 {
        %dma_wait3A_559 = arith.constant 7 : i32
        %dma_wait3A_560 = arith.constant 0 : i32
        %dma_wait3A_561 = arith.constant 0 : i32
        %dma_wait3A_562 = arith.constant 0 : i32
        %dma_wait3A_563 = tpu.memref_slice %arg10[%dma_wait3A_559, %dma_wait3A_561, %dma_wait3A_562] : memref<8x128x128xbf16, #tpu.memory_space<vmem>> -> memref<1x128x128xbf16, #tpu.memory_space<vmem>>
        %dma_wait3A_564 = tpu.memref_squeeze %dma_wait3A_563 : memref<1x128x128xbf16, #tpu.memory_space<vmem>> -> memref<128x128xbf16, #tpu.memory_space<vmem>>
        %dma_wait3A_565 = arith.constant 0 : i32
        %dma_wait3A_566 = tpu.memref_slice %arg9[%dma_wait3A_560, %dma_wait3A_565] : memref<80x128xi32, #tpu.memory_space<vmem>> -> memref<1x128xi32, #tpu.memory_space<vmem>>
        %dma_wait3A_567 = tpu.memref_squeeze %dma_wait3A_566 : memref<1x128xi32, #tpu.memory_space<vmem>> -> memref<128xi32, #tpu.memory_space<vmem>>
        %dma_wait3A_568 = arith.constant 0 : i32
        %dma_wait3A_569 = arith.constant 0 : i32
        %dma_wait3A_570 = tpu.memref_slice %arg11[%dma_wait3A_568, %dma_wait3A_569] : memref<10016x128xbf16, #tpu.memory_space<vmem_shared>> -> memref<10016x128xbf16, #tpu.memory_space<vmem_shared>>
        tpu.wait_indirect_dma semaphore(%arg20 : memref<!tpu.dma_semaphore, #tpu.memory_space<semaphore_mem>>) src(%dma_wait3A_564 : memref<128x128xbf16, #tpu.memory_space<vmem>>) dst(%dma_wait3A_570 : memref<10016x128xbf16, #tpu.memory_space<vmem_shared>>)
      } else {
      }
      %add3A_277 = arith.constant 8 : i32
      %add3A_278 = arith.addi %add3A_251, %add3A_277 : i32
      %sub3A = arith.constant 1 : i32
      %sub3A_279 = arith.subi %add3A_278, %sub3A : i32
      %lt3A_280 = arith.constant 80 : i32
      %lt3A_281 = arith.cmpi slt, %sub3A_279, %lt3A_280 : i32
      %convert_element_type3A_282 = arith.extui %lt3A_281 : i1 to i32
      %cond3A_283 = arith.constant 0 : i32
      %cond3A_284 = arith.cmpi ne, %convert_element_type3A_282, %cond3A_283 : i32
      scf.if %cond3A_284 {
        %add3A_559 = arith.constant 8 : i32
        %add3A_560 = arith.addi %add3A_251, %add3A_559 : i32
        %sub3A_561 = arith.constant 1 : i32
        %sub3A_562 = arith.subi %add3A_560, %sub3A_561 : i32
        %mul3A_563 = arith.constant 128 : i32
        %mul3A_564 = arith.muli %sub3A_562, %mul3A_563 : i32
        %dma_start3A_565 = arith.constant 7 : i32
        %dma_start3A_566 = arith.constant 0 : i32
        %dma_start3A_567 = arith.constant 0 : i32
        %dma_start3A_568 = tpu.memref_slice %arg10[%dma_start3A_565, %dma_start3A_566, %dma_start3A_567] : memref<8x128x128xbf16, #tpu.memory_space<vmem>> -> memref<1x128x128xbf16, #tpu.memory_space<vmem>>
        %dma_start3A_569 = tpu.memref_squeeze %dma_start3A_568 : memref<1x128x128xbf16, #tpu.memory_space<vmem>> -> memref<128x128xbf16, #tpu.memory_space<vmem>>
        %dma_start3A_570 = tpu.memref_slice %arg8[%mul3A_564] : memref<10240xi32, #tpu.memory_space<vmem>> -> memref<128xi32, #tpu.memory_space<vmem>>
        %dma_start3A_571 = arith.constant 0 : i32
        %dma_start3A_572 = arith.constant 0 : i32
        %dma_start3A_573 = tpu.memref_slice %arg2[%dma_start3A_571, %dma_start3A_572] : memref<40000x128xbf16, #tpu.memory_space<hbm>> -> memref<40000x128xbf16, #tpu.memory_space<hbm>>
        tpu.enqueue_indirect_dma source(%dma_start3A_573 : memref<40000x128xbf16, #tpu.memory_space<hbm>>) target(%dma_start3A_569 : memref<128x128xbf16, #tpu.memory_space<vmem>>) offsets(%dma_start3A_570 : memref<128xi32, #tpu.memory_space<vmem>>) semaphore(%arg12 : memref<!tpu.dma_semaphore, #tpu.memory_space<semaphore_mem>>)
      } else {
      }
      %mul3A_285 = arith.constant 8 : i32
      %mul3A_286 = arith.muli %scan3A_246, %mul3A_285 : i32
      %add3A_287 = arith.constant 1 : i32
      %add3A_288 = arith.addi %mul3A_286, %add3A_287 : i32
      %dma_wait3A_289 = arith.constant 1 : i32
      %dma_wait3A_290 = arith.constant 0 : i32
      %dma_wait3A_291 = arith.constant 0 : i32
      %dma_wait3A_292 = tpu.memref_slice %arg10[%dma_wait3A_289, %dma_wait3A_290, %dma_wait3A_291] : memref<8x128x128xbf16, #tpu.memory_space<vmem>> -> memref<1x128x128xbf16, #tpu.memory_space<vmem>>
      %dma_wait3A_293 = tpu.memref_squeeze %dma_wait3A_292 : memref<1x128x128xbf16, #tpu.memory_space<vmem>> -> memref<128x128xbf16, #tpu.memory_space<vmem>>
      %dma_wait3A_294 = arith.constant 0 : i32
      %dma_wait3A_295 = tpu.memref_slice %arg8[%dma_wait3A_294] : memref<10240xi32, #tpu.memory_space<vmem>> -> memref<128xi32, #tpu.memory_space<vmem>>
      %dma_wait3A_296 = arith.constant 0 : i32
      %dma_wait3A_297 = arith.constant 0 : i32
      %dma_wait3A_298 = tpu.memref_slice %arg2[%dma_wait3A_296, %dma_wait3A_297] : memref<40000x128xbf16, #tpu.memory_space<hbm>> -> memref<40000x128xbf16, #tpu.memory_space<hbm>>
      tpu.wait_indirect_dma semaphore(%arg12 : memref<!tpu.dma_semaphore, #tpu.memory_space<semaphore_mem>>) src(%dma_wait3A_298 : memref<40000x128xbf16, #tpu.memory_space<hbm>>) dst(%dma_wait3A_293 : memref<128x128xbf16, #tpu.memory_space<vmem>>)
      %dma_start3A_299 = arith.constant 1 : i32
      %dma_start3A_300 = arith.constant 0 : i32
      %dma_start3A_301 = arith.constant 0 : i32
      %dma_start3A_302 = tpu.memref_slice %arg10[%dma_start3A_299, %dma_start3A_300, %dma_start3A_301] : memref<8x128x128xbf16, #tpu.memory_space<vmem>> -> memref<1x128x128xbf16, #tpu.memory_space<vmem>>
      %dma_start3A_303 = tpu.memref_squeeze %dma_start3A_302 : memref<1x128x128xbf16, #tpu.memory_space<vmem>> -> memref<128x128xbf16, #tpu.memory_space<vmem>>
      %dma_start3A_304 = arith.constant 0 : i32
      %dma_start3A_305 = tpu.memref_slice %arg9[%add3A_288, %dma_start3A_304] : memref<80x128xi32, #tpu.memory_space<vmem>> -> memref<1x128xi32, #tpu.memory_space<vmem>>
      %dma_start3A_306 = tpu.memref_squeeze %dma_start3A_305 : memref<1x128xi32, #tpu.memory_space<vmem>> -> memref<128xi32, #tpu.memory_space<vmem>>
      %dma_start3A_307 = arith.constant 0 : i32
      %dma_start3A_308 = arith.constant 0 : i32
      %dma_start3A_309 = tpu.memref_slice %arg11[%dma_start3A_307, %dma_start3A_308] : memref<10016x128xbf16, #tpu.memory_space<vmem_shared>> -> memref<10016x128xbf16, #tpu.memory_space<vmem_shared>>
      tpu.enqueue_indirect_dma source(%dma_start3A_303 : memref<128x128xbf16, #tpu.memory_space<vmem>>) target(%dma_start3A_309 : memref<10016x128xbf16, #tpu.memory_space<vmem_shared>>) offsets(%dma_start3A_306 : memref<128xi32, #tpu.memory_space<vmem>>) semaphore(%arg14 : memref<!tpu.dma_semaphore, #tpu.memory_space<semaphore_mem>>) {add = true}
      %gt3A_310 = arith.constant 0 : i32
      %gt3A_311 = arith.cmpi sgt, %add3A_288, %gt3A_310 : i32
      %convert_element_type3A_312 = arith.extui %gt3A_311 : i1 to i32
      %cond3A_313 = arith.constant 0 : i32
      %cond3A_314 = arith.cmpi ne, %convert_element_type3A_312, %cond3A_313 : i32
      scf.if %cond3A_314 {
        %dma_wait3A_559 = arith.constant 0 : i32
        %dma_wait3A_560 = arith.constant 0 : i32
        %dma_wait3A_561 = arith.constant 0 : i32
        %dma_wait3A_562 = arith.constant 0 : i32
        %dma_wait3A_563 = tpu.memref_slice %arg10[%dma_wait3A_559, %dma_wait3A_561, %dma_wait3A_562] : memref<8x128x128xbf16, #tpu.memory_space<vmem>> -> memref<1x128x128xbf16, #tpu.memory_space<vmem>>
        %dma_wait3A_564 = tpu.memref_squeeze %dma_wait3A_563 : memref<1x128x128xbf16, #tpu.memory_space<vmem>> -> memref<128x128xbf16, #tpu.memory_space<vmem>>
        %dma_wait3A_565 = arith.constant 0 : i32
        %dma_wait3A_566 = tpu.memref_slice %arg9[%dma_wait3A_560, %dma_wait3A_565] : memref<80x128xi32, #tpu.memory_space<vmem>> -> memref<1x128xi32, #tpu.memory_space<vmem>>
        %dma_wait3A_567 = tpu.memref_squeeze %dma_wait3A_566 : memref<1x128xi32, #tpu.memory_space<vmem>> -> memref<128xi32, #tpu.memory_space<vmem>>
        %dma_wait3A_568 = arith.constant 0 : i32
        %dma_wait3A_569 = arith.constant 0 : i32
        %dma_wait3A_570 = tpu.memref_slice %arg11[%dma_wait3A_568, %dma_wait3A_569] : memref<10016x128xbf16, #tpu.memory_space<vmem_shared>> -> memref<10016x128xbf16, #tpu.memory_space<vmem_shared>>
        tpu.wait_indirect_dma semaphore(%arg13 : memref<!tpu.dma_semaphore, #tpu.memory_space<semaphore_mem>>) src(%dma_wait3A_564 : memref<128x128xbf16, #tpu.memory_space<vmem>>) dst(%dma_wait3A_570 : memref<10016x128xbf16, #tpu.memory_space<vmem_shared>>)
      } else {
      }
      %add3A_315 = arith.constant 8 : i32
      %add3A_316 = arith.addi %add3A_288, %add3A_315 : i32
      %sub3A_317 = arith.constant 1 : i32
      %sub3A_318 = arith.subi %add3A_316, %sub3A_317 : i32
      %lt3A_319 = arith.constant 80 : i32
      %lt3A_320 = arith.cmpi slt, %sub3A_318, %lt3A_319 : i32
      %convert_element_type3A_321 = arith.extui %lt3A_320 : i1 to i32
      %cond3A_322 = arith.constant 0 : i32
      %cond3A_323 = arith.cmpi ne, %convert_element_type3A_321, %cond3A_322 : i32
      scf.if %cond3A_323 {
        %add3A_559 = arith.constant 8 : i32
        %add3A_560 = arith.addi %add3A_288, %add3A_559 : i32
        %sub3A_561 = arith.constant 1 : i32
        %sub3A_562 = arith.subi %add3A_560, %sub3A_561 : i32
        %mul3A_563 = arith.constant 128 : i32
        %mul3A_564 = arith.muli %sub3A_562, %mul3A_563 : i32
        %dma_start3A_565 = arith.constant 0 : i32
        %dma_start3A_566 = arith.constant 0 : i32
        %dma_start3A_567 = arith.constant 0 : i32
        %dma_start3A_568 = tpu.memref_slice %arg10[%dma_start3A_565, %dma_start3A_566, %dma_start3A_567] : memref<8x128x128xbf16, #tpu.memory_space<vmem>> -> memref<1x128x128xbf16, #tpu.memory_space<vmem>>
        %dma_start3A_569 = tpu.memref_squeeze %dma_start3A_568 : memref<1x128x128xbf16, #tpu.memory_space<vmem>> -> memref<128x128xbf16, #tpu.memory_space<vmem>>
        %dma_start3A_570 = tpu.memref_slice %arg8[%mul3A_564] : memref<10240xi32, #tpu.memory_space<vmem>> -> memref<128xi32, #tpu.memory_space<vmem>>
        %dma_start3A_571 = arith.constant 0 : i32
        %dma_start3A_572 = arith.constant 0 : i32
        %dma_start3A_573 = tpu.memref_slice %arg2[%dma_start3A_571, %dma_start3A_572] : memref<40000x128xbf16, #tpu.memory_space<hbm>> -> memref<40000x128xbf16, #tpu.memory_space<hbm>>
        tpu.enqueue_indirect_dma source(%dma_start3A_573 : memref<40000x128xbf16, #tpu.memory_space<hbm>>) target(%dma_start3A_569 : memref<128x128xbf16, #tpu.memory_space<vmem>>) offsets(%dma_start3A_570 : memref<128xi32, #tpu.memory_space<vmem>>) semaphore(%arg12 : memref<!tpu.dma_semaphore, #tpu.memory_space<semaphore_mem>>)
      } else {
      }
      %mul3A_324 = arith.constant 8 : i32
      %mul3A_325 = arith.muli %scan3A_246, %mul3A_324 : i32
      %add3A_326 = arith.constant 2 : i32
      %add3A_327 = arith.addi %mul3A_325, %add3A_326 : i32
      %dma_wait3A_328 = arith.constant 2 : i32
      %dma_wait3A_329 = arith.constant 0 : i32
      %dma_wait3A_330 = arith.constant 0 : i32
      %dma_wait3A_331 = tpu.memref_slice %arg10[%dma_wait3A_328, %dma_wait3A_329, %dma_wait3A_330] : memref<8x128x128xbf16, #tpu.memory_space<vmem>> -> memref<1x128x128xbf16, #tpu.memory_space<vmem>>
      %dma_wait3A_332 = tpu.memref_squeeze %dma_wait3A_331 : memref<1x128x128xbf16, #tpu.memory_space<vmem>> -> memref<128x128xbf16, #tpu.memory_space<vmem>>
      %dma_wait3A_333 = arith.constant 0 : i32
      %dma_wait3A_334 = tpu.memref_slice %arg8[%dma_wait3A_333] : memref<10240xi32, #tpu.memory_space<vmem>> -> memref<128xi32, #tpu.memory_space<vmem>>
      %dma_wait3A_335 = arith.constant 0 : i32
      %dma_wait3A_336 = arith.constant 0 : i32
      %dma_wait3A_337 = tpu.memref_slice %arg2[%dma_wait3A_335, %dma_wait3A_336] : memref<40000x128xbf16, #tpu.memory_space<hbm>> -> memref<40000x128xbf16, #tpu.memory_space<hbm>>
      tpu.wait_indirect_dma semaphore(%arg12 : memref<!tpu.dma_semaphore, #tpu.memory_space<semaphore_mem>>) src(%dma_wait3A_337 : memref<40000x128xbf16, #tpu.memory_space<hbm>>) dst(%dma_wait3A_332 : memref<128x128xbf16, #tpu.memory_space<vmem>>)
      %dma_start3A_338 = arith.constant 2 : i32
      %dma_start3A_339 = arith.constant 0 : i32
      %dma_start3A_340 = arith.constant 0 : i32
      %dma_start3A_341 = tpu.memref_slice %arg10[%dma_start3A_338, %dma_start3A_339, %dma_start3A_340] : memref<8x128x128xbf16, #tpu.memory_space<vmem>> -> memref<1x128x128xbf16, #tpu.memory_space<vmem>>
      %dma_start3A_342 = tpu.memref_squeeze %dma_start3A_341 : memref<1x128x128xbf16, #tpu.memory_space<vmem>> -> memref<128x128xbf16, #tpu.memory_space<vmem>>
      %dma_start3A_343 = arith.constant 0 : i32
      %dma_start3A_344 = tpu.memref_slice %arg9[%add3A_327, %dma_start3A_343] : memref<80x128xi32, #tpu.memory_space<vmem>> -> memref<1x128xi32, #tpu.memory_space<vmem>>
      %dma_start3A_345 = tpu.memref_squeeze %dma_start3A_344 : memref<1x128xi32, #tpu.memory_space<vmem>> -> memref<128xi32, #tpu.memory_space<vmem>>
      %dma_start3A_346 = arith.constant 0 : i32
      %dma_start3A_347 = arith.constant 0 : i32
      %dma_start3A_348 = tpu.memref_slice %arg11[%dma_start3A_346, %dma_start3A_347] : memref<10016x128xbf16, #tpu.memory_space<vmem_shared>> -> memref<10016x128xbf16, #tpu.memory_space<vmem_shared>>
      tpu.enqueue_indirect_dma source(%dma_start3A_342 : memref<128x128xbf16, #tpu.memory_space<vmem>>) target(%dma_start3A_348 : memref<10016x128xbf16, #tpu.memory_space<vmem_shared>>) offsets(%dma_start3A_345 : memref<128xi32, #tpu.memory_space<vmem>>) semaphore(%arg15 : memref<!tpu.dma_semaphore, #tpu.memory_space<semaphore_mem>>) {add = true}
      %gt3A_349 = arith.constant 0 : i32
      %gt3A_350 = arith.cmpi sgt, %add3A_327, %gt3A_349 : i32
      %convert_element_type3A_351 = arith.extui %gt3A_350 : i1 to i32
      %cond3A_352 = arith.constant 0 : i32
      %cond3A_353 = arith.cmpi ne, %convert_element_type3A_351, %cond3A_352 : i32
      scf.if %cond3A_353 {
        %dma_wait3A_559 = arith.constant 1 : i32
        %dma_wait3A_560 = arith.constant 0 : i32
        %dma_wait3A_561 = arith.constant 0 : i32
        %dma_wait3A_562 = arith.constant 0 : i32
        %dma_wait3A_563 = tpu.memref_slice %arg10[%dma_wait3A_559, %dma_wait3A_561, %dma_wait3A_562] : memref<8x128x128xbf16, #tpu.memory_space<vmem>> -> memref<1x128x128xbf16, #tpu.memory_space<vmem>>
        %dma_wait3A_564 = tpu.memref_squeeze %dma_wait3A_563 : memref<1x128x128xbf16, #tpu.memory_space<vmem>> -> memref<128x128xbf16, #tpu.memory_space<vmem>>
        %dma_wait3A_565 = arith.constant 0 : i32
        %dma_wait3A_566 = tpu.memref_slice %arg9[%dma_wait3A_560, %dma_wait3A_565] : memref<80x128xi32, #tpu.memory_space<vmem>> -> memref<1x128xi32, #tpu.memory_space<vmem>>
        %dma_wait3A_567 = tpu.memref_squeeze %dma_wait3A_566 : memref<1x128xi32, #tpu.memory_space<vmem>> -> memref<128xi32, #tpu.memory_space<vmem>>
        %dma_wait3A_568 = arith.constant 0 : i32
        %dma_wait3A_569 = arith.constant 0 : i32
        %dma_wait3A_570 = tpu.memref_slice %arg11[%dma_wait3A_568, %dma_wait3A_569] : memref<10016x128xbf16, #tpu.memory_space<vmem_shared>> -> memref<10016x128xbf16, #tpu.memory_space<vmem_shared>>
        tpu.wait_indirect_dma semaphore(%arg14 : memref<!tpu.dma_semaphore, #tpu.memory_space<semaphore_mem>>) src(%dma_wait3A_564 : memref<128x128xbf16, #tpu.memory_space<vmem>>) dst(%dma_wait3A_570 : memref<10016x128xbf16, #tpu.memory_space<vmem_shared>>)
      } else {
      }
      %add3A_354 = arith.constant 8 : i32
      %add3A_355 = arith.addi %add3A_327, %add3A_354 : i32
      %sub3A_356 = arith.constant 1 : i32
      %sub3A_357 = arith.subi %add3A_355, %sub3A_356 : i32
      %lt3A_358 = arith.constant 80 : i32
      %lt3A_359 = arith.cmpi slt, %sub3A_357, %lt3A_358 : i32
      %convert_element_type3A_360 = arith.extui %lt3A_359 : i1 to i32
      %cond3A_361 = arith.constant 0 : i32
      %cond3A_362 = arith.cmpi ne, %convert_element_type3A_360, %cond3A_361 : i32
      scf.if %cond3A_362 {
        %add3A_559 = arith.constant 8 : i32
        %add3A_560 = arith.addi %add3A_327, %add3A_559 : i32
        %sub3A_561 = arith.constant 1 : i32
        %sub3A_562 = arith.subi %add3A_560, %sub3A_561 : i32
        %mul3A_563 = arith.constant 128 : i32
        %mul3A_564 = arith.muli %sub3A_562, %mul3A_563 : i32
        %dma_start3A_565 = arith.constant 1 : i32
        %dma_start3A_566 = arith.constant 0 : i32
        %dma_start3A_567 = arith.constant 0 : i32
        %dma_start3A_568 = tpu.memref_slice %arg10[%dma_start3A_565, %dma_start3A_566, %dma_start3A_567] : memref<8x128x128xbf16, #tpu.memory_space<vmem>> -> memref<1x128x128xbf16, #tpu.memory_space<vmem>>
        %dma_start3A_569 = tpu.memref_squeeze %dma_start3A_568 : memref<1x128x128xbf16, #tpu.memory_space<vmem>> -> memref<128x128xbf16, #tpu.memory_space<vmem>>
        %dma_start3A_570 = tpu.memref_slice %arg8[%mul3A_564] : memref<10240xi32, #tpu.memory_space<vmem>> -> memref<128xi32, #tpu.memory_space<vmem>>
        %dma_start3A_571 = arith.constant 0 : i32
        %dma_start3A_572 = arith.constant 0 : i32
        %dma_start3A_573 = tpu.memref_slice %arg2[%dma_start3A_571, %dma_start3A_572] : memref<40000x128xbf16, #tpu.memory_space<hbm>> -> memref<40000x128xbf16, #tpu.memory_space<hbm>>
        tpu.enqueue_indirect_dma source(%dma_start3A_573 : memref<40000x128xbf16, #tpu.memory_space<hbm>>) target(%dma_start3A_569 : memref<128x128xbf16, #tpu.memory_space<vmem>>) offsets(%dma_start3A_570 : memref<128xi32, #tpu.memory_space<vmem>>) semaphore(%arg12 : memref<!tpu.dma_semaphore, #tpu.memory_space<semaphore_mem>>)
      } else {
      }
      %mul3A_363 = arith.constant 8 : i32
      %mul3A_364 = arith.muli %scan3A_246, %mul3A_363 : i32
      %add3A_365 = arith.constant 3 : i32
      %add3A_366 = arith.addi %mul3A_364, %add3A_365 : i32
      %dma_wait3A_367 = arith.constant 3 : i32
      %dma_wait3A_368 = arith.constant 0 : i32
      %dma_wait3A_369 = arith.constant 0 : i32
      %dma_wait3A_370 = tpu.memref_slice %arg10[%dma_wait3A_367, %dma_wait3A_368, %dma_wait3A_369] : memref<8x128x128xbf16, #tpu.memory_space<vmem>> -> memref<1x128x128xbf16, #tpu.memory_space<vmem>>
      %dma_wait3A_371 = tpu.memref_squeeze %dma_wait3A_370 : memref<1x128x128xbf16, #tpu.memory_space<vmem>> -> memref<128x128xbf16, #tpu.memory_space<vmem>>
      %dma_wait3A_372 = arith.constant 0 : i32
      %dma_wait3A_373 = tpu.memref_slice %arg8[%dma_wait3A_372] : memref<10240xi32, #tpu.memory_space<vmem>> -> memref<128xi32, #tpu.memory_space<vmem>>
      %dma_wait3A_374 = arith.constant 0 : i32
      %dma_wait3A_375 = arith.constant 0 : i32
      %dma_wait3A_376 = tpu.memref_slice %arg2[%dma_wait3A_374, %dma_wait3A_375] : memref<40000x128xbf16, #tpu.memory_space<hbm>> -> memref<40000x128xbf16, #tpu.memory_space<hbm>>
      tpu.wait_indirect_dma semaphore(%arg12 : memref<!tpu.dma_semaphore, #tpu.memory_space<semaphore_mem>>) src(%dma_wait3A_376 : memref<40000x128xbf16, #tpu.memory_space<hbm>>) dst(%dma_wait3A_371 : memref<128x128xbf16, #tpu.memory_space<vmem>>)
      %dma_start3A_377 = arith.constant 3 : i32
      %dma_start3A_378 = arith.constant 0 : i32
      %dma_start3A_379 = arith.constant 0 : i32
      %dma_start3A_380 = tpu.memref_slice %arg10[%dma_start3A_377, %dma_start3A_378, %dma_start3A_379] : memref<8x128x128xbf16, #tpu.memory_space<vmem>> -> memref<1x128x128xbf16, #tpu.memory_space<vmem>>
      %dma_start3A_381 = tpu.memref_squeeze %dma_start3A_380 : memref<1x128x128xbf16, #tpu.memory_space<vmem>> -> memref<128x128xbf16, #tpu.memory_space<vmem>>
      %dma_start3A_382 = arith.constant 0 : i32
      %dma_start3A_383 = tpu.memref_slice %arg9[%add3A_366, %dma_start3A_382] : memref<80x128xi32, #tpu.memory_space<vmem>> -> memref<1x128xi32, #tpu.memory_space<vmem>>
      %dma_start3A_384 = tpu.memref_squeeze %dma_start3A_383 : memref<1x128xi32, #tpu.memory_space<vmem>> -> memref<128xi32, #tpu.memory_space<vmem>>
      %dma_start3A_385 = arith.constant 0 : i32
      %dma_start3A_386 = arith.constant 0 : i32
      %dma_start3A_387 = tpu.memref_slice %arg11[%dma_start3A_385, %dma_start3A_386] : memref<10016x128xbf16, #tpu.memory_space<vmem_shared>> -> memref<10016x128xbf16, #tpu.memory_space<vmem_shared>>
      tpu.enqueue_indirect_dma source(%dma_start3A_381 : memref<128x128xbf16, #tpu.memory_space<vmem>>) target(%dma_start3A_387 : memref<10016x128xbf16, #tpu.memory_space<vmem_shared>>) offsets(%dma_start3A_384 : memref<128xi32, #tpu.memory_space<vmem>>) semaphore(%arg16 : memref<!tpu.dma_semaphore, #tpu.memory_space<semaphore_mem>>) {add = true}
      %gt3A_388 = arith.constant 0 : i32
      %gt3A_389 = arith.cmpi sgt, %add3A_366, %gt3A_388 : i32
      %convert_element_type3A_390 = arith.extui %gt3A_389 : i1 to i32
      %cond3A_391 = arith.constant 0 : i32
      %cond3A_392 = arith.cmpi ne, %convert_element_type3A_390, %cond3A_391 : i32
      scf.if %cond3A_392 {
        %dma_wait3A_559 = arith.constant 2 : i32
        %dma_wait3A_560 = arith.constant 0 : i32
        %dma_wait3A_561 = arith.constant 0 : i32
        %dma_wait3A_562 = arith.constant 0 : i32
        %dma_wait3A_563 = tpu.memref_slice %arg10[%dma_wait3A_559, %dma_wait3A_561, %dma_wait3A_562] : memref<8x128x128xbf16, #tpu.memory_space<vmem>> -> memref<1x128x128xbf16, #tpu.memory_space<vmem>>
        %dma_wait3A_564 = tpu.memref_squeeze %dma_wait3A_563 : memref<1x128x128xbf16, #tpu.memory_space<vmem>> -> memref<128x128xbf16, #tpu.memory_space<vmem>>
        %dma_wait3A_565 = arith.constant 0 : i32
        %dma_wait3A_566 = tpu.memref_slice %arg9[%dma_wait3A_560, %dma_wait3A_565] : memref<80x128xi32, #tpu.memory_space<vmem>> -> memref<1x128xi32, #tpu.memory_space<vmem>>
        %dma_wait3A_567 = tpu.memref_squeeze %dma_wait3A_566 : memref<1x128xi32, #tpu.memory_space<vmem>> -> memref<128xi32, #tpu.memory_space<vmem>>
        %dma_wait3A_568 = arith.constant 0 : i32
        %dma_wait3A_569 = arith.constant 0 : i32
        %dma_wait3A_570 = tpu.memref_slice %arg11[%dma_wait3A_568, %dma_wait3A_569] : memref<10016x128xbf16, #tpu.memory_space<vmem_shared>> -> memref<10016x128xbf16, #tpu.memory_space<vmem_shared>>
        tpu.wait_indirect_dma semaphore(%arg15 : memref<!tpu.dma_semaphore, #tpu.memory_space<semaphore_mem>>) src(%dma_wait3A_564 : memref<128x128xbf16, #tpu.memory_space<vmem>>) dst(%dma_wait3A_570 : memref<10016x128xbf16, #tpu.memory_space<vmem_shared>>)
      } else {
      }
      %add3A_393 = arith.constant 8 : i32
      %add3A_394 = arith.addi %add3A_366, %add3A_393 : i32
      %sub3A_395 = arith.constant 1 : i32
      %sub3A_396 = arith.subi %add3A_394, %sub3A_395 : i32
      %lt3A_397 = arith.constant 80 : i32
      %lt3A_398 = arith.cmpi slt, %sub3A_396, %lt3A_397 : i32
      %convert_element_type3A_399 = arith.extui %lt3A_398 : i1 to i32
      %cond3A_400 = arith.constant 0 : i32
      %cond3A_401 = arith.cmpi ne, %convert_element_type3A_399, %cond3A_400 : i32
      scf.if %cond3A_401 {
        %add3A_559 = arith.constant 8 : i32
        %add3A_560 = arith.addi %add3A_366, %add3A_559 : i32
        %sub3A_561 = arith.constant 1 : i32
        %sub3A_562 = arith.subi %add3A_560, %sub3A_561 : i32
        %mul3A_563 = arith.constant 128 : i32
        %mul3A_564 = arith.muli %sub3A_562, %mul3A_563 : i32
        %dma_start3A_565 = arith.constant 2 : i32
        %dma_start3A_566 = arith.constant 0 : i32
        %dma_start3A_567 = arith.constant 0 : i32
        %dma_start3A_568 = tpu.memref_slice %arg10[%dma_start3A_565, %dma_start3A_566, %dma_start3A_567] : memref<8x128x128xbf16, #tpu.memory_space<vmem>> -> memref<1x128x128xbf16, #tpu.memory_space<vmem>>
        %dma_start3A_569 = tpu.memref_squeeze %dma_start3A_568 : memref<1x128x128xbf16, #tpu.memory_space<vmem>> -> memref<128x128xbf16, #tpu.memory_space<vmem>>
        %dma_start3A_570 = tpu.memref_slice %arg8[%mul3A_564] : memref<10240xi32, #tpu.memory_space<vmem>> -> memref<128xi32, #tpu.memory_space<vmem>>
        %dma_start3A_571 = arith.constant 0 : i32
        %dma_start3A_572 = arith.constant 0 : i32
        %dma_start3A_573 = tpu.memref_slice %arg2[%dma_start3A_571, %dma_start3A_572] : memref<40000x128xbf16, #tpu.memory_space<hbm>> -> memref<40000x128xbf16, #tpu.memory_space<hbm>>
        tpu.enqueue_indirect_dma source(%dma_start3A_573 : memref<40000x128xbf16, #tpu.memory_space<hbm>>) target(%dma_start3A_569 : memref<128x128xbf16, #tpu.memory_space<vmem>>) offsets(%dma_start3A_570 : memref<128xi32, #tpu.memory_space<vmem>>) semaphore(%arg12 : memref<!tpu.dma_semaphore, #tpu.memory_space<semaphore_mem>>)
      } else {
      }
      %mul3A_402 = arith.constant 8 : i32
      %mul3A_403 = arith.muli %scan3A_246, %mul3A_402 : i32
      %add3A_404 = arith.constant 4 : i32
      %add3A_405 = arith.addi %mul3A_403, %add3A_404 : i32
      %dma_wait3A_406 = arith.constant 4 : i32
      %dma_wait3A_407 = arith.constant 0 : i32
      %dma_wait3A_408 = arith.constant 0 : i32
      %dma_wait3A_409 = tpu.memref_slice %arg10[%dma_wait3A_406, %dma_wait3A_407, %dma_wait3A_408] : memref<8x128x128xbf16, #tpu.memory_space<vmem>> -> memref<1x128x128xbf16, #tpu.memory_space<vmem>>
      %dma_wait3A_410 = tpu.memref_squeeze %dma_wait3A_409 : memref<1x128x128xbf16, #tpu.memory_space<vmem>> -> memref<128x128xbf16, #tpu.memory_space<vmem>>
      %dma_wait3A_411 = arith.constant 0 : i32
      %dma_wait3A_412 = tpu.memref_slice %arg8[%dma_wait3A_411] : memref<10240xi32, #tpu.memory_space<vmem>> -> memref<128xi32, #tpu.memory_space<vmem>>
      %dma_wait3A_413 = arith.constant 0 : i32
      %dma_wait3A_414 = arith.constant 0 : i32
      %dma_wait3A_415 = tpu.memref_slice %arg2[%dma_wait3A_413, %dma_wait3A_414] : memref<40000x128xbf16, #tpu.memory_space<hbm>> -> memref<40000x128xbf16, #tpu.memory_space<hbm>>
      tpu.wait_indirect_dma semaphore(%arg12 : memref<!tpu.dma_semaphore, #tpu.memory_space<semaphore_mem>>) src(%dma_wait3A_415 : memref<40000x128xbf16, #tpu.memory_space<hbm>>) dst(%dma_wait3A_410 : memref<128x128xbf16, #tpu.memory_space<vmem>>)
      %dma_start3A_416 = arith.constant 4 : i32
      %dma_start3A_417 = arith.constant 0 : i32
      %dma_start3A_418 = arith.constant 0 : i32
      %dma_start3A_419 = tpu.memref_slice %arg10[%dma_start3A_416, %dma_start3A_417, %dma_start3A_418] : memref<8x128x128xbf16, #tpu.memory_space<vmem>> -> memref<1x128x128xbf16, #tpu.memory_space<vmem>>
      %dma_start3A_420 = tpu.memref_squeeze %dma_start3A_419 : memref<1x128x128xbf16, #tpu.memory_space<vmem>> -> memref<128x128xbf16, #tpu.memory_space<vmem>>
      %dma_start3A_421 = arith.constant 0 : i32
      %dma_start3A_422 = tpu.memref_slice %arg9[%add3A_405, %dma_start3A_421] : memref<80x128xi32, #tpu.memory_space<vmem>> -> memref<1x128xi32, #tpu.memory_space<vmem>>
      %dma_start3A_423 = tpu.memref_squeeze %dma_start3A_422 : memref<1x128xi32, #tpu.memory_space<vmem>> -> memref<128xi32, #tpu.memory_space<vmem>>
      %dma_start3A_424 = arith.constant 0 : i32
      %dma_start3A_425 = arith.constant 0 : i32
      %dma_start3A_426 = tpu.memref_slice %arg11[%dma_start3A_424, %dma_start3A_425] : memref<10016x128xbf16, #tpu.memory_space<vmem_shared>> -> memref<10016x128xbf16, #tpu.memory_space<vmem_shared>>
      tpu.enqueue_indirect_dma source(%dma_start3A_420 : memref<128x128xbf16, #tpu.memory_space<vmem>>) target(%dma_start3A_426 : memref<10016x128xbf16, #tpu.memory_space<vmem_shared>>) offsets(%dma_start3A_423 : memref<128xi32, #tpu.memory_space<vmem>>) semaphore(%arg17 : memref<!tpu.dma_semaphore, #tpu.memory_space<semaphore_mem>>) {add = true}
      %gt3A_427 = arith.constant 0 : i32
      %gt3A_428 = arith.cmpi sgt, %add3A_405, %gt3A_427 : i32
      %convert_element_type3A_429 = arith.extui %gt3A_428 : i1 to i32
      %cond3A_430 = arith.constant 0 : i32
      %cond3A_431 = arith.cmpi ne, %convert_element_type3A_429, %cond3A_430 : i32
      scf.if %cond3A_431 {
        %dma_wait3A_559 = arith.constant 3 : i32
        %dma_wait3A_560 = arith.constant 0 : i32
        %dma_wait3A_561 = arith.constant 0 : i32
        %dma_wait3A_562 = arith.constant 0 : i32
        %dma_wait3A_563 = tpu.memref_slice %arg10[%dma_wait3A_559, %dma_wait3A_561, %dma_wait3A_562] : memref<8x128x128xbf16, #tpu.memory_space<vmem>> -> memref<1x128x128xbf16, #tpu.memory_space<vmem>>
        %dma_wait3A_564 = tpu.memref_squeeze %dma_wait3A_563 : memref<1x128x128xbf16, #tpu.memory_space<vmem>> -> memref<128x128xbf16, #tpu.memory_space<vmem>>
        %dma_wait3A_565 = arith.constant 0 : i32
        %dma_wait3A_566 = tpu.memref_slice %arg9[%dma_wait3A_560, %dma_wait3A_565] : memref<80x128xi32, #tpu.memory_space<vmem>> -> memref<1x128xi32, #tpu.memory_space<vmem>>
        %dma_wait3A_567 = tpu.memref_squeeze %dma_wait3A_566 : memref<1x128xi32, #tpu.memory_space<vmem>> -> memref<128xi32, #tpu.memory_space<vmem>>
        %dma_wait3A_568 = arith.constant 0 : i32
        %dma_wait3A_569 = arith.constant 0 : i32
        %dma_wait3A_570 = tpu.memref_slice %arg11[%dma_wait3A_568, %dma_wait3A_569] : memref<10016x128xbf16, #tpu.memory_space<vmem_shared>> -> memref<10016x128xbf16, #tpu.memory_space<vmem_shared>>
        tpu.wait_indirect_dma semaphore(%arg16 : memref<!tpu.dma_semaphore, #tpu.memory_space<semaphore_mem>>) src(%dma_wait3A_564 : memref<128x128xbf16, #tpu.memory_space<vmem>>) dst(%dma_wait3A_570 : memref<10016x128xbf16, #tpu.memory_space<vmem_shared>>)
      } else {
      }
      %add3A_432 = arith.constant 8 : i32
      %add3A_433 = arith.addi %add3A_405, %add3A_432 : i32
      %sub3A_434 = arith.constant 1 : i32
      %sub3A_435 = arith.subi %add3A_433, %sub3A_434 : i32
      %lt3A_436 = arith.constant 80 : i32
      %lt3A_437 = arith.cmpi slt, %sub3A_435, %lt3A_436 : i32
      %convert_element_type3A_438 = arith.extui %lt3A_437 : i1 to i32
      %cond3A_439 = arith.constant 0 : i32
      %cond3A_440 = arith.cmpi ne, %convert_element_type3A_438, %cond3A_439 : i32
      scf.if %cond3A_440 {
        %add3A_559 = arith.constant 8 : i32
        %add3A_560 = arith.addi %add3A_405, %add3A_559 : i32
        %sub3A_561 = arith.constant 1 : i32
        %sub3A_562 = arith.subi %add3A_560, %sub3A_561 : i32
        %mul3A_563 = arith.constant 128 : i32
        %mul3A_564 = arith.muli %sub3A_562, %mul3A_563 : i32
        %dma_start3A_565 = arith.constant 3 : i32
        %dma_start3A_566 = arith.constant 0 : i32
        %dma_start3A_567 = arith.constant 0 : i32
        %dma_start3A_568 = tpu.memref_slice %arg10[%dma_start3A_565, %dma_start3A_566, %dma_start3A_567] : memref<8x128x128xbf16, #tpu.memory_space<vmem>> -> memref<1x128x128xbf16, #tpu.memory_space<vmem>>
        %dma_start3A_569 = tpu.memref_squeeze %dma_start3A_568 : memref<1x128x128xbf16, #tpu.memory_space<vmem>> -> memref<128x128xbf16, #tpu.memory_space<vmem>>
        %dma_start3A_570 = tpu.memref_slice %arg8[%mul3A_564] : memref<10240xi32, #tpu.memory_space<vmem>> -> memref<128xi32, #tpu.memory_space<vmem>>
        %dma_start3A_571 = arith.constant 0 : i32
        %dma_start3A_572 = arith.constant 0 : i32
        %dma_start3A_573 = tpu.memref_slice %arg2[%dma_start3A_571, %dma_start3A_572] : memref<40000x128xbf16, #tpu.memory_space<hbm>> -> memref<40000x128xbf16, #tpu.memory_space<hbm>>
        tpu.enqueue_indirect_dma source(%dma_start3A_573 : memref<40000x128xbf16, #tpu.memory_space<hbm>>) target(%dma_start3A_569 : memref<128x128xbf16, #tpu.memory_space<vmem>>) offsets(%dma_start3A_570 : memref<128xi32, #tpu.memory_space<vmem>>) semaphore(%arg12 : memref<!tpu.dma_semaphore, #tpu.memory_space<semaphore_mem>>)
      } else {
      }
      %mul3A_441 = arith.constant 8 : i32
      %mul3A_442 = arith.muli %scan3A_246, %mul3A_441 : i32
      %add3A_443 = arith.constant 5 : i32
      %add3A_444 = arith.addi %mul3A_442, %add3A_443 : i32
      %dma_wait3A_445 = arith.constant 5 : i32
      %dma_wait3A_446 = arith.constant 0 : i32
      %dma_wait3A_447 = arith.constant 0 : i32
      %dma_wait3A_448 = tpu.memref_slice %arg10[%dma_wait3A_445, %dma_wait3A_446, %dma_wait3A_447] : memref<8x128x128xbf16, #tpu.memory_space<vmem>> -> memref<1x128x128xbf16, #tpu.memory_space<vmem>>
      %dma_wait3A_449 = tpu.memref_squeeze %dma_wait3A_448 : memref<1x128x128xbf16, #tpu.memory_space<vmem>> -> memref<128x128xbf16, #tpu.memory_space<vmem>>
      %dma_wait3A_450 = arith.constant 0 : i32
      %dma_wait3A_451 = tpu.memref_slice %arg8[%dma_wait3A_450] : memref<10240xi32, #tpu.memory_space<vmem>> -> memref<128xi32, #tpu.memory_space<vmem>>
      %dma_wait3A_452 = arith.constant 0 : i32
      %dma_wait3A_453 = arith.constant 0 : i32
      %dma_wait3A_454 = tpu.memref_slice %arg2[%dma_wait3A_452, %dma_wait3A_453] : memref<40000x128xbf16, #tpu.memory_space<hbm>> -> memref<40000x128xbf16, #tpu.memory_space<hbm>>
      tpu.wait_indirect_dma semaphore(%arg12 : memref<!tpu.dma_semaphore, #tpu.memory_space<semaphore_mem>>) src(%dma_wait3A_454 : memref<40000x128xbf16, #tpu.memory_space<hbm>>) dst(%dma_wait3A_449 : memref<128x128xbf16, #tpu.memory_space<vmem>>)
      %dma_start3A_455 = arith.constant 5 : i32
      %dma_start3A_456 = arith.constant 0 : i32
      %dma_start3A_457 = arith.constant 0 : i32
      %dma_start3A_458 = tpu.memref_slice %arg10[%dma_start3A_455, %dma_start3A_456, %dma_start3A_457] : memref<8x128x128xbf16, #tpu.memory_space<vmem>> -> memref<1x128x128xbf16, #tpu.memory_space<vmem>>
      %dma_start3A_459 = tpu.memref_squeeze %dma_start3A_458 : memref<1x128x128xbf16, #tpu.memory_space<vmem>> -> memref<128x128xbf16, #tpu.memory_space<vmem>>
      %dma_start3A_460 = arith.constant 0 : i32
      %dma_start3A_461 = tpu.memref_slice %arg9[%add3A_444, %dma_start3A_460] : memref<80x128xi32, #tpu.memory_space<vmem>> -> memref<1x128xi32, #tpu.memory_space<vmem>>
      %dma_start3A_462 = tpu.memref_squeeze %dma_start3A_461 : memref<1x128xi32, #tpu.memory_space<vmem>> -> memref<128xi32, #tpu.memory_space<vmem>>
      %dma_start3A_463 = arith.constant 0 : i32
      %dma_start3A_464 = arith.constant 0 : i32
      %dma_start3A_465 = tpu.memref_slice %arg11[%dma_start3A_463, %dma_start3A_464] : memref<10016x128xbf16, #tpu.memory_space<vmem_shared>> -> memref<10016x128xbf16, #tpu.memory_space<vmem_shared>>
      tpu.enqueue_indirect_dma source(%dma_start3A_459 : memref<128x128xbf16, #tpu.memory_space<vmem>>) target(%dma_start3A_465 : memref<10016x128xbf16, #tpu.memory_space<vmem_shared>>) offsets(%dma_start3A_462 : memref<128xi32, #tpu.memory_space<vmem>>) semaphore(%arg18 : memref<!tpu.dma_semaphore, #tpu.memory_space<semaphore_mem>>) {add = true}
      %gt3A_466 = arith.constant 0 : i32
      %gt3A_467 = arith.cmpi sgt, %add3A_444, %gt3A_466 : i32
      %convert_element_type3A_468 = arith.extui %gt3A_467 : i1 to i32
      %cond3A_469 = arith.constant 0 : i32
      %cond3A_470 = arith.cmpi ne, %convert_element_type3A_468, %cond3A_469 : i32
      scf.if %cond3A_470 {
        %dma_wait3A_559 = arith.constant 4 : i32
        %dma_wait3A_560 = arith.constant 0 : i32
        %dma_wait3A_561 = arith.constant 0 : i32
        %dma_wait3A_562 = arith.constant 0 : i32
        %dma_wait3A_563 = tpu.memref_slice %arg10[%dma_wait3A_559, %dma_wait3A_561, %dma_wait3A_562] : memref<8x128x128xbf16, #tpu.memory_space<vmem>> -> memref<1x128x128xbf16, #tpu.memory_space<vmem>>
        %dma_wait3A_564 = tpu.memref_squeeze %dma_wait3A_563 : memref<1x128x128xbf16, #tpu.memory_space<vmem>> -> memref<128x128xbf16, #tpu.memory_space<vmem>>
        %dma_wait3A_565 = arith.constant 0 : i32
        %dma_wait3A_566 = tpu.memref_slice %arg9[%dma_wait3A_560, %dma_wait3A_565] : memref<80x128xi32, #tpu.memory_space<vmem>> -> memref<1x128xi32, #tpu.memory_space<vmem>>
        %dma_wait3A_567 = tpu.memref_squeeze %dma_wait3A_566 : memref<1x128xi32, #tpu.memory_space<vmem>> -> memref<128xi32, #tpu.memory_space<vmem>>
        %dma_wait3A_568 = arith.constant 0 : i32
        %dma_wait3A_569 = arith.constant 0 : i32
        %dma_wait3A_570 = tpu.memref_slice %arg11[%dma_wait3A_568, %dma_wait3A_569] : memref<10016x128xbf16, #tpu.memory_space<vmem_shared>> -> memref<10016x128xbf16, #tpu.memory_space<vmem_shared>>
        tpu.wait_indirect_dma semaphore(%arg17 : memref<!tpu.dma_semaphore, #tpu.memory_space<semaphore_mem>>) src(%dma_wait3A_564 : memref<128x128xbf16, #tpu.memory_space<vmem>>) dst(%dma_wait3A_570 : memref<10016x128xbf16, #tpu.memory_space<vmem_shared>>)
      } else {
      }
      %add3A_471 = arith.constant 8 : i32
      %add3A_472 = arith.addi %add3A_444, %add3A_471 : i32
      %sub3A_473 = arith.constant 1 : i32
      %sub3A_474 = arith.subi %add3A_472, %sub3A_473 : i32
      %lt3A_475 = arith.constant 80 : i32
      %lt3A_476 = arith.cmpi slt, %sub3A_474, %lt3A_475 : i32
      %convert_element_type3A_477 = arith.extui %lt3A_476 : i1 to i32
      %cond3A_478 = arith.constant 0 : i32
      %cond3A_479 = arith.cmpi ne, %convert_element_type3A_477, %cond3A_478 : i32
      scf.if %cond3A_479 {
        %add3A_559 = arith.constant 8 : i32
        %add3A_560 = arith.addi %add3A_444, %add3A_559 : i32
        %sub3A_561 = arith.constant 1 : i32
        %sub3A_562 = arith.subi %add3A_560, %sub3A_561 : i32
        %mul3A_563 = arith.constant 128 : i32
        %mul3A_564 = arith.muli %sub3A_562, %mul3A_563 : i32
        %dma_start3A_565 = arith.constant 4 : i32
        %dma_start3A_566 = arith.constant 0 : i32
        %dma_start3A_567 = arith.constant 0 : i32
        %dma_start3A_568 = tpu.memref_slice %arg10[%dma_start3A_565, %dma_start3A_566, %dma_start3A_567] : memref<8x128x128xbf16, #tpu.memory_space<vmem>> -> memref<1x128x128xbf16, #tpu.memory_space<vmem>>
        %dma_start3A_569 = tpu.memref_squeeze %dma_start3A_568 : memref<1x128x128xbf16, #tpu.memory_space<vmem>> -> memref<128x128xbf16, #tpu.memory_space<vmem>>
        %dma_start3A_570 = tpu.memref_slice %arg8[%mul3A_564] : memref<10240xi32, #tpu.memory_space<vmem>> -> memref<128xi32, #tpu.memory_space<vmem>>
        %dma_start3A_571 = arith.constant 0 : i32
        %dma_start3A_572 = arith.constant 0 : i32
        %dma_start3A_573 = tpu.memref_slice %arg2[%dma_start3A_571, %dma_start3A_572] : memref<40000x128xbf16, #tpu.memory_space<hbm>> -> memref<40000x128xbf16, #tpu.memory_space<hbm>>
        tpu.enqueue_indirect_dma source(%dma_start3A_573 : memref<40000x128xbf16, #tpu.memory_space<hbm>>) target(%dma_start3A_569 : memref<128x128xbf16, #tpu.memory_space<vmem>>) offsets(%dma_start3A_570 : memref<128xi32, #tpu.memory_space<vmem>>) semaphore(%arg12 : memref<!tpu.dma_semaphore, #tpu.memory_space<semaphore_mem>>)
      } else {
      }
      %mul3A_480 = arith.constant 8 : i32
      %mul3A_481 = arith.muli %scan3A_246, %mul3A_480 : i32
      %add3A_482 = arith.constant 6 : i32
      %add3A_483 = arith.addi %mul3A_481, %add3A_482 : i32
      %dma_wait3A_484 = arith.constant 6 : i32
      %dma_wait3A_485 = arith.constant 0 : i32
      %dma_wait3A_486 = arith.constant 0 : i32
      %dma_wait3A_487 = tpu.memref_slice %arg10[%dma_wait3A_484, %dma_wait3A_485, %dma_wait3A_486] : memref<8x128x128xbf16, #tpu.memory_space<vmem>> -> memref<1x128x128xbf16, #tpu.memory_space<vmem>>
      %dma_wait3A_488 = tpu.memref_squeeze %dma_wait3A_487 : memref<1x128x128xbf16, #tpu.memory_space<vmem>> -> memref<128x128xbf16, #tpu.memory_space<vmem>>
      %dma_wait3A_489 = arith.constant 0 : i32
      %dma_wait3A_490 = tpu.memref_slice %arg8[%dma_wait3A_489] : memref<10240xi32, #tpu.memory_space<vmem>> -> memref<128xi32, #tpu.memory_space<vmem>>
      %dma_wait3A_491 = arith.constant 0 : i32
      %dma_wait3A_492 = arith.constant 0 : i32
      %dma_wait3A_493 = tpu.memref_slice %arg2[%dma_wait3A_491, %dma_wait3A_492] : memref<40000x128xbf16, #tpu.memory_space<hbm>> -> memref<40000x128xbf16, #tpu.memory_space<hbm>>
      tpu.wait_indirect_dma semaphore(%arg12 : memref<!tpu.dma_semaphore, #tpu.memory_space<semaphore_mem>>) src(%dma_wait3A_493 : memref<40000x128xbf16, #tpu.memory_space<hbm>>) dst(%dma_wait3A_488 : memref<128x128xbf16, #tpu.memory_space<vmem>>)
      %dma_start3A_494 = arith.constant 6 : i32
      %dma_start3A_495 = arith.constant 0 : i32
      %dma_start3A_496 = arith.constant 0 : i32
      %dma_start3A_497 = tpu.memref_slice %arg10[%dma_start3A_494, %dma_start3A_495, %dma_start3A_496] : memref<8x128x128xbf16, #tpu.memory_space<vmem>> -> memref<1x128x128xbf16, #tpu.memory_space<vmem>>
      %dma_start3A_498 = tpu.memref_squeeze %dma_start3A_497 : memref<1x128x128xbf16, #tpu.memory_space<vmem>> -> memref<128x128xbf16, #tpu.memory_space<vmem>>
      %dma_start3A_499 = arith.constant 0 : i32
      %dma_start3A_500 = tpu.memref_slice %arg9[%add3A_483, %dma_start3A_499] : memref<80x128xi32, #tpu.memory_space<vmem>> -> memref<1x128xi32, #tpu.memory_space<vmem>>
      %dma_start3A_501 = tpu.memref_squeeze %dma_start3A_500 : memref<1x128xi32, #tpu.memory_space<vmem>> -> memref<128xi32, #tpu.memory_space<vmem>>
      %dma_start3A_502 = arith.constant 0 : i32
      %dma_start3A_503 = arith.constant 0 : i32
      %dma_start3A_504 = tpu.memref_slice %arg11[%dma_start3A_502, %dma_start3A_503] : memref<10016x128xbf16, #tpu.memory_space<vmem_shared>> -> memref<10016x128xbf16, #tpu.memory_space<vmem_shared>>
      tpu.enqueue_indirect_dma source(%dma_start3A_498 : memref<128x128xbf16, #tpu.memory_space<vmem>>) target(%dma_start3A_504 : memref<10016x128xbf16, #tpu.memory_space<vmem_shared>>) offsets(%dma_start3A_501 : memref<128xi32, #tpu.memory_space<vmem>>) semaphore(%arg19 : memref<!tpu.dma_semaphore, #tpu.memory_space<semaphore_mem>>) {add = true}
      %gt3A_505 = arith.constant 0 : i32
      %gt3A_506 = arith.cmpi sgt, %add3A_483, %gt3A_505 : i32
      %convert_element_type3A_507 = arith.extui %gt3A_506 : i1 to i32
      %cond3A_508 = arith.constant 0 : i32
      %cond3A_509 = arith.cmpi ne, %convert_element_type3A_507, %cond3A_508 : i32
      scf.if %cond3A_509 {
        %dma_wait3A_559 = arith.constant 5 : i32
        %dma_wait3A_560 = arith.constant 0 : i32
        %dma_wait3A_561 = arith.constant 0 : i32
        %dma_wait3A_562 = arith.constant 0 : i32
        %dma_wait3A_563 = tpu.memref_slice %arg10[%dma_wait3A_559, %dma_wait3A_561, %dma_wait3A_562] : memref<8x128x128xbf16, #tpu.memory_space<vmem>> -> memref<1x128x128xbf16, #tpu.memory_space<vmem>>
        %dma_wait3A_564 = tpu.memref_squeeze %dma_wait3A_563 : memref<1x128x128xbf16, #tpu.memory_space<vmem>> -> memref<128x128xbf16, #tpu.memory_space<vmem>>
        %dma_wait3A_565 = arith.constant 0 : i32
        %dma_wait3A_566 = tpu.memref_slice %arg9[%dma_wait3A_560, %dma_wait3A_565] : memref<80x128xi32, #tpu.memory_space<vmem>> -> memref<1x128xi32, #tpu.memory_space<vmem>>
        %dma_wait3A_567 = tpu.memref_squeeze %dma_wait3A_566 : memref<1x128xi32, #tpu.memory_space<vmem>> -> memref<128xi32, #tpu.memory_space<vmem>>
        %dma_wait3A_568 = arith.constant 0 : i32
        %dma_wait3A_569 = arith.constant 0 : i32
        %dma_wait3A_570 = tpu.memref_slice %arg11[%dma_wait3A_568, %dma_wait3A_569] : memref<10016x128xbf16, #tpu.memory_space<vmem_shared>> -> memref<10016x128xbf16, #tpu.memory_space<vmem_shared>>
        tpu.wait_indirect_dma semaphore(%arg18 : memref<!tpu.dma_semaphore, #tpu.memory_space<semaphore_mem>>) src(%dma_wait3A_564 : memref<128x128xbf16, #tpu.memory_space<vmem>>) dst(%dma_wait3A_570 : memref<10016x128xbf16, #tpu.memory_space<vmem_shared>>)
      } else {
      }
      %add3A_510 = arith.constant 8 : i32
      %add3A_511 = arith.addi %add3A_483, %add3A_510 : i32
      %sub3A_512 = arith.constant 1 : i32
      %sub3A_513 = arith.subi %add3A_511, %sub3A_512 : i32
      %lt3A_514 = arith.constant 80 : i32
      %lt3A_515 = arith.cmpi slt, %sub3A_513, %lt3A_514 : i32
      %convert_element_type3A_516 = arith.extui %lt3A_515 : i1 to i32
      %cond3A_517 = arith.constant 0 : i32
      %cond3A_518 = arith.cmpi ne, %convert_element_type3A_516, %cond3A_517 : i32
      scf.if %cond3A_518 {
        %add3A_559 = arith.constant 8 : i32
        %add3A_560 = arith.addi %add3A_483, %add3A_559 : i32
        %sub3A_561 = arith.constant 1 : i32
        %sub3A_562 = arith.subi %add3A_560, %sub3A_561 : i32
        %mul3A_563 = arith.constant 128 : i32
        %mul3A_564 = arith.muli %sub3A_562, %mul3A_563 : i32
        %dma_start3A_565 = arith.constant 5 : i32
        %dma_start3A_566 = arith.constant 0 : i32
        %dma_start3A_567 = arith.constant 0 : i32
        %dma_start3A_568 = tpu.memref_slice %arg10[%dma_start3A_565, %dma_start3A_566, %dma_start3A_567] : memref<8x128x128xbf16, #tpu.memory_space<vmem>> -> memref<1x128x128xbf16, #tpu.memory_space<vmem>>
        %dma_start3A_569 = tpu.memref_squeeze %dma_start3A_568 : memref<1x128x128xbf16, #tpu.memory_space<vmem>> -> memref<128x128xbf16, #tpu.memory_space<vmem>>
        %dma_start3A_570 = tpu.memref_slice %arg8[%mul3A_564] : memref<10240xi32, #tpu.memory_space<vmem>> -> memref<128xi32, #tpu.memory_space<vmem>>
        %dma_start3A_571 = arith.constant 0 : i32
        %dma_start3A_572 = arith.constant 0 : i32
        %dma_start3A_573 = tpu.memref_slice %arg2[%dma_start3A_571, %dma_start3A_572] : memref<40000x128xbf16, #tpu.memory_space<hbm>> -> memref<40000x128xbf16, #tpu.memory_space<hbm>>
        tpu.enqueue_indirect_dma source(%dma_start3A_573 : memref<40000x128xbf16, #tpu.memory_space<hbm>>) target(%dma_start3A_569 : memref<128x128xbf16, #tpu.memory_space<vmem>>) offsets(%dma_start3A_570 : memref<128xi32, #tpu.memory_space<vmem>>) semaphore(%arg12 : memref<!tpu.dma_semaphore, #tpu.memory_space<semaphore_mem>>)
      } else {
      }
      %mul3A_519 = arith.constant 8 : i32
      %mul3A_520 = arith.muli %scan3A_246, %mul3A_519 : i32
      %add3A_521 = arith.constant 7 : i32
      %add3A_522 = arith.addi %mul3A_520, %add3A_521 : i32
      %dma_wait3A_523 = arith.constant 7 : i32
      %dma_wait3A_524 = arith.constant 0 : i32
      %dma_wait3A_525 = arith.constant 0 : i32
      %dma_wait3A_526 = tpu.memref_slice %arg10[%dma_wait3A_523, %dma_wait3A_524, %dma_wait3A_525] : memref<8x128x128xbf16, #tpu.memory_space<vmem>> -> memref<1x128x128xbf16, #tpu.memory_space<vmem>>
      %dma_wait3A_527 = tpu.memref_squeeze %dma_wait3A_526 : memref<1x128x128xbf16, #tpu.memory_space<vmem>> -> memref<128x128xbf16, #tpu.memory_space<vmem>>
      %dma_wait3A_528 = arith.constant 0 : i32
      %dma_wait3A_529 = tpu.memref_slice %arg8[%dma_wait3A_528] : memref<10240xi32, #tpu.memory_space<vmem>> -> memref<128xi32, #tpu.memory_space<vmem>>
      %dma_wait3A_530 = arith.constant 0 : i32
      %dma_wait3A_531 = arith.constant 0 : i32
      %dma_wait3A_532 = tpu.memref_slice %arg2[%dma_wait3A_530, %dma_wait3A_531] : memref<40000x128xbf16, #tpu.memory_space<hbm>> -> memref<40000x128xbf16, #tpu.memory_space<hbm>>
      tpu.wait_indirect_dma semaphore(%arg12 : memref<!tpu.dma_semaphore, #tpu.memory_space<semaphore_mem>>) src(%dma_wait3A_532 : memref<40000x128xbf16, #tpu.memory_space<hbm>>) dst(%dma_wait3A_527 : memref<128x128xbf16, #tpu.memory_space<vmem>>)
      %dma_start3A_533 = arith.constant 7 : i32
      %dma_start3A_534 = arith.constant 0 : i32
      %dma_start3A_535 = arith.constant 0 : i32
      %dma_start3A_536 = tpu.memref_slice %arg10[%dma_start3A_533, %dma_start3A_534, %dma_start3A_535] : memref<8x128x128xbf16, #tpu.memory_space<vmem>> -> memref<1x128x128xbf16, #tpu.memory_space<vmem>>
      %dma_start3A_537 = tpu.memref_squeeze %dma_start3A_536 : memref<1x128x128xbf16, #tpu.memory_space<vmem>> -> memref<128x128xbf16, #tpu.memory_space<vmem>>
      %dma_start3A_538 = arith.constant 0 : i32
      %dma_start3A_539 = tpu.memref_slice %arg9[%add3A_522, %dma_start3A_538] : memref<80x128xi32, #tpu.memory_space<vmem>> -> memref<1x128xi32, #tpu.memory_space<vmem>>
      %dma_start3A_540 = tpu.memref_squeeze %dma_start3A_539 : memref<1x128xi32, #tpu.memory_space<vmem>> -> memref<128xi32, #tpu.memory_space<vmem>>
      %dma_start3A_541 = arith.constant 0 : i32
      %dma_start3A_542 = arith.constant 0 : i32
      %dma_start3A_543 = tpu.memref_slice %arg11[%dma_start3A_541, %dma_start3A_542] : memref<10016x128xbf16, #tpu.memory_space<vmem_shared>> -> memref<10016x128xbf16, #tpu.memory_space<vmem_shared>>
      tpu.enqueue_indirect_dma source(%dma_start3A_537 : memref<128x128xbf16, #tpu.memory_space<vmem>>) target(%dma_start3A_543 : memref<10016x128xbf16, #tpu.memory_space<vmem_shared>>) offsets(%dma_start3A_540 : memref<128xi32, #tpu.memory_space<vmem>>) semaphore(%arg20 : memref<!tpu.dma_semaphore, #tpu.memory_space<semaphore_mem>>) {add = true}
      %gt3A_544 = arith.constant 0 : i32
      %gt3A_545 = arith.cmpi sgt, %add3A_522, %gt3A_544 : i32
      %convert_element_type3A_546 = arith.extui %gt3A_545 : i1 to i32
      %cond3A_547 = arith.constant 0 : i32
      %cond3A_548 = arith.cmpi ne, %convert_element_type3A_546, %cond3A_547 : i32
      scf.if %cond3A_548 {
        %dma_wait3A_559 = arith.constant 6 : i32
        %dma_wait3A_560 = arith.constant 0 : i32
        %dma_wait3A_561 = arith.constant 0 : i32
        %dma_wait3A_562 = arith.constant 0 : i32
        %dma_wait3A_563 = tpu.memref_slice %arg10[%dma_wait3A_559, %dma_wait3A_561, %dma_wait3A_562] : memref<8x128x128xbf16, #tpu.memory_space<vmem>> -> memref<1x128x128xbf16, #tpu.memory_space<vmem>>
        %dma_wait3A_564 = tpu.memref_squeeze %dma_wait3A_563 : memref<1x128x128xbf16, #tpu.memory_space<vmem>> -> memref<128x128xbf16, #tpu.memory_space<vmem>>
        %dma_wait3A_565 = arith.constant 0 : i32
        %dma_wait3A_566 = tpu.memref_slice %arg9[%dma_wait3A_560, %dma_wait3A_565] : memref<80x128xi32, #tpu.memory_space<vmem>> -> memref<1x128xi32, #tpu.memory_space<vmem>>
        %dma_wait3A_567 = tpu.memref_squeeze %dma_wait3A_566 : memref<1x128xi32, #tpu.memory_space<vmem>> -> memref<128xi32, #tpu.memory_space<vmem>>
        %dma_wait3A_568 = arith.constant 0 : i32
        %dma_wait3A_569 = arith.constant 0 : i32
        %dma_wait3A_570 = tpu.memref_slice %arg11[%dma_wait3A_568, %dma_wait3A_569] : memref<10016x128xbf16, #tpu.memory_space<vmem_shared>> -> memref<10016x128xbf16, #tpu.memory_space<vmem_shared>>
        tpu.wait_indirect_dma semaphore(%arg19 : memref<!tpu.dma_semaphore, #tpu.memory_space<semaphore_mem>>) src(%dma_wait3A_564 : memref<128x128xbf16, #tpu.memory_space<vmem>>) dst(%dma_wait3A_570 : memref<10016x128xbf16, #tpu.memory_space<vmem_shared>>)
      } else {
      }
      %add3A_549 = arith.constant 8 : i32
      %add3A_550 = arith.addi %add3A_522, %add3A_549 : i32
      %sub3A_551 = arith.constant 1 : i32
      %sub3A_552 = arith.subi %add3A_550, %sub3A_551 : i32
      %lt3A_553 = arith.constant 80 : i32
      %lt3A_554 = arith.cmpi slt, %sub3A_552, %lt3A_553 : i32
      %convert_element_type3A_555 = arith.extui %lt3A_554 : i1 to i32
      %cond3A_556 = arith.constant 0 : i32
      %cond3A_557 = arith.cmpi ne, %convert_element_type3A_555, %cond3A_556 : i32
      scf.if %cond3A_557 {
        %add3A_559 = arith.constant 8 : i32
        %add3A_560 = arith.addi %add3A_522, %add3A_559 : i32
        %sub3A_561 = arith.constant 1 : i32
        %sub3A_562 = arith.subi %add3A_560, %sub3A_561 : i32
        %mul3A_563 = arith.constant 128 : i32
        %mul3A_564 = arith.muli %sub3A_562, %mul3A_563 : i32
        %dma_start3A_565 = arith.constant 6 : i32
        %dma_start3A_566 = arith.constant 0 : i32
        %dma_start3A_567 = arith.constant 0 : i32
        %dma_start3A_568 = tpu.memref_slice %arg10[%dma_start3A_565, %dma_start3A_566, %dma_start3A_567] : memref<8x128x128xbf16, #tpu.memory_space<vmem>> -> memref<1x128x128xbf16, #tpu.memory_space<vmem>>
        %dma_start3A_569 = tpu.memref_squeeze %dma_start3A_568 : memref<1x128x128xbf16, #tpu.memory_space<vmem>> -> memref<128x128xbf16, #tpu.memory_space<vmem>>
        %dma_start3A_570 = tpu.memref_slice %arg8[%mul3A_564] : memref<10240xi32, #tpu.memory_space<vmem>> -> memref<128xi32, #tpu.memory_space<vmem>>
        %dma_start3A_571 = arith.constant 0 : i32
        %dma_start3A_572 = arith.constant 0 : i32
        %dma_start3A_573 = tpu.memref_slice %arg2[%dma_start3A_571, %dma_start3A_572] : memref<40000x128xbf16, #tpu.memory_space<hbm>> -> memref<40000x128xbf16, #tpu.memory_space<hbm>>
        tpu.enqueue_indirect_dma source(%dma_start3A_573 : memref<40000x128xbf16, #tpu.memory_space<hbm>>) target(%dma_start3A_569 : memref<128x128xbf16, #tpu.memory_space<vmem>>) offsets(%dma_start3A_570 : memref<128xi32, #tpu.memory_space<vmem>>) semaphore(%arg12 : memref<!tpu.dma_semaphore, #tpu.memory_space<semaphore_mem>>)
      } else {
      }
      %scan3A_558 = arith.constant 0 : i32
      scf.yield %scan3A_558 : i32
    }
    %scan3A_216 = arith.constant 10 : i32
    %dma_wait3A_217 = arith.constant 7 : i32
    %dma_wait3A_218 = arith.constant 0 : i32
    %dma_wait3A_219 = arith.constant 0 : i32
    %dma_wait3A_220 = arith.constant 0 : i32
    %dma_wait3A_221 = tpu.memref_slice %arg10[%dma_wait3A_217, %dma_wait3A_219, %dma_wait3A_220] : memref<8x128x128xbf16, #tpu.memory_space<vmem>> -> memref<1x128x128xbf16, #tpu.memory_space<vmem>>
    %dma_wait3A_222 = tpu.memref_squeeze %dma_wait3A_221 : memref<1x128x128xbf16, #tpu.memory_space<vmem>> -> memref<128x128xbf16, #tpu.memory_space<vmem>>
    %dma_wait3A_223 = arith.constant 0 : i32
    %dma_wait3A_224 = tpu.memref_slice %arg9[%dma_wait3A_218, %dma_wait3A_223] : memref<80x128xi32, #tpu.memory_space<vmem>> -> memref<1x128xi32, #tpu.memory_space<vmem>>
    %dma_wait3A_225 = tpu.memref_squeeze %dma_wait3A_224 : memref<1x128xi32, #tpu.memory_space<vmem>> -> memref<128xi32, #tpu.memory_space<vmem>>
    %dma_wait3A_226 = arith.constant 0 : i32
    %dma_wait3A_227 = arith.constant 0 : i32
    %dma_wait3A_228 = tpu.memref_slice %arg11[%dma_wait3A_226, %dma_wait3A_227] : memref<10016x128xbf16, #tpu.memory_space<vmem_shared>> -> memref<10016x128xbf16, #tpu.memory_space<vmem_shared>>
    tpu.wait_indirect_dma semaphore(%arg20 : memref<!tpu.dma_semaphore, #tpu.memory_space<semaphore_mem>>) src(%dma_wait3A_222 : memref<128x128xbf16, #tpu.memory_space<vmem>>) dst(%dma_wait3A_228 : memref<10016x128xbf16, #tpu.memory_space<vmem_shared>>)
    %barrier3A_229 = arith.constant 0 : index
    tpu.barrier barrier_id(%barrier3A_229)
    %mul3A_230 = arith.constant 2 : i32
    %mul3A_231 = arith.muli %arg0, %mul3A_230 : i32
    %add3A_232 = arith.constant 1 : i32
    %add3A_233 = arith.addi %mul3A_231, %add3A_232 : i32
    %mul3A_234 = arith.constant 10000 : i32
    %mul3A_235 = arith.muli %add3A_233, %mul3A_234 : i32
    %lt3A_236 = arith.constant 15 : i32
    %lt3A_237 = arith.cmpi slt, %arg1, %lt3A_236 : i32
    %convert_element_type3A_238 = arith.extui %lt3A_237 : i1 to i32
    %cond3A_239 = arith.constant 0 : i32
    %cond3A_240 = arith.cmpi ne, %convert_element_type3A_238, %cond3A_239 : i32
    scf.if %cond3A_240 {
      %mul3A_246 = arith.constant 624 : i32
      %mul3A_247 = arith.muli %arg1, %mul3A_246 : i32
      %mul3A_248 = arith.constant 624 : i32
      %mul3A_249 = arith.muli %arg1, %mul3A_248 : i32
      %add3A_250 = arith.addi %mul3A_235, %mul3A_249 : i32
      "tpu.region"() ({
        %run_scoped3A = tpu.sem_alloc : memref<!tpu.dma_semaphore, #tpu.memory_space<semaphore_mem>>
        %dma_start3A_251 = arith.constant 0 : i32
        %dma_start3A_252 = tpu.memref_slice %arg7[%add3A_250, %dma_start3A_251] : memref<40000x128xbf16, #tpu.memory_space<hbm>> -> memref<624x128xbf16, #tpu.memory_space<hbm>>
        %dma_start3A_253 = arith.constant 0 : i32
        %dma_start3A_254 = tpu.memref_slice %arg11[%mul3A_247, %dma_start3A_253] : memref<10016x128xbf16, #tpu.memory_space<vmem_shared>> -> memref<624x128xbf16, #tpu.memory_space<vmem_shared>>
        tpu.enqueue_dma source(%dma_start3A_254 : memref<624x128xbf16, #tpu.memory_space<vmem_shared>>) target(%dma_start3A_252 : memref<624x128xbf16, #tpu.memory_space<hbm>>) target_semaphore(%run_scoped3A : memref<!tpu.dma_semaphore, #tpu.memory_space<semaphore_mem>>)
        %dma_wait3A_255 = arith.constant 0 : i32
        %dma_wait3A_256 = tpu.memref_slice %arg7[%add3A_250, %dma_wait3A_255] : memref<40000x128xbf16, #tpu.memory_space<hbm>> -> memref<624x128xbf16, #tpu.memory_space<hbm>>
        %dma_wait3A_257 = arith.constant 0 : i32
        %dma_wait3A_258 = tpu.memref_slice %arg11[%mul3A_247, %dma_wait3A_257] : memref<10016x128xbf16, #tpu.memory_space<vmem_shared>> -> memref<624x128xbf16, #tpu.memory_space<vmem_shared>>
        tpu.wait_dma2 semaphore(%run_scoped3A : memref<!tpu.dma_semaphore, #tpu.memory_space<semaphore_mem>>) src(%dma_wait3A_258 : memref<624x128xbf16, #tpu.memory_space<vmem_shared>>) dst(%dma_wait3A_256 : memref<624x128xbf16, #tpu.memory_space<hbm>>)
        tpu.yield
      }) : () -> ()
    } else {
    }
    %eq3A_241 = arith.constant 15 : i32
    %eq3A_242 = arith.cmpi eq, %arg1, %eq3A_241 : i32
    %convert_element_type3A_243 = arith.extui %eq3A_242 : i1 to i32
    %cond3A_244 = arith.constant 0 : i32
    %cond3A_245 = arith.cmpi ne, %convert_element_type3A_243, %cond3A_244 : i32
    scf.if %cond3A_245 {
      %add3A_246 = arith.constant 9360 : i32
      %add3A_247 = arith.addi %mul3A_235, %add3A_246 : i32
      "tpu.region"() ({
        %run_scoped3A = tpu.sem_alloc : memref<!tpu.dma_semaphore, #tpu.memory_space<semaphore_mem>>
        %dma_start3A_248 = arith.constant 0 : i32
        %dma_start3A_249 = tpu.memref_slice %arg7[%add3A_247, %dma_start3A_248] : memref<40000x128xbf16, #tpu.memory_space<hbm>> -> memref<640x128xbf16, #tpu.memory_space<hbm>>
        %dma_start3A_250 = arith.constant 9360 : i32
        %dma_start3A_251 = arith.constant 0 : i32
        %dma_start3A_252 = tpu.memref_slice %arg11[%dma_start3A_250, %dma_start3A_251] : memref<10016x128xbf16, #tpu.memory_space<vmem_shared>> -> memref<640x128xbf16, #tpu.memory_space<vmem_shared>>
        tpu.enqueue_dma source(%dma_start3A_252 : memref<640x128xbf16, #tpu.memory_space<vmem_shared>>) target(%dma_start3A_249 : memref<640x128xbf16, #tpu.memory_space<hbm>>) target_semaphore(%run_scoped3A : memref<!tpu.dma_semaphore, #tpu.memory_space<semaphore_mem>>)
        %dma_wait3A_253 = arith.constant 0 : i32
        %dma_wait3A_254 = tpu.memref_slice %arg7[%add3A_247, %dma_wait3A_253] : memref<40000x128xbf16, #tpu.memory_space<hbm>> -> memref<640x128xbf16, #tpu.memory_space<hbm>>
        %dma_wait3A_255 = arith.constant 9360 : i32
        %dma_wait3A_256 = arith.constant 0 : i32
        %dma_wait3A_257 = tpu.memref_slice %arg11[%dma_wait3A_255, %dma_wait3A_256] : memref<10016x128xbf16, #tpu.memory_space<vmem_shared>> -> memref<640x128xbf16, #tpu.memory_space<vmem_shared>>
        tpu.wait_dma2 semaphore(%run_scoped3A : memref<!tpu.dma_semaphore, #tpu.memory_space<semaphore_mem>>) src(%dma_wait3A_257 : memref<640x128xbf16, #tpu.memory_space<vmem_shared>>) dst(%dma_wait3A_254 : memref<640x128xbf16, #tpu.memory_space<hbm>>)
        tpu.yield
      }) : () -> ()
    } else {
    }
    return
  }
}

module attributes {stable_mosaic.version = 14 : i64} {
  func.func @_pre0_body(%arg0: i32, %arg1: memref<2000x256xf32, #tpu.memory_space<vmem>>, %arg2: memref<256x512xf32, #tpu.memory_space<vmem>>, %arg3: memref<1x512xf32, #tpu.memory_space<vmem>>, %arg4: memref<2x2000x128xbf16, #tpu.memory_space<vmem>>, %arg5: memref<2000x512xf32, #tpu.memory_space<vmem>>) attributes {dimension_semantics = [#tpu.dimension_semantics<arbitrary>], iteration_bounds = array<i64: 5>, scalar_prefetch = 0 : i64, scratch_operands = 0 : i64, tpu.core_type = #tpu.core_type<tc>, window_params = [{transform_indices = @transform_0, window_bounds = array<i64: 2000, 256>}, {pipeline_mode = #tpu.pipeline_mode<synchronous>, transform_indices = @transform_1, window_bounds = array<i64: 256, 512>}, {pipeline_mode = #tpu.pipeline_mode<synchronous>, transform_indices = @transform_2, window_bounds = array<i64: 1, 512>}, {transform_indices = @transform_3, window_bounds = array<i64: 2, 2000, 128>}, {transform_indices = @transform_4, window_bounds = array<i64: 2000, 512>}]} {
    %get3A = arith.constant 0 : index
    %get3A_0 = arith.constant 0 : index
    %get3A_1 = vector.load %arg1[%get3A, %get3A_0] : memref<2000x256xf32, #tpu.memory_space<vmem>>, vector<2000x256xf32>
    %slice3A = vector.extract_strided_slice %get3A_1 {offsets = [0, 0], sizes = [2000, 128], strides = [1, 1]} : vector<2000x256xf32> to vector<2000x128xf32>
    %convert_element_type3A = arith.truncf %slice3A : vector<2000x128xf32> to vector<2000x128xbf16>
    %swap3A = arith.constant 0 : index
    %swap3A_2 = arith.constant 0 : index
    %swap3A_3 = arith.constant 0 : index
    %swap3A_4 = vector.load %arg4[%swap3A, %swap3A_2, %swap3A_3] : memref<2x2000x128xbf16, #tpu.memory_space<vmem>>, vector<1x2000x128xbf16>
    %swap3A_5 = vector.shape_cast %swap3A_4 : vector<1x2000x128xbf16> to vector<2000x128xbf16>
    %swap3A_6 = vector.shape_cast %convert_element_type3A : vector<2000x128xbf16> to vector<1x2000x128xbf16>
    tpu.vector_store %arg4[%swap3A, %swap3A_2, %swap3A_3], %swap3A_6 {strides = array<i32>} : memref<2x2000x128xbf16, #tpu.memory_space<vmem>>, vector<1x2000x128xbf16>,
    %slice3A_7 = vector.extract_strided_slice %get3A_1 {offsets = [0, 128], sizes = [2000, 128], strides = [1, 1]} : vector<2000x256xf32> to vector<2000x128xf32>
    %convert_element_type3A_8 = arith.truncf %slice3A_7 : vector<2000x128xf32> to vector<2000x128xbf16>
    %swap3A_9 = arith.constant 1 : index
    %swap3A_10 = arith.constant 0 : index
    %swap3A_11 = arith.constant 0 : index
    %swap3A_12 = vector.load %arg4[%swap3A_9, %swap3A_10, %swap3A_11] : memref<2x2000x128xbf16, #tpu.memory_space<vmem>>, vector<1x2000x128xbf16>
    %swap3A_13 = vector.shape_cast %swap3A_12 : vector<1x2000x128xbf16> to vector<2000x128xbf16>
    %swap3A_14 = vector.shape_cast %convert_element_type3A_8 : vector<2000x128xbf16> to vector<1x2000x128xbf16>
    tpu.vector_store %arg4[%swap3A_9, %swap3A_10, %swap3A_11], %swap3A_14 {strides = array<i32>} : memref<2x2000x128xbf16, #tpu.memory_space<vmem>>, vector<1x2000x128xbf16>,
    %get3A_15 = arith.constant 0 : index
    %get3A_16 = arith.constant 0 : index
    %get3A_17 = vector.load %arg1[%get3A_15, %get3A_16] : memref<2000x256xf32, #tpu.memory_space<vmem>>, vector<2000x256xf32>
    %get3A_18 = arith.constant 0 : index
    %get3A_19 = arith.constant 0 : index
    %get3A_20 = vector.load %arg2[%get3A_18, %get3A_19] : memref<256x512xf32, #tpu.memory_space<vmem>>, vector<256x512xf32>
    %dot_general3A = arith.constant dense<0.000000e+00> : vector<2000x512xf32>
    %dot_general3A_21 = tpu.matmul %get3A_17, %get3A_20, %dot_general3A {dimension_numbers = #tpu.dot_dimension_numbers<[1], [0], [0], [1], [0, 0, 1, 1], [], []>, transpose_lhs_hint = false} : vector<2000x256xf32>, vector<256x512xf32>, vector<2000x512xf32> -> vector<2000x512xf32>
    %get3A_22 = arith.constant 0 : index
    %get3A_23 = arith.constant 0 : index
    %get3A_24 = vector.load %arg3[%get3A_22, %get3A_23] : memref<1x512xf32, #tpu.memory_space<vmem>>, vector<1x512xf32>
    %add3A = vector.broadcast %get3A_24 : vector<1x512xf32> to vector<2000x512xf32>
    %add3A_25 = arith.addf %dot_general3A_21, %add3A : vector<2000x512xf32>
    %swap3A_26 = arith.constant 0 : index
    %swap3A_27 = arith.constant 0 : index
    %swap3A_28 = vector.load %arg5[%swap3A_26, %swap3A_27] : memref<2000x512xf32, #tpu.memory_space<vmem>>, vector<2000x512xf32>
    tpu.vector_store %arg5[%swap3A_26, %swap3A_27], %add3A_25 {strides = array<i32>} : memref<2000x512xf32, #tpu.memory_space<vmem>>, vector<2000x512xf32>,
    return
  }
  func.func @transform_0(%arg0: i32) -> (i32, i32) {
    %c0_i32 = arith.constant 0 : i32
    %c0_i32_0 = arith.constant 0 : i32
    return %arg0, %c0_i32 : i32, i32
  }
  func.func @transform_1(%arg0: i32) -> (i32, i32) {
    %c0_i32 = arith.constant 0 : i32
    %c0_i32_0 = arith.constant 0 : i32
    %c0_i32_1 = arith.constant 0 : i32
    return %c0_i32, %c0_i32_0 : i32, i32
  }
  func.func @transform_2(%arg0: i32) -> (i32, i32) {
    %c0_i32 = arith.constant 0 : i32
    %c0_i32_0 = arith.constant 0 : i32
    %c0_i32_1 = arith.constant 0 : i32
    return %c0_i32, %c0_i32_0 : i32, i32
  }
  func.func @transform_3(%arg0: i32) -> (i32, i32, i32) {
    %c0_i32 = arith.constant 0 : i32
    %c0_i32_0 = arith.constant 0 : i32
    %c0_i32_1 = arith.constant 0 : i32
    return %c0_i32, %arg0, %c0_i32_0 : i32, i32, i32
  }
  func.func @transform_4(%arg0: i32) -> (i32, i32) {
    %c0_i32 = arith.constant 0 : i32
    %c0_i32_0 = arith.constant 0 : i32
    return %arg0, %c0_i32 : i32, i32
  }
}

module attributes {stable_mosaic.version = 14 : i64} {
  func.func @_pad_body(%arg0: memref<2x160000xi32, #tpu.memory_space<vmem>>, %arg1: memref<1x163840xi32, #tpu.memory_space<vmem>>, %arg2: memref<1x163840xi32, #tpu.memory_space<vmem>>) attributes {dimension_semantics = [], scalar_prefetch = 0 : i64, scratch_operands = 0 : i64, tpu.core_type = #tpu.core_type<tc>} {
    %get3A = arith.constant 0 : index
    %get3A_0 = arith.constant 0 : index
    %get3A_1 = vector.load %arg0[%get3A, %get3A_0] : memref<2x160000xi32, #tpu.memory_space<vmem>>, vector<1x160000xi32>
    %get3A_2 = vector.shape_cast %get3A_1 : vector<1x160000xi32> to vector<160000xi32>
    %broadcast_in_dim3A = arith.constant 0 : i32
    %broadcast_in_dim3A_3 = vector.broadcast %broadcast_in_dim3A : i32 to vector<3840xi32>
    %concatenate3A = tpu.concatenate %get3A_2, %broadcast_in_dim3A_3 in 0 : vector<160000xi32>, vector<3840xi32> -> vector<163840xi32>
    %reshape3A = vector.shape_cast %concatenate3A : vector<163840xi32> to vector<1x163840xi32>
    %swap3A = arith.constant 0 : index
    %swap3A_4 = arith.constant 0 : index
    %swap3A_5 = vector.load %arg1[%swap3A, %swap3A_4] : memref<1x163840xi32, #tpu.memory_space<vmem>>, vector<1x163840xi32>
    tpu.vector_store %arg1[%swap3A, %swap3A_4], %reshape3A {strides = array<i32>} : memref<1x163840xi32, #tpu.memory_space<vmem>>, vector<1x163840xi32>,
    %get3A_6 = arith.constant 1 : index
    %get3A_7 = arith.constant 0 : index
    %get3A_8 = vector.load %arg0[%get3A_6, %get3A_7] : memref<2x160000xi32, #tpu.memory_space<vmem>>, vector<1x160000xi32>
    %get3A_9 = vector.shape_cast %get3A_8 : vector<1x160000xi32> to vector<160000xi32>
    %broadcast_in_dim3A_10 = arith.constant 10000 : i32
    %broadcast_in_dim3A_11 = vector.broadcast %broadcast_in_dim3A_10 : i32 to vector<3840xi32>
    %concatenate3A_12 = tpu.concatenate %get3A_9, %broadcast_in_dim3A_11 in 0 : vector<160000xi32>, vector<3840xi32> -> vector<163840xi32>
    %reshape3A_13 = vector.shape_cast %concatenate3A_12 : vector<163840xi32> to vector<1x163840xi32>
    %swap3A_14 = arith.constant 0 : index
    %swap3A_15 = arith.constant 0 : index
    %swap3A_16 = vector.load %arg2[%swap3A_14, %swap3A_15] : memref<1x163840xi32, #tpu.memory_space<vmem>>, vector<1x163840xi32>
    tpu.vector_store %arg2[%swap3A_14, %swap3A_15], %reshape3A_13 {strides = array<i32>} : memref<1x163840xi32, #tpu.memory_space<vmem>>, vector<1x163840xi32>,
    return
  }
}

module attributes {stable_mosaic.version = 14 : i64} {
  func.func @_body_01(%arg0: i32, %arg1: memref<2000x512xf32, #tpu.memory_space<vmem>>, %arg2: memref<2x2000x128xbf16, #tpu.memory_space<vmem>>, %arg3: memref<2000x1xf32, #tpu.memory_space<vmem>>, %arg4: memref<256x512xf32, #tpu.memory_space<vmem>>, %arg5: memref<512x512xf32, #tpu.memory_space<vmem>>, %arg6: memref<1x512xf32, #tpu.memory_space<vmem>>, %arg7: memref<4x2000x128xbf16, #tpu.memory_space<vmem>>, %arg8: memref<2000x512xf32, #tpu.memory_space<vmem>>) attributes {dimension_semantics = [#tpu.dimension_semantics<arbitrary>], iteration_bounds = array<i64: 5>, scalar_prefetch = 0 : i64, scratch_operands = 0 : i64, tpu.core_type = #tpu.core_type<tc>, window_params = [{transform_indices = @transform_0, window_bounds = array<i64: 2000, 512>}, {transform_indices = @transform_1, window_bounds = array<i64: 2, 2000, 128>}, {transform_indices = @transform_2, window_bounds = array<i64: 2000, 1>}, {pipeline_mode = #tpu.pipeline_mode<synchronous>, transform_indices = @transform_3, window_bounds = array<i64: 256, 512>}, {pipeline_mode = #tpu.pipeline_mode<synchronous>, transform_indices = @transform_4, window_bounds = array<i64: 512, 512>}, {pipeline_mode = #tpu.pipeline_mode<synchronous>, transform_indices = @transform_5, window_bounds = array<i64: 1, 512>}, {transform_indices = @transform_6, window_bounds = array<i64: 4, 2000, 128>}, {transform_indices = @transform_7, window_bounds = array<i64: 2000, 512>}]} {
    %get3A = arith.constant 0 : index
    %get3A_0 = arith.constant 0 : index
    %get3A_1 = vector.load %arg3[%get3A, %get3A_0] : memref<2000x1xf32, #tpu.memory_space<vmem>>, vector<2000x1xf32>
    %max3A = arith.constant 1.000000e+00 : f32
    %max3A_2 = vector.broadcast %max3A : f32 to vector<2000x1xf32>
    %max3A_3 = arith.maximumf %get3A_1, %max3A_2 : vector<2000x1xf32>
    %div3A = arith.constant 1.000000e+00 : f32
    %div3A_4 = vector.broadcast %div3A : f32 to vector<2000x1xf32>
    %div3A_5 = arith.divf %div3A_4, %max3A_3 : vector<2000x1xf32>
    %get3A_6 = arith.constant 0 : index
    %get3A_7 = arith.constant 0 : index
    %get3A_8 = arith.constant 0 : index
    %get3A_9 = vector.load %arg2[%get3A_6, %get3A_7, %get3A_8] : memref<2x2000x128xbf16, #tpu.memory_space<vmem>>, vector<1x2000x128xbf16>
    %get3A_10 = vector.shape_cast %get3A_9 : vector<1x2000x128xbf16> to vector<2000x128xbf16>
    %convert_element_type3A = arith.extf %get3A_10 : vector<2000x128xbf16> to vector<2000x128xf32>
    %get3A_11 = arith.constant 1 : index
    %get3A_12 = arith.constant 0 : index
    %get3A_13 = arith.constant 0 : index
    %get3A_14 = vector.load %arg2[%get3A_11, %get3A_12, %get3A_13] : memref<2x2000x128xbf16, #tpu.memory_space<vmem>>, vector<1x2000x128xbf16>
    %get3A_15 = vector.shape_cast %get3A_14 : vector<1x2000x128xbf16> to vector<2000x128xbf16>
    %convert_element_type3A_16 = arith.extf %get3A_15 : vector<2000x128xbf16> to vector<2000x128xf32>
    %concatenate3A = tpu.concatenate %convert_element_type3A, %convert_element_type3A_16 in 1 : vector<2000x128xf32>, vector<2000x128xf32> -> vector<2000x256xf32>
    %mul3A = vector.broadcast %div3A_5 : vector<2000x1xf32> to vector<2000x256xf32>
    %mul3A_17 = arith.mulf %concatenate3A, %mul3A : vector<2000x256xf32>
    %get3A_18 = arith.constant 0 : index
    %get3A_19 = arith.constant 0 : index
    %get3A_20 = vector.load %arg1[%get3A_18, %get3A_19] : memref<2000x512xf32, #tpu.memory_space<vmem>>, vector<2000x512xf32>
    %get3A_21 = arith.constant 0 : index
    %get3A_22 = arith.constant 0 : index
    %get3A_23 = vector.load %arg4[%get3A_21, %get3A_22] : memref<256x512xf32, #tpu.memory_space<vmem>>, vector<256x512xf32>
    %dot_general3A = arith.constant dense<0.000000e+00> : vector<2000x512xf32>
    %dot_general3A_24 = tpu.matmul %mul3A_17, %get3A_23, %dot_general3A {dimension_numbers = #tpu.dot_dimension_numbers<[1], [0], [0], [1], [0, 0, 1, 1], [], []>, transpose_lhs_hint = false} : vector<2000x256xf32>, vector<256x512xf32>, vector<2000x512xf32> -> vector<2000x512xf32>
    %add3A = arith.addf %get3A_20, %dot_general3A_24 : vector<2000x512xf32>
    %max3A_25 = arith.constant 0.000000e+00 : f32
    %max3A_26 = vector.broadcast %max3A_25 : f32 to vector<2000x512xf32>
    %max3A_27 = arith.maximumf %add3A, %max3A_26 : vector<2000x512xf32>
    %slice3A = vector.extract_strided_slice %max3A_27 {offsets = [0, 0], sizes = [2000, 128], strides = [1, 1]} : vector<2000x512xf32> to vector<2000x128xf32>
    %convert_element_type3A_28 = arith.truncf %slice3A : vector<2000x128xf32> to vector<2000x128xbf16>
    %swap3A = arith.constant 0 : index
    %swap3A_29 = arith.constant 0 : index
    %swap3A_30 = arith.constant 0 : index
    %swap3A_31 = vector.load %arg7[%swap3A, %swap3A_29, %swap3A_30] : memref<4x2000x128xbf16, #tpu.memory_space<vmem>>, vector<1x2000x128xbf16>
    %swap3A_32 = vector.shape_cast %swap3A_31 : vector<1x2000x128xbf16> to vector<2000x128xbf16>
    %swap3A_33 = vector.shape_cast %convert_element_type3A_28 : vector<2000x128xbf16> to vector<1x2000x128xbf16>
    tpu.vector_store %arg7[%swap3A, %swap3A_29, %swap3A_30], %swap3A_33 {strides = array<i32>} : memref<4x2000x128xbf16, #tpu.memory_space<vmem>>, vector<1x2000x128xbf16>,
    %slice3A_34 = vector.extract_strided_slice %max3A_27 {offsets = [0, 128], sizes = [2000, 128], strides = [1, 1]} : vector<2000x512xf32> to vector<2000x128xf32>
    %convert_element_type3A_35 = arith.truncf %slice3A_34 : vector<2000x128xf32> to vector<2000x128xbf16>
    %swap3A_36 = arith.constant 1 : index
    %swap3A_37 = arith.constant 0 : index
    %swap3A_38 = arith.constant 0 : index
    %swap3A_39 = vector.load %arg7[%swap3A_36, %swap3A_37, %swap3A_38] : memref<4x2000x128xbf16, #tpu.memory_space<vmem>>, vector<1x2000x128xbf16>
    %swap3A_40 = vector.shape_cast %swap3A_39 : vector<1x2000x128xbf16> to vector<2000x128xbf16>
    %swap3A_41 = vector.shape_cast %convert_element_type3A_35 : vector<2000x128xbf16> to vector<1x2000x128xbf16>
    tpu.vector_store %arg7[%swap3A_36, %swap3A_37, %swap3A_38], %swap3A_41 {strides = array<i32>} : memref<4x2000x128xbf16, #tpu.memory_space<vmem>>, vector<1x2000x128xbf16>,
    %slice3A_42 = vector.extract_strided_slice %max3A_27 {offsets = [0, 256], sizes = [2000, 128], strides = [1, 1]} : vector<2000x512xf32> to vector<2000x128xf32>
    %convert_element_type3A_43 = arith.truncf %slice3A_42 : vector<2000x128xf32> to vector<2000x128xbf16>
    %swap3A_44 = arith.constant 2 : index
    %swap3A_45 = arith.constant 0 : index
    %swap3A_46 = arith.constant 0 : index
    %swap3A_47 = vector.load %arg7[%swap3A_44, %swap3A_45, %swap3A_46] : memref<4x2000x128xbf16, #tpu.memory_space<vmem>>, vector<1x2000x128xbf16>
    %swap3A_48 = vector.shape_cast %swap3A_47 : vector<1x2000x128xbf16> to vector<2000x128xbf16>
    %swap3A_49 = vector.shape_cast %convert_element_type3A_43 : vector<2000x128xbf16> to vector<1x2000x128xbf16>
    tpu.vector_store %arg7[%swap3A_44, %swap3A_45, %swap3A_46], %swap3A_49 {strides = array<i32>} : memref<4x2000x128xbf16, #tpu.memory_space<vmem>>, vector<1x2000x128xbf16>,
    %slice3A_50 = vector.extract_strided_slice %max3A_27 {offsets = [0, 384], sizes = [2000, 128], strides = [1, 1]} : vector<2000x512xf32> to vector<2000x128xf32>
    %convert_element_type3A_51 = arith.truncf %slice3A_50 : vector<2000x128xf32> to vector<2000x128xbf16>
    %swap3A_52 = arith.constant 3 : index
    %swap3A_53 = arith.constant 0 : index
    %swap3A_54 = arith.constant 0 : index
    %swap3A_55 = vector.load %arg7[%swap3A_52, %swap3A_53, %swap3A_54] : memref<4x2000x128xbf16, #tpu.memory_space<vmem>>, vector<1x2000x128xbf16>
    %swap3A_56 = vector.shape_cast %swap3A_55 : vector<1x2000x128xbf16> to vector<2000x128xbf16>
    %swap3A_57 = vector.shape_cast %convert_element_type3A_51 : vector<2000x128xbf16> to vector<1x2000x128xbf16>
    tpu.vector_store %arg7[%swap3A_52, %swap3A_53, %swap3A_54], %swap3A_57 {strides = array<i32>} : memref<4x2000x128xbf16, #tpu.memory_space<vmem>>, vector<1x2000x128xbf16>,
    %get3A_58 = arith.constant 0 : index
    %get3A_59 = arith.constant 0 : index
    %get3A_60 = vector.load %arg5[%get3A_58, %get3A_59] : memref<512x512xf32, #tpu.memory_space<vmem>>, vector<512x512xf32>
    %dot_general3A_61 = arith.constant dense<0.000000e+00> : vector<2000x512xf32>
    %dot_general3A_62 = tpu.matmul %max3A_27, %get3A_60, %dot_general3A_61 {dimension_numbers = #tpu.dot_dimension_numbers<[1], [0], [0], [1], [0, 0, 1, 1], [], []>, transpose_lhs_hint = false} : vector<2000x512xf32>, vector<512x512xf32>, vector<2000x512xf32> -> vector<2000x512xf32>
    %get3A_63 = arith.constant 0 : index
    %get3A_64 = arith.constant 0 : index
    %get3A_65 = vector.load %arg6[%get3A_63, %get3A_64] : memref<1x512xf32, #tpu.memory_space<vmem>>, vector<1x512xf32>
    %add3A_66 = vector.broadcast %get3A_65 : vector<1x512xf32> to vector<2000x512xf32>
    %add3A_67 = arith.addf %dot_general3A_62, %add3A_66 : vector<2000x512xf32>
    %swap3A_68 = arith.constant 0 : index
    %swap3A_69 = arith.constant 0 : index
    %swap3A_70 = vector.load %arg8[%swap3A_68, %swap3A_69] : memref<2000x512xf32, #tpu.memory_space<vmem>>, vector<2000x512xf32>
    tpu.vector_store %arg8[%swap3A_68, %swap3A_69], %add3A_67 {strides = array<i32>} : memref<2000x512xf32, #tpu.memory_space<vmem>>, vector<2000x512xf32>,
    return
  }
  func.func @transform_0(%arg0: i32) -> (i32, i32) {
    %c0_i32 = arith.constant 0 : i32
    %c0_i32_0 = arith.constant 0 : i32
    return %arg0, %c0_i32 : i32, i32
  }
  func.func @transform_1(%arg0: i32) -> (i32, i32, i32) {
    %c0_i32 = arith.constant 0 : i32
    %c0_i32_0 = arith.constant 0 : i32
    %c0_i32_1 = arith.constant 0 : i32
    return %c0_i32, %arg0, %c0_i32_0 : i32, i32, i32
  }
  func.func @transform_2(%arg0: i32) -> (i32, i32) {
    %c0_i32 = arith.constant 0 : i32
    %c0_i32_0 = arith.constant 0 : i32
    return %arg0, %c0_i32 : i32, i32
  }
  func.func @transform_3(%arg0: i32) -> (i32, i32) {
    %c0_i32 = arith.constant 0 : i32
    %c0_i32_0 = arith.constant 0 : i32
    %c0_i32_1 = arith.constant 0 : i32
    return %c0_i32, %c0_i32_0 : i32, i32
  }
  func.func @transform_4(%arg0: i32) -> (i32, i32) {
    %c0_i32 = arith.constant 0 : i32
    %c0_i32_0 = arith.constant 0 : i32
    %c0_i32_1 = arith.constant 0 : i32
    return %c0_i32, %c0_i32_0 : i32, i32
  }
  func.func @transform_5(%arg0: i32) -> (i32, i32) {
    %c0_i32 = arith.constant 0 : i32
    %c0_i32_0 = arith.constant 0 : i32
    %c0_i32_1 = arith.constant 0 : i32
    return %c0_i32, %c0_i32_0 : i32, i32
  }
  func.func @transform_6(%arg0: i32) -> (i32, i32, i32) {
    %c0_i32 = arith.constant 0 : i32
    %c0_i32_0 = arith.constant 0 : i32
    %c0_i32_1 = arith.constant 0 : i32
    return %c0_i32, %arg0, %c0_i32_0 : i32, i32, i32
  }
  func.func @transform_7(%arg0: i32) -> (i32, i32) {
    %c0_i32 = arith.constant 0 : i32
    %c0_i32_0 = arith.constant 0 : i32
    return %arg0, %c0_i32 : i32, i32
  }
}

module attributes {stable_mosaic.version = 14 : i64} {
  func.func @_body_12(%arg0: i32, %arg1: memref<2000x512xf32, #tpu.memory_space<vmem>>, %arg2: memref<4x2000x128xbf16, #tpu.memory_space<vmem>>, %arg3: memref<2000x1xf32, #tpu.memory_space<vmem>>, %arg4: memref<512x512xf32, #tpu.memory_space<vmem>>, %arg5: memref<512x256xf32, #tpu.memory_space<vmem>>, %arg6: memref<512x256xf32, #tpu.memory_space<vmem>>, %arg7: memref<1x256xf32, #tpu.memory_space<vmem>>, %arg8: memref<2x2000x128xbf16, #tpu.memory_space<vmem>>, %arg9: memref<2000x256xf32, #tpu.memory_space<vmem>>) attributes {dimension_semantics = [#tpu.dimension_semantics<arbitrary>], iteration_bounds = array<i64: 5>, scalar_prefetch = 0 : i64, scratch_operands = 0 : i64, tpu.core_type = #tpu.core_type<tc>, window_params = [{transform_indices = @transform_0, window_bounds = array<i64: 2000, 512>}, {transform_indices = @transform_1, window_bounds = array<i64: 4, 2000, 128>}, {transform_indices = @transform_2, window_bounds = array<i64: 2000, 1>}, {pipeline_mode = #tpu.pipeline_mode<synchronous>, transform_indices = @transform_3, window_bounds = array<i64: 512, 512>}, {pipeline_mode = #tpu.pipeline_mode<synchronous>, transform_indices = @transform_4, window_bounds = array<i64: 512, 256>}, {pipeline_mode = #tpu.pipeline_mode<synchronous>, transform_indices = @transform_5, window_bounds = array<i64: 512, 256>}, {pipeline_mode = #tpu.pipeline_mode<synchronous>, transform_indices = @transform_6, window_bounds = array<i64: 1, 256>}, {transform_indices = @transform_7, window_bounds = array<i64: 2, 2000, 128>}, {transform_indices = @transform_8, window_bounds = array<i64: 2000, 256>}]} {
    %get3A = arith.constant 0 : index
    %get3A_0 = arith.constant 0 : index
    %get3A_1 = vector.load %arg3[%get3A, %get3A_0] : memref<2000x1xf32, #tpu.memory_space<vmem>>, vector<2000x1xf32>
    %max3A = arith.constant 1.000000e+00 : f32
    %max3A_2 = vector.broadcast %max3A : f32 to vector<2000x1xf32>
    %max3A_3 = arith.maximumf %get3A_1, %max3A_2 : vector<2000x1xf32>
    %div3A = arith.constant 1.000000e+00 : f32
    %div3A_4 = vector.broadcast %div3A : f32 to vector<2000x1xf32>
    %div3A_5 = arith.divf %div3A_4, %max3A_3 : vector<2000x1xf32>
    %get3A_6 = arith.constant 0 : index
    %get3A_7 = arith.constant 0 : index
    %get3A_8 = arith.constant 0 : index
    %get3A_9 = vector.load %arg2[%get3A_6, %get3A_7, %get3A_8] : memref<4x2000x128xbf16, #tpu.memory_space<vmem>>, vector<1x2000x128xbf16>
    %get3A_10 = vector.shape_cast %get3A_9 : vector<1x2000x128xbf16> to vector<2000x128xbf16>
    %convert_element_type3A = arith.extf %get3A_10 : vector<2000x128xbf16> to vector<2000x128xf32>
    %get3A_11 = arith.constant 1 : index
    %get3A_12 = arith.constant 0 : index
    %get3A_13 = arith.constant 0 : index
    %get3A_14 = vector.load %arg2[%get3A_11, %get3A_12, %get3A_13] : memref<4x2000x128xbf16, #tpu.memory_space<vmem>>, vector<1x2000x128xbf16>
    %get3A_15 = vector.shape_cast %get3A_14 : vector<1x2000x128xbf16> to vector<2000x128xbf16>
    %convert_element_type3A_16 = arith.extf %get3A_15 : vector<2000x128xbf16> to vector<2000x128xf32>
    %get3A_17 = arith.constant 2 : index
    %get3A_18 = arith.constant 0 : index
    %get3A_19 = arith.constant 0 : index
    %get3A_20 = vector.load %arg2[%get3A_17, %get3A_18, %get3A_19] : memref<4x2000x128xbf16, #tpu.memory_space<vmem>>, vector<1x2000x128xbf16>
    %get3A_21 = vector.shape_cast %get3A_20 : vector<1x2000x128xbf16> to vector<2000x128xbf16>
    %convert_element_type3A_22 = arith.extf %get3A_21 : vector<2000x128xbf16> to vector<2000x128xf32>
    %get3A_23 = arith.constant 3 : index
    %get3A_24 = arith.constant 0 : index
    %get3A_25 = arith.constant 0 : index
    %get3A_26 = vector.load %arg2[%get3A_23, %get3A_24, %get3A_25] : memref<4x2000x128xbf16, #tpu.memory_space<vmem>>, vector<1x2000x128xbf16>
    %get3A_27 = vector.shape_cast %get3A_26 : vector<1x2000x128xbf16> to vector<2000x128xbf16>
    %convert_element_type3A_28 = arith.extf %get3A_27 : vector<2000x128xbf16> to vector<2000x128xf32>
    %concatenate3A = tpu.concatenate %convert_element_type3A, %convert_element_type3A_16, %convert_element_type3A_22, %convert_element_type3A_28 in 1 : vector<2000x128xf32>, vector<2000x128xf32>, vector<2000x128xf32>, vector<2000x128xf32> -> vector<2000x512xf32>
    %mul3A = vector.broadcast %div3A_5 : vector<2000x1xf32> to vector<2000x512xf32>
    %mul3A_29 = arith.mulf %concatenate3A, %mul3A : vector<2000x512xf32>
    %get3A_30 = arith.constant 0 : index
    %get3A_31 = arith.constant 0 : index
    %get3A_32 = vector.load %arg1[%get3A_30, %get3A_31] : memref<2000x512xf32, #tpu.memory_space<vmem>>, vector<2000x512xf32>
    %get3A_33 = arith.constant 0 : index
    %get3A_34 = arith.constant 0 : index
    %get3A_35 = vector.load %arg4[%get3A_33, %get3A_34] : memref<512x512xf32, #tpu.memory_space<vmem>>, vector<512x512xf32>
    %dot_general3A = arith.constant dense<0.000000e+00> : vector<2000x512xf32>
    %dot_general3A_36 = tpu.matmul %mul3A_29, %get3A_35, %dot_general3A {dimension_numbers = #tpu.dot_dimension_numbers<[1], [0], [0], [1], [0, 0, 1, 1], [], []>, transpose_lhs_hint = false} : vector<2000x512xf32>, vector<512x512xf32>, vector<2000x512xf32> -> vector<2000x512xf32>
    %add3A = arith.addf %get3A_32, %dot_general3A_36 : vector<2000x512xf32>
    %max3A_37 = arith.constant 0.000000e+00 : f32
    %max3A_38 = vector.broadcast %max3A_37 : f32 to vector<2000x512xf32>
    %max3A_39 = arith.maximumf %add3A, %max3A_38 : vector<2000x512xf32>
    %get3A_40 = arith.constant 0 : index
    %get3A_41 = arith.constant 0 : index
    %get3A_42 = vector.load %arg5[%get3A_40, %get3A_41] : memref<512x256xf32, #tpu.memory_space<vmem>>, vector<512x256xf32>
    %dot_general3A_43 = arith.constant dense<0.000000e+00> : vector<2000x256xf32>
    %dot_general3A_44 = tpu.matmul %max3A_39, %get3A_42, %dot_general3A_43 {dimension_numbers = #tpu.dot_dimension_numbers<[1], [0], [0], [1], [0, 0, 1, 1], [], []>, transpose_lhs_hint = false} : vector<2000x512xf32>, vector<512x256xf32>, vector<2000x256xf32> -> vector<2000x256xf32>
    %slice3A = vector.extract_strided_slice %dot_general3A_44 {offsets = [0, 0], sizes = [2000, 128], strides = [1, 1]} : vector<2000x256xf32> to vector<2000x128xf32>
    %convert_element_type3A_45 = arith.truncf %slice3A : vector<2000x128xf32> to vector<2000x128xbf16>
    %swap3A = arith.constant 0 : index
    %swap3A_46 = arith.constant 0 : index
    %swap3A_47 = arith.constant 0 : index
    %swap3A_48 = vector.load %arg8[%swap3A, %swap3A_46, %swap3A_47] : memref<2x2000x128xbf16, #tpu.memory_space<vmem>>, vector<1x2000x128xbf16>
    %swap3A_49 = vector.shape_cast %swap3A_48 : vector<1x2000x128xbf16> to vector<2000x128xbf16>
    %swap3A_50 = vector.shape_cast %convert_element_type3A_45 : vector<2000x128xbf16> to vector<1x2000x128xbf16>
    tpu.vector_store %arg8[%swap3A, %swap3A_46, %swap3A_47], %swap3A_50 {strides = array<i32>} : memref<2x2000x128xbf16, #tpu.memory_space<vmem>>, vector<1x2000x128xbf16>,
    %slice3A_51 = vector.extract_strided_slice %dot_general3A_44 {offsets = [0, 128], sizes = [2000, 128], strides = [1, 1]} : vector<2000x256xf32> to vector<2000x128xf32>
    %convert_element_type3A_52 = arith.truncf %slice3A_51 : vector<2000x128xf32> to vector<2000x128xbf16>
    %swap3A_53 = arith.constant 1 : index
    %swap3A_54 = arith.constant 0 : index
    %swap3A_55 = arith.constant 0 : index
    %swap3A_56 = vector.load %arg8[%swap3A_53, %swap3A_54, %swap3A_55] : memref<2x2000x128xbf16, #tpu.memory_space<vmem>>, vector<1x2000x128xbf16>
    %swap3A_57 = vector.shape_cast %swap3A_56 : vector<1x2000x128xbf16> to vector<2000x128xbf16>
    %swap3A_58 = vector.shape_cast %convert_element_type3A_52 : vector<2000x128xbf16> to vector<1x2000x128xbf16>
    tpu.vector_store %arg8[%swap3A_53, %swap3A_54, %swap3A_55], %swap3A_58 {strides = array<i32>} : memref<2x2000x128xbf16, #tpu.memory_space<vmem>>, vector<1x2000x128xbf16>,
    %get3A_59 = arith.constant 0 : index
    %get3A_60 = arith.constant 0 : index
    %get3A_61 = vector.load %arg6[%get3A_59, %get3A_60] : memref<512x256xf32, #tpu.memory_space<vmem>>, vector<512x256xf32>
    %dot_general3A_62 = arith.constant dense<0.000000e+00> : vector<2000x256xf32>
    %dot_general3A_63 = tpu.matmul %max3A_39, %get3A_61, %dot_general3A_62 {dimension_numbers = #tpu.dot_dimension_numbers<[1], [0], [0], [1], [0, 0, 1, 1], [], []>, transpose_lhs_hint = false} : vector<2000x512xf32>, vector<512x256xf32>, vector<2000x256xf32> -> vector<2000x256xf32>
    %get3A_64 = arith.constant 0 : index
    %get3A_65 = arith.constant 0 : index
    %get3A_66 = vector.load %arg7[%get3A_64, %get3A_65] : memref<1x256xf32, #tpu.memory_space<vmem>>, vector<1x256xf32>
    %add3A_67 = vector.broadcast %get3A_66 : vector<1x256xf32> to vector<2000x256xf32>
    %add3A_68 = arith.addf %dot_general3A_63, %add3A_67 : vector<2000x256xf32>
    %swap3A_69 = arith.constant 0 : index
    %swap3A_70 = arith.constant 0 : index
    %swap3A_71 = vector.load %arg9[%swap3A_69, %swap3A_70] : memref<2000x256xf32, #tpu.memory_space<vmem>>, vector<2000x256xf32>
    tpu.vector_store %arg9[%swap3A_69, %swap3A_70], %add3A_68 {strides = array<i32>} : memref<2000x256xf32, #tpu.memory_space<vmem>>, vector<2000x256xf32>,
    return
  }
  func.func @transform_0(%arg0: i32) -> (i32, i32) {
    %c0_i32 = arith.constant 0 : i32
    %c0_i32_0 = arith.constant 0 : i32
    return %arg0, %c0_i32 : i32, i32
  }
  func.func @transform_1(%arg0: i32) -> (i32, i32, i32) {
    %c0_i32 = arith.constant 0 : i32
    %c0_i32_0 = arith.constant 0 : i32
    %c0_i32_1 = arith.constant 0 : i32
    return %c0_i32, %arg0, %c0_i32_0 : i32, i32, i32
  }
  func.func @transform_2(%arg0: i32) -> (i32, i32) {
    %c0_i32 = arith.constant 0 : i32
    %c0_i32_0 = arith.constant 0 : i32
    return %arg0, %c0_i32 : i32, i32
  }
  func.func @transform_3(%arg0: i32) -> (i32, i32) {
    %c0_i32 = arith.constant 0 : i32
    %c0_i32_0 = arith.constant 0 : i32
    %c0_i32_1 = arith.constant 0 : i32
    return %c0_i32, %c0_i32_0 : i32, i32
  }
  func.func @transform_4(%arg0: i32) -> (i32, i32) {
    %c0_i32 = arith.constant 0 : i32
    %c0_i32_0 = arith.constant 0 : i32
    %c0_i32_1 = arith.constant 0 : i32
    return %c0_i32, %c0_i32_0 : i32, i32
  }
  func.func @transform_5(%arg0: i32) -> (i32, i32) {
    %c0_i32 = arith.constant 0 : i32
    %c0_i32_0 = arith.constant 0 : i32
    %c0_i32_1 = arith.constant 0 : i32
    return %c0_i32, %c0_i32_0 : i32, i32
  }
  func.func @transform_6(%arg0: i32) -> (i32, i32) {
    %c0_i32 = arith.constant 0 : i32
    %c0_i32_0 = arith.constant 0 : i32
    %c0_i32_1 = arith.constant 0 : i32
    return %c0_i32, %c0_i32_0 : i32, i32
  }
  func.func @transform_7(%arg0: i32) -> (i32, i32, i32) {
    %c0_i32 = arith.constant 0 : i32
    %c0_i32_0 = arith.constant 0 : i32
    %c0_i32_1 = arith.constant 0 : i32
    return %c0_i32, %arg0, %c0_i32_0 : i32, i32, i32
  }
  func.func @transform_8(%arg0: i32) -> (i32, i32) {
    %c0_i32 = arith.constant 0 : i32
    %c0_i32_0 = arith.constant 0 : i32
    return %arg0, %c0_i32 : i32, i32
  }
}

module attributes {stable_mosaic.version = 14 : i64} {
  func.func @_final_body(%arg0: i32, %arg1: memref<2000x256xf32, #tpu.memory_space<vmem>>, %arg2: memref<2x2000x128xbf16, #tpu.memory_space<vmem>>, %arg3: memref<2000x1xf32, #tpu.memory_space<vmem>>, %arg4: memref<2000x256xf32, #tpu.memory_space<vmem>>) attributes {dimension_semantics = [#tpu.dimension_semantics<arbitrary>], iteration_bounds = array<i64: 5>, scalar_prefetch = 0 : i64, scratch_operands = 0 : i64, tpu.core_type = #tpu.core_type<tc>, window_params = [{transform_indices = @transform_0, window_bounds = array<i64: 2000, 256>}, {transform_indices = @transform_1, window_bounds = array<i64: 2, 2000, 128>}, {transform_indices = @transform_2, window_bounds = array<i64: 2000, 1>}, {transform_indices = @transform_3, window_bounds = array<i64: 2000, 256>}]} {
    %get3A = arith.constant 0 : index
    %get3A_0 = arith.constant 0 : index
    %get3A_1 = vector.load %arg3[%get3A, %get3A_0] : memref<2000x1xf32, #tpu.memory_space<vmem>>, vector<2000x1xf32>
    %max3A = arith.constant 1.000000e+00 : f32
    %max3A_2 = vector.broadcast %max3A : f32 to vector<2000x1xf32>
    %max3A_3 = arith.maximumf %get3A_1, %max3A_2 : vector<2000x1xf32>
    %div3A = arith.constant 1.000000e+00 : f32
    %div3A_4 = vector.broadcast %div3A : f32 to vector<2000x1xf32>
    %div3A_5 = arith.divf %div3A_4, %max3A_3 : vector<2000x1xf32>
    %get3A_6 = arith.constant 0 : index
    %get3A_7 = arith.constant 0 : index
    %get3A_8 = vector.load %arg1[%get3A_6, %get3A_7] : memref<2000x256xf32, #tpu.memory_space<vmem>>, vector<2000x256xf32>
    %get3A_9 = arith.constant 0 : index
    %get3A_10 = arith.constant 0 : index
    %get3A_11 = arith.constant 0 : index
    %get3A_12 = vector.load %arg2[%get3A_9, %get3A_10, %get3A_11] : memref<2x2000x128xbf16, #tpu.memory_space<vmem>>, vector<1x2000x128xbf16>
    %get3A_13 = vector.shape_cast %get3A_12 : vector<1x2000x128xbf16> to vector<2000x128xbf16>
    %convert_element_type3A = arith.extf %get3A_13 : vector<2000x128xbf16> to vector<2000x128xf32>
    %get3A_14 = arith.constant 1 : index
    %get3A_15 = arith.constant 0 : index
    %get3A_16 = arith.constant 0 : index
    %get3A_17 = vector.load %arg2[%get3A_14, %get3A_15, %get3A_16] : memref<2x2000x128xbf16, #tpu.memory_space<vmem>>, vector<1x2000x128xbf16>
    %get3A_18 = vector.shape_cast %get3A_17 : vector<1x2000x128xbf16> to vector<2000x128xbf16>
    %convert_element_type3A_19 = arith.extf %get3A_18 : vector<2000x128xbf16> to vector<2000x128xf32>
    %concatenate3A = tpu.concatenate %convert_element_type3A, %convert_element_type3A_19 in 1 : vector<2000x128xf32>, vector<2000x128xf32> -> vector<2000x256xf32>
    %mul3A = vector.broadcast %div3A_5 : vector<2000x1xf32> to vector<2000x256xf32>
    %mul3A_20 = arith.mulf %concatenate3A, %mul3A : vector<2000x256xf32>
    %add3A = arith.addf %get3A_8, %mul3A_20 : vector<2000x256xf32>
    %max3A_21 = arith.constant 0.000000e+00 : f32
    %max3A_22 = vector.broadcast %max3A_21 : f32 to vector<2000x256xf32>
    %max3A_23 = arith.maximumf %add3A, %max3A_22 : vector<2000x256xf32>
    %swap3A = arith.constant 0 : index
    %swap3A_24 = arith.constant 0 : index
    %swap3A_25 = vector.load %arg4[%swap3A, %swap3A_24] : memref<2000x256xf32, #tpu.memory_space<vmem>>, vector<2000x256xf32>
    tpu.vector_store %arg4[%swap3A, %swap3A_24], %max3A_23 {strides = array<i32>} : memref<2000x256xf32, #tpu.memory_space<vmem>>, vector<2000x256xf32>,
    return
  }
  func.func @transform_0(%arg0: i32) -> (i32, i32) {
    %c0_i32 = arith.constant 0 : i32
    %c0_i32_0 = arith.constant 0 : i32
    return %arg0, %c0_i32 : i32, i32
  }
  func.func @transform_1(%arg0: i32) -> (i32, i32, i32) {
    %c0_i32 = arith.constant 0 : i32
    %c0_i32_0 = arith.constant 0 : i32
    %c0_i32_1 = arith.constant 0 : i32
    return %c0_i32, %arg0, %c0_i32_0 : i32, i32, i32
  }
  func.func @transform_2(%arg0: i32) -> (i32, i32) {
    %c0_i32 = arith.constant 0 : i32
    %c0_i32_0 = arith.constant 0 : i32
    return %arg0, %c0_i32 : i32, i32
  }
  func.func @transform_3(%arg0: i32) -> (i32, i32) {
    %c0_i32 = arith.constant 0 : i32
    %c0_i32_0 = arith.constant 0 : i32
    return %arg0, %c0_i32 : i32, i32
  }
}

</mosaic_0001>

<sc_bundles>
// kernel: kernel.10.cloned.1.call-start
scs
__scs_entry_jumppad:
0x0: {  	(pc) =	sbr.rel $0x88, $3  }
0x1: {  	(tag) =	ssettag $0x0;
	lr =	simm.s32 $0x1  }
0x2: {  	[smem:$0x3F96] =	sst lr;
	_ =	strace $0xD0000000  }
0x3: {  	_ = 	snop  }
0x4: {  	_ = 	snop  }
0x5: {  	_ = 	snop  }
0x6: {  	_ = 	snop  }
0x7: {  	_ = 	snop  }
__scs_overlays_trampoline_lowered:
0x8: {  	[smem:$0x3FA5] =	sst s0  }
0x9: {  	[smem:$0x3FA6] =	sst s1  }
0xa: {  	[smem:$0x3FA7] =	sst s2  }
0xb: {  	[smem:$0x3FA8] =	sst s3  }
0xc: {  	[smem:$0x3FA9] =	sst s4  }
0xd: {  	[smem:$0x3FAA] =	sst s5  }
0xe: {  	[smem:$0x3FAB] =	sst s6  }
0xf: {  	[smem:$0x3FAC] =	sst s7  }
0x10: {  	[smem:$0x3FAD] =	sst s8  }
0x11: {  	[smem:$0x3FAE] =	sst s9;
	s0 =	simm.s32 @!p0 $0x0  }
0x12: {  	s1 =	sld [smem:$0x3F94];
	s0 =	simm.s32 @p0 $0x1  }
0x13: {  	[smem:$0x3FAF] =	sst s0;
	s0 =	simm.s32 @!p1 $0x0  }
0x14: {  	s2 =	sld [smem:$0x3F93];
	s0 =	simm.s32 @p1 $0x1  }
0x15: {  	[smem:$0x3FB0] =	sst s0;
	s0 =	simm.s32 @!p2 $0x0  }
0x16: {  	s3 =	sld [smem:$0x3FDB];
	s0 =	simm.s32 @p2 $0x1  }
0x17: {  	s4 =	simm.s32 $0x1BF5;
	[smem:$0x3FB2] =	sst s0  }
0x18: {  	s0 =	sld [smem:$0x3F95];
	_ =	swait.ge [sflag:s4], $0x0  }
0x19: {  	s7 =	sld [smem:$0x3F96]  }
0x1a: {  	s8 =	sadd.s32 $0xFFFFE003, lr  }
0x1b: {  	s9 =	sadd.s32 $0xFFFFFEF7, lr;
	s5 =	simm.s32 $0xFFFFFFFF;
	p2 =	slt.u32 s8, $0xFFFFF086  }
0x1c: {  	p1 =	slt.u32 s9, $0xF7A;
	s5 =	simm.s32 @!p2 $0x0  }
0x1d: {  	s5 =	simm.s32 @p1 $0x1;
	p0 =	seq.s32 s7, s2  }
0x1e: {  	s7 =	smul.u32 @!p0 $0xF7A, s2;
	p2 =	seq.s32 @!p0 s5, $0x0  }
0x1f: {  	s9 =	smul.u32 $0xF7A, s1;
	s8 =	simm.s32 @!p0 $0x1BF5;
	p2 =	por !p2, p0  }
0x20: {  	[sflag:s8] =	ssyncset.s32 @!p0 $0xFFFFF086;
	s6 =	sadd.s32 @!p0 s3, s7;
	s7 =	simm.s32 @!p0 $0x108  }
0x21: {  	s3 =	sadd.s32 s3, s9;
	s6 =	sadd.s32 @!p0 $0x88, s6;
	s7 =	simm.s32 @p2 $0x1082  }
0x22: {  	[simem:s7], [sflag:s8] =	dma.local @!p0 [hbm:s6], $0xF7A  }
0x23: {  	s9 =	sor.u32 $0xD0000000, s2;
	s6 =	simm.s32 $0x108;
	_ =	swait.ge @!p0 [sflag:s8], $0x0  }
0x24: {  	s3 =	sadd.s32 $0x88, s3;
	s6 =	simm.s32 @!p1 $0x1082;
	[sflag:s4] =	ssyncset.s32 $0xFFFFF086  }
0x25: {  	[simem:s6], [sflag:s4] =	dma.local [hbm:s3], $0xF7A  }
0x26: {  	[smem:$0x3F96] =	sst s1;
	(tag) =	ssettag s2;
	_ =	strace s9  }
0x27: {  	s1 =	sld [smem:$0x3FA6]  }
0x28: {  	s2 =	sld [smem:$0x3FA7]  }
0x29: {  	s4 =	sld [smem:$0x3FA9]  }
0x2a: {  	p0 =	seq.s32 s5, $0x0;
	s5 =	sld [smem:$0x3FAA]  }
0x2b: {  	s6 =	sld [smem:$0x3FAB]  }
0x2c: {  	s7 =	sld [smem:$0x3FAC]  }
0x2d: {  	s3 =	simm.s32 $0x108;
	s8 =	sld [smem:$0x3FAD]  }
0x2e: {  	s3 =	simm.s32 @!p0 $0x1082;
	s9 =	sld [smem:$0x3FAE]  }
0x2f: {  	lr =	sadd.s32 s0, s3;
	s0 =	sld [smem:$0x3FA5]  }
0x30: {  	s3 =	sld [smem:$0x3FA8]  }
0x31: {  	[smem:$0x3FB1] =	sst s10  }
0x32: {  	s10 =	sld [smem:$0x3FAF];
	_ =	sdelay $0x3  }
0x33: {  	p0 =	seq.s32 s10, $0x1;
	s10 =	sld [smem:$0x3FB1];
	_ =	sdelay $0x3  }
0x34: {  	[smem:$0x3FB1] =	sst s10  }
0x35: {  	s10 =	sld [smem:$0x3FB0];
	_ =	sdelay $0x3  }
0x36: {  	p1 =	seq.s32 s10, $0x1;
	s10 =	sld [smem:$0x3FB1];
	_ =	sdelay $0x3  }
0x37: {  	[smem:$0x3FB1] =	sst s10  }
0x38: {  	s10 =	sld [smem:$0x3FB2]  }
0x39: {  	_ = 	snop;
	(pc) =	sbr.ind lr, $3  }
0x3a: {  	_ = 	snop  }
0x3b: {  	_ = 	snop  }
0x3c: {  	p2 =	seq.s32 s10, $0x1;
	s10 =	sld [smem:$0x3FB1]  }
0x3d: {  	_ =	shalt  }
0x3e: {  	_ =	shalt  }
0x3f: {  	_ =	shalt  }
0x40: {  	_ =	shalt  }
0x41: {  	_ =	shalt  }
0x42: {  	_ =	shalt  }
0x43: {  	_ =	shalt  }
0x44: {  	_ =	shalt  }
0x45: {  	_ =	shalt  }
0x46: {  	_ =	shalt  }
0x47: {  	_ =	shalt  }
0x48: {  	_ =	shalt  }
0x49: {  	_ =	shalt  }
0x4a: {  	_ =	shalt  }
0x4b: {  	_ =	shalt  }
0x4c: {  	_ =	shalt  }
0x4d: {  	_ =	shalt  }
0x4e: {  	_ =	shalt  }
0x4f: {  	_ =	shalt  }
0x50: {  	_ =	shalt  }
0x51: {  	_ =	shalt  }
0x52: {  	_ =	shalt  }
0x53: {  	_ =	shalt  }
0x54: {  	_ =	shalt  }
0x55: {  	_ =	shalt  }
0x56: {  	_ =	shalt  }
0x57: {  	_ =	shalt  }
0x58: {  	_ =	shalt  }
0x59: {  	_ =	shalt  }
0x5a: {  	_ =	shalt  }
0x5b: {  	_ =	shalt  }
0x5c: {  	_ =	shalt  }
0x5d: {  	_ =	shalt  }
0x5e: {  	_ =	shalt  }
0x5f: {  	_ =	shalt  }
0x60: {  	_ =	shalt  }
0x61: {  	_ =	shalt  }
0x62: {  	_ =	shalt  }
0x63: {  	_ =	shalt  }
0x64: {  	_ =	shalt  }
0x65: {  	_ =	shalt  }
0x66: {  	_ =	shalt  }
0x67: {  	_ =	shalt  }
0x68: {  	_ =	shalt  }
0x69: {  	_ =	shalt  }
0x6a: {  	_ =	shalt  }
0x6b: {  	_ =	shalt  }
0x6c: {  	_ =	shalt  }
0x6d: {  	_ =	shalt  }
0x6e: {  	_ =	shalt  }
0x6f: {  	_ =	shalt  }
0x70: {  	_ =	shalt  }
0x71: {  	_ =	shalt  }
0x72: {  	_ =	shalt  }
0x73: {  	_ =	shalt  }
0x74: {  	_ =	shalt  }
0x75: {  	_ =	shalt  }
0x76: {  	_ =	shalt  }
0x77: {  	_ =	shalt  }
0x78: {  	_ =	shalt  }
0x79: {  	_ =	shalt  }
0x7a: {  	_ =	shalt  }
0x7b: {  	_ =	shalt  }
0x7c: {  	_ =	shalt  }
0x7d: {  	_ =	shalt  }
0x7e: {  	_ =	shalt  }
0x7f: {  	_ =	shalt  }
0x80: {  	_ =	shalt  }
0x81: {  	_ =	shalt  }
0x82: {  	_ =	shalt  }
0x83: {  	_ =	shalt  }
0x84: {  	_ =	shalt  }
0x85: {  	_ =	shalt  }
0x86: {  	_ =	shalt  }
0x87: {  	_ =	shalt  }
.Lfunc_end0:
.L_simem_size_0:
called_computation_lowered:
.L_overlay_start_0:
0x88: {  	s2 =	sld [smem:$0x3FD9]  }
0x89: {  	s3 =	sld [smem:$0x3FFE];
	_ =	sdelay $0x1  }
0x8a: {  	s1 =	srdreg.scid  }
0x8b: {  	s0 =	sand.u32 $0x1, s1  }
0x8c: {  	s17 =	sshll.u32 s0, $0xA;
	s2 =	sadd.s32 s3, s2  }
0x8d: {  	s2 =	sadd.s32 s2, s17  }
0x8e: {  	[smem:$0x3FBD] =	sst s2  }
0x8f: {  	_ = 	snop  }
0x90: {  	s2 =	sld [smem:$0x3FD0];
	(tm) =	ssettm $0x1  }
0x91: {  	s18 =	sld [smem:$0x3FFB];
	_ =	sdelay $0x3  }
0x92: {  	_ =	strace s18  }
0x93: {  	s3 =	sld [smem:$0x3FFC];
	_ =	sdelay $0x3  }
0x94: {  	_ =	strace s3  }
0x95: {  	s3 =	sld [smem:$0x3FFD];
	_ =	sdelay $0x3  }
0x96: {  	_ =	strace s3  }
0x97: {  	_ =	strace $0x8FFFFFFF  }
0x98: {  	s19 =	sld [smem:$0x3FDB];
	_ =	sdelay $0x1  }
0x99: {  	s4 =	simm.s32 $_scs_section_size  }
0x9a: {  	s5 =	simm.s32 $_size__tile_overlayer_lowered;
	s6 =	simm.s32 $_tile_overlayer_lowered  }
0x9b: {  	s22 =	simm.s32 $0x1BFF;
	s21 =	sshll.u32 s6, $0x1;
	s3 =	sadd.s32 s4, s19  }
0x9c: {  	s7 =	simm.s32 $0x0;
	s20 =	sshll.u32 s5, $0x1;
	s5 =	sadd.s32 s21, s3  }
0x9d: {  	[timem:s7], [sflag:s22] =	dma.local [hbm:s5], s20  }
0x9e: {  	_ =	swait.ge [sflag:s22], s20  }
0x9f: {  	s4 =	ssub.s32 $0x0, s20;
	[sflag:s22] =	ssyncset.done $0x0  }
0xa0: {  	[sflag:s22] =	ssyncadd.s32 s4;
	_ =	sdelay $0x1  }
0xa1: {  	s23 =	simm.s32 $0x1B8B  }
0xa2: {  	_ =	swait.ge [sflag:s23], $0x1  }
0xa3: {  	[sflag:s23] =	ssyncset.done $0x0  }
0xa4: {  	s25 =	simm.s32 $0x1B8E;
	s24 =	sld [smem:$0x3FFE];
	[sflag:s23] =	ssyncadd.s32 $0xFFFFFFFF  }
0xa5: {  	s26 =	simm.s32 $execute0_lowered;
	[smem:$0x3FD2] =	sst s25  }
0xa6: {  	s5 =	sshll.u32 s26, $0x1;
	_ =	strace $0x80000046;
	[dreg:$0x1] =	wrdreg $0xFFFFFFFF  }
0xa7: {  	s28 =	simm.s32 $_size_execute0_lowered;
	s3 =	sadd.s32 s3, s5;
	[dreg:$0x0] =	wrdreg $0x0  }
0xa8: {  	s5 =	sshll.u32 s28, $0x1;
	[dreg:$0x2] =	wrdreg s3  }
0xa9: {  	[dreg:$0x3] =	wrdreg s5  }
0xaa: {  	[dreg:$0x4] =	wrdreg $0xC0  }
0xab: {  	_ =	task [dreg:s7], $0x5FFFF  }
0xac: {  	[dreg:$0x1] =	wrdreg $0xFFFFFFFF  }
0xad: {  	[dreg:$0x0] =	wrdreg $0x60  }
0xae: {  	[dreg:$0x2] =	wrdreg s24  }
0xaf: {  	[dreg:$0x3] =	wrdreg s2  }
0xb0: {  	[dreg:$0x4] =	wrdreg $0x150000  }
0xb1: {  	[dreg:$0x5] =	wrdreg $0x9  }
0xb2: {  	_ =	task.clear_ibuf [dreg:s7], $0x6FFFF;
	_ =	strace $0x90000046  }
0xb3: {  	s29 =	simm.s32 $0x9;
	_ =	strace $0x80000048  }
0xb4: {  	_ =	swait.ge [sflag:s29], $0x1  }
0xb5: {  	[sflag:s29] =	ssyncadd.s32 $0xFFFFFFFF  }
0xb6: {  	_ =	strace $0x90000048  }
0xb7: {  	_ =	sfence  }
0xb8: {  	s30 =	sld [smem:$0x0];
	_ =	sdelay $0x2  }
0xb9: {  	s31 =	sshll.u32 s1, $0xD;
	s1 =	sshrl.u32 s1, $0x2  }
0xba: {  	s3 =	sand.u32 $0x4000, s31;
	s1 =	sadd.s32 s1, s30  }
0xbb: {  	s0 =	sor.u32 s3, s0;
	s1 =	sshll.u32 s1, $0x11  }
0xbc: {  	s0 =	sor.u32 s1, s0  }
0xbd: {  	s0 =	sadd.s32 $0x8F2B, s0  }
0xbe: {  	[sflag:s0] =	ssyncadd.remote.s32 $0x1  }
0xbf: {  	_ =	sfence.sel $0xFFFF  }
0xc0: {  	[dreg:$0x0] =	wrdreg $0xFFFFFFFF;
	(pc) =	sbr.abs _section_cstart, $3  }
0xc1: {  	[dreg:$0x1] =	wrdreg $0xFFFFFFFF  }
0xc2: {  	_ =	task.clear_ibuf [dreg:s7], $0x2FFFF;
	_ =	strace $0x9FFFFFFF  }
0xc3: {  	(tm) =	ssettm $0x7FFFFFFF  }
tec
execute0_lowered:
.L_overlay_start_1:
0x0: {  	(tag) =	ssettag $0x1  }
0x1: {  	s0 =	rddreg [dreg:$0x0]  }
0x2: {  	s1 =	rddreg [dreg:$0x1]  }
0x3: {  	s2 =	rddreg [dreg:$0x2];
	s12 =	simm.s32 $0x0;
	s3 =	stileid.u32  }
0x4: {  	s4 =	srdreg.scid;
	s16 =	simm.s32 $0xA;
	s28 =	simm.s32 $0xB000  }
0x5: {  	s29 =	simm.s32 $0x2;
	s30 =	simm.s32 $0x4;
	s5 =	smul.u32 $0x500, s3  }
0x6: {  	s31 =	simm.s32 $0x6;
	s17 =	simm.s32 $0x8;
	s10 =	smul.u32 $0x27000, s3  }
0x7: {  	[smem:$0x7FF] =	sst s12;
	s6 =	sand.u32 $0x1, s4;
	s11 =	smul.u32 $0x270, s3  }
0x8: {  	s4 =	sadd.s32 $0xAAC00, s0;
	s22 =	smul.u32 $0x13800, s3;
	s14 =	sadd.s32 $0x92400, s2  }
0x9: {  	p0 =	seq.s32 s3, $0xF;
	_ =	strace $0x80000047;
	s8 =	smul.u32 $0x2710, s6  }
0xa: {  	s9 =	ssub.s32 $0x2, s6;
	s20 =	smul.u32 $0x138800, s6;
	[dreg:$0x8] =	wrdreg s14  }
0xb: {  	p2 =	sne.s32 s6, $0x0;
	s6 =	simm.s32 $0x0;
	s7 =	sadd.s32 s5, s0  }
0xc: {  	s5 =	sadd.s32 $0x3200, s0;
	s0 =	sadd.s32 $0x2E00, s0;
	s18 =	sshrl.u32 s9, $0x1  }
0xd: {  	s21 =	sshrl.u32 s10, $0x2;
	s10 =	sshrl.u32 s22, $0x4;
	s22 =	simm.s32 $0x5000  }
0xe: {  	p3 =	seq.s32 @!p2 s3, $0xF;
	[dreg:$0x4] =	wrdreg s0;
	s0 =	ssub.s32 s9, s18  }
0xf: {  	s19 =	sadd.s32 $0x4800, s7;
	s7 =	sadd.s32 $0x9800, s7;
	s13 =	sadd.s32 s21, s2  }
0x10: {  	s23 =	sadd.s32 s11, s8;
	s9 =	sshrl.u32 s20, $0x4;
	s25 =	sadd.s32 s1, s10  }
0x11: {  	s18 =	sshrl.u32 @p0 s14, $0x3;
	s21 =	simm.s32 $0x80;
	[dreg:$0x5] =	wrdreg s19  }
0x12: {  	p1 =	por !p3, p2;
	p2 =	por p3, p2;
	[dreg:$0x6] =	wrdreg s7  }
0x13: {  	s7 =	sshll.u32 s23, $0x3;
	s24 =	sadd.s32 s1, s9;
	s26 =	sadd.s32 $0x27100, s25  }
0x14: {  	s0 =	smax.u32 s0, $0x1;
	[dreg:$0x7] =	wrdreg s13;
	s20 =	sshrl.u32 @!p0 s13, $0x3  }
0x15: {  	s23 =	simm.s32 $0x7000;
	s25 =	simm.s32 $0x1;
	[dreg:$0xb] =	wrdreg s26  }
0x16: {  	s7 =	sadd.s32 s1, s7;
	s1 =	sadd.s32 $0x39580, s1;
	[dreg:$0xd] =	wrdreg s0  }
0x17: {  	s0 =	sshll.u32 @!p0 s3, $0x6;
	s26 =	simm.s32 $0x13000;
	[dreg:$0x9] =	wrdreg s7  }
0x18: {  	s7 =	sadd.s32 $0x12480, s24;
	[dreg:$0xc] =	wrdreg s1;
	s19 =	sor.u32 @!p0 $0x1C0A, s0  }
0x19: {  	v0 =	vmov s8;
	s0 =	simm.s32 $0xF000;
	s24 =	simm.s32 $0x11000;
	[dreg:$0xa] =	wrdreg s7  }
.LBB2_1:
0x1a: {  	s1 =	rddreg [dreg:$0x5]  }
0x1b: {  	[tilespmem:s12], [sflag:$0xA] =	stream.linear.gather [hbm4b:s1+s12], $0x2800, $0x38;
	[tilespmem:$0x1EC80] =	vst v63  }
0x1c: {  	_ =	swait.ge [sflag:s16], $0x2800  }
0x1d: {  	[sflag:s16] =	ssyncset.done $0x0  }
0x1e: {  	s3 =	simm.s32 $0x2800;
	s15 =	rddreg [dreg:$0x6];
	[sflag:s16] =	ssyncadd.s32 $0xFFFFD800  }
0x1f: {  	[tilespmem:s3], [sflag:$0xA] =	stream.linear.gather [hbm4b:s15+s12], $0x2800, $0x38;
	[tilespmem:$0x1EC80] =	vst v63  }
0x20: {  	_ =	swait.ge [sflag:s16], $0x2800  }
0x21: {  	[sflag:s16] =	ssyncset.done $0x0  }
0x22: {  	s7 =	simm.s32 $0x0;
	s8 =	simm.s32 $0x40;
	[sflag:s16] =	ssyncadd.s32 $0xFFFFD800  }
.LBB2_2:
0x23: {  	p3 =	sne.s32 s8, $0x9FC0;
	v1 =	vld [tilespmem:s7+$0x0];
	_ =	sdelay $0x1  }
.Ltmp0:
0x24: {  	(pc) =	sbr.rel @p3 .LBB2_2-.Ltmp0, $3  }
0x25: {  	_ =	sdelay $0x1  }
0x26: {  	v1 =	vadd.s32 v0, v1  }
0x27: {  	[tilespmem:s7+$0x0] =	vst v1;
	s7 =	sshra.s32 s8, $0x2;
	s8 =	sadd.s32 $0x40, s8  }
0x28: {  	v1 =	vld [tilespmem:s7+$0x0];
	_ =	sdelay $0x4  }
0x29: {  	v1 =	vadd.s32 v0, v1  }
0x2a: {  	[tilespmem:s7+$0x0] =	vst v1;
	s7 =	simm.s32 @p0 $0x1FCA  }
0x2b: {  	[spmem:s18], [sflag:s7] =	dma.local @p0 [hbm:s5], $0x1480  }
0x2c: {  	s7 =	simm.s32 @p0 $0xA  }
0x2d: {  	_ =	swait.ge @p0 [sflag:s7], $0x1480  }
0x2e: {  	[sflag:s7] =	ssyncset.done @p0 $0x0  }
0x2f: {  	[sflag:s7] =	ssyncadd.s32 @p0 $0xFFFFEB80;
	s7 =	simm.s32 @!p0 $0xA  }
0x30: {  	[spmem:s20], [sflag:s19] =	dma.local @!p0 [hbm:s5], $0x1380  }
0x31: {  	_ =	swait.ge @!p0 [sflag:s7], $0x1380  }
0x32: {  	[sflag:s7] =	ssyncset.done @!p0 $0x0  }
0x33: {  	[sflag:s7] =	ssyncadd.s32 @!p0 $0xFFFFEC80  }
0x34: {  	s7 =	simm.s32 $0x0;
	[bflag:$0x0] =	sbarrier.arrive $0xFFFF  }
0x35: {  	[tilespmem:s22], [sflag:$0x1] =	stream.indirect.gather [hbm4b:s4+s21], $0x40, s7, s21, $0xb8;
	[tilespmem:$0x1EC80] =	vst v63  }
0x36: {  	_ = 	snop  }
0x37: {  	[tilespmem:s23], [sflag:$0x1] =	stream.indirect.gather [hbm4b:s4+s21], $0x40, s21, s21, $0xb8;
	[tilespmem:$0x1EC80] =	vst v63  }
0x38: {  	s1 =	simm.s32 $0x100;
	s3 =	simm.s32 $0x9000  }
0x39: {  	[tilespmem:s3], [sflag:$0x1] =	stream.indirect.gather [hbm4b:s4+s21], $0x40, s1, s21, $0xb8;
	[tilespmem:$0x1EC80] =	vst v63  }
0x3a: {  	s11 =	simm.s32 $0x180  }
0x3b: {  	[tilespmem:s28], [sflag:$0x1] =	stream.indirect.gather [hbm4b:s4+s21], $0x40, s11, s21, $0xb8;
	[tilespmem:$0x1EC80] =	vst v63  }
0x3c: {  	s12 =	simm.s32 $0x200;
	s13 =	simm.s32 $0xD000  }
0x3d: {  	[tilespmem:s13], [sflag:$0x1] =	stream.indirect.gather [hbm4b:s4+s21], $0x40, s12, s21, $0xb8;
	[tilespmem:$0x1EC80] =	vst v63  }
0x3e: {  	s14 =	simm.s32 $0x280  }
0x3f: {  	[tilespmem:s0], [sflag:$0x1] =	stream.indirect.gather [hbm4b:s4+s21], $0x40, s14, s21, $0xb8;
	[tilespmem:$0x1EC80] =	vst v63  }
0x40: {  	s15 =	simm.s32 $0x300  }
0x41: {  	[tilespmem:s24], [sflag:$0x1] =	stream.indirect.gather [hbm4b:s4+s21], $0x40, s15, s21, $0xb8;
	[tilespmem:$0x1EC80] =	vst v63  }
.LBB2_4:
0x42: {  	_ =	swait.ge [sflag:s25], $0x2000  }
0x43: {  	s8 =	sshra.s32 s7, $0x2;
	[sflag:s25] =	ssyncset.done $0x0  }
0x44: {  	p3 =	seq.s32 s7, $0x0;
	s9 =	sadd.s32 $0x2800, s8;
	[sflag:s25] =	ssyncadd.s32 $0xFFFFE000  }
0x45: {  	[spmem:s2] =	stream.indirect.scatter.add.bf16 [tilespmem:s22], [sflag:$0x2], $0x40, s9, s21, $0xb8;
	[tilespmem:$0x1EC80] =	vst v63  }
0x46: {  	s9 =	simm.s32 @!p3 $0x9  }
0x47: {  	_ =	swait.ge @!p3 [sflag:s9], $0x2000  }
0x48: {  	[sflag:s9] =	ssyncset.done @!p3 $0x0  }
0x49: {  	s13 =	sadd.s32 $0x380, s8;
	[sflag:s9] =	ssyncadd.s32 @!p3 $0xFFFFE000  }
0x4a: {  	[tilespmem:s26], [sflag:$0x1] =	stream.indirect.gather [hbm4b:s4+s21], $0x40, s13, s21, $0xb8;
	[tilespmem:$0x1EC80] =	vst v63  }
0x4b: {  	_ =	swait.ge [sflag:s25], $0x2000  }
0x4c: {  	[sflag:s25] =	ssyncset.done $0x0  }
0x4d: {  	s14 =	sadd.s32 $0x2880, s8;
	[sflag:s25] =	ssyncadd.s32 $0xFFFFE000  }
0x4e: {  	[spmem:s2] =	stream.indirect.scatter.add.bf16 [tilespmem:s23], [sflag:$0x3], $0x40, s14, s21, $0xb8;
	[tilespmem:$0x1EC80] =	vst v63  }
0x4f: {  	_ =	swait.ge [sflag:s29], $0x2000  }
0x50: {  	p3 =	seq.s32 s7, $0x9000;
	[sflag:s29] =	ssyncset.done $0x0  }
0x51: {  	s9 =	simm.s32 @p3 $0x1;
	[sflag:s29] =	ssyncadd.s32 $0xFFFFE000  }
0x52: {  	_ =	swait.ge @p3 [sflag:s9], $0x2000  }
0x53: {  	s13 =	sshra.s32 @p3 s7, $0x2;
	s10 =	simm.s32 @p3 $0x80;
	[sflag:s9] =	ssyncset.done @p3 $0x0  }
0x54: {  	s12 =	simm.s32 @p3 $0x9000;
	s11 =	sadd.s32 @p3 $0x2900, s13;
	[sflag:s9] =	ssyncadd.s32 @p3 $0xFFFFE000  }
0x55: {  	[spmem:s2] =	stream.indirect.scatter.add.bf16 @p3 [tilespmem:s12], [sflag:$0x4], $0x40, s11, s10, $0xb8;
	[tilespmem:$0x1EC80] =	vst v63  }
0x56: {  	s11 =	simm.s32 @p3 $0x3  }
0x57: {  	_ =	swait.ge @p3 [sflag:s11], $0x2000  }
0x58: {  	[sflag:s11] =	ssyncset.done @p3 $0x0  }
0x59: {  	[sflag:s11] =	ssyncadd.s32 @p3 $0xFFFFE000;
	s11 =	sshra.s32 @!p3 s7, $0x2  }
0x5a: {  	s15 =	simm.s32 @!p3 $0x5000;
	s12 =	simm.s32 @!p3 $0x80;
	s14 =	sadd.s32 @!p3 $0x400, s11  }
0x5b: {  	[tilespmem:s15], [sflag:$0x1] =	stream.indirect.gather @!p3 [hbm4b:s4+s12], $0x40, s14, s12, $0xb8;
	[tilespmem:$0x1EC80] =	vst v63  }
0x5c: {  	s14 =	simm.s32 @!p3 $0x1  }
0x5d: {  	_ =	swait.ge @!p3 [sflag:s14], $0x2000  }
0x5e: {  	[sflag:s14] =	ssyncset.done @!p3 $0x0  }
0x5f: {  	s3 =	simm.s32 @!p3 $0x9000;
	s15 =	sadd.s32 @!p3 $0x2900, s11;
	[sflag:s14] =	ssyncadd.s32 @!p3 $0xFFFFE000  }
0x60: {  	[spmem:s2] =	stream.indirect.scatter.add.bf16 @!p3 [tilespmem:s3], [sflag:$0x4], $0x40, s15, s12, $0xb8;
	[tilespmem:$0x1EC80] =	vst v63  }
0x61: {  	s15 =	simm.s32 @!p3 $0x3  }
0x62: {  	_ =	swait.ge @!p3 [sflag:s15], $0x2000  }
0x63: {  	[sflag:s15] =	ssyncset.done @!p3 $0x0  }
0x64: {  	s1 =	simm.s32 @!p3 $0x7000;
	[sflag:s15] =	ssyncadd.s32 @!p3 $0xFFFFE000;
	s15 =	sadd.s32 @!p3 $0x480, s11  }
0x65: {  	[tilespmem:s1], [sflag:$0x1] =	stream.indirect.gather @!p3 [hbm4b:s4+s12], $0x40, s15, s12, $0xb8;
	[tilespmem:$0x1EC80] =	vst v63  }
0x66: {  	_ =	swait.ge [sflag:s25], $0x2000  }
0x67: {  	[sflag:s25] =	ssyncset.done $0x0  }
0x68: {  	s15 =	sadd.s32 $0x2980, s8;
	[sflag:s25] =	ssyncadd.s32 $0xFFFFE000  }
0x69: {  	[spmem:s2] =	stream.indirect.scatter.add.bf16 [tilespmem:s28], [sflag:$0x5], $0x40, s15, s21, $0xb8;
	[tilespmem:$0x1EC80] =	vst v63  }
0x6a: {  	_ =	swait.ge [sflag:s30], $0x2000  }
0x6b: {  	[sflag:s30] =	ssyncset.done $0x0  }
0x6c: {  	[sflag:s30] =	ssyncadd.s32 $0xFFFFE000  }
0x6d: {  	_ =	swait.ge @p3 [sflag:s9], $0x2000  }
0x6e: {  	[sflag:s9] =	ssyncset.done @p3 $0x0  }
0x6f: {  	s1 =	sadd.s32 @p3 $0x2A00, s13;
	s15 =	simm.s32 @p3 $0xD000;
	[sflag:s9] =	ssyncadd.s32 @p3 $0xFFFFE000  }
0x70: {  	[spmem:s2] =	stream.indirect.scatter.add.bf16 @p3 [tilespmem:s15], [sflag:$0x6], $0x40, s1, s10, $0xb8;
	[tilespmem:$0x1EC80] =	vst v63  }
0x71: {  	s1 =	simm.s32 @p3 $0x5  }
0x72: {  	_ =	swait.ge @p3 [sflag:s1], $0x2000  }
0x73: {  	[sflag:s1] =	ssyncset.done @p3 $0x0  }
0x74: {  	[sflag:s1] =	ssyncadd.s32 @p3 $0xFFFFE000;
	s1 =	sadd.s32 @!p3 $0x500, s11  }
0x75: {  	[tilespmem:s3], [sflag:$0x1] =	stream.indirect.gather @!p3 [hbm4b:s4+s12], $0x40, s1, s12, $0xb8;
	[tilespmem:$0x1EC80] =	vst v63  }
0x76: {  	_ =	swait.ge @!p3 [sflag:s14], $0x2000  }
0x77: {  	[sflag:s14] =	ssyncset.done @!p3 $0x0  }
0x78: {  	s1 =	sadd.s32 @!p3 $0x2A00, s11;
	s3 =	simm.s32 @!p3 $0xD000;
	[sflag:s14] =	ssyncadd.s32 @!p3 $0xFFFFE000  }
0x79: {  	[spmem:s2] =	stream.indirect.scatter.add.bf16 @!p3 [tilespmem:s3], [sflag:$0x6], $0x40, s1, s12, $0xb8;
	[tilespmem:$0x1EC80] =	vst v63  }
0x7a: {  	s1 =	simm.s32 @!p3 $0x5  }
0x7b: {  	_ =	swait.ge @!p3 [sflag:s1], $0x2000  }
0x7c: {  	[sflag:s1] =	ssyncset.done @!p3 $0x0  }
0x7d: {  	s15 =	simm.s32 @!p3 $0xB000;
	[sflag:s1] =	ssyncadd.s32 @!p3 $0xFFFFE000;
	s1 =	sadd.s32 @!p3 $0x580, s11  }
0x7e: {  	[tilespmem:s15], [sflag:$0x1] =	stream.indirect.gather @!p3 [hbm4b:s4+s12], $0x40, s1, s12, $0xb8;
	[tilespmem:$0x1EC80] =	vst v63  }
0x7f: {  	_ =	swait.ge [sflag:s25], $0x2000  }
0x80: {  	[sflag:s25] =	ssyncset.done $0x0  }
0x81: {  	s15 =	sadd.s32 $0x2A80, s8;
	[sflag:s25] =	ssyncadd.s32 $0xFFFFE000  }
0x82: {  	[spmem:s2] =	stream.indirect.scatter.add.bf16 [tilespmem:s0], [sflag:$0x7], $0x40, s15, s21, $0xb8;
	[tilespmem:$0x1EC80] =	vst v63  }
0x83: {  	_ =	swait.ge [sflag:s31], $0x2000  }
0x84: {  	[sflag:s31] =	ssyncset.done $0x0  }
0x85: {  	[sflag:s31] =	ssyncadd.s32 $0xFFFFE000  }
0x86: {  	_ =	swait.ge @p3 [sflag:s9], $0x2000  }
0x87: {  	[sflag:s9] =	ssyncset.done @p3 $0x0  }
0x88: {  	s1 =	sadd.s32 @p3 $0x2B00, s13;
	[sflag:s9] =	ssyncadd.s32 @p3 $0xFFFFE000;
	s9 =	simm.s32 @p3 $0x11000  }
0x89: {  	[spmem:s2] =	stream.indirect.scatter.add.bf16 @p3 [tilespmem:s9], [sflag:$0x8], $0x40, s1, s10, $0xb8;
	[tilespmem:$0x1EC80] =	vst v63  }
0x8a: {  	s1 =	simm.s32 @p3 $0x7  }
0x8b: {  	_ =	swait.ge @p3 [sflag:s1], $0x2000  }
0x8c: {  	[sflag:s1] =	ssyncset.done @p3 $0x0  }
0x8d: {  	[sflag:s1] =	ssyncadd.s32 @p3 $0xFFFFE000;
	s1 =	sadd.s32 @!p3 $0x600, s11  }
0x8e: {  	[tilespmem:s3], [sflag:$0x1] =	stream.indirect.gather @!p3 [hbm4b:s4+s12], $0x40, s1, s12, $0xb8;
	[tilespmem:$0x1EC80] =	vst v63  }
0x8f: {  	_ =	swait.ge @!p3 [sflag:s14], $0x2000  }
0x90: {  	[sflag:s14] =	ssyncset.done @!p3 $0x0  }
0x91: {  	s1 =	sadd.s32 @!p3 $0x2B00, s11;
	s3 =	simm.s32 @!p3 $0x11000;
	[sflag:s14] =	ssyncadd.s32 @!p3 $0xFFFFE000  }
0x92: {  	[spmem:s2] =	stream.indirect.scatter.add.bf16 @!p3 [tilespmem:s3], [sflag:$0x8], $0x40, s1, s12, $0xb8;
	[tilespmem:$0x1EC80] =	vst v63  }
0x93: {  	s1 =	simm.s32 @!p3 $0x7  }
0x94: {  	_ =	swait.ge @!p3 [sflag:s1], $0x2000  }
0x95: {  	[sflag:s1] =	ssyncset.done @!p3 $0x0  }
0x96: {  	s3 =	simm.s32 @!p3 $0xF000;
	[sflag:s1] =	ssyncadd.s32 @!p3 $0xFFFFE000;
	s1 =	sadd.s32 @!p3 $0x680, s11  }
0x97: {  	[tilespmem:s3], [sflag:$0x1] =	stream.indirect.gather @!p3 [hbm4b:s4+s12], $0x40, s1, s12, $0xb8;
	[tilespmem:$0x1EC80] =	vst v63  }
0x98: {  	_ =	swait.ge [sflag:s25], $0x2000  }
0x99: {  	[sflag:s25] =	ssyncset.done $0x0  }
.Ltmp1:
0x9a: {  	s15 =	sadd.s32 $0x2B80, s8;
	[sflag:s25] =	ssyncadd.s32 $0xFFFFE000;
	(pc) =	sbr.rel @p3 .LBB2_6-.Ltmp1, $4  }
0x9b: {  	[spmem:s2] =	stream.indirect.scatter.add.bf16 [tilespmem:s26], [sflag:$0x9], $0x40, s15, s21, $0xb8;
	[tilespmem:$0x1EC80] =	vst v63  }
0x9c: {  	_ =	swait.ge [sflag:s17], $0x2000  }
0x9d: {  	[sflag:s17] =	ssyncset.done $0x0  }
0x9e: {  	[sflag:s17] =	ssyncadd.s32 $0xFFFFE000  }
.Ltmp2:
0x9f: {  	(pc) =	sbr.rel .LBB2_4-.Ltmp2, $3  }
0xa0: {  	_ =	sdelay $0x1  }
0xa1: {  	s1 =	sadd.s32 $0x700, s8;
	s7 =	sadd.s32 $0x1000, s7  }
0xa2: {  	[tilespmem:s24], [sflag:$0x1] =	stream.indirect.gather [hbm4b:s4+s21], $0x40, s1, s21, $0xb8;
	[tilespmem:$0x1EC80] =	vst v63  }
.LBB2_6:
0xa3: {  	s1 =	simm.s32 $0x9  }
0xa4: {  	_ =	swait.ge [sflag:s1], $0x2000  }
0xa5: {  	[sflag:s1] =	ssyncset.done $0x0  }
0xa6: {  	[sflag:s1] =	ssyncadd.s32 $0xFFFFE000  }
0xa7: {  	[bflag:$0x0] =	sbarrier.arrive $0xFFFF  }
0xa8: {  	s1 =	simm.s32 @p0 $0x1FCA;
	s3 =	rddreg [dreg:$0xa]  }
0xa9: {  	[hbm:s3], [sflag:s1] =	dma.local @p0 [spmem:s18], $0x1400  }
0xaa: {  	s3 =	simm.s32 @p0 $0xA  }
0xab: {  	_ =	swait.ge @p0 [sflag:s3], $0x1400  }
0xac: {  	[sflag:s3] =	ssyncset.done @p0 $0x0  }
0xad: {  	s7 =	rddreg [dreg:$0x9];
	[sflag:s3] =	ssyncadd.s32 @p0 $0xFFFFEC00  }
0xae: {  	[hbm:s7], [sflag:s19] =	dma.local @!p0 [spmem:s20], $0x1380  }
0xaf: {  	s7 =	simm.s32 @!p0 $0xA  }
0xb0: {  	_ =	swait.ge @!p0 [sflag:s7], $0x1380  }
0xb1: {  	[sflag:s7] =	ssyncset.done @!p0 $0x0  }
0xb2: {  	[sflag:s7] =	ssyncadd.s32 @!p0 $0xFFFFEC80  }
0xb3: {  	[bflag:$0x0] =	sbarrier.arrive $0xFFFF  }
0xb4: {  	s12 =	simm.s32 $0x0;
	s8 =	rddreg [dreg:$0x4]  }
0xb5: {  	[tilespmem:s22], [sflag:$0xA] =	stream.linear.gather [hbm4b:s8+s12], $0x2000, $0x38;
	[tilespmem:$0x1EC80] =	vst v63  }
0xb6: {  	_ =	swait.ge [sflag:s16], $0x2000  }
0xb7: {  	[sflag:s16] =	ssyncset.done $0x0  }
0xb8: {  	[sflag:s16] =	ssyncadd.s32 $0xFFFFE000  }
0xb9: {  	[spmem:s18], [sflag:s1] =	dma.local @p0 [hbm:s5], $0x1480  }
0xba: {  	_ =	swait.ge @p0 [sflag:s3], $0x1480  }
0xbb: {  	[sflag:s3] =	ssyncset.done @p0 $0x0  }
0xbc: {  	[sflag:s3] =	ssyncadd.s32 @p0 $0xFFFFEB80  }
0xbd: {  	[spmem:s20], [sflag:s19] =	dma.local @!p0 [hbm:s5], $0x1380  }
0xbe: {  	_ =	swait.ge @!p0 [sflag:s7], $0x1380  }
0xbf: {  	[sflag:s7] =	ssyncset.done @!p0 $0x0  }
0xc0: {  	[sflag:s7] =	ssyncadd.s32 @!p0 $0xFFFFEC80  }
0xc1: {  	s15 =	simm.s32 $0x2800;
	[bflag:$0x0] =	sbarrier.arrive $0xFFFF  }
0xc2: {  	[spmem:s2] =	stream.indirect.scatter.add.bf16 [tilespmem:s22], [sflag:$0xA], $0x40, s15, s21, $0xb8;
	[tilespmem:$0x1EC80] =	vst v63  }
0xc3: {  	s7 =	simm.s32 $0x200;
	_ =	swait.ge [sflag:s16], $0x2000  }
.LBB2_7:
0xc4: {  	s1 =	sshra.s32 s7, $0x2;
	[sflag:s16] =	ssyncset.done $0x0;
	p3 =	sne.s32 s7, $0x9E00  }
.Ltmp3:
0xc5: {  	s1 =	sadd.s32 $0x2800, s1;
	[sflag:s16] =	ssyncadd.s32 $0xFFFFE000;
	(pc) =	sbr.rel @p3 .LBB2_7-.Ltmp3, $3  }
0xc6: {  	[spmem:s2] =	stream.indirect.scatter.add.bf16 [tilespmem:s22], [sflag:$0xA], $0x40, s1, s21, $0xb8;
	[tilespmem:$0x1EC80] =	vst v63  }
0xc7: {  	s7 =	sadd.s32 $0x200, s7;
	_ =	sdelay $0x1  }
0xc8: {  	_ =	swait.ge [sflag:s16], $0x2000  }
0xc9: {  	[sflag:s16] =	ssyncset.done $0x0  }
0xca: {  	[sflag:s16] =	ssyncadd.s32 $0xFFFFE000  }
0xcb: {  	[bflag:$0x0] =	sbarrier.arrive $0xFFFF  }
0xcc: {  	s1 =	rddreg [dreg:$0x8]  }
0xcd: {  	s3 =	simm.s32 @!p1 $0x1FCA;
	s7 =	rddreg [dreg:$0xc];
	s1 =	sshrl.u32 @!p1 s1, $0x3  }
0xce: {  	[hbm:s7], [sflag:s3] =	dma.local @!p1 [spmem:s1], $0x1400  }
0xcf: {  	s1 =	simm.s32 @!p1 $0xA  }
0xd0: {  	s3 =	stileid.u32;
	_ =	swait.ge @!p1 [sflag:s1], $0x1400  }
0xd1: {  	s3 =	sshll.u32 @!p2 s3, $0x6;
	[sflag:s1] =	ssyncset.done @!p1 $0x0  }
0xd2: {  	[sflag:s1] =	ssyncadd.s32 @!p1 $0xFFFFEC00;
	s1 =	sor.u32 @!p2 $0x1C0A, s3;
	s3 =	rddreg [dreg:$0x7]  }
0xd3: {  	s7 =	rddreg [dreg:$0xb];
	s3 =	sshrl.u32 @!p2 s3, $0x3  }
0xd4: {  	[hbm:s7], [sflag:s1] =	dma.local @!p2 [spmem:s3], $0x1380  }
0xd5: {  	s1 =	simm.s32 @!p2 $0xA  }
0xd6: {  	_ =	swait.ge @!p2 [sflag:s1], $0x1380  }
0xd7: {  	s6 =	sadd.s32 $0x1, s6;
	s15 =	rddreg [dreg:$0xd]  }
0xd8: {  	p3 =	sne.s32 s6, s15  }
.Ltmp4:
0xd9: {  	_ = 	snop;
	(pc) =	sbr.rel @p3 .LBB2_1-.Ltmp4, $3  }
0xda: {  	_ =	sdelay $0x1  }
0xdb: {  	[sflag:s1] =	ssyncset.done @!p2 $0x0  }
0xdc: {  	[sflag:s1] =	ssyncadd.s32 @!p2 $0xFFFFEC80  }
0xdd: {  	_ =	sfence.sel $0x180000  }
0xde: {  	[bflag:$0x0] =	sbarrier.arrive $0xFFFF  }
0xdf: {  	_ =	strace $0x90000047  }
0xe0: {  	s0 =	stileid.u32;
	[bflag:$0x2] =	sbarrier.arrive $0xFFFF  }
0xe1: {  	p0 =	sne.s32 s0, $0x0;
	s0 =	rddreg [dreg:$0x3]  }
0xe2: {  	s0 =	sadd.s32 @!p0 $0x100000, s0  }
0xe3: {  	[sflag:s0] =	ssyncadd.tile.s32 @!p0 $0x1;
	_ =	shalt  }
.Lfunc_end2:
_tile_overlayer_lowered:
.L_overlay_start_2:
0xe4: {  	(tag) =	ssettag $0x2  }
0xe5: {  	s0 =	rddreg [dreg:$0x0];
	s2 =	stileid.u32  }
0xe6: {  	s1 =	rddreg [dreg:$0x1];
	p0 =	sne.s32 s2, $0x0  }
0xe7: {  	s3 =	rddreg [dreg:$0x2];
	[bflag:$0x3] =	sbarrier.arrive $0xFFFF;
	s2 =	simm.s32 @!p0 $0x1C0A  }
0xe8: {  	[timem:s3], [sflag:s2] =	dma.local @!p0 [hbm:s0], s1  }
0xe9: {  	s0 =	simm.s32 @!p0 $0xA  }
0xea: {  	_ =	swait.ge @!p0 [sflag:s0], s1  }
0xeb: {  	s1 =	ssub.s32 @!p0 $0x0, s1;
	[sflag:s0] =	ssyncset.done @!p0 $0x0  }
0xec: {  	[sflag:s0] =	ssyncadd.s32 @!p0 s1  }
0xed: {  	[bflag:$0x3] =	sbarrier.arrive $0xFFFF  }
0xee: {  	_ =	shalt  }

// kernel: kernel.13.cloned.1.call-start
scs
__scs_entry_jumppad:
0x0: {  	(pc) =	sbr.rel $0x88, $3  }
0x1: {  	(tag) =	ssettag $0x0;
	lr =	simm.s32 $0x1  }
0x2: {  	[smem:$0x3F96] =	sst lr;
	_ =	strace $0xD0000000  }
0x3: {  	_ = 	snop  }
0x4: {  	_ = 	snop  }
0x5: {  	_ = 	snop  }
0x6: {  	_ = 	snop  }
0x7: {  	_ = 	snop  }
__scs_overlays_trampoline_lowered:
0x8: {  	[smem:$0x3FA5] =	sst s0  }
0x9: {  	[smem:$0x3FA6] =	sst s1  }
0xa: {  	[smem:$0x3FA7] =	sst s2  }
0xb: {  	[smem:$0x3FA8] =	sst s3  }
0xc: {  	[smem:$0x3FA9] =	sst s4  }
0xd: {  	[smem:$0x3FAA] =	sst s5  }
0xe: {  	[smem:$0x3FAB] =	sst s6  }
0xf: {  	[smem:$0x3FAC] =	sst s7  }
0x10: {  	[smem:$0x3FAD] =	sst s8  }
0x11: {  	[smem:$0x3FAE] =	sst s9;
	s0 =	simm.s32 @!p0 $0x0  }
0x12: {  	s1 =	sld [smem:$0x3F94];
	s0 =	simm.s32 @p0 $0x1  }
0x13: {  	[smem:$0x3FAF] =	sst s0;
	s0 =	simm.s32 @!p1 $0x0  }
0x14: {  	s2 =	sld [smem:$0x3F93];
	s0 =	simm.s32 @p1 $0x1  }
0x15: {  	[smem:$0x3FB0] =	sst s0;
	s0 =	simm.s32 @!p2 $0x0  }
0x16: {  	s3 =	sld [smem:$0x3FDB];
	s0 =	simm.s32 @p2 $0x1  }
0x17: {  	s4 =	simm.s32 $0x1BF5;
	[smem:$0x3FB2] =	sst s0  }
0x18: {  	s0 =	sld [smem:$0x3F95];
	_ =	swait.ge [sflag:s4], $0x0  }
0x19: {  	s7 =	sld [smem:$0x3F96]  }
0x1a: {  	s8 =	sadd.s32 $0xFFFFE003, lr  }
0x1b: {  	s9 =	sadd.s32 $0xFFFFFEF7, lr;
	s5 =	simm.s32 $0xFFFFFFFF;
	p2 =	slt.u32 s8, $0xFFFFF086  }
0x1c: {  	p1 =	slt.u32 s9, $0xF7A;
	s5 =	simm.s32 @!p2 $0x0  }
0x1d: {  	s5 =	simm.s32 @p1 $0x1;
	p0 =	seq.s32 s7, s2  }
0x1e: {  	s7 =	smul.u32 @!p0 $0xF7A, s2;
	p2 =	seq.s32 @!p0 s5, $0x0  }
0x1f: {  	s9 =	smul.u32 $0xF7A, s1;
	s8 =	simm.s32 @!p0 $0x1BF5;
	p2 =	por !p2, p0  }
0x20: {  	[sflag:s8] =	ssyncset.s32 @!p0 $0xFFFFF086;
	s6 =	sadd.s32 @!p0 s3, s7;
	s7 =	simm.s32 @!p0 $0x108  }
0x21: {  	s3 =	sadd.s32 s3, s9;
	s6 =	sadd.s32 @!p0 $0x88, s6;
	s7 =	simm.s32 @p2 $0x1082  }
0x22: {  	[simem:s7], [sflag:s8] =	dma.local @!p0 [hbm:s6], $0xF7A  }
0x23: {  	s9 =	sor.u32 $0xD0000000, s2;
	s6 =	simm.s32 $0x108;
	_ =	swait.ge @!p0 [sflag:s8], $0x0  }
0x24: {  	s3 =	sadd.s32 $0x88, s3;
	s6 =	simm.s32 @!p1 $0x1082;
	[sflag:s4] =	ssyncset.s32 $0xFFFFF086  }
0x25: {  	[simem:s6], [sflag:s4] =	dma.local [hbm:s3], $0xF7A  }
0x26: {  	[smem:$0x3F96] =	sst s1;
	(tag) =	ssettag s2;
	_ =	strace s9  }
0x27: {  	s1 =	sld [smem:$0x3FA6]  }
0x28: {  	s2 =	sld [smem:$0x3FA7]  }
0x29: {  	s4 =	sld [smem:$0x3FA9]  }
0x2a: {  	p0 =	seq.s32 s5, $0x0;
	s5 =	sld [smem:$0x3FAA]  }
0x2b: {  	s6 =	sld [smem:$0x3FAB]  }
0x2c: {  	s7 =	sld [smem:$0x3FAC]  }
0x2d: {  	s3 =	simm.s32 $0x108;
	s8 =	sld [smem:$0x3FAD]  }
0x2e: {  	s3 =	simm.s32 @!p0 $0x1082;
	s9 =	sld [smem:$0x3FAE]  }
0x2f: {  	lr =	sadd.s32 s0, s3;
	s0 =	sld [smem:$0x3FA5]  }
0x30: {  	s3 =	sld [smem:$0x3FA8]  }
0x31: {  	[smem:$0x3FB1] =	sst s10  }
0x32: {  	s10 =	sld [smem:$0x3FAF];
	_ =	sdelay $0x3  }
0x33: {  	p0 =	seq.s32 s10, $0x1;
	s10 =	sld [smem:$0x3FB1];
	_ =	sdelay $0x3  }
0x34: {  	[smem:$0x3FB1] =	sst s10  }
0x35: {  	s10 =	sld [smem:$0x3FB0];
	_ =	sdelay $0x3  }
0x36: {  	p1 =	seq.s32 s10, $0x1;
	s10 =	sld [smem:$0x3FB1];
	_ =	sdelay $0x3  }
0x37: {  	[smem:$0x3FB1] =	sst s10  }
0x38: {  	s10 =	sld [smem:$0x3FB2]  }
0x39: {  	_ = 	snop;
	(pc) =	sbr.ind lr, $3  }
0x3a: {  	_ = 	snop  }
0x3b: {  	_ = 	snop  }
0x3c: {  	p2 =	seq.s32 s10, $0x1;
	s10 =	sld [smem:$0x3FB1]  }
0x3d: {  	_ =	shalt  }
0x3e: {  	_ =	shalt  }
0x3f: {  	_ =	shalt  }
0x40: {  	_ =	shalt  }
0x41: {  	_ =	shalt  }
0x42: {  	_ =	shalt  }
0x43: {  	_ =	shalt  }
0x44: {  	_ =	shalt  }
0x45: {  	_ =	shalt  }
0x46: {  	_ =	shalt  }
0x47: {  	_ =	shalt  }
0x48: {  	_ =	shalt  }
0x49: {  	_ =	shalt  }
0x4a: {  	_ =	shalt  }
0x4b: {  	_ =	shalt  }
0x4c: {  	_ =	shalt  }
0x4d: {  	_ =	shalt  }
0x4e: {  	_ =	shalt  }
0x4f: {  	_ =	shalt  }
0x50: {  	_ =	shalt  }
0x51: {  	_ =	shalt  }
0x52: {  	_ =	shalt  }
0x53: {  	_ =	shalt  }
0x54: {  	_ =	shalt  }
0x55: {  	_ =	shalt  }
0x56: {  	_ =	shalt  }
0x57: {  	_ =	shalt  }
0x58: {  	_ =	shalt  }
0x59: {  	_ =	shalt  }
0x5a: {  	_ =	shalt  }
0x5b: {  	_ =	shalt  }
0x5c: {  	_ =	shalt  }
0x5d: {  	_ =	shalt  }
0x5e: {  	_ =	shalt  }
0x5f: {  	_ =	shalt  }
0x60: {  	_ =	shalt  }
0x61: {  	_ =	shalt  }
0x62: {  	_ =	shalt  }
0x63: {  	_ =	shalt  }
0x64: {  	_ =	shalt  }
0x65: {  	_ =	shalt  }
0x66: {  	_ =	shalt  }
0x67: {  	_ =	shalt  }
0x68: {  	_ =	shalt  }
0x69: {  	_ =	shalt  }
0x6a: {  	_ =	shalt  }
0x6b: {  	_ =	shalt  }
0x6c: {  	_ =	shalt  }
0x6d: {  	_ =	shalt  }
0x6e: {  	_ =	shalt  }
0x6f: {  	_ =	shalt  }
0x70: {  	_ =	shalt  }
0x71: {  	_ =	shalt  }
0x72: {  	_ =	shalt  }
0x73: {  	_ =	shalt  }
0x74: {  	_ =	shalt  }
0x75: {  	_ =	shalt  }
0x76: {  	_ =	shalt  }
0x77: {  	_ =	shalt  }
0x78: {  	_ =	shalt  }
0x79: {  	_ =	shalt  }
0x7a: {  	_ =	shalt  }
0x7b: {  	_ =	shalt  }
0x7c: {  	_ =	shalt  }
0x7d: {  	_ =	shalt  }
0x7e: {  	_ =	shalt  }
0x7f: {  	_ =	shalt  }
0x80: {  	_ =	shalt  }
0x81: {  	_ =	shalt  }
0x82: {  	_ =	shalt  }
0x83: {  	_ =	shalt  }
0x84: {  	_ =	shalt  }
0x85: {  	_ =	shalt  }
0x86: {  	_ =	shalt  }
0x87: {  	_ =	shalt  }
.Lfunc_end0:
.L_simem_size_0:
called_computation.1_lowered:
.L_overlay_start_0:
0x88: {  	s2 =	sld [smem:$0x3FD9]  }
0x89: {  	s3 =	sld [smem:$0x3FFE];
	_ =	sdelay $0x1  }
0x8a: {  	s1 =	srdreg.scid  }
0x8b: {  	s0 =	sand.u32 $0x1, s1  }
0x8c: {  	s17 =	sshll.u32 s0, $0xA;
	s2 =	sadd.s32 s3, s2  }
0x8d: {  	s2 =	sadd.s32 s2, s17  }
0x8e: {  	[smem:$0x3FBD] =	sst s2  }
0x8f: {  	_ = 	snop  }
0x90: {  	s2 =	sld [smem:$0x3FD0];
	(tm) =	ssettm $0x1  }
0x91: {  	s18 =	sld [smem:$0x3FFB];
	_ =	sdelay $0x3  }
0x92: {  	_ =	strace s18  }
0x93: {  	s3 =	sld [smem:$0x3FFC];
	_ =	sdelay $0x3  }
0x94: {  	_ =	strace s3  }
0x95: {  	s3 =	sld [smem:$0x3FFD];
	_ =	sdelay $0x3  }
0x96: {  	_ =	strace s3  }
0x97: {  	_ =	strace $0x8FFFFFFF  }
0x98: {  	s19 =	sld [smem:$0x3FDB];
	_ =	sdelay $0x1  }
0x99: {  	s4 =	simm.s32 $_scs_section_size  }
0x9a: {  	s5 =	simm.s32 $_size__tile_overlayer_lowered;
	s6 =	simm.s32 $_tile_overlayer_lowered  }
0x9b: {  	s22 =	simm.s32 $0x1BFF;
	s21 =	sshll.u32 s6, $0x1;
	s3 =	sadd.s32 s4, s19  }
0x9c: {  	s7 =	simm.s32 $0x0;
	s20 =	sshll.u32 s5, $0x1;
	s5 =	sadd.s32 s21, s3  }
0x9d: {  	[timem:s7], [sflag:s22] =	dma.local [hbm:s5], s20  }
0x9e: {  	_ =	swait.ge [sflag:s22], s20  }
0x9f: {  	s4 =	ssub.s32 $0x0, s20;
	[sflag:s22] =	ssyncset.done $0x0  }
0xa0: {  	[sflag:s22] =	ssyncadd.s32 s4;
	_ =	sdelay $0x1  }
0xa1: {  	s23 =	simm.s32 $0x1B8B  }
0xa2: {  	_ =	swait.ge [sflag:s23], $0x1  }
0xa3: {  	[sflag:s23] =	ssyncset.done $0x0  }
0xa4: {  	s25 =	simm.s32 $0x1B8E;
	s24 =	sld [smem:$0x3FFE];
	[sflag:s23] =	ssyncadd.s32 $0xFFFFFFFF  }
0xa5: {  	s26 =	simm.s32 $execute0_lowered;
	[smem:$0x3FD2] =	sst s25  }
0xa6: {  	s5 =	sshll.u32 s26, $0x1;
	_ =	strace $0x80000049;
	[dreg:$0x1] =	wrdreg $0xFFFFFFFF  }
0xa7: {  	s28 =	simm.s32 $_size_execute0_lowered;
	s3 =	sadd.s32 s3, s5;
	[dreg:$0x0] =	wrdreg $0x0  }
0xa8: {  	s5 =	sshll.u32 s28, $0x1;
	[dreg:$0x2] =	wrdreg s3  }
0xa9: {  	[dreg:$0x3] =	wrdreg s5  }
0xaa: {  	[dreg:$0x4] =	wrdreg $0xC0  }
0xab: {  	_ =	task [dreg:s7], $0x5FFFF  }
0xac: {  	[dreg:$0x1] =	wrdreg $0xFFFFFFFF  }
0xad: {  	[dreg:$0x0] =	wrdreg $0x60  }
0xae: {  	[dreg:$0x2] =	wrdreg s2  }
0xaf: {  	[dreg:$0x3] =	wrdreg s24  }
0xb0: {  	[dreg:$0x4] =	wrdreg $0x150000  }
0xb1: {  	[dreg:$0x5] =	wrdreg $0x9  }
0xb2: {  	_ =	task.clear_ibuf [dreg:s7], $0x6FFFF;
	_ =	strace $0x90000049  }
0xb3: {  	s29 =	simm.s32 $0x9;
	_ =	strace $0x8000004B  }
0xb4: {  	_ =	swait.ge [sflag:s29], $0x1  }
0xb5: {  	[sflag:s29] =	ssyncadd.s32 $0xFFFFFFFF  }
0xb6: {  	_ =	strace $0x9000004B  }
0xb7: {  	_ =	sfence  }
0xb8: {  	s30 =	sld [smem:$0x0];
	_ =	sdelay $0x2  }
0xb9: {  	s31 =	sshll.u32 s1, $0xD;
	s1 =	sshrl.u32 s1, $0x2  }
0xba: {  	s3 =	sand.u32 $0x4000, s31;
	s1 =	sadd.s32 s1, s30  }
0xbb: {  	s0 =	sor.u32 s3, s0;
	s1 =	sshll.u32 s1, $0x11  }
0xbc: {  	s0 =	sor.u32 s1, s0  }
0xbd: {  	s0 =	sadd.s32 $0x8F2B, s0  }
0xbe: {  	[sflag:s0] =	ssyncadd.remote.s32 $0x1  }
0xbf: {  	_ =	sfence.sel $0xFFFF  }
0xc0: {  	[dreg:$0x0] =	wrdreg $0xFFFFFFFF;
	(pc) =	sbr.abs _section_cstart, $3  }
0xc1: {  	[dreg:$0x1] =	wrdreg $0xFFFFFFFF  }
0xc2: {  	_ =	task.clear_ibuf [dreg:s7], $0x2FFFF;
	_ =	strace $0x9FFFFFFF  }
0xc3: {  	(tm) =	ssettm $0x7FFFFFFF  }
tec
execute0_lowered:
.L_overlay_start_1:
0x0: {  	(tag) =	ssettag $0x1  }
0x1: {  	s1 =	rddreg [dreg:$0x0]  }
0x2: {  	s0 =	rddreg [dreg:$0x1]  }
0x3: {  	s3 =	rddreg [dreg:$0x2];
	s4 =	simm.s32 $0x0  }
0x4: {  	s11 =	stileid.u32;
	s2 =	srdreg.scid;
	s18 =	simm.s32 $0x80  }
0x5: {  	s19 =	simm.s32 $0x5000;
	s20 =	simm.s32 $0x7000;
	s29 =	simm.s32 $0xF000  }
0x6: {  	s31 =	simm.s32 $0x11000;
	s14 =	simm.s32 $0x2;
	s24 =	smul.u32 $0x500, s11  }
0x7: {  	[smem:$0x7FF] =	sst s4;
	s2 =	sand.u32 $0x1, s2;
	s8 =	smul.u32 $0x27000, s11  }
0x8: {  	s5 =	sadd.s32 $0x3200, s0;
	s10 =	smul.u32 $0x270, s11;
	p0 =	seq.s32 s11, $0xF  }
0x9: {  	_ =	strace $0x8000004A;
	s7 =	smul.u32 $0x4E20, s2;
	s6 =	ssub.s32 $0x2, s2  }
0xa: {  	s2 =	smul.u32 $0x271000, s2;
	s4 =	sadd.s32 s24, s0;
	s9 =	sshrl.u32 s6, $0x1  }
0xb: {  	s0 =	sadd.s32 $0xE800, s0;
	s8 =	sshrl.u32 s8, $0x2;
	s24 =	simm.s32 $0xB000  }
0xc: {  	s6 =	ssub.s32 s6, s9;
	s25 =	sadd.s32 $0x4800, s4;
	s4 =	sadd.s32 $0x9800, s4  }
0xd: {  	s26 =	sadd.s32 s10, s7;
	s2 =	sshrl.u32 s2, $0x4;
	s8 =	sadd.s32 s8, s3  }
0xe: {  	v0 =	vmov s7;
	s7 =	simm.s32 $0x8;
	s9 =	simm.s32 $0x9;
	[dreg:$0x4] =	wrdreg s25  }
0xf: {  	s10 =	simm.s32 $0x0;
	[dreg:$0x5] =	wrdreg s4;
	s4 =	sshll.u32 s26, $0x3  }
0x10: {  	s30 =	smax.u32 s6, $0x1;
	s17 =	sshrl.u32 @!p0 s8, $0x3;
	s6 =	simm.s32 $0x6  }
0x11: {  	s4 =	sadd.s32 s0, s4;
	s0 =	sadd.s32 s0, s2;
	[dreg:$0xa] =	wrdreg s30  }
.Ltmp0:
0x12: {  	s28 =	sadd.s32 $0x12480, s0;
	[dreg:$0x6] =	wrdreg s4;
	(pc) =	sbr.rel .LBB2_1-.Ltmp0, $4  }
0x13: {  	s2 =	sadd.s32 $0x92400, s3;
	s4 =	sadd.s32 $0x13880, s4;
	[dreg:$0x7] =	wrdreg s28  }
0x14: {  	s0 =	sadd.s32 $0x25D00, s0;
	s15 =	sshrl.u32 @p0 s2, $0x3;
	[dreg:$0x8] =	wrdreg s4  }
0x15: {  	s2 =	simm.s32 $0x13000;
	[dreg:$0x9] =	wrdreg s0;
	s0 =	sshll.u32 @!p0 s11, $0x6  }
0x16: {  	s4 =	simm.s32 $0x4;
	s16 =	sor.u32 @!p0 $0x1C0A, s0;
	s0 =	simm.s32 $0x1  }
.LBB2_11:
0x17: {  	_ =	swait.ge [sflag:s9], $0x2000  }
0x18: {  	[sflag:s9] =	ssyncset.done $0x0  }
0x19: {  	[sflag:s9] =	ssyncadd.s32 $0xFFFFE000  }
0x1a: {  	[bflag:$0x0] =	sbarrier.arrive $0xFFFF  }
0x1b: {  	s8 =	simm.s32 @p0 $0x1FCA;
	s11 =	rddreg [dreg:$0x9]  }
0x1c: {  	[hbm:s11], [sflag:s8] =	dma.local @p0 [spmem:s15], $0x1400  }
0x1d: {  	s8 =	simm.s32 @p0 $0xA  }
0x1e: {  	_ =	swait.ge @p0 [sflag:s8], $0x1400  }
0x1f: {  	[sflag:s8] =	ssyncset.done @p0 $0x0  }
0x20: {  	[sflag:s8] =	ssyncadd.s32 @p0 $0xFFFFEC00;
	s8 =	rddreg [dreg:$0x8]  }
0x21: {  	[hbm:s8], [sflag:s16] =	dma.local @!p0 [spmem:s17], $0x1380  }
0x22: {  	s8 =	simm.s32 @!p0 $0xA  }
0x23: {  	_ =	swait.ge @!p0 [sflag:s8], $0x1380  }
0x24: {  	s10 =	sadd.s32 $0x1, s10;
	s30 =	rddreg [dreg:$0xa]  }
0x25: {  	p1 =	sne.s32 s10, s30  }
.Ltmp1:
0x26: {  	_ = 	snop;
	(pc) =	sbr.rel @!p1 .LBB2_12-.Ltmp1, $3  }
0x27: {  	_ =	sdelay $0x1  }
0x28: {  	[sflag:s8] =	ssyncset.done @!p0 $0x0  }
0x29: {  	[sflag:s8] =	ssyncadd.s32 @!p0 $0xFFFFEC80  }
.LBB2_1:
0x2a: {  	s8 =	simm.s32 $0x0;
	s11 =	rddreg [dreg:$0x4];
	s12 =	simm.s32 $0xA  }
0x2b: {  	[tilespmem:s8], [sflag:$0xA] =	stream.linear.gather [hbm4b:s11+s8], $0x2800, $0x38;
	[tilespmem:$0x1EC80] =	vst v63  }
0x2c: {  	_ =	swait.ge [sflag:s12], $0x2800  }
0x2d: {  	[sflag:s12] =	ssyncset.done $0x0  }
0x2e: {  	s13 =	simm.s32 $0x2800;
	s30 =	rddreg [dreg:$0x5];
	[sflag:s12] =	ssyncadd.s32 $0xFFFFD800  }
0x2f: {  	[tilespmem:s13], [sflag:$0xA] =	stream.linear.gather [hbm4b:s30+s8], $0x2800, $0x38;
	[tilespmem:$0x1EC80] =	vst v63  }
0x30: {  	_ =	swait.ge [sflag:s12], $0x2800  }
0x31: {  	[sflag:s12] =	ssyncset.done $0x0  }
0x32: {  	s11 =	simm.s32 $0x40;
	s8 =	simm.s32 $0x0;
	[sflag:s12] =	ssyncadd.s32 $0xFFFFD800  }
.LBB2_2:
0x33: {  	p1 =	sne.s32 s11, $0x9FC0;
	v1 =	vld [tilespmem:s8+$0x0];
	_ =	sdelay $0x1  }
.Ltmp2:
0x34: {  	(pc) =	sbr.rel @p1 .LBB2_2-.Ltmp2, $3  }
0x35: {  	_ =	sdelay $0x1  }
0x36: {  	v1 =	vadd.s32 v0, v1  }
0x37: {  	[tilespmem:s8+$0x0] =	vst v1;
	s8 =	sshra.s32 s11, $0x2;
	s11 =	sadd.s32 $0x40, s11  }
0x38: {  	v1 =	vld [tilespmem:s8+$0x0];
	_ =	sdelay $0x4  }
0x39: {  	v1 =	vadd.s32 v0, v1  }
0x3a: {  	[tilespmem:s8+$0x0] =	vst v1;
	s8 =	simm.s32 @p0 $0x1FCA  }
0x3b: {  	[spmem:s15], [sflag:s8] =	dma.local @p0 [hbm:s5], $0x1480  }
0x3c: {  	s8 =	simm.s32 @p0 $0xA  }
0x3d: {  	_ =	swait.ge @p0 [sflag:s8], $0x1480  }
0x3e: {  	[sflag:s8] =	ssyncset.done @p0 $0x0  }
0x3f: {  	[sflag:s8] =	ssyncadd.s32 @p0 $0xFFFFEB80;
	s8 =	simm.s32 @!p0 $0xA  }
0x40: {  	[spmem:s17], [sflag:s16] =	dma.local @!p0 [hbm:s5], $0x1380  }
0x41: {  	_ =	swait.ge @!p0 [sflag:s8], $0x1380  }
0x42: {  	[sflag:s8] =	ssyncset.done @!p0 $0x0  }
0x43: {  	[sflag:s8] =	ssyncadd.s32 @!p0 $0xFFFFEC80  }
0x44: {  	s11 =	simm.s32 $0x0;
	[bflag:$0x0] =	sbarrier.arrive $0xFFFF  }
0x45: {  	[tilespmem:s19], [sflag:$0x1] =	stream.indirect.gather [hbm4b:s1+s18], $0x40, s11, s18, $0xb8;
	[tilespmem:$0x1EC80] =	vst v63  }
0x46: {  	_ = 	snop  }
0x47: {  	[tilespmem:s20], [sflag:$0x1] =	stream.indirect.gather [hbm4b:s1+s18], $0x40, s18, s18, $0xb8;
	[tilespmem:$0x1EC80] =	vst v63  }
0x48: {  	s22 =	simm.s32 $0x100;
	s12 =	simm.s32 $0x9000  }
0x49: {  	[tilespmem:s12], [sflag:$0x1] =	stream.indirect.gather [hbm4b:s1+s18], $0x40, s22, s18, $0xb8;
	[tilespmem:$0x1EC80] =	vst v63  }
0x4a: {  	s23 =	simm.s32 $0x180  }
0x4b: {  	[tilespmem:s24], [sflag:$0x1] =	stream.indirect.gather [hbm4b:s1+s18], $0x40, s23, s18, $0xb8;
	[tilespmem:$0x1EC80] =	vst v63  }
0x4c: {  	s25 =	simm.s32 $0x200;
	s26 =	simm.s32 $0xD000  }
0x4d: {  	[tilespmem:s26], [sflag:$0x1] =	stream.indirect.gather [hbm4b:s1+s18], $0x40, s25, s18, $0xb8;
	[tilespmem:$0x1EC80] =	vst v63  }
0x4e: {  	s28 =	simm.s32 $0x280  }
0x4f: {  	[tilespmem:s29], [sflag:$0x1] =	stream.indirect.gather [hbm4b:s1+s18], $0x40, s28, s18, $0xb8;
	[tilespmem:$0x1EC80] =	vst v63  }
0x50: {  	s30 =	simm.s32 $0x300  }
0x51: {  	[tilespmem:s31], [sflag:$0x1] =	stream.indirect.gather [hbm4b:s1+s18], $0x40, s30, s18, $0xb8;
	[tilespmem:$0x1EC80] =	vst v63  }
.LBB2_4:
0x52: {  	_ =	swait.ge [sflag:s0], $0x2000  }
0x53: {  	s12 =	sshra.s32 s11, $0x2;
	[sflag:s0] =	ssyncset.done $0x0  }
0x54: {  	p1 =	seq.s32 s11, $0x0;
	s8 =	sadd.s32 $0x2800, s12;
	[sflag:s0] =	ssyncadd.s32 $0xFFFFE000  }
0x55: {  	[spmem:s3] =	stream.indirect.scatter.add.bf16 [tilespmem:s19], [sflag:$0x2], $0x40, s8, s18, $0xb8;
	[tilespmem:$0x1EC80] =	vst v63  }
0x56: {  	s8 =	simm.s32 @!p1 $0x9  }
0x57: {  	_ =	swait.ge @!p1 [sflag:s8], $0x2000  }
0x58: {  	[sflag:s8] =	ssyncset.done @!p1 $0x0  }
0x59: {  	s25 =	sadd.s32 $0x380, s12;
	[sflag:s8] =	ssyncadd.s32 @!p1 $0xFFFFE000  }
0x5a: {  	[tilespmem:s2], [sflag:$0x1] =	stream.indirect.gather [hbm4b:s1+s18], $0x40, s25, s18, $0xb8;
	[tilespmem:$0x1EC80] =	vst v63  }
0x5b: {  	_ =	swait.ge [sflag:s0], $0x2000  }
0x5c: {  	[sflag:s0] =	ssyncset.done $0x0  }
0x5d: {  	s26 =	sadd.s32 $0x2880, s12;
	[sflag:s0] =	ssyncadd.s32 $0xFFFFE000  }
0x5e: {  	[spmem:s3] =	stream.indirect.scatter.add.bf16 [tilespmem:s20], [sflag:$0x3], $0x40, s26, s18, $0xb8;
	[tilespmem:$0x1EC80] =	vst v63  }
0x5f: {  	_ =	swait.ge [sflag:s14], $0x2000  }
0x60: {  	p1 =	seq.s32 s11, $0x9000;
	[sflag:s14] =	ssyncset.done $0x0  }
0x61: {  	s23 =	simm.s32 @p1 $0x1;
	[sflag:s14] =	ssyncadd.s32 $0xFFFFE000  }
0x62: {  	_ =	swait.ge @p1 [sflag:s23], $0x2000  }
0x63: {  	s8 =	sshra.s32 @p1 s11, $0x2;
	s25 =	simm.s32 @p1 $0x80;
	[sflag:s23] =	ssyncset.done @p1 $0x0  }
0x64: {  	s22 =	simm.s32 @p1 $0x9000;
	s21 =	sadd.s32 @p1 $0x2900, s8;
	[sflag:s23] =	ssyncadd.s32 @p1 $0xFFFFE000  }
0x65: {  	[spmem:s3] =	stream.indirect.scatter.add.bf16 @p1 [tilespmem:s22], [sflag:$0x4], $0x40, s21, s25, $0xb8;
	[tilespmem:$0x1EC80] =	vst v63  }
0x66: {  	s21 =	simm.s32 @p1 $0x3  }
0x67: {  	_ =	swait.ge @p1 [sflag:s21], $0x2000  }
0x68: {  	[sflag:s21] =	ssyncset.done @p1 $0x0  }
0x69: {  	[sflag:s21] =	ssyncadd.s32 @p1 $0xFFFFE000;
	s21 =	sshra.s32 @!p1 s11, $0x2  }
0x6a: {  	s28 =	simm.s32 @!p1 $0x5000;
	s22 =	simm.s32 @!p1 $0x80;
	s26 =	sadd.s32 @!p1 $0x400, s21  }
0x6b: {  	[tilespmem:s28], [sflag:$0x1] =	stream.indirect.gather @!p1 [hbm4b:s1+s22], $0x40, s26, s22, $0xb8;
	[tilespmem:$0x1EC80] =	vst v63  }
0x6c: {  	s26 =	simm.s32 @!p1 $0x1  }
0x6d: {  	_ =	swait.ge @!p1 [sflag:s26], $0x2000  }
0x6e: {  	[sflag:s26] =	ssyncset.done @!p1 $0x0  }
0x6f: {  	s30 =	simm.s32 @!p1 $0x9000;
	s28 =	sadd.s32 @!p1 $0x2900, s21;
	[sflag:s26] =	ssyncadd.s32 @!p1 $0xFFFFE000  }
0x70: {  	[spmem:s3] =	stream.indirect.scatter.add.bf16 @!p1 [tilespmem:s30], [sflag:$0x4], $0x40, s28, s22, $0xb8;
	[tilespmem:$0x1EC80] =	vst v63  }
0x71: {  	s28 =	simm.s32 @!p1 $0x3  }
0x72: {  	_ =	swait.ge @!p1 [sflag:s28], $0x2000  }
0x73: {  	[sflag:s28] =	ssyncset.done @!p1 $0x0  }
0x74: {  	s13 =	simm.s32 @!p1 $0x7000;
	[sflag:s28] =	ssyncadd.s32 @!p1 $0xFFFFE000;
	s28 =	sadd.s32 @!p1 $0x480, s21  }
0x75: {  	[tilespmem:s13], [sflag:$0x1] =	stream.indirect.gather @!p1 [hbm4b:s1+s22], $0x40, s28, s22, $0xb8;
	[tilespmem:$0x1EC80] =	vst v63  }
0x76: {  	_ =	swait.ge [sflag:s0], $0x2000  }
0x77: {  	[sflag:s0] =	ssyncset.done $0x0  }
0x78: {  	s28 =	sadd.s32 $0x2980, s12;
	[sflag:s0] =	ssyncadd.s32 $0xFFFFE000  }
0x79: {  	[spmem:s3] =	stream.indirect.scatter.add.bf16 [tilespmem:s24], [sflag:$0x5], $0x40, s28, s18, $0xb8;
	[tilespmem:$0x1EC80] =	vst v63  }
0x7a: {  	_ =	swait.ge [sflag:s4], $0x2000  }
0x7b: {  	[sflag:s4] =	ssyncset.done $0x0  }
0x7c: {  	[sflag:s4] =	ssyncadd.s32 $0xFFFFE000  }
0x7d: {  	_ =	swait.ge @p1 [sflag:s23], $0x2000  }
0x7e: {  	[sflag:s23] =	ssyncset.done @p1 $0x0  }
0x7f: {  	s13 =	sadd.s32 @p1 $0x2A00, s8;
	s28 =	simm.s32 @p1 $0xD000;
	[sflag:s23] =	ssyncadd.s32 @p1 $0xFFFFE000  }
0x80: {  	[spmem:s3] =	stream.indirect.scatter.add.bf16 @p1 [tilespmem:s28], [sflag:$0x6], $0x40, s13, s25, $0xb8;
	[tilespmem:$0x1EC80] =	vst v63  }
0x81: {  	s13 =	simm.s32 @p1 $0x5  }
0x82: {  	_ =	swait.ge @p1 [sflag:s13], $0x2000  }
0x83: {  	[sflag:s13] =	ssyncset.done @p1 $0x0  }
0x84: {  	[sflag:s13] =	ssyncadd.s32 @p1 $0xFFFFE000;
	s13 =	sadd.s32 @!p1 $0x500, s21  }
0x85: {  	[tilespmem:s30], [sflag:$0x1] =	stream.indirect.gather @!p1 [hbm4b:s1+s22], $0x40, s13, s22, $0xb8;
	[tilespmem:$0x1EC80] =	vst v63  }
0x86: {  	_ =	swait.ge @!p1 [sflag:s26], $0x2000  }
0x87: {  	[sflag:s26] =	ssyncset.done @!p1 $0x0  }
0x88: {  	s28 =	simm.s32 @!p1 $0xD000;
	s13 =	sadd.s32 @!p1 $0x2A00, s21;
	[sflag:s26] =	ssyncadd.s32 @!p1 $0xFFFFE000  }
0x89: {  	[spmem:s3] =	stream.indirect.scatter.add.bf16 @!p1 [tilespmem:s28], [sflag:$0x6], $0x40, s13, s22, $0xb8;
	[tilespmem:$0x1EC80] =	vst v63  }
0x8a: {  	s13 =	simm.s32 @!p1 $0x5  }
0x8b: {  	_ =	swait.ge @!p1 [sflag:s13], $0x2000  }
0x8c: {  	[sflag:s13] =	ssyncset.done @!p1 $0x0  }
0x8d: {  	s30 =	simm.s32 @!p1 $0xB000;
	[sflag:s13] =	ssyncadd.s32 @!p1 $0xFFFFE000;
	s13 =	sadd.s32 @!p1 $0x580, s21  }
0x8e: {  	[tilespmem:s30], [sflag:$0x1] =	stream.indirect.gather @!p1 [hbm4b:s1+s22], $0x40, s13, s22, $0xb8;
	[tilespmem:$0x1EC80] =	vst v63  }
0x8f: {  	_ =	swait.ge [sflag:s0], $0x2000  }
0x90: {  	[sflag:s0] =	ssyncset.done $0x0  }
0x91: {  	s30 =	sadd.s32 $0x2A80, s12;
	[sflag:s0] =	ssyncadd.s32 $0xFFFFE000  }
0x92: {  	[spmem:s3] =	stream.indirect.scatter.add.bf16 [tilespmem:s29], [sflag:$0x7], $0x40, s30, s18, $0xb8;
	[tilespmem:$0x1EC80] =	vst v63  }
0x93: {  	_ =	swait.ge [sflag:s6], $0x2000  }
0x94: {  	[sflag:s6] =	ssyncset.done $0x0  }
0x95: {  	[sflag:s6] =	ssyncadd.s32 $0xFFFFE000  }
0x96: {  	_ =	swait.ge @p1 [sflag:s23], $0x2000  }
0x97: {  	[sflag:s23] =	ssyncset.done @p1 $0x0  }
0x98: {  	s8 =	sadd.s32 @p1 $0x2B00, s8;
	s13 =	simm.s32 @p1 $0x11000;
	[sflag:s23] =	ssyncadd.s32 @p1 $0xFFFFE000  }
0x99: {  	[spmem:s3] =	stream.indirect.scatter.add.bf16 @p1 [tilespmem:s13], [sflag:$0x8], $0x40, s8, s25, $0xb8;
	[tilespmem:$0x1EC80] =	vst v63  }
0x9a: {  	s8 =	simm.s32 @p1 $0x7  }
0x9b: {  	_ =	swait.ge @p1 [sflag:s8], $0x2000  }
0x9c: {  	[sflag:s8] =	ssyncset.done @p1 $0x0  }
0x9d: {  	[sflag:s8] =	ssyncadd.s32 @p1 $0xFFFFE000;
	s8 =	sadd.s32 @!p1 $0x600, s21  }
0x9e: {  	[tilespmem:s28], [sflag:$0x1] =	stream.indirect.gather @!p1 [hbm4b:s1+s22], $0x40, s8, s22, $0xb8;
	[tilespmem:$0x1EC80] =	vst v63  }
0x9f: {  	_ =	swait.ge @!p1 [sflag:s26], $0x2000  }
0xa0: {  	[sflag:s26] =	ssyncset.done @!p1 $0x0  }
0xa1: {  	s13 =	simm.s32 @!p1 $0x11000;
	s8 =	sadd.s32 @!p1 $0x2B00, s21;
	[sflag:s26] =	ssyncadd.s32 @!p1 $0xFFFFE000  }
0xa2: {  	[spmem:s3] =	stream.indirect.scatter.add.bf16 @!p1 [tilespmem:s13], [sflag:$0x8], $0x40, s8, s22, $0xb8;
	[tilespmem:$0x1EC80] =	vst v63  }
0xa3: {  	s8 =	simm.s32 @!p1 $0x7  }
0xa4: {  	_ =	swait.ge @!p1 [sflag:s8], $0x2000  }
0xa5: {  	[sflag:s8] =	ssyncset.done @!p1 $0x0  }
0xa6: {  	s13 =	simm.s32 @!p1 $0xF000;
	[sflag:s8] =	ssyncadd.s32 @!p1 $0xFFFFE000;
	s8 =	sadd.s32 @!p1 $0x680, s21  }
0xa7: {  	[tilespmem:s13], [sflag:$0x1] =	stream.indirect.gather @!p1 [hbm4b:s1+s22], $0x40, s8, s22, $0xb8;
	[tilespmem:$0x1EC80] =	vst v63  }
0xa8: {  	_ =	swait.ge [sflag:s0], $0x2000  }
0xa9: {  	[sflag:s0] =	ssyncset.done $0x0  }
.Ltmp3:
0xaa: {  	s30 =	sadd.s32 $0x2B80, s12;
	[sflag:s0] =	ssyncadd.s32 $0xFFFFE000;
	(pc) =	sbr.rel @p1 .LBB2_6-.Ltmp3, $4  }
0xab: {  	[spmem:s3] =	stream.indirect.scatter.add.bf16 [tilespmem:s2], [sflag:$0x9], $0x40, s30, s18, $0xb8;
	[tilespmem:$0x1EC80] =	vst v63  }
0xac: {  	_ =	swait.ge [sflag:s7], $0x2000  }
0xad: {  	[sflag:s7] =	ssyncset.done $0x0  }
0xae: {  	[sflag:s7] =	ssyncadd.s32 $0xFFFFE000  }
.Ltmp4:
0xaf: {  	(pc) =	sbr.rel .LBB2_4-.Ltmp4, $3  }
0xb0: {  	_ =	sdelay $0x1  }
0xb1: {  	s8 =	sadd.s32 $0x700, s12;
	s11 =	sadd.s32 $0x1000, s11  }
0xb2: {  	[tilespmem:s31], [sflag:$0x1] =	stream.indirect.gather [hbm4b:s1+s18], $0x40, s8, s18, $0xb8;
	[tilespmem:$0x1EC80] =	vst v63  }
.LBB2_6:
0xb3: {  	_ =	swait.ge [sflag:s9], $0x2000  }
0xb4: {  	[sflag:s9] =	ssyncset.done $0x0  }
0xb5: {  	[sflag:s9] =	ssyncadd.s32 $0xFFFFE000  }
0xb6: {  	[bflag:$0x0] =	sbarrier.arrive $0xFFFF  }
0xb7: {  	s8 =	simm.s32 @p0 $0x1FCA;
	s11 =	rddreg [dreg:$0x7]  }
0xb8: {  	[hbm:s11], [sflag:s8] =	dma.local @p0 [spmem:s15], $0x1400  }
0xb9: {  	s8 =	simm.s32 @p0 $0xA  }
0xba: {  	_ =	swait.ge @p0 [sflag:s8], $0x1400  }
0xbb: {  	[sflag:s8] =	ssyncset.done @p0 $0x0  }
0xbc: {  	[sflag:s8] =	ssyncadd.s32 @p0 $0xFFFFEC00;
	s8 =	rddreg [dreg:$0x6]  }
0xbd: {  	[hbm:s8], [sflag:s16] =	dma.local @!p0 [spmem:s17], $0x1380  }
0xbe: {  	s8 =	simm.s32 @!p0 $0xA  }
0xbf: {  	_ =	swait.ge @!p0 [sflag:s8], $0x1380  }
0xc0: {  	[sflag:s8] =	ssyncset.done @!p0 $0x0  }
0xc1: {  	s11 =	simm.s32 $0x40;
	[sflag:s8] =	ssyncadd.s32 @!p0 $0xFFFFEC80;
	s8 =	simm.s32 $0x0  }
.LBB2_7:
0xc2: {  	p1 =	sne.s32 s11, $0x9FC0;
	v1 =	vld [tilespmem:s8+$0x0];
	_ =	sdelay $0x1  }
.Ltmp5:
0xc3: {  	(pc) =	sbr.rel @p1 .LBB2_7-.Ltmp5, $3  }
0xc4: {  	_ =	sdelay $0x1  }
0xc5: {  	v1 =	vadd.s32 $0x2710, v1  }
0xc6: {  	[tilespmem:s8+$0x0] =	vst v1;
	s8 =	sshra.s32 s11, $0x2;
	s11 =	sadd.s32 $0x40, s11  }
0xc7: {  	v1 =	vld [tilespmem:s8+$0x0];
	_ =	sdelay $0x4  }
0xc8: {  	v1 =	vadd.s32 $0x2710, v1  }
0xc9: {  	[tilespmem:s8+$0x0] =	vst v1;
	s8 =	simm.s32 @p0 $0x1FCA  }
0xca: {  	[spmem:s15], [sflag:s8] =	dma.local @p0 [hbm:s5], $0x1480  }
0xcb: {  	s8 =	simm.s32 @p0 $0xA  }
0xcc: {  	_ =	swait.ge @p0 [sflag:s8], $0x1480  }
0xcd: {  	[sflag:s8] =	ssyncset.done @p0 $0x0  }
0xce: {  	[sflag:s8] =	ssyncadd.s32 @p0 $0xFFFFEB80;
	s8 =	simm.s32 @!p0 $0xA  }
0xcf: {  	[spmem:s17], [sflag:s16] =	dma.local @!p0 [hbm:s5], $0x1380  }
0xd0: {  	_ =	swait.ge @!p0 [sflag:s8], $0x1380  }
0xd1: {  	[sflag:s8] =	ssyncset.done @!p0 $0x0  }
0xd2: {  	[sflag:s8] =	ssyncadd.s32 @!p0 $0xFFFFEC80  }
0xd3: {  	s11 =	simm.s32 $0x0;
	[bflag:$0x0] =	sbarrier.arrive $0xFFFF  }
0xd4: {  	[tilespmem:s19], [sflag:$0x1] =	stream.indirect.gather [hbm4b:s1+s18], $0x40, s11, s18, $0xb8;
	[tilespmem:$0x1EC80] =	vst v63  }
0xd5: {  	_ = 	snop  }
0xd6: {  	[tilespmem:s20], [sflag:$0x1] =	stream.indirect.gather [hbm4b:s1+s18], $0x40, s18, s18, $0xb8;
	[tilespmem:$0x1EC80] =	vst v63  }
0xd7: {  	s22 =	simm.s32 $0x100;
	s12 =	simm.s32 $0x9000  }
0xd8: {  	[tilespmem:s12], [sflag:$0x1] =	stream.indirect.gather [hbm4b:s1+s18], $0x40, s22, s18, $0xb8;
	[tilespmem:$0x1EC80] =	vst v63  }
0xd9: {  	s23 =	simm.s32 $0x180  }
0xda: {  	[tilespmem:s24], [sflag:$0x1] =	stream.indirect.gather [hbm4b:s1+s18], $0x40, s23, s18, $0xb8;
	[tilespmem:$0x1EC80] =	vst v63  }
0xdb: {  	s25 =	simm.s32 $0x200;
	s26 =	simm.s32 $0xD000  }
0xdc: {  	[tilespmem:s26], [sflag:$0x1] =	stream.indirect.gather [hbm4b:s1+s18], $0x40, s25, s18, $0xb8;
	[tilespmem:$0x1EC80] =	vst v63  }
0xdd: {  	s28 =	simm.s32 $0x280  }
0xde: {  	[tilespmem:s29], [sflag:$0x1] =	stream.indirect.gather [hbm4b:s1+s18], $0x40, s28, s18, $0xb8;
	[tilespmem:$0x1EC80] =	vst v63  }
0xdf: {  	s30 =	simm.s32 $0x300  }
0xe0: {  	[tilespmem:s31], [sflag:$0x1] =	stream.indirect.gather [hbm4b:s1+s18], $0x40, s30, s18, $0xb8;
	[tilespmem:$0x1EC80] =	vst v63  }
.LBB2_9:
0xe1: {  	_ =	swait.ge [sflag:s0], $0x2000  }
0xe2: {  	s12 =	sshra.s32 s11, $0x2;
	[sflag:s0] =	ssyncset.done $0x0  }
0xe3: {  	p1 =	seq.s32 s11, $0x0;
	s8 =	sadd.s32 $0x2800, s12;
	[sflag:s0] =	ssyncadd.s32 $0xFFFFE000  }
0xe4: {  	[spmem:s3] =	stream.indirect.scatter.add.bf16 [tilespmem:s19], [sflag:$0x2], $0x40, s8, s18, $0xb8;
	[tilespmem:$0x1EC80] =	vst v63  }
0xe5: {  	s8 =	simm.s32 @!p1 $0x9  }
0xe6: {  	_ =	swait.ge @!p1 [sflag:s8], $0x2000  }
0xe7: {  	[sflag:s8] =	ssyncset.done @!p1 $0x0  }
0xe8: {  	s26 =	sadd.s32 $0x380, s12;
	[sflag:s8] =	ssyncadd.s32 @!p1 $0xFFFFE000  }
0xe9: {  	[tilespmem:s2], [sflag:$0x1] =	stream.indirect.gather [hbm4b:s1+s18], $0x40, s26, s18, $0xb8;
	[tilespmem:$0x1EC80] =	vst v63  }
0xea: {  	_ =	swait.ge [sflag:s0], $0x2000  }
0xeb: {  	[sflag:s0] =	ssyncset.done $0x0  }
0xec: {  	s28 =	sadd.s32 $0x2880, s12;
	[sflag:s0] =	ssyncadd.s32 $0xFFFFE000  }
0xed: {  	[spmem:s3] =	stream.indirect.scatter.add.bf16 [tilespmem:s20], [sflag:$0x3], $0x40, s28, s18, $0xb8;
	[tilespmem:$0x1EC80] =	vst v63  }
0xee: {  	_ =	swait.ge [sflag:s14], $0x2000  }
0xef: {  	p1 =	seq.s32 s11, $0x9000;
	[sflag:s14] =	ssyncset.done $0x0  }
0xf0: {  	s23 =	simm.s32 @p1 $0x1;
	[sflag:s14] =	ssyncadd.s32 $0xFFFFE000  }
0xf1: {  	_ =	swait.ge @p1 [sflag:s23], $0x2000  }
0xf2: {  	s8 =	sshra.s32 @p1 s11, $0x2;
	s25 =	simm.s32 @p1 $0x80;
	[sflag:s23] =	ssyncset.done @p1 $0x0  }
0xf3: {  	s21 =	simm.s32 @p1 $0x9000;
	s13 =	sadd.s32 @p1 $0x2900, s8;
	[sflag:s23] =	ssyncadd.s32 @p1 $0xFFFFE000  }
0xf4: {  	[spmem:s3] =	stream.indirect.scatter.add.bf16 @p1 [tilespmem:s21], [sflag:$0x4], $0x40, s13, s25, $0xb8;
	[tilespmem:$0x1EC80] =	vst v63  }
0xf5: {  	s13 =	simm.s32 @p1 $0x3  }
0xf6: {  	_ =	swait.ge @p1 [sflag:s13], $0x2000  }
0xf7: {  	s22 =	simm.s32 @!p1 $0x80;
	s21 =	sshra.s32 @!p1 s11, $0x2;
	[sflag:s13] =	ssyncset.done @p1 $0x0  }
0xf8: {  	s26 =	simm.s32 @!p1 $0x5000;
	[sflag:s13] =	ssyncadd.s32 @p1 $0xFFFFE000;
	s13 =	sadd.s32 @!p1 $0x400, s21  }
0xf9: {  	[tilespmem:s26], [sflag:$0x1] =	stream.indirect.gather @!p1 [hbm4b:s1+s22], $0x40, s13, s22, $0xb8;
	[tilespmem:$0x1EC80] =	vst v63  }
0xfa: {  	s26 =	simm.s32 @!p1 $0x1  }
0xfb: {  	_ =	swait.ge @!p1 [sflag:s26], $0x2000  }
0xfc: {  	[sflag:s26] =	ssyncset.done @!p1 $0x0  }
0xfd: {  	s28 =	simm.s32 @!p1 $0x9000;
	s13 =	sadd.s32 @!p1 $0x2900, s21;
	[sflag:s26] =	ssyncadd.s32 @!p1 $0xFFFFE000  }
0xfe: {  	[spmem:s3] =	stream.indirect.scatter.add.bf16 @!p1 [tilespmem:s28], [sflag:$0x4], $0x40, s13, s22, $0xb8;
	[tilespmem:$0x1EC80] =	vst v63  }
0xff: {  	s13 =	simm.s32 @!p1 $0x3  }
0x100: {  	_ =	swait.ge @!p1 [sflag:s13], $0x2000  }
0x101: {  	[sflag:s13] =	ssyncset.done @!p1 $0x0  }
0x102: {  	s30 =	simm.s32 @!p1 $0x7000;
	[sflag:s13] =	ssyncadd.s32 @!p1 $0xFFFFE000;
	s13 =	sadd.s32 @!p1 $0x480, s21  }
0x103: {  	[tilespmem:s30], [sflag:$0x1] =	stream.indirect.gather @!p1 [hbm4b:s1+s22], $0x40, s13, s22, $0xb8;
	[tilespmem:$0x1EC80] =	vst v63  }
0x104: {  	_ =	swait.ge [sflag:s0], $0x2000  }
0x105: {  	[sflag:s0] =	ssyncset.done $0x0  }
0x106: {  	s30 =	sadd.s32 $0x2980, s12;
	[sflag:s0] =	ssyncadd.s32 $0xFFFFE000  }
0x107: {  	[spmem:s3] =	stream.indirect.scatter.add.bf16 [tilespmem:s24], [sflag:$0x5], $0x40, s30, s18, $0xb8;
	[tilespmem:$0x1EC80] =	vst v63  }
0x108: {  	_ =	swait.ge [sflag:s4], $0x2000  }
0x109: {  	[sflag:s4] =	ssyncset.done $0x0  }
0x10a: {  	[sflag:s4] =	ssyncadd.s32 $0xFFFFE000  }
0x10b: {  	_ =	swait.ge @p1 [sflag:s23], $0x2000  }
0x10c: {  	[sflag:s23] =	ssyncset.done @p1 $0x0  }
0x10d: {  	s13 =	sadd.s32 @p1 $0x2A00, s8;
	s30 =	simm.s32 @p1 $0xD000;
	[sflag:s23] =	ssyncadd.s32 @p1 $0xFFFFE000  }
0x10e: {  	[spmem:s3] =	stream.indirect.scatter.add.bf16 @p1 [tilespmem:s30], [sflag:$0x6], $0x40, s13, s25, $0xb8;
	[tilespmem:$0x1EC80] =	vst v63  }
0x10f: {  	s13 =	simm.s32 @p1 $0x5  }
0x110: {  	_ =	swait.ge @p1 [sflag:s13], $0x2000  }
0x111: {  	[sflag:s13] =	ssyncset.done @p1 $0x0  }
0x112: {  	[sflag:s13] =	ssyncadd.s32 @p1 $0xFFFFE000;
	s13 =	sadd.s32 @!p1 $0x500, s21  }
0x113: {  	[tilespmem:s28], [sflag:$0x1] =	stream.indirect.gather @!p1 [hbm4b:s1+s22], $0x40, s13, s22, $0xb8;
	[tilespmem:$0x1EC80] =	vst v63  }
0x114: {  	_ =	swait.ge @!p1 [sflag:s26], $0x2000  }
0x115: {  	[sflag:s26] =	ssyncset.done @!p1 $0x0  }
0x116: {  	s13 =	sadd.s32 @!p1 $0x2A00, s21;
	s28 =	simm.s32 @!p1 $0xD000;
	[sflag:s26] =	ssyncadd.s32 @!p1 $0xFFFFE000  }
0x117: {  	[spmem:s3] =	stream.indirect.scatter.add.bf16 @!p1 [tilespmem:s28], [sflag:$0x6], $0x40, s13, s22, $0xb8;
	[tilespmem:$0x1EC80] =	vst v63  }
0x118: {  	s13 =	simm.s32 @!p1 $0x5  }
0x119: {  	_ =	swait.ge @!p1 [sflag:s13], $0x2000  }
0x11a: {  	[sflag:s13] =	ssyncset.done @!p1 $0x0  }
0x11b: {  	s30 =	simm.s32 @!p1 $0xB000;
	[sflag:s13] =	ssyncadd.s32 @!p1 $0xFFFFE000;
	s13 =	sadd.s32 @!p1 $0x580, s21  }
0x11c: {  	[tilespmem:s30], [sflag:$0x1] =	stream.indirect.gather @!p1 [hbm4b:s1+s22], $0x40, s13, s22, $0xb8;
	[tilespmem:$0x1EC80] =	vst v63  }
0x11d: {  	_ =	swait.ge [sflag:s0], $0x2000  }
0x11e: {  	[sflag:s0] =	ssyncset.done $0x0  }
0x11f: {  	s30 =	sadd.s32 $0x2A80, s12;
	[sflag:s0] =	ssyncadd.s32 $0xFFFFE000  }
0x120: {  	[spmem:s3] =	stream.indirect.scatter.add.bf16 [tilespmem:s29], [sflag:$0x7], $0x40, s30, s18, $0xb8;
	[tilespmem:$0x1EC80] =	vst v63  }
0x121: {  	_ =	swait.ge [sflag:s6], $0x2000  }
0x122: {  	[sflag:s6] =	ssyncset.done $0x0  }
0x123: {  	[sflag:s6] =	ssyncadd.s32 $0xFFFFE000  }
0x124: {  	_ =	swait.ge @p1 [sflag:s23], $0x2000  }
0x125: {  	[sflag:s23] =	ssyncset.done @p1 $0x0  }
0x126: {  	s8 =	sadd.s32 @p1 $0x2B00, s8;
	s13 =	simm.s32 @p1 $0x11000;
	[sflag:s23] =	ssyncadd.s32 @p1 $0xFFFFE000  }
0x127: {  	[spmem:s3] =	stream.indirect.scatter.add.bf16 @p1 [tilespmem:s13], [sflag:$0x8], $0x40, s8, s25, $0xb8;
	[tilespmem:$0x1EC80] =	vst v63  }
0x128: {  	s8 =	simm.s32 @p1 $0x7  }
0x129: {  	_ =	swait.ge @p1 [sflag:s8], $0x2000  }
0x12a: {  	[sflag:s8] =	ssyncset.done @p1 $0x0  }
0x12b: {  	[sflag:s8] =	ssyncadd.s32 @p1 $0xFFFFE000;
	s8 =	sadd.s32 @!p1 $0x600, s21  }
0x12c: {  	[tilespmem:s28], [sflag:$0x1] =	stream.indirect.gather @!p1 [hbm4b:s1+s22], $0x40, s8, s22, $0xb8;
	[tilespmem:$0x1EC80] =	vst v63  }
0x12d: {  	_ =	swait.ge @!p1 [sflag:s26], $0x2000  }
0x12e: {  	[sflag:s26] =	ssyncset.done @!p1 $0x0  }
0x12f: {  	s13 =	simm.s32 @!p1 $0x11000;
	s8 =	sadd.s32 @!p1 $0x2B00, s21;
	[sflag:s26] =	ssyncadd.s32 @!p1 $0xFFFFE000  }
0x130: {  	[spmem:s3] =	stream.indirect.scatter.add.bf16 @!p1 [tilespmem:s13], [sflag:$0x8], $0x40, s8, s22, $0xb8;
	[tilespmem:$0x1EC80] =	vst v63  }
0x131: {  	s8 =	simm.s32 @!p1 $0x7  }
0x132: {  	_ =	swait.ge @!p1 [sflag:s8], $0x2000  }
0x133: {  	[sflag:s8] =	ssyncset.done @!p1 $0x0  }
0x134: {  	s13 =	simm.s32 @!p1 $0xF000;
	[sflag:s8] =	ssyncadd.s32 @!p1 $0xFFFFE000;
	s8 =	sadd.s32 @!p1 $0x680, s21  }
0x135: {  	[tilespmem:s13], [sflag:$0x1] =	stream.indirect.gather @!p1 [hbm4b:s1+s22], $0x40, s8, s22, $0xb8;
	[tilespmem:$0x1EC80] =	vst v63  }
0x136: {  	_ =	swait.ge [sflag:s0], $0x2000  }
0x137: {  	[sflag:s0] =	ssyncset.done $0x0  }
.Ltmp6:
0x138: {  	s30 =	sadd.s32 $0x2B80, s12;
	[sflag:s0] =	ssyncadd.s32 $0xFFFFE000;
	(pc) =	sbr.rel @p1 .LBB2_11-.Ltmp6, $4  }
0x139: {  	[spmem:s3] =	stream.indirect.scatter.add.bf16 [tilespmem:s2], [sflag:$0x9], $0x40, s30, s18, $0xb8;
	[tilespmem:$0x1EC80] =	vst v63  }
0x13a: {  	_ =	swait.ge [sflag:s7], $0x2000  }
0x13b: {  	[sflag:s7] =	ssyncset.done $0x0  }
0x13c: {  	[sflag:s7] =	ssyncadd.s32 $0xFFFFE000  }
.Ltmp7:
0x13d: {  	(pc) =	sbr.rel .LBB2_9-.Ltmp7, $3  }
0x13e: {  	_ =	sdelay $0x1  }
0x13f: {  	s8 =	sadd.s32 $0x700, s12;
	s11 =	sadd.s32 $0x1000, s11  }
0x140: {  	[tilespmem:s31], [sflag:$0x1] =	stream.indirect.gather [hbm4b:s1+s18], $0x40, s8, s18, $0xb8;
	[tilespmem:$0x1EC80] =	vst v63  }
.LBB2_12:
0x141: {  	_ =	sfence.sel $0x180000  }
0x142: {  	[bflag:$0x0] =	sbarrier.arrive $0xFFFF  }
0x143: {  	_ =	strace $0x9000004A  }
0x144: {  	s0 =	stileid.u32;
	[bflag:$0x2] =	sbarrier.arrive $0xFFFF  }
0x145: {  	p0 =	sne.s32 s0, $0x0;
	s0 =	rddreg [dreg:$0x3]  }
0x146: {  	s0 =	sadd.s32 @!p0 $0x100000, s0  }
0x147: {  	[sflag:s0] =	ssyncadd.tile.s32 @!p0 $0x1;
	_ =	shalt  }
.Lfunc_end2:
_tile_overlayer_lowered:
.L_overlay_start_2:
0x148: {  	(tag) =	ssettag $0x2  }
0x149: {  	s0 =	rddreg [dreg:$0x0];
	s2 =	stileid.u32  }
0x14a: {  	s1 =	rddreg [dreg:$0x1];
	p0 =	sne.s32 s2, $0x0  }
0x14b: {  	s3 =	rddreg [dreg:$0x2];
	[bflag:$0x3] =	sbarrier.arrive $0xFFFF;
	s2 =	simm.s32 @!p0 $0x1C0A  }
0x14c: {  	[timem:s3], [sflag:s2] =	dma.local @!p0 [hbm:s0], s1  }
0x14d: {  	s0 =	simm.s32 @!p0 $0xA  }
0x14e: {  	_ =	swait.ge @!p0 [sflag:s0], s1  }
0x14f: {  	s1 =	ssub.s32 @!p0 $0x0, s1;
	[sflag:s0] =	ssyncset.done @!p0 $0x0  }
0x150: {  	[sflag:s0] =	ssyncadd.s32 @!p0 s1  }
0x151: {  	[bflag:$0x3] =	sbarrier.arrive $0xFFFF  }
0x152: {  	_ =	shalt  }

// kernel: kernel.16.cloned.1.call-start
scs
__scs_entry_jumppad:
0x0: {  	(pc) =	sbr.rel $0x88, $3  }
0x1: {  	(tag) =	ssettag $0x0;
	lr =	simm.s32 $0x1  }
0x2: {  	[smem:$0x3F96] =	sst lr;
	_ =	strace $0xD0000000  }
0x3: {  	_ = 	snop  }
0x4: {  	_ = 	snop  }
0x5: {  	_ = 	snop  }
0x6: {  	_ = 	snop  }
0x7: {  	_ = 	snop  }
__scs_overlays_trampoline_lowered:
0x8: {  	[smem:$0x3FA5] =	sst s0  }
0x9: {  	[smem:$0x3FA6] =	sst s1  }
0xa: {  	[smem:$0x3FA7] =	sst s2  }
0xb: {  	[smem:$0x3FA8] =	sst s3  }
0xc: {  	[smem:$0x3FA9] =	sst s4  }
0xd: {  	[smem:$0x3FAA] =	sst s5  }
0xe: {  	[smem:$0x3FAB] =	sst s6  }
0xf: {  	[smem:$0x3FAC] =	sst s7  }
0x10: {  	[smem:$0x3FAD] =	sst s8  }
0x11: {  	[smem:$0x3FAE] =	sst s9;
	s0 =	simm.s32 @!p0 $0x0  }
0x12: {  	s1 =	sld [smem:$0x3F94];
	s0 =	simm.s32 @p0 $0x1  }
0x13: {  	[smem:$0x3FAF] =	sst s0;
	s0 =	simm.s32 @!p1 $0x0  }
0x14: {  	s2 =	sld [smem:$0x3F93];
	s0 =	simm.s32 @p1 $0x1  }
0x15: {  	[smem:$0x3FB0] =	sst s0;
	s0 =	simm.s32 @!p2 $0x0  }
0x16: {  	s3 =	sld [smem:$0x3FDB];
	s0 =	simm.s32 @p2 $0x1  }
0x17: {  	s4 =	simm.s32 $0x1BF5;
	[smem:$0x3FB2] =	sst s0  }
0x18: {  	s0 =	sld [smem:$0x3F95];
	_ =	swait.ge [sflag:s4], $0x0  }
0x19: {  	s7 =	sld [smem:$0x3F96]  }
0x1a: {  	s8 =	sadd.s32 $0xFFFFE003, lr  }
0x1b: {  	s9 =	sadd.s32 $0xFFFFFEF7, lr;
	s5 =	simm.s32 $0xFFFFFFFF;
	p2 =	slt.u32 s8, $0xFFFFF086  }
0x1c: {  	p1 =	slt.u32 s9, $0xF7A;
	s5 =	simm.s32 @!p2 $0x0  }
0x1d: {  	s5 =	simm.s32 @p1 $0x1;
	p0 =	seq.s32 s7, s2  }
0x1e: {  	s7 =	smul.u32 @!p0 $0xF7A, s2;
	p2 =	seq.s32 @!p0 s5, $0x0  }
0x1f: {  	s9 =	smul.u32 $0xF7A, s1;
	s8 =	simm.s32 @!p0 $0x1BF5;
	p2 =	por !p2, p0  }
0x20: {  	[sflag:s8] =	ssyncset.s32 @!p0 $0xFFFFF086;
	s6 =	sadd.s32 @!p0 s3, s7;
	s7 =	simm.s32 @!p0 $0x108  }
0x21: {  	s3 =	sadd.s32 s3, s9;
	s6 =	sadd.s32 @!p0 $0x88, s6;
	s7 =	simm.s32 @p2 $0x1082  }
0x22: {  	[simem:s7], [sflag:s8] =	dma.local @!p0 [hbm:s6], $0xF7A  }
0x23: {  	s9 =	sor.u32 $0xD0000000, s2;
	s6 =	simm.s32 $0x108;
	_ =	swait.ge @!p0 [sflag:s8], $0x0  }
0x24: {  	s3 =	sadd.s32 $0x88, s3;
	s6 =	simm.s32 @!p1 $0x1082;
	[sflag:s4] =	ssyncset.s32 $0xFFFFF086  }
0x25: {  	[simem:s6], [sflag:s4] =	dma.local [hbm:s3], $0xF7A  }
0x26: {  	[smem:$0x3F96] =	sst s1;
	(tag) =	ssettag s2;
	_ =	strace s9  }
0x27: {  	s1 =	sld [smem:$0x3FA6]  }
0x28: {  	s2 =	sld [smem:$0x3FA7]  }
0x29: {  	s4 =	sld [smem:$0x3FA9]  }
0x2a: {  	p0 =	seq.s32 s5, $0x0;
	s5 =	sld [smem:$0x3FAA]  }
0x2b: {  	s6 =	sld [smem:$0x3FAB]  }
0x2c: {  	s7 =	sld [smem:$0x3FAC]  }
0x2d: {  	s3 =	simm.s32 $0x108;
	s8 =	sld [smem:$0x3FAD]  }
0x2e: {  	s3 =	simm.s32 @!p0 $0x1082;
	s9 =	sld [smem:$0x3FAE]  }
0x2f: {  	lr =	sadd.s32 s0, s3;
	s0 =	sld [smem:$0x3FA5]  }
0x30: {  	s3 =	sld [smem:$0x3FA8]  }
0x31: {  	[smem:$0x3FB1] =	sst s10  }
0x32: {  	s10 =	sld [smem:$0x3FAF];
	_ =	sdelay $0x3  }
0x33: {  	p0 =	seq.s32 s10, $0x1;
	s10 =	sld [smem:$0x3FB1];
	_ =	sdelay $0x3  }
0x34: {  	[smem:$0x3FB1] =	sst s10  }
0x35: {  	s10 =	sld [smem:$0x3FB0];
	_ =	sdelay $0x3  }
0x36: {  	p1 =	seq.s32 s10, $0x1;
	s10 =	sld [smem:$0x3FB1];
	_ =	sdelay $0x3  }
0x37: {  	[smem:$0x3FB1] =	sst s10  }
0x38: {  	s10 =	sld [smem:$0x3FB2]  }
0x39: {  	_ = 	snop;
	(pc) =	sbr.ind lr, $3  }
0x3a: {  	_ = 	snop  }
0x3b: {  	_ = 	snop  }
0x3c: {  	p2 =	seq.s32 s10, $0x1;
	s10 =	sld [smem:$0x3FB1]  }
0x3d: {  	_ =	shalt  }
0x3e: {  	_ =	shalt  }
0x3f: {  	_ =	shalt  }
0x40: {  	_ =	shalt  }
0x41: {  	_ =	shalt  }
0x42: {  	_ =	shalt  }
0x43: {  	_ =	shalt  }
0x44: {  	_ =	shalt  }
0x45: {  	_ =	shalt  }
0x46: {  	_ =	shalt  }
0x47: {  	_ =	shalt  }
0x48: {  	_ =	shalt  }
0x49: {  	_ =	shalt  }
0x4a: {  	_ =	shalt  }
0x4b: {  	_ =	shalt  }
0x4c: {  	_ =	shalt  }
0x4d: {  	_ =	shalt  }
0x4e: {  	_ =	shalt  }
0x4f: {  	_ =	shalt  }
0x50: {  	_ =	shalt  }
0x51: {  	_ =	shalt  }
0x52: {  	_ =	shalt  }
0x53: {  	_ =	shalt  }
0x54: {  	_ =	shalt  }
0x55: {  	_ =	shalt  }
0x56: {  	_ =	shalt  }
0x57: {  	_ =	shalt  }
0x58: {  	_ =	shalt  }
0x59: {  	_ =	shalt  }
0x5a: {  	_ =	shalt  }
0x5b: {  	_ =	shalt  }
0x5c: {  	_ =	shalt  }
0x5d: {  	_ =	shalt  }
0x5e: {  	_ =	shalt  }
0x5f: {  	_ =	shalt  }
0x60: {  	_ =	shalt  }
0x61: {  	_ =	shalt  }
0x62: {  	_ =	shalt  }
0x63: {  	_ =	shalt  }
0x64: {  	_ =	shalt  }
0x65: {  	_ =	shalt  }
0x66: {  	_ =	shalt  }
0x67: {  	_ =	shalt  }
0x68: {  	_ =	shalt  }
0x69: {  	_ =	shalt  }
0x6a: {  	_ =	shalt  }
0x6b: {  	_ =	shalt  }
0x6c: {  	_ =	shalt  }
0x6d: {  	_ =	shalt  }
0x6e: {  	_ =	shalt  }
0x6f: {  	_ =	shalt  }
0x70: {  	_ =	shalt  }
0x71: {  	_ =	shalt  }
0x72: {  	_ =	shalt  }
0x73: {  	_ =	shalt  }
0x74: {  	_ =	shalt  }
0x75: {  	_ =	shalt  }
0x76: {  	_ =	shalt  }
0x77: {  	_ =	shalt  }
0x78: {  	_ =	shalt  }
0x79: {  	_ =	shalt  }
0x7a: {  	_ =	shalt  }
0x7b: {  	_ =	shalt  }
0x7c: {  	_ =	shalt  }
0x7d: {  	_ =	shalt  }
0x7e: {  	_ =	shalt  }
0x7f: {  	_ =	shalt  }
0x80: {  	_ =	shalt  }
0x81: {  	_ =	shalt  }
0x82: {  	_ =	shalt  }
0x83: {  	_ =	shalt  }
0x84: {  	_ =	shalt  }
0x85: {  	_ =	shalt  }
0x86: {  	_ =	shalt  }
0x87: {  	_ =	shalt  }
.Lfunc_end0:
.L_simem_size_0:
called_computation.2_lowered:
.L_overlay_start_0:
0x88: {  	s2 =	sld [smem:$0x3FD9]  }
0x89: {  	s3 =	sld [smem:$0x3FFE];
	_ =	sdelay $0x1  }
0x8a: {  	s1 =	srdreg.scid  }
0x8b: {  	s0 =	sand.u32 $0x1, s1  }
0x8c: {  	s17 =	sshll.u32 s0, $0xA;
	s2 =	sadd.s32 s3, s2  }
0x8d: {  	s2 =	sadd.s32 s2, s17  }
0x8e: {  	[smem:$0x3FBD] =	sst s2  }
0x8f: {  	_ = 	snop  }
0x90: {  	s2 =	sld [smem:$0x3FD0];
	(tm) =	ssettm $0x1  }
0x91: {  	s18 =	sld [smem:$0x3FFB];
	_ =	sdelay $0x3  }
0x92: {  	_ =	strace s18  }
0x93: {  	s3 =	sld [smem:$0x3FFC];
	_ =	sdelay $0x3  }
0x94: {  	_ =	strace s3  }
0x95: {  	s3 =	sld [smem:$0x3FFD];
	_ =	sdelay $0x3  }
0x96: {  	_ =	strace s3  }
0x97: {  	_ =	strace $0x8FFFFFFF  }
0x98: {  	s19 =	sld [smem:$0x3FDB];
	_ =	sdelay $0x1  }
0x99: {  	s4 =	simm.s32 $_scs_section_size  }
0x9a: {  	s5 =	simm.s32 $_size__tile_overlayer_lowered;
	s6 =	simm.s32 $_tile_overlayer_lowered  }
0x9b: {  	s22 =	simm.s32 $0x1BFF;
	s21 =	sshll.u32 s6, $0x1;
	s3 =	sadd.s32 s4, s19  }
0x9c: {  	s7 =	simm.s32 $0x0;
	s20 =	sshll.u32 s5, $0x1;
	s5 =	sadd.s32 s21, s3  }
0x9d: {  	[timem:s7], [sflag:s22] =	dma.local [hbm:s5], s20  }
0x9e: {  	_ =	swait.ge [sflag:s22], s20  }
0x9f: {  	s4 =	ssub.s32 $0x0, s20;
	[sflag:s22] =	ssyncset.done $0x0  }
0xa0: {  	[sflag:s22] =	ssyncadd.s32 s4;
	_ =	sdelay $0x1  }
0xa1: {  	s23 =	simm.s32 $0x1B8B  }
0xa2: {  	_ =	swait.ge [sflag:s23], $0x1  }
0xa3: {  	[sflag:s23] =	ssyncset.done $0x0  }
0xa4: {  	s25 =	simm.s32 $0x1B8E;
	s24 =	sld [smem:$0x3FFE];
	[sflag:s23] =	ssyncadd.s32 $0xFFFFFFFF  }
0xa5: {  	s26 =	simm.s32 $execute0_lowered;
	[smem:$0x3FD2] =	sst s25  }
0xa6: {  	s5 =	sshll.u32 s26, $0x1;
	_ =	strace $0x8000004C;
	[dreg:$0x1] =	wrdreg $0xFFFFFFFF  }
0xa7: {  	s28 =	simm.s32 $_size_execute0_lowered;
	s3 =	sadd.s32 s3, s5;
	[dreg:$0x0] =	wrdreg $0x0  }
0xa8: {  	s5 =	sshll.u32 s28, $0x1;
	[dreg:$0x2] =	wrdreg s3  }
0xa9: {  	[dreg:$0x3] =	wrdreg s5  }
0xaa: {  	[dreg:$0x4] =	wrdreg $0xC0  }
0xab: {  	_ =	task [dreg:s7], $0x5FFFF  }
0xac: {  	[dreg:$0x1] =	wrdreg $0xFFFFFFFF  }
0xad: {  	[dreg:$0x0] =	wrdreg $0x60  }
0xae: {  	[dreg:$0x2] =	wrdreg s2  }
0xaf: {  	[dreg:$0x3] =	wrdreg s24  }
0xb0: {  	[dreg:$0x4] =	wrdreg $0x150000  }
0xb1: {  	[dreg:$0x5] =	wrdreg $0x9  }
0xb2: {  	_ =	task.clear_ibuf [dreg:s7], $0x6FFFF;
	_ =	strace $0x9000004C  }
0xb3: {  	s29 =	simm.s32 $0x9;
	_ =	strace $0x8000004E  }
0xb4: {  	_ =	swait.ge [sflag:s29], $0x1  }
0xb5: {  	[sflag:s29] =	ssyncadd.s32 $0xFFFFFFFF  }
0xb6: {  	_ =	strace $0x9000004E  }
0xb7: {  	_ =	sfence  }
0xb8: {  	s30 =	sld [smem:$0x0];
	_ =	sdelay $0x2  }
0xb9: {  	s31 =	sshll.u32 s1, $0xD;
	s1 =	sshrl.u32 s1, $0x2  }
0xba: {  	s3 =	sand.u32 $0x4000, s31;
	s1 =	sadd.s32 s1, s30  }
0xbb: {  	s0 =	sor.u32 s3, s0;
	s1 =	sshll.u32 s1, $0x11  }
0xbc: {  	s0 =	sor.u32 s1, s0  }
0xbd: {  	s0 =	sadd.s32 $0x8F2B, s0  }
0xbe: {  	[sflag:s0] =	ssyncadd.remote.s32 $0x1  }
0xbf: {  	_ =	sfence.sel $0xFFFF  }
0xc0: {  	[dreg:$0x0] =	wrdreg $0xFFFFFFFF;
	(pc) =	sbr.abs _section_cstart, $3  }
0xc1: {  	[dreg:$0x1] =	wrdreg $0xFFFFFFFF  }
0xc2: {  	_ =	task.clear_ibuf [dreg:s7], $0x2FFFF;
	_ =	strace $0x9FFFFFFF  }
0xc3: {  	(tm) =	ssettm $0x7FFFFFFF  }
tec
execute0_lowered:
.L_overlay_start_1:
0x0: {  	(tag) =	ssettag $0x1  }
0x1: {  	s2 =	rddreg [dreg:$0x0]  }
0x2: {  	s0 =	rddreg [dreg:$0x1]  }
0x3: {  	s3 =	rddreg [dreg:$0x2]  }
0x4: {  	s13 =	stileid.u32;
	s5 =	simm.s32 $0x0;
	s4 =	srdreg.scid  }
0x5: {  	s11 =	simm.s32 $0xA;
	s16 =	simm.s32 $0x80;
	s17 =	simm.s32 $0x5000  }
0x6: {  	s18 =	simm.s32 $0x7000;
	s22 =	simm.s32 $0xB000;
	s29 =	simm.s32 $0x11000  }
0x7: {  	s30 =	simm.s32 $0x1;
	s31 =	simm.s32 $0x13000;
	s19 =	simm.s32 $0x8  }
0x8: {  	s21 =	simm.s32 $0x0;
	s1 =	smul.u32 $0x500, s13;
	[smem:$0x7FF] =	sst s5  }
0x9: {  	s4 =	sand.u32 $0x1, s4;
	s5 =	sadd.s32 $0x3200, s0;
	s8 =	smul.u32 $0x27000, s13  }
0xa: {  	s10 =	smul.u32 $0x270, s13;
	s12 =	sadd.s32 $0x92400, s3;
	p0 =	seq.s32 s13, $0xF  }
0xb: {  	_ =	strace $0x8000004D;
	s6 =	smul.u32 $0x2710, s4;
	s7 =	ssub.s32 $0x2, s4  }
0xc: {  	s4 =	smul.u32 $0x138800, s4;
	s1 =	sadd.s32 s1, s0;
	s0 =	sadd.s32 $0xE800, s0  }
0xd: {  	s9 =	sshrl.u32 s7, $0x1;
	s25 =	sshrl.u32 s8, $0x2;
	s24 =	sadd.s32 $0x4800, s1  }
0xe: {  	s7 =	ssub.s32 s7, s9;
	s1 =	sadd.s32 $0x9800, s1;
	[dreg:$0x4] =	wrdreg s24  }
0xf: {  	s26 =	sadd.s32 s10, s6;
	s4 =	sshrl.u32 s4, $0x4;
	[dreg:$0x5] =	wrdreg s1  }
0x10: {  	s1 =	sadd.s32 s25, s3;
	s8 =	sshll.u32 s26, $0x3;
	s28 =	smax.u32 s7, $0x1  }
.Ltmp0:
0x11: {  	s26 =	simm.s32 $0xF000;
	s8 =	sadd.s32 s0, s8;
	(pc) =	sbr.rel .LBB2_1-.Ltmp0, $4  }
0x12: {  	s0 =	sadd.s32 s0, s4;
	[dreg:$0x8] =	wrdreg s28;
	s15 =	sshrl.u32 @!p0 s1, $0x3  }
0x13: {  	s1 =	simm.s32 $0x4;
	[dreg:$0x6] =	wrdreg s8;
	s0 =	sadd.s32 $0x12480, s0  }
0x14: {  	[dreg:$0x7] =	wrdreg s0;
	s0 =	sshll.u32 @!p0 s13, $0x6;
	s13 =	sshrl.u32 @p0 s12, $0x3  }
0x15: {  	v0 =	vmov s6;
	s12 =	simm.s32 $0x6;
	s14 =	sor.u32 @!p0 $0x1C0A, s0;
	s0 =	simm.s32 $0x2  }
.LBB2_6:
0x16: {  	s4 =	simm.s32 $0x9  }
0x17: {  	_ =	swait.ge [sflag:s4], $0x2000  }
0x18: {  	[sflag:s4] =	ssyncset.done $0x0  }
0x19: {  	[sflag:s4] =	ssyncadd.s32 $0xFFFFE000  }
0x1a: {  	[bflag:$0x0] =	sbarrier.arrive $0xFFFF  }
0x1b: {  	s4 =	simm.s32 @p0 $0x1FCA;
	s6 =	rddreg [dreg:$0x7]  }
0x1c: {  	[hbm:s6], [sflag:s4] =	dma.local @p0 [spmem:s13], $0x1400  }
0x1d: {  	s4 =	simm.s32 @p0 $0xA  }
0x1e: {  	_ =	swait.ge @p0 [sflag:s4], $0x1400  }
0x1f: {  	[sflag:s4] =	ssyncset.done @p0 $0x0  }
0x20: {  	[sflag:s4] =	ssyncadd.s32 @p0 $0xFFFFEC00;
	s4 =	rddreg [dreg:$0x6]  }
0x21: {  	[hbm:s4], [sflag:s14] =	dma.local @!p0 [spmem:s15], $0x1380  }
0x22: {  	s4 =	simm.s32 @!p0 $0xA  }
0x23: {  	_ =	swait.ge @!p0 [sflag:s4], $0x1380  }
0x24: {  	s21 =	sadd.s32 $0x1, s21;
	s28 =	rddreg [dreg:$0x8]  }
0x25: {  	p1 =	sne.s32 s21, s28  }
.Ltmp1:
0x26: {  	_ = 	snop;
	(pc) =	sbr.rel @!p1 .LBB2_7-.Ltmp1, $3  }
0x27: {  	_ =	sdelay $0x1  }
0x28: {  	[sflag:s4] =	ssyncset.done @!p0 $0x0  }
0x29: {  	[sflag:s4] =	ssyncadd.s32 @!p0 $0xFFFFEC80  }
.LBB2_1:
0x2a: {  	s4 =	simm.s32 $0x0;
	s6 =	rddreg [dreg:$0x4]  }
0x2b: {  	[tilespmem:s4], [sflag:$0xA] =	stream.linear.gather [hbm4b:s6+s4], $0x2800, $0x38;
	[tilespmem:$0x1EC80] =	vst v63  }
0x2c: {  	_ =	swait.ge [sflag:s11], $0x2800  }
0x2d: {  	[sflag:s11] =	ssyncset.done $0x0  }
0x2e: {  	s7 =	simm.s32 $0x2800;
	s28 =	rddreg [dreg:$0x5];
	[sflag:s11] =	ssyncadd.s32 $0xFFFFD800  }
0x2f: {  	[tilespmem:s7], [sflag:$0xA] =	stream.linear.gather [hbm4b:s28+s4], $0x2800, $0x38;
	[tilespmem:$0x1EC80] =	vst v63  }
0x30: {  	_ =	swait.ge [sflag:s11], $0x2800  }
0x31: {  	[sflag:s11] =	ssyncset.done $0x0  }
0x32: {  	s6 =	simm.s32 $0x40;
	s4 =	simm.s32 $0x0;
	[sflag:s11] =	ssyncadd.s32 $0xFFFFD800  }
.LBB2_2:
0x33: {  	p1 =	sne.s32 s6, $0x9FC0;
	v1 =	vld [tilespmem:s4+$0x0];
	_ =	sdelay $0x1  }
.Ltmp2:
0x34: {  	(pc) =	sbr.rel @p1 .LBB2_2-.Ltmp2, $3  }
0x35: {  	_ =	sdelay $0x1  }
0x36: {  	v1 =	vadd.s32 v0, v1  }
0x37: {  	[tilespmem:s4+$0x0] =	vst v1;
	s4 =	sshra.s32 s6, $0x2;
	s6 =	sadd.s32 $0x40, s6  }
0x38: {  	v1 =	vld [tilespmem:s4+$0x0];
	_ =	sdelay $0x4  }
0x39: {  	v1 =	vadd.s32 v0, v1  }
0x3a: {  	[tilespmem:s4+$0x0] =	vst v1;
	s4 =	simm.s32 @p0 $0x1FCA  }
0x3b: {  	[spmem:s13], [sflag:s4] =	dma.local @p0 [hbm:s5], $0x1480  }
0x3c: {  	s4 =	simm.s32 @p0 $0xA  }
0x3d: {  	_ =	swait.ge @p0 [sflag:s4], $0x1480  }
0x3e: {  	[sflag:s4] =	ssyncset.done @p0 $0x0  }
0x3f: {  	[sflag:s4] =	ssyncadd.s32 @p0 $0xFFFFEB80;
	s4 =	simm.s32 @!p0 $0xA  }
0x40: {  	[spmem:s15], [sflag:s14] =	dma.local @!p0 [hbm:s5], $0x1380  }
0x41: {  	_ =	swait.ge @!p0 [sflag:s4], $0x1380  }
0x42: {  	[sflag:s4] =	ssyncset.done @!p0 $0x0  }
0x43: {  	[sflag:s4] =	ssyncadd.s32 @!p0 $0xFFFFEC80  }
0x44: {  	s23 =	simm.s32 $0x0;
	[bflag:$0x0] =	sbarrier.arrive $0xFFFF  }
0x45: {  	[tilespmem:s17], [sflag:$0x1] =	stream.indirect.gather [hbm4b:s2+s16], $0x40, s23, s16, $0xb8;
	[tilespmem:$0x1EC80] =	vst v63  }
0x46: {  	_ = 	snop  }
0x47: {  	[tilespmem:s18], [sflag:$0x1] =	stream.indirect.gather [hbm4b:s2+s16], $0x40, s16, s16, $0xb8;
	[tilespmem:$0x1EC80] =	vst v63  }
0x48: {  	s9 =	simm.s32 $0x100;
	s6 =	simm.s32 $0x9000  }
0x49: {  	[tilespmem:s6], [sflag:$0x1] =	stream.indirect.gather [hbm4b:s2+s16], $0x40, s9, s16, $0xb8;
	[tilespmem:$0x1EC80] =	vst v63  }
0x4a: {  	s10 =	simm.s32 $0x180  }
0x4b: {  	[tilespmem:s22], [sflag:$0x1] =	stream.indirect.gather [hbm4b:s2+s16], $0x40, s10, s16, $0xb8;
	[tilespmem:$0x1EC80] =	vst v63  }
0x4c: {  	s20 =	simm.s32 $0x200;
	s24 =	simm.s32 $0xD000  }
0x4d: {  	[tilespmem:s24], [sflag:$0x1] =	stream.indirect.gather [hbm4b:s2+s16], $0x40, s20, s16, $0xb8;
	[tilespmem:$0x1EC80] =	vst v63  }
0x4e: {  	s25 =	simm.s32 $0x280  }
0x4f: {  	[tilespmem:s26], [sflag:$0x1] =	stream.indirect.gather [hbm4b:s2+s16], $0x40, s25, s16, $0xb8;
	[tilespmem:$0x1EC80] =	vst v63  }
0x50: {  	s28 =	simm.s32 $0x300  }
0x51: {  	[tilespmem:s29], [sflag:$0x1] =	stream.indirect.gather [hbm4b:s2+s16], $0x40, s28, s16, $0xb8;
	[tilespmem:$0x1EC80] =	vst v63  }
.LBB2_4:
0x52: {  	_ =	swait.ge [sflag:s30], $0x2000  }
0x53: {  	s24 =	sshra.s32 s23, $0x2;
	[sflag:s30] =	ssyncset.done $0x0  }
0x54: {  	p1 =	seq.s32 s23, $0x0;
	s4 =	sadd.s32 $0x2800, s24;
	[sflag:s30] =	ssyncadd.s32 $0xFFFFE000  }
0x55: {  	[spmem:s3] =	stream.indirect.scatter.add.bf16 [tilespmem:s17], [sflag:$0x2], $0x40, s4, s16, $0xb8;
	[tilespmem:$0x1EC80] =	vst v63  }
0x56: {  	s4 =	simm.s32 @!p1 $0x9  }
0x57: {  	_ =	swait.ge @!p1 [sflag:s4], $0x2000  }
0x58: {  	[sflag:s4] =	ssyncset.done @!p1 $0x0  }
0x59: {  	s9 =	sadd.s32 $0x380, s24;
	[sflag:s4] =	ssyncadd.s32 @!p1 $0xFFFFE000  }
0x5a: {  	[tilespmem:s31], [sflag:$0x1] =	stream.indirect.gather [hbm4b:s2+s16], $0x40, s9, s16, $0xb8;
	[tilespmem:$0x1EC80] =	vst v63  }
0x5b: {  	_ =	swait.ge [sflag:s30], $0x2000  }
0x5c: {  	[sflag:s30] =	ssyncset.done $0x0  }
0x5d: {  	s10 =	sadd.s32 $0x2880, s24;
	[sflag:s30] =	ssyncadd.s32 $0xFFFFE000  }
0x5e: {  	[spmem:s3] =	stream.indirect.scatter.add.bf16 [tilespmem:s18], [sflag:$0x3], $0x40, s10, s16, $0xb8;
	[tilespmem:$0x1EC80] =	vst v63  }
0x5f: {  	_ =	swait.ge [sflag:s0], $0x2000  }
0x60: {  	p1 =	seq.s32 s23, $0x9000;
	[sflag:s0] =	ssyncset.done $0x0  }
0x61: {  	s4 =	simm.s32 @p1 $0x1;
	[sflag:s0] =	ssyncadd.s32 $0xFFFFE000  }
0x62: {  	_ =	swait.ge @p1 [sflag:s4], $0x2000  }
0x63: {  	s6 =	sshra.s32 @p1 s23, $0x2;
	s7 =	simm.s32 @p1 $0x80;
	[sflag:s4] =	ssyncset.done @p1 $0x0  }
0x64: {  	s25 =	simm.s32 @p1 $0x9000;
	s8 =	sadd.s32 @p1 $0x2900, s6;
	[sflag:s4] =	ssyncadd.s32 @p1 $0xFFFFE000  }
0x65: {  	[spmem:s3] =	stream.indirect.scatter.add.bf16 @p1 [tilespmem:s25], [sflag:$0x4], $0x40, s8, s7, $0xb8;
	[tilespmem:$0x1EC80] =	vst v63  }
0x66: {  	s8 =	simm.s32 @p1 $0x3  }
0x67: {  	_ =	swait.ge @p1 [sflag:s8], $0x2000  }
0x68: {  	s28 =	simm.s32 @!p1 $0x80;
	s25 =	sshra.s32 @!p1 s23, $0x2;
	[sflag:s8] =	ssyncset.done @p1 $0x0  }
0x69: {  	s9 =	simm.s32 @!p1 $0x5000;
	[sflag:s8] =	ssyncadd.s32 @p1 $0xFFFFE000;
	s8 =	sadd.s32 @!p1 $0x400, s25  }
0x6a: {  	[tilespmem:s9], [sflag:$0x1] =	stream.indirect.gather @!p1 [hbm4b:s2+s28], $0x40, s8, s28, $0xb8;
	[tilespmem:$0x1EC80] =	vst v63  }
0x6b: {  	s8 =	simm.s32 @!p1 $0x1  }
0x6c: {  	_ =	swait.ge @!p1 [sflag:s8], $0x2000  }
0x6d: {  	[sflag:s8] =	ssyncset.done @!p1 $0x0  }
0x6e: {  	s10 =	simm.s32 @!p1 $0x9000;
	s9 =	sadd.s32 @!p1 $0x2900, s25;
	[sflag:s8] =	ssyncadd.s32 @!p1 $0xFFFFE000  }
0x6f: {  	[spmem:s3] =	stream.indirect.scatter.add.bf16 @!p1 [tilespmem:s10], [sflag:$0x4], $0x40, s9, s28, $0xb8;
	[tilespmem:$0x1EC80] =	vst v63  }
0x70: {  	s9 =	simm.s32 @!p1 $0x3  }
0x71: {  	_ =	swait.ge @!p1 [sflag:s9], $0x2000  }
0x72: {  	[sflag:s9] =	ssyncset.done @!p1 $0x0  }
0x73: {  	s20 =	simm.s32 @!p1 $0x7000;
	[sflag:s9] =	ssyncadd.s32 @!p1 $0xFFFFE000;
	s9 =	sadd.s32 @!p1 $0x480, s25  }
0x74: {  	[tilespmem:s20], [sflag:$0x1] =	stream.indirect.gather @!p1 [hbm4b:s2+s28], $0x40, s9, s28, $0xb8;
	[tilespmem:$0x1EC80] =	vst v63  }
0x75: {  	_ =	swait.ge [sflag:s30], $0x2000  }
0x76: {  	[sflag:s30] =	ssyncset.done $0x0  }
0x77: {  	s20 =	sadd.s32 $0x2980, s24;
	[sflag:s30] =	ssyncadd.s32 $0xFFFFE000  }
0x78: {  	[spmem:s3] =	stream.indirect.scatter.add.bf16 [tilespmem:s22], [sflag:$0x5], $0x40, s20, s16, $0xb8;
	[tilespmem:$0x1EC80] =	vst v63  }
0x79: {  	_ =	swait.ge [sflag:s1], $0x2000  }
0x7a: {  	[sflag:s1] =	ssyncset.done $0x0  }
0x7b: {  	[sflag:s1] =	ssyncadd.s32 $0xFFFFE000  }
0x7c: {  	_ =	swait.ge @p1 [sflag:s4], $0x2000  }
0x7d: {  	[sflag:s4] =	ssyncset.done @p1 $0x0  }
0x7e: {  	s9 =	sadd.s32 @p1 $0x2A00, s6;
	s20 =	simm.s32 @p1 $0xD000;
	[sflag:s4] =	ssyncadd.s32 @p1 $0xFFFFE000  }
0x7f: {  	[spmem:s3] =	stream.indirect.scatter.add.bf16 @p1 [tilespmem:s20], [sflag:$0x6], $0x40, s9, s7, $0xb8;
	[tilespmem:$0x1EC80] =	vst v63  }
0x80: {  	s9 =	simm.s32 @p1 $0x5  }
0x81: {  	_ =	swait.ge @p1 [sflag:s9], $0x2000  }
0x82: {  	[sflag:s9] =	ssyncset.done @p1 $0x0  }
0x83: {  	[sflag:s9] =	ssyncadd.s32 @p1 $0xFFFFE000;
	s9 =	sadd.s32 @!p1 $0x500, s25  }
0x84: {  	[tilespmem:s10], [sflag:$0x1] =	stream.indirect.gather @!p1 [hbm4b:s2+s28], $0x40, s9, s28, $0xb8;
	[tilespmem:$0x1EC80] =	vst v63  }
0x85: {  	_ =	swait.ge @!p1 [sflag:s8], $0x2000  }
0x86: {  	[sflag:s8] =	ssyncset.done @!p1 $0x0  }
0x87: {  	s9 =	sadd.s32 @!p1 $0x2A00, s25;
	s10 =	simm.s32 @!p1 $0xD000;
	[sflag:s8] =	ssyncadd.s32 @!p1 $0xFFFFE000  }
0x88: {  	[spmem:s3] =	stream.indirect.scatter.add.bf16 @!p1 [tilespmem:s10], [sflag:$0x6], $0x40, s9, s28, $0xb8;
	[tilespmem:$0x1EC80] =	vst v63  }
0x89: {  	s9 =	simm.s32 @!p1 $0x5  }
0x8a: {  	_ =	swait.ge @!p1 [sflag:s9], $0x2000  }
0x8b: {  	[sflag:s9] =	ssyncset.done @!p1 $0x0  }
0x8c: {  	s20 =	simm.s32 @!p1 $0xB000;
	[sflag:s9] =	ssyncadd.s32 @!p1 $0xFFFFE000;
	s9 =	sadd.s32 @!p1 $0x580, s25  }
0x8d: {  	[tilespmem:s20], [sflag:$0x1] =	stream.indirect.gather @!p1 [hbm4b:s2+s28], $0x40, s9, s28, $0xb8;
	[tilespmem:$0x1EC80] =	vst v63  }
0x8e: {  	_ =	swait.ge [sflag:s30], $0x2000  }
0x8f: {  	[sflag:s30] =	ssyncset.done $0x0  }
0x90: {  	s20 =	sadd.s32 $0x2A80, s24;
	[sflag:s30] =	ssyncadd.s32 $0xFFFFE000  }
0x91: {  	[spmem:s3] =	stream.indirect.scatter.add.bf16 [tilespmem:s26], [sflag:$0x7], $0x40, s20, s16, $0xb8;
	[tilespmem:$0x1EC80] =	vst v63  }
0x92: {  	_ =	swait.ge [sflag:s12], $0x2000  }
0x93: {  	[sflag:s12] =	ssyncset.done $0x0  }
0x94: {  	[sflag:s12] =	ssyncadd.s32 $0xFFFFE000  }
0x95: {  	_ =	swait.ge @p1 [sflag:s4], $0x2000  }
0x96: {  	[sflag:s4] =	ssyncset.done @p1 $0x0  }
0x97: {  	[sflag:s4] =	ssyncadd.s32 @p1 $0xFFFFE000;
	s4 =	sadd.s32 @p1 $0x2B00, s6;
	s6 =	simm.s32 @p1 $0x11000  }
0x98: {  	[spmem:s3] =	stream.indirect.scatter.add.bf16 @p1 [tilespmem:s6], [sflag:$0x8], $0x40, s4, s7, $0xb8;
	[tilespmem:$0x1EC80] =	vst v63  }
0x99: {  	s4 =	simm.s32 @p1 $0x7  }
0x9a: {  	_ =	swait.ge @p1 [sflag:s4], $0x2000  }
0x9b: {  	[sflag:s4] =	ssyncset.done @p1 $0x0  }
0x9c: {  	[sflag:s4] =	ssyncadd.s32 @p1 $0xFFFFE000;
	s4 =	sadd.s32 @!p1 $0x600, s25  }
0x9d: {  	[tilespmem:s10], [sflag:$0x1] =	stream.indirect.gather @!p1 [hbm4b:s2+s28], $0x40, s4, s28, $0xb8;
	[tilespmem:$0x1EC80] =	vst v63  }
0x9e: {  	_ =	swait.ge @!p1 [sflag:s8], $0x2000  }
0x9f: {  	[sflag:s8] =	ssyncset.done @!p1 $0x0  }
0xa0: {  	s6 =	simm.s32 @!p1 $0x11000;
	s4 =	sadd.s32 @!p1 $0x2B00, s25;
	[sflag:s8] =	ssyncadd.s32 @!p1 $0xFFFFE000  }
0xa1: {  	[spmem:s3] =	stream.indirect.scatter.add.bf16 @!p1 [tilespmem:s6], [sflag:$0x8], $0x40, s4, s28, $0xb8;
	[tilespmem:$0x1EC80] =	vst v63  }
0xa2: {  	s4 =	simm.s32 @!p1 $0x7  }
0xa3: {  	_ =	swait.ge @!p1 [sflag:s4], $0x2000  }
0xa4: {  	[sflag:s4] =	ssyncset.done @!p1 $0x0  }
0xa5: {  	s6 =	simm.s32 @!p1 $0xF000;
	[sflag:s4] =	ssyncadd.s32 @!p1 $0xFFFFE000;
	s4 =	sadd.s32 @!p1 $0x680, s25  }
0xa6: {  	[tilespmem:s6], [sflag:$0x1] =	stream.indirect.gather @!p1 [hbm4b:s2+s28], $0x40, s4, s28, $0xb8;
	[tilespmem:$0x1EC80] =	vst v63  }
0xa7: {  	_ =	swait.ge [sflag:s30], $0x2000  }
0xa8: {  	[sflag:s30] =	ssyncset.done $0x0  }
.Ltmp3:
0xa9: {  	s28 =	sadd.s32 $0x2B80, s24;
	[sflag:s30] =	ssyncadd.s32 $0xFFFFE000;
	(pc) =	sbr.rel @p1 .LBB2_6-.Ltmp3, $4  }
0xaa: {  	[spmem:s3] =	stream.indirect.scatter.add.bf16 [tilespmem:s31], [sflag:$0x9], $0x40, s28, s16, $0xb8;
	[tilespmem:$0x1EC80] =	vst v63  }
0xab: {  	_ =	swait.ge [sflag:s19], $0x2000  }
0xac: {  	[sflag:s19] =	ssyncset.done $0x0  }
0xad: {  	[sflag:s19] =	ssyncadd.s32 $0xFFFFE000  }
.Ltmp4:
0xae: {  	(pc) =	sbr.rel .LBB2_4-.Ltmp4, $3  }
0xaf: {  	_ =	sdelay $0x1  }
0xb0: {  	s4 =	sadd.s32 $0x700, s24;
	s23 =	sadd.s32 $0x1000, s23  }
0xb1: {  	[tilespmem:s29], [sflag:$0x1] =	stream.indirect.gather [hbm4b:s2+s16], $0x40, s4, s16, $0xb8;
	[tilespmem:$0x1EC80] =	vst v63  }
.LBB2_7:
0xb2: {  	_ =	sfence.sel $0x180000  }
0xb3: {  	[bflag:$0x0] =	sbarrier.arrive $0xFFFF  }
0xb4: {  	_ =	strace $0x9000004D  }
0xb5: {  	s0 =	stileid.u32;
	[bflag:$0x2] =	sbarrier.arrive $0xFFFF  }
0xb6: {  	p0 =	sne.s32 s0, $0x0;
	s0 =	rddreg [dreg:$0x3]  }
0xb7: {  	s0 =	sadd.s32 @!p0 $0x100000, s0  }
0xb8: {  	[sflag:s0] =	ssyncadd.tile.s32 @!p0 $0x1;
	_ =	shalt  }
.Lfunc_end2:
_tile_overlayer_lowered:
.L_overlay_start_2:
0xb9: {  	(tag) =	ssettag $0x2  }
0xba: {  	s0 =	rddreg [dreg:$0x0];
	s2 =	stileid.u32  }
0xbb: {  	s1 =	rddreg [dreg:$0x1];
	p0 =	sne.s32 s2, $0x0  }
0xbc: {  	s3 =	rddreg [dreg:$0x2];
	[bflag:$0x3] =	sbarrier.arrive $0xFFFF;
	s2 =	simm.s32 @!p0 $0x1C0A  }
0xbd: {  	[timem:s3], [sflag:s2] =	dma.local @!p0 [hbm:s0], s1  }
0xbe: {  	s0 =	simm.s32 @!p0 $0xA  }
0xbf: {  	_ =	swait.ge @!p0 [sflag:s0], s1  }
0xc0: {  	s1 =	ssub.s32 @!p0 $0x0, s1;
	[sflag:s0] =	ssyncset.done @!p0 $0x0  }
0xc1: {  	[sflag:s0] =	ssyncadd.s32 @!p0 s1  }
0xc2: {  	[bflag:$0x3] =	sbarrier.arrive $0xFFFF  }
0xc3: {  	_ =	shalt  }

</sc_bundles>
